<compile_context>
chip_gen: v7x
topology: tpu7x:2x2x1
jax: 0.10.2.dev20260603
libtpu: 0.0.44.dev20260713+nightly
codegen_flags: <defaults>
</compile_context>

<pallas_src>
import functools

import jax
import jax.numpy as jnp
from jax import lax
from jax.experimental import pallas as pl
from jax.experimental.pallas import tpu as pltpu
from jax.experimental.pallas import tpu_sc as plsc

NC = 2
NS = 16
NW = NC * NS

NP = 10240
ROWS_PER_TILE = NP // NS
CHUNK = 80
DEG_LANES = 16

_HIGH = lax.Precision.HIGHEST



def _deg_body(cpt, dst2_h, ones_h, zeros_h, out_h, dstv2, onesv, zbuf, acc,
              sem):
    c = lax.axis_index("c")
    s = lax.axis_index("s")
    wid = s * NC + c
    off = s * ROWS_PER_TILE
    pltpu.sync_copy(dst2_h.at[pl.ds(wid * cpt, cpt)], dstv2)
    pltpu.sync_copy(zeros_h, zbuf)
    pltpu.sync_copy(ones_h, onesv)
    pltpu.sync_copy(zbuf, acc.at[pl.ds(off, ROWS_PER_TILE)])
    plsc.subcore_barrier()

    def fire(j, carry):
        pltpu.async_copy(onesv, acc.at[dstv2.at[j]], sem, add=True)
        return carry

    lax.fori_loop(0, cpt, fire, 0)

    def drain(j, carry):
        pltpu.make_async_copy(onesv, acc.at[dstv2.at[0]], sem).wait()
        return carry

    lax.fori_loop(0, cpt, drain, 0)
    plsc.subcore_barrier()
    pltpu.sync_copy(acc.at[pl.ds(off, ROWS_PER_TILE)], zbuf)
    pltpu.sync_copy(zbuf, out_h.at[c, pl.ds(off, ROWS_PER_TILE)])


def _make_deg_kernel(cpt):
    mesh = plsc.VectorSubcoreMesh(core_axis_name="c", subcore_axis_name="s",
                                  num_cores=NC, num_subcores=NS)
    return pl.kernel(
        functools.partial(_deg_body, cpt),
        out_type=jax.ShapeDtypeStruct((NC, NP), jnp.float32),
        mesh=mesh,
        scratch_types=[
            pltpu.VMEM((cpt, CHUNK), jnp.int32),
            pltpu.VMEM((CHUNK,), jnp.float32),
            pltpu.VMEM((ROWS_PER_TILE,), jnp.float32),
            pltpu.VMEM_SHARED((NP,), jnp.float32),
            pltpu.SemaphoreType.DMA,
        ],
    )


def _layer_body(nchunks_base, nchunks_extra, g_h, src_h, dst_h, zeros_h,
                out_h, srcv0, dstv0, srcv1, dstv1, srcv2, dstv2,
                rows0, rows1, rows2, acc, sem0, sem1, sem2):
    c = lax.axis_index("c")
    s = lax.axis_index("s")
    wid = s * NC + c
    rowbase = s * ROWS_PER_TILE
    srcv = [srcv0, srcv1, srcv2]
    dstv = [dstv0, dstv1, dstv2]
    rows = [rows0, rows1, rows2]
    sem = [sem0, sem1, sem2]
    pltpu.sync_copy(zeros_h, rows0)
    for k in range(ROWS_PER_TILE // CHUNK):
        pltpu.sync_copy(rows0, acc.at[pl.ds(rowbase + k * CHUNK, CHUNK)])
    nch = nchunks_base + (wid < nchunks_extra).astype(jnp.int32)

    def idx_load(j, b):
        off = (wid + NW * j) * CHUNK
        pltpu.sync_copy(src_h.at[pl.ds(off, CHUNK)], srcv[b])
        pltpu.sync_copy(dst_h.at[pl.ds(off, CHUNK)], dstv[b])

    def gather_start(b):
        pltpu.async_copy(g_h.at[srcv[b]], rows[b], sem[b])

    def gather_wait(b):
        pltpu.make_async_copy(g_h.at[srcv[b]], rows[b], sem[b]).wait()

    def scatter_sync(b):
        pltpu.sync_copy(rows[b], acc.at[dstv[b]], add=True)

    for b in range(3):
        idx_load(b, b)
        gather_start(b)
    plsc.subcore_barrier()

    def trip(i, carry):
        j = 3 * i
        for p in range(3):
            jj = j + p
            gather_wait(p)
            scatter_sync(p)

            @pl.when(jj + 3 < nch)
            def _():
                idx_load(jj + 3, p)
                gather_start(p)
        return carry

    ntrips = nch // 3
    lax.fori_loop(0, ntrips, trip, 0)

    rem = nch - 3 * ntrips

    @pl.when(rem >= 1)
    def _():
        gather_wait(0)
        scatter_sync(0)

    @pl.when(rem >= 2)
    def _():
        gather_wait(1)
        scatter_sync(1)

    plsc.subcore_barrier()
    for k in range(ROWS_PER_TILE // CHUNK):
        pltpu.sync_copy(acc.at[pl.ds(rowbase + k * CHUNK, CHUNK)], rows0)
        pltpu.sync_copy(rows0, out_h.at[c, pl.ds(rowbase + k * CHUNK, CHUNK)])


def _make_layer_kernel(E, D):
    n_chunks = E // CHUNK
    assert n_chunks * CHUNK == E
    mesh = plsc.VectorSubcoreMesh(core_axis_name="c", subcore_axis_name="s",
                                  num_cores=NC, num_subcores=NS)
    return pl.kernel(
        functools.partial(_layer_body, n_chunks // NW, n_chunks % NW),
        out_type=jax.ShapeDtypeStruct((NC, NP, D), jnp.float32),
        mesh=mesh,
        scratch_types=[
            pltpu.VMEM((CHUNK,), jnp.int32),
            pltpu.VMEM((CHUNK,), jnp.int32),
            pltpu.VMEM((CHUNK,), jnp.int32),
            pltpu.VMEM((CHUNK,), jnp.int32),
            pltpu.VMEM((CHUNK,), jnp.int32),
            pltpu.VMEM((CHUNK,), jnp.int32),
            pltpu.VMEM((CHUNK, D), jnp.float32),
            pltpu.VMEM((CHUNK, D), jnp.float32),
            pltpu.VMEM((CHUNK, D), jnp.float32),
            pltpu.VMEM_SHARED((NP, D), jnp.float32),
            pltpu.SemaphoreType.DMA,
            pltpu.SemaphoreType.DMA,
            pltpu.SemaphoreType.DMA,
        ],
    )



def _inv_from_degp(degp_blk):
    deg = degp_blk[0] + degp_blk[1]
    return jnp.where(deg > 0, 1.0 / jnp.sqrt(jnp.maximum(deg, 1.0)), 0.0)


def _tc_in_body(x_ref, w_ref, b_ref, degp_ref, g0_ref):
    inv = _inv_from_degp(degp_ref[...])
    h = jnp.tanh(
        jnp.dot(x_ref[...], w_ref[...], preferred_element_type=jnp.float32) + b_ref[...])
    g0_ref[...] = h * inv[:, None]


def _tc_mid_body(p_ref, degp_ref, w_ref, b_ref, g_ref):
    inv = _inv_from_degp(degp_ref[...])
    agg = (p_ref[0] + p_ref[1]) * inv[:, None]
    h = jnp.tanh(
        jnp.dot(agg, w_ref[...], preferred_element_type=jnp.float32) + b_ref[...])
    g_ref[...] = h * inv[:, None]


def _tc_out_body(p_ref, degp_ref, wg_ref, bg_ref, wp_ref, bp_ref, wv_ref,
                 pi_ref, vf_ref):
    i = pl.program_id(0)
    inv = _inv_from_degp(degp_ref[...])
    agg = (p_ref[0] + p_ref[1]) * inv[:, None]
    h = jnp.tanh(
        jnp.dot(agg, wg_ref[...], preferred_element_type=jnp.float32) + bg_ref[...])
    pi_ref[...] = jnp.dot(h, wp_ref[...], preferred_element_type=jnp.float32) + bp_ref[...]
    part = jnp.sum(h * wv_ref[...]).reshape(1, 1)

    @pl.when(i == 0)
    def _():
        vf_ref[...] = part

    @pl.when(i > 0)
    def _():
        vf_ref[...] += part


def _row_grid_specs(R, D):
    row = pl.BlockSpec((R, D), lambda i: (i, 0))
    part = pl.BlockSpec((NC, R, D), lambda i: (0, i, 0))
    degp = pl.BlockSpec((NC, R), lambda i: (0, i))
    mat = pl.BlockSpec((D, D), lambda i: (0, 0))
    vec = pl.BlockSpec((1, D), lambda i: (0, 0))
    return row, part, degp, mat, vec


def _tc_in(x_p, W, b2, degP, R=1024):
    D = x_p.shape[1]
    row, part, degp, mat, vec = _row_grid_specs(R, D)
    return pl.pallas_call(
        _tc_in_body,
        grid=(NP // R,),
        in_specs=[row, mat, vec, degp],
        out_specs=row,
        out_shape=jax.ShapeDtypeStruct((NP, D), jnp.float32),
    )(x_p, W, b2, degP)


def _tc_mid(P, degP, W, b2, R=1024):
    D = P.shape[2]
    row, part, degp, mat, vec = _row_grid_specs(R, D)
    return pl.pallas_call(
        _tc_mid_body,
        grid=(NP // R,),
        in_specs=[part, degp, mat, vec],
        out_specs=row,
        out_shape=jax.ShapeDtypeStruct((NP, D), jnp.float32),
    )(P, degP, W, b2)


def _tc_out(P, degP, Wg, bg2, Wp, bp2, Wv2, R=1024):
    D = P.shape[2]
    row, part, degp, mat, vec = _row_grid_specs(R, D)
    scal = pl.BlockSpec((1, 1), lambda i: (0, 0))
    return pl.pallas_call(
        _tc_out_body,
        grid=(NP // R,),
        in_specs=[part, degp, mat, vec, mat, vec, row],
        out_specs=[row, scal],
        out_shape=[
            jax.ShapeDtypeStruct((NP, D), jnp.float32),
            jax.ShapeDtypeStruct((1, 1), jnp.float32),
        ],
    )(P, degP, Wg, bg2, Wp, bp2, Wv2)



def kernel(x, edge_index, W_in, b_in, W_g1, b_g1, W_g2, b_g2, W_pol, b_pol,
           W_val, b_val):
    N, D = x.shape
    E = edge_index.shape[1]
    src = edge_index[0]
    dst = edge_index[1]

    cpt = (-(-E // (NW * CHUNK)) + 7) // 8 * 8
    e_pad = NW * cpt * CHUNK - E
    dst2 = jnp.concatenate([dst, jnp.full((e_pad,), NP - 1, jnp.int32)])
    dst2 = dst2.reshape(NW * cpt, CHUNK)

    pad = NP - N
    x_p = jnp.concatenate([x, jnp.zeros((pad, D), x.dtype)], axis=0)
    Wv2 = jnp.concatenate(
        [W_val.reshape(N, D), jnp.zeros((pad, D), W_val.dtype)], axis=0)

    ones_deg = jnp.ones((CHUNK,), jnp.float32)
    zeros_deg = jnp.zeros((ROWS_PER_TILE,), jnp.float32)
    zeros_row = jnp.zeros((CHUNK, D), jnp.float32)

    b_in2 = b_in.reshape(1, D)
    b_g12 = b_g1.reshape(1, D)
    b_g22 = b_g2.reshape(1, D)
    b_pol2 = b_pol.reshape(1, D)

    deg_kernel = _make_deg_kernel(cpt)
    layer_kernel = _make_layer_kernel(E, D)

    degP = deg_kernel(dst2, ones_deg, zeros_deg)
    g0 = _tc_in(x_p, W_in, b_in2, degP)
    P1 = layer_kernel(g0, src, dst, zeros_row)
    g1 = _tc_mid(P1, degP, W_g1, b_g12)
    P2 = layer_kernel(g1, src, dst, zeros_row)
    pi_p, vf = _tc_out(P2, degP, W_g2, b_g22, W_pol, b_pol2, Wv2)

    return pi_p[:N], vf[0, 0] + b_val

# --- scband reference (transcript-rebuilt; emitter-appended) ---
"""Pipeline reference for scband-nerve-net-gnn-47201690583597 (READ-ONLY COPY).

The authoritative reference and input builder live on the scoring server;
editing this copy changes nothing except your own understanding.
"""

import jax, jax.numpy as jnp
import numpy as np

N = 10000
E = 320000
D_IN = 128
D_H = 128
D_OUT = 128


def setup_inputs(seed: int = 0) -> dict:
    key = jax.random.key(seed)
    ks = jax.random.split(key, 12)
    s_in = 1.0 / np.sqrt(D_IN)
    s_h = 1.0 / np.sqrt(D_H)
    return {
        "x": jax.random.normal(ks[0], (N, D_IN), dtype=jnp.float32),
        "edge_index": jax.random.randint(ks[1], (2, E), 0, N, dtype=jnp.int32),
        "W_in": jax.random.normal(ks[2], (D_IN, D_H), dtype=jnp.float32) * s_in,
        "b_in": jnp.zeros((D_H,), dtype=jnp.float32),
        "W_g1": jax.random.normal(ks[3], (D_H, D_H), dtype=jnp.float32) * s_h,
        "b_g1": jnp.zeros((D_H,), dtype=jnp.float32),
        "W_g2": jax.random.normal(ks[4], (D_H, D_H), dtype=jnp.float32) * s_h,
        "b_g2": jnp.zeros((D_H,), dtype=jnp.float32),
        "W_pol": jax.random.normal(ks[5], (D_H, D_OUT), dtype=jnp.float32) * s_h,
        "b_pol": jnp.zeros((D_OUT,), dtype=jnp.float32),
        "W_val": jax.random.normal(ks[6], (N * D_H,), dtype=jnp.float32) * (1.0 / np.sqrt(N * D_H)),
        "b_val": jnp.zeros((), dtype=jnp.float32),
    }


def _gcn(h, W, b, src, dst):
    # GCNConv with add_self_loops=False: out = D^{-1/2} A D^{-1/2} h W + b
    deg = jnp.zeros((N,), h.dtype).at[dst].add(1.0)
    inv = jnp.where(deg > 0, 1.0 / jnp.sqrt(jnp.maximum(deg, 1.0)), 0.0)
    coef = (inv[src] * inv[dst])[:, None]
    msg = jnp.take(h, src, axis=0) * coef
    agg = jnp.zeros((N, h.shape[1]), h.dtype).at[dst].add(msg)
    return agg @ W + b


def reference(x, edge_index, W_in, b_in, W_g1, b_g1, W_g2, b_g2, W_pol, b_pol, W_val, b_val):
    src = edge_index[0]
    dst = edge_index[1]
    # shared input model: per-node MLP mapping observations to fixed-size embeddings
    h = jnp.tanh(x @ W_in + b_in)
    # propagation model: stacked GCN convolutions with activation
    h = jnp.tanh(_gcn(h, W_g1, b_g1, src, dst))
    h = jnp.tanh(_gcn(h, W_g2, b_g2, src, dst))
    # policy model: per-node latent for the policy head
    latent_pi = h @ W_pol + b_pol
    # value model (gnn_for_values=True): flatten all node embeddings -> scalar latent
    latent_vf = jnp.dot(h.reshape(-1), W_val) + b_val
    return latent_pi, latent_vf

if __name__ == "__main__":
    import jax
    _d = setup_inputs()
    print(jax.jit(kernel)(*tuple(_d.values())))

</pallas_src>

<mosaic_0001>
#map = affine_map<(d0, d1) -> (0, 0)>
#map1 = affine_map<(d0, d1) -> (0)>
#map2 = affine_map<(d0, d1) -> (0, 0, 0)>
module attributes {stable_mosaic.version = 14 : i64} {
  func.func @_layer_body(%arg0: i32, %arg1: i32, %arg2: memref<10240x128xf32, #tpu.memory_space<hbm>>, %arg3: memref<320000xi32, #tpu.memory_space<hbm>>, %arg4: memref<320000xi32, #tpu.memory_space<hbm>>, %arg5: memref<80x128xf32, #tpu.memory_space<hbm>>, %arg6: memref<2x10240x128xf32, #tpu.memory_space<hbm>>, %arg7: memref<80xi32, #tpu.memory_space<vmem>>, %arg8: memref<80xi32, #tpu.memory_space<vmem>>, %arg9: memref<80xi32, #tpu.memory_space<vmem>>, %arg10: memref<80xi32, #tpu.memory_space<vmem>>, %arg11: memref<80xi32, #tpu.memory_space<vmem>>, %arg12: memref<80xi32, #tpu.memory_space<vmem>>, %arg13: memref<80x128xf32, #tpu.memory_space<vmem>>, %arg14: memref<80x128xf32, #tpu.memory_space<vmem>>, %arg15: memref<80x128xf32, #tpu.memory_space<vmem>>, %arg16: memref<10240x128xf32, #tpu.memory_space<vmem_shared>>, %arg17: memref<!tpu.dma_semaphore, #tpu.memory_space<semaphore_mem>>, %arg18: memref<!tpu.dma_semaphore, #tpu.memory_space<semaphore_mem>>, %arg19: memref<!tpu.dma_semaphore, #tpu.memory_space<semaphore_mem>>) attributes {dimension_semantics = [#tpu.dimension_semantics<core_parallel>, #tpu.dimension_semantics<subcore_parallel>], iteration_bounds = array<i64: 2, 16>, scalar_prefetch = 0 : i64, scratch_operands = 13 : i64, tpu.core_type = #tpu.core_type<sc_vector_subcore>, window_params = [{transform_indices = #map}, {transform_indices = #map1}, {transform_indices = #map1}, {transform_indices = #map}, {transform_indices = #map2}]} {
    %mul3A = arith.constant 2 : i32
    %mul3A_0 = arith.muli %arg1, %mul3A : i32
    %add3A = arith.addi %mul3A_0, %arg0 : i32
    %mul3A_1 = arith.constant 640 : i32
    %mul3A_2 = arith.muli %arg1, %mul3A_1 : i32
    "tpu.region"() ({
      %run_scoped3A = tpu.sem_alloc : memref<!tpu.dma_semaphore, #tpu.memory_space<semaphore_mem>>
      tpu.enqueue_dma source(%arg5 : memref<80x128xf32, #tpu.memory_space<hbm>>) target(%arg13 : memref<80x128xf32, #tpu.memory_space<vmem>>) target_semaphore(%run_scoped3A : memref<!tpu.dma_semaphore, #tpu.memory_space<semaphore_mem>>)
      tpu.wait_dma2 semaphore(%run_scoped3A : memref<!tpu.dma_semaphore, #tpu.memory_space<semaphore_mem>>) src(%arg5 : memref<80x128xf32, #tpu.memory_space<hbm>>) dst(%arg13 : memref<80x128xf32, #tpu.memory_space<vmem>>)
      tpu.yield
    }) : () -> ()
    %add3A_3 = arith.constant 0 : i32
    %add3A_4 = arith.addi %mul3A_2, %add3A_3 : i32
    "tpu.region"() ({
      %run_scoped3A = tpu.sem_alloc : memref<!tpu.dma_semaphore, #tpu.memory_space<semaphore_mem>>
      %dma_start3A_111 = arith.constant 0 : i32
      %dma_start3A_112 = tpu.memref_slice %arg16[%add3A_4, %dma_start3A_111] : memref<10240x128xf32, #tpu.memory_space<vmem_shared>> -> memref<80x128xf32, #tpu.memory_space<vmem_shared>>
      %dma_start3A_113 = arith.constant 0 : i32
      %dma_start3A_114 = tpu.memref_slice %arg16[%add3A_4, %dma_start3A_113] : memref<10240x128xf32, #tpu.memory_space<vmem_shared>> -> memref<80x128xf32, #tpu.memory_space<vmem_shared>>
      tpu.enqueue_dma source(%arg13 : memref<80x128xf32, #tpu.memory_space<vmem>>) target(%dma_start3A_114 : memref<80x128xf32, #tpu.memory_space<vmem_shared>>) target_semaphore(%run_scoped3A : memref<!tpu.dma_semaphore, #tpu.memory_space<semaphore_mem>>)
      %dma_wait3A = arith.constant 0 : i32
      %dma_wait3A_115 = tpu.memref_slice %arg16[%add3A_4, %dma_wait3A] : memref<10240x128xf32, #tpu.memory_space<vmem_shared>> -> memref<80x128xf32, #tpu.memory_space<vmem_shared>>
      %dma_wait3A_116 = arith.constant 0 : i32
      %dma_wait3A_117 = tpu.memref_slice %arg16[%add3A_4, %dma_wait3A_116] : memref<10240x128xf32, #tpu.memory_space<vmem_shared>> -> memref<80x128xf32, #tpu.memory_space<vmem_shared>>
      tpu.wait_dma2 semaphore(%run_scoped3A : memref<!tpu.dma_semaphore, #tpu.memory_space<semaphore_mem>>) src(%arg13 : memref<80x128xf32, #tpu.memory_space<vmem>>) dst(%dma_wait3A_117 : memref<80x128xf32, #tpu.memory_space<vmem_shared>>)
      tpu.yield
    }) : () -> ()
    %add3A_5 = arith.constant 80 : i32
    %add3A_6 = arith.addi %mul3A_2, %add3A_5 : i32
    "tpu.region"() ({
      %run_scoped3A = tpu.sem_alloc : memref<!tpu.dma_semaphore, #tpu.memory_space<semaphore_mem>>
      %dma_start3A_111 = arith.constant 0 : i32
      %dma_start3A_112 = tpu.memref_slice %arg16[%add3A_6, %dma_start3A_111] : memref<10240x128xf32, #tpu.memory_space<vmem_shared>> -> memref<80x128xf32, #tpu.memory_space<vmem_shared>>
      %dma_start3A_113 = arith.constant 0 : i32
      %dma_start3A_114 = tpu.memref_slice %arg16[%add3A_6, %dma_start3A_113] : memref<10240x128xf32, #tpu.memory_space<vmem_shared>> -> memref<80x128xf32, #tpu.memory_space<vmem_shared>>
      tpu.enqueue_dma source(%arg13 : memref<80x128xf32, #tpu.memory_space<vmem>>) target(%dma_start3A_114 : memref<80x128xf32, #tpu.memory_space<vmem_shared>>) target_semaphore(%run_scoped3A : memref<!tpu.dma_semaphore, #tpu.memory_space<semaphore_mem>>)
      %dma_wait3A = arith.constant 0 : i32
      %dma_wait3A_115 = tpu.memref_slice %arg16[%add3A_6, %dma_wait3A] : memref<10240x128xf32, #tpu.memory_space<vmem_shared>> -> memref<80x128xf32, #tpu.memory_space<vmem_shared>>
      %dma_wait3A_116 = arith.constant 0 : i32
      %dma_wait3A_117 = tpu.memref_slice %arg16[%add3A_6, %dma_wait3A_116] : memref<10240x128xf32, #tpu.memory_space<vmem_shared>> -> memref<80x128xf32, #tpu.memory_space<vmem_shared>>
      tpu.wait_dma2 semaphore(%run_scoped3A : memref<!tpu.dma_semaphore, #tpu.memory_space<semaphore_mem>>) src(%arg13 : memref<80x128xf32, #tpu.memory_space<vmem>>) dst(%dma_wait3A_117 : memref<80x128xf32, #tpu.memory_space<vmem_shared>>)
      tpu.yield
    }) : () -> ()
    %add3A_7 = arith.constant 160 : i32
    %add3A_8 = arith.addi %mul3A_2, %add3A_7 : i32
    "tpu.region"() ({
      %run_scoped3A = tpu.sem_alloc : memref<!tpu.dma_semaphore, #tpu.memory_space<semaphore_mem>>
      %dma_start3A_111 = arith.constant 0 : i32
      %dma_start3A_112 = tpu.memref_slice %arg16[%add3A_8, %dma_start3A_111] : memref<10240x128xf32, #tpu.memory_space<vmem_shared>> -> memref<80x128xf32, #tpu.memory_space<vmem_shared>>
      %dma_start3A_113 = arith.constant 0 : i32
      %dma_start3A_114 = tpu.memref_slice %arg16[%add3A_8, %dma_start3A_113] : memref<10240x128xf32, #tpu.memory_space<vmem_shared>> -> memref<80x128xf32, #tpu.memory_space<vmem_shared>>
      tpu.enqueue_dma source(%arg13 : memref<80x128xf32, #tpu.memory_space<vmem>>) target(%dma_start3A_114 : memref<80x128xf32, #tpu.memory_space<vmem_shared>>) target_semaphore(%run_scoped3A : memref<!tpu.dma_semaphore, #tpu.memory_space<semaphore_mem>>)
      %dma_wait3A = arith.constant 0 : i32
      %dma_wait3A_115 = tpu.memref_slice %arg16[%add3A_8, %dma_wait3A] : memref<10240x128xf32, #tpu.memory_space<vmem_shared>> -> memref<80x128xf32, #tpu.memory_space<vmem_shared>>
      %dma_wait3A_116 = arith.constant 0 : i32
      %dma_wait3A_117 = tpu.memref_slice %arg16[%add3A_8, %dma_wait3A_116] : memref<10240x128xf32, #tpu.memory_space<vmem_shared>> -> memref<80x128xf32, #tpu.memory_space<vmem_shared>>
      tpu.wait_dma2 semaphore(%run_scoped3A : memref<!tpu.dma_semaphore, #tpu.memory_space<semaphore_mem>>) src(%arg13 : memref<80x128xf32, #tpu.memory_space<vmem>>) dst(%dma_wait3A_117 : memref<80x128xf32, #tpu.memory_space<vmem_shared>>)
      tpu.yield
    }) : () -> ()
    %add3A_9 = arith.constant 240 : i32
    %add3A_10 = arith.addi %mul3A_2, %add3A_9 : i32
    "tpu.region"() ({
      %run_scoped3A = tpu.sem_alloc : memref<!tpu.dma_semaphore, #tpu.memory_space<semaphore_mem>>
      %dma_start3A_111 = arith.constant 0 : i32
      %dma_start3A_112 = tpu.memref_slice %arg16[%add3A_10, %dma_start3A_111] : memref<10240x128xf32, #tpu.memory_space<vmem_shared>> -> memref<80x128xf32, #tpu.memory_space<vmem_shared>>
      %dma_start3A_113 = arith.constant 0 : i32
      %dma_start3A_114 = tpu.memref_slice %arg16[%add3A_10, %dma_start3A_113] : memref<10240x128xf32, #tpu.memory_space<vmem_shared>> -> memref<80x128xf32, #tpu.memory_space<vmem_shared>>
      tpu.enqueue_dma source(%arg13 : memref<80x128xf32, #tpu.memory_space<vmem>>) target(%dma_start3A_114 : memref<80x128xf32, #tpu.memory_space<vmem_shared>>) target_semaphore(%run_scoped3A : memref<!tpu.dma_semaphore, #tpu.memory_space<semaphore_mem>>)
      %dma_wait3A = arith.constant 0 : i32
      %dma_wait3A_115 = tpu.memref_slice %arg16[%add3A_10, %dma_wait3A] : memref<10240x128xf32, #tpu.memory_space<vmem_shared>> -> memref<80x128xf32, #tpu.memory_space<vmem_shared>>
      %dma_wait3A_116 = arith.constant 0 : i32
      %dma_wait3A_117 = tpu.memref_slice %arg16[%add3A_10, %dma_wait3A_116] : memref<10240x128xf32, #tpu.memory_space<vmem_shared>> -> memref<80x128xf32, #tpu.memory_space<vmem_shared>>
      tpu.wait_dma2 semaphore(%run_scoped3A : memref<!tpu.dma_semaphore, #tpu.memory_space<semaphore_mem>>) src(%arg13 : memref<80x128xf32, #tpu.memory_space<vmem>>) dst(%dma_wait3A_117 : memref<80x128xf32, #tpu.memory_space<vmem_shared>>)
      tpu.yield
    }) : () -> ()
    %add3A_11 = arith.constant 320 : i32
    %add3A_12 = arith.addi %mul3A_2, %add3A_11 : i32
    "tpu.region"() ({
      %run_scoped3A = tpu.sem_alloc : memref<!tpu.dma_semaphore, #tpu.memory_space<semaphore_mem>>
      %dma_start3A_111 = arith.constant 0 : i32
      %dma_start3A_112 = tpu.memref_slice %arg16[%add3A_12, %dma_start3A_111] : memref<10240x128xf32, #tpu.memory_space<vmem_shared>> -> memref<80x128xf32, #tpu.memory_space<vmem_shared>>
      %dma_start3A_113 = arith.constant 0 : i32
      %dma_start3A_114 = tpu.memref_slice %arg16[%add3A_12, %dma_start3A_113] : memref<10240x128xf32, #tpu.memory_space<vmem_shared>> -> memref<80x128xf32, #tpu.memory_space<vmem_shared>>
      tpu.enqueue_dma source(%arg13 : memref<80x128xf32, #tpu.memory_space<vmem>>) target(%dma_start3A_114 : memref<80x128xf32, #tpu.memory_space<vmem_shared>>) target_semaphore(%run_scoped3A : memref<!tpu.dma_semaphore, #tpu.memory_space<semaphore_mem>>)
      %dma_wait3A = arith.constant 0 : i32
      %dma_wait3A_115 = tpu.memref_slice %arg16[%add3A_12, %dma_wait3A] : memref<10240x128xf32, #tpu.memory_space<vmem_shared>> -> memref<80x128xf32, #tpu.memory_space<vmem_shared>>
      %dma_wait3A_116 = arith.constant 0 : i32
      %dma_wait3A_117 = tpu.memref_slice %arg16[%add3A_12, %dma_wait3A_116] : memref<10240x128xf32, #tpu.memory_space<vmem_shared>> -> memref<80x128xf32, #tpu.memory_space<vmem_shared>>
      tpu.wait_dma2 semaphore(%run_scoped3A : memref<!tpu.dma_semaphore, #tpu.memory_space<semaphore_mem>>) src(%arg13 : memref<80x128xf32, #tpu.memory_space<vmem>>) dst(%dma_wait3A_117 : memref<80x128xf32, #tpu.memory_space<vmem_shared>>)
      tpu.yield
    }) : () -> ()
    %add3A_13 = arith.constant 400 : i32
    %add3A_14 = arith.addi %mul3A_2, %add3A_13 : i32
    "tpu.region"() ({
      %run_scoped3A = tpu.sem_alloc : memref<!tpu.dma_semaphore, #tpu.memory_space<semaphore_mem>>
      %dma_start3A_111 = arith.constant 0 : i32
      %dma_start3A_112 = tpu.memref_slice %arg16[%add3A_14, %dma_start3A_111] : memref<10240x128xf32, #tpu.memory_space<vmem_shared>> -> memref<80x128xf32, #tpu.memory_space<vmem_shared>>
      %dma_start3A_113 = arith.constant 0 : i32
      %dma_start3A_114 = tpu.memref_slice %arg16[%add3A_14, %dma_start3A_113] : memref<10240x128xf32, #tpu.memory_space<vmem_shared>> -> memref<80x128xf32, #tpu.memory_space<vmem_shared>>
      tpu.enqueue_dma source(%arg13 : memref<80x128xf32, #tpu.memory_space<vmem>>) target(%dma_start3A_114 : memref<80x128xf32, #tpu.memory_space<vmem_shared>>) target_semaphore(%run_scoped3A : memref<!tpu.dma_semaphore, #tpu.memory_space<semaphore_mem>>)
      %dma_wait3A = arith.constant 0 : i32
      %dma_wait3A_115 = tpu.memref_slice %arg16[%add3A_14, %dma_wait3A] : memref<10240x128xf32, #tpu.memory_space<vmem_shared>> -> memref<80x128xf32, #tpu.memory_space<vmem_shared>>
      %dma_wait3A_116 = arith.constant 0 : i32
      %dma_wait3A_117 = tpu.memref_slice %arg16[%add3A_14, %dma_wait3A_116] : memref<10240x128xf32, #tpu.memory_space<vmem_shared>> -> memref<80x128xf32, #tpu.memory_space<vmem_shared>>
      tpu.wait_dma2 semaphore(%run_scoped3A : memref<!tpu.dma_semaphore, #tpu.memory_space<semaphore_mem>>) src(%arg13 : memref<80x128xf32, #tpu.memory_space<vmem>>) dst(%dma_wait3A_117 : memref<80x128xf32, #tpu.memory_space<vmem_shared>>)
      tpu.yield
    }) : () -> ()
    %add3A_15 = arith.constant 480 : i32
    %add3A_16 = arith.addi %mul3A_2, %add3A_15 : i32
    "tpu.region"() ({
      %run_scoped3A = tpu.sem_alloc : memref<!tpu.dma_semaphore, #tpu.memory_space<semaphore_mem>>
      %dma_start3A_111 = arith.constant 0 : i32
      %dma_start3A_112 = tpu.memref_slice %arg16[%add3A_16, %dma_start3A_111] : memref<10240x128xf32, #tpu.memory_space<vmem_shared>> -> memref<80x128xf32, #tpu.memory_space<vmem_shared>>
      %dma_start3A_113 = arith.constant 0 : i32
      %dma_start3A_114 = tpu.memref_slice %arg16[%add3A_16, %dma_start3A_113] : memref<10240x128xf32, #tpu.memory_space<vmem_shared>> -> memref<80x128xf32, #tpu.memory_space<vmem_shared>>
      tpu.enqueue_dma source(%arg13 : memref<80x128xf32, #tpu.memory_space<vmem>>) target(%dma_start3A_114 : memref<80x128xf32, #tpu.memory_space<vmem_shared>>) target_semaphore(%run_scoped3A : memref<!tpu.dma_semaphore, #tpu.memory_space<semaphore_mem>>)
      %dma_wait3A = arith.constant 0 : i32
      %dma_wait3A_115 = tpu.memref_slice %arg16[%add3A_16, %dma_wait3A] : memref<10240x128xf32, #tpu.memory_space<vmem_shared>> -> memref<80x128xf32, #tpu.memory_space<vmem_shared>>
      %dma_wait3A_116 = arith.constant 0 : i32
      %dma_wait3A_117 = tpu.memref_slice %arg16[%add3A_16, %dma_wait3A_116] : memref<10240x128xf32, #tpu.memory_space<vmem_shared>> -> memref<80x128xf32, #tpu.memory_space<vmem_shared>>
      tpu.wait_dma2 semaphore(%run_scoped3A : memref<!tpu.dma_semaphore, #tpu.memory_space<semaphore_mem>>) src(%arg13 : memref<80x128xf32, #tpu.memory_space<vmem>>) dst(%dma_wait3A_117 : memref<80x128xf32, #tpu.memory_space<vmem_shared>>)
      tpu.yield
    }) : () -> ()
    %add3A_17 = arith.constant 560 : i32
    %add3A_18 = arith.addi %mul3A_2, %add3A_17 : i32
    "tpu.region"() ({
      %run_scoped3A = tpu.sem_alloc : memref<!tpu.dma_semaphore, #tpu.memory_space<semaphore_mem>>
      %dma_start3A_111 = arith.constant 0 : i32
      %dma_start3A_112 = tpu.memref_slice %arg16[%add3A_18, %dma_start3A_111] : memref<10240x128xf32, #tpu.memory_space<vmem_shared>> -> memref<80x128xf32, #tpu.memory_space<vmem_shared>>
      %dma_start3A_113 = arith.constant 0 : i32
      %dma_start3A_114 = tpu.memref_slice %arg16[%add3A_18, %dma_start3A_113] : memref<10240x128xf32, #tpu.memory_space<vmem_shared>> -> memref<80x128xf32, #tpu.memory_space<vmem_shared>>
      tpu.enqueue_dma source(%arg13 : memref<80x128xf32, #tpu.memory_space<vmem>>) target(%dma_start3A_114 : memref<80x128xf32, #tpu.memory_space<vmem_shared>>) target_semaphore(%run_scoped3A : memref<!tpu.dma_semaphore, #tpu.memory_space<semaphore_mem>>)
      %dma_wait3A = arith.constant 0 : i32
      %dma_wait3A_115 = tpu.memref_slice %arg16[%add3A_18, %dma_wait3A] : memref<10240x128xf32, #tpu.memory_space<vmem_shared>> -> memref<80x128xf32, #tpu.memory_space<vmem_shared>>
      %dma_wait3A_116 = arith.constant 0 : i32
      %dma_wait3A_117 = tpu.memref_slice %arg16[%add3A_18, %dma_wait3A_116] : memref<10240x128xf32, #tpu.memory_space<vmem_shared>> -> memref<80x128xf32, #tpu.memory_space<vmem_shared>>
      tpu.wait_dma2 semaphore(%run_scoped3A : memref<!tpu.dma_semaphore, #tpu.memory_space<semaphore_mem>>) src(%arg13 : memref<80x128xf32, #tpu.memory_space<vmem>>) dst(%dma_wait3A_117 : memref<80x128xf32, #tpu.memory_space<vmem_shared>>)
      tpu.yield
    }) : () -> ()
    %lt3A = arith.constant 0 : i32
    %lt3A_19 = arith.cmpi slt, %add3A, %lt3A : i32
    %convert_element_type3A = arith.extui %lt3A_19 : i1 to i32
    %add3A_20 = arith.constant 125 : i32
    %add3A_21 = arith.addi %add3A_20, %convert_element_type3A : i32
    %add3A_22 = arith.constant 0 : i32
    %add3A_23 = arith.addi %add3A, %add3A_22 : i32
    %mul3A_24 = arith.constant 80 : i32
    %mul3A_25 = arith.muli %add3A_23, %mul3A_24 : i32
    "tpu.region"() ({
      %run_scoped3A = tpu.sem_alloc : memref<!tpu.dma_semaphore, #tpu.memory_space<semaphore_mem>>
      %dma_start3A_111 = tpu.memref_slice %arg3[%mul3A_25] : memref<320000xi32, #tpu.memory_space<hbm>> -> memref<80xi32, #tpu.memory_space<hbm>>
      %dma_start3A_112 = tpu.memref_slice %arg3[%mul3A_25] : memref<320000xi32, #tpu.memory_space<hbm>> -> memref<80xi32, #tpu.memory_space<hbm>>
      tpu.enqueue_dma source(%dma_start3A_112 : memref<80xi32, #tpu.memory_space<hbm>>) target(%arg7 : memref<80xi32, #tpu.memory_space<vmem>>) target_semaphore(%run_scoped3A : memref<!tpu.dma_semaphore, #tpu.memory_space<semaphore_mem>>)
      %dma_wait3A = tpu.memref_slice %arg3[%mul3A_25] : memref<320000xi32, #tpu.memory_space<hbm>> -> memref<80xi32, #tpu.memory_space<hbm>>
      %dma_wait3A_113 = tpu.memref_slice %arg3[%mul3A_25] : memref<320000xi32, #tpu.memory_space<hbm>> -> memref<80xi32, #tpu.memory_space<hbm>>
      tpu.wait_dma2 semaphore(%run_scoped3A : memref<!tpu.dma_semaphore, #tpu.memory_space<semaphore_mem>>) src(%dma_wait3A_113 : memref<80xi32, #tpu.memory_space<hbm>>) dst(%arg7 : memref<80xi32, #tpu.memory_space<vmem>>)
      tpu.yield
    }) : () -> ()
    "tpu.region"() ({
      %run_scoped3A = tpu.sem_alloc : memref<!tpu.dma_semaphore, #tpu.memory_space<semaphore_mem>>
      %dma_start3A_111 = tpu.memref_slice %arg4[%mul3A_25] : memref<320000xi32, #tpu.memory_space<hbm>> -> memref<80xi32, #tpu.memory_space<hbm>>
      %dma_start3A_112 = tpu.memref_slice %arg4[%mul3A_25] : memref<320000xi32, #tpu.memory_space<hbm>> -> memref<80xi32, #tpu.memory_space<hbm>>
      tpu.enqueue_dma source(%dma_start3A_112 : memref<80xi32, #tpu.memory_space<hbm>>) target(%arg8 : memref<80xi32, #tpu.memory_space<vmem>>) target_semaphore(%run_scoped3A : memref<!tpu.dma_semaphore, #tpu.memory_space<semaphore_mem>>)
      %dma_wait3A = tpu.memref_slice %arg4[%mul3A_25] : memref<320000xi32, #tpu.memory_space<hbm>> -> memref<80xi32, #tpu.memory_space<hbm>>
      %dma_wait3A_113 = tpu.memref_slice %arg4[%mul3A_25] : memref<320000xi32, #tpu.memory_space<hbm>> -> memref<80xi32, #tpu.memory_space<hbm>>
      tpu.wait_dma2 semaphore(%run_scoped3A : memref<!tpu.dma_semaphore, #tpu.memory_space<semaphore_mem>>) src(%dma_wait3A_113 : memref<80xi32, #tpu.memory_space<hbm>>) dst(%arg8 : memref<80xi32, #tpu.memory_space<vmem>>)
      tpu.yield
    }) : () -> ()
    %dma_start3A = arith.constant 0 : i32
    %dma_start3A_26 = arith.constant 0 : i32
    %dma_start3A_27 = tpu.memref_slice %arg2[%dma_start3A, %dma_start3A_26] : memref<10240x128xf32, #tpu.memory_space<hbm>> -> memref<10240x128xf32, #tpu.memory_space<hbm>>
    tpu.enqueue_indirect_dma source(%dma_start3A_27 : memref<10240x128xf32, #tpu.memory_space<hbm>>) target(%arg13 : memref<80x128xf32, #tpu.memory_space<vmem>>) offsets(%arg7 : memref<80xi32, #tpu.memory_space<vmem>>) semaphore(%arg17 : memref<!tpu.dma_semaphore, #tpu.memory_space<semaphore_mem>>)
    %add3A_28 = arith.constant 32 : i32
    %add3A_29 = arith.addi %add3A, %add3A_28 : i32
    %mul3A_30 = arith.constant 80 : i32
    %mul3A_31 = arith.muli %add3A_29, %mul3A_30 : i32
    "tpu.region"() ({
      %run_scoped3A = tpu.sem_alloc : memref<!tpu.dma_semaphore, #tpu.memory_space<semaphore_mem>>
      %dma_start3A_111 = tpu.memref_slice %arg3[%mul3A_31] : memref<320000xi32, #tpu.memory_space<hbm>> -> memref<80xi32, #tpu.memory_space<hbm>>
      %dma_start3A_112 = tpu.memref_slice %arg3[%mul3A_31] : memref<320000xi32, #tpu.memory_space<hbm>> -> memref<80xi32, #tpu.memory_space<hbm>>
      tpu.enqueue_dma source(%dma_start3A_112 : memref<80xi32, #tpu.memory_space<hbm>>) target(%arg9 : memref<80xi32, #tpu.memory_space<vmem>>) target_semaphore(%run_scoped3A : memref<!tpu.dma_semaphore, #tpu.memory_space<semaphore_mem>>)
      %dma_wait3A = tpu.memref_slice %arg3[%mul3A_31] : memref<320000xi32, #tpu.memory_space<hbm>> -> memref<80xi32, #tpu.memory_space<hbm>>
      %dma_wait3A_113 = tpu.memref_slice %arg3[%mul3A_31] : memref<320000xi32, #tpu.memory_space<hbm>> -> memref<80xi32, #tpu.memory_space<hbm>>
      tpu.wait_dma2 semaphore(%run_scoped3A : memref<!tpu.dma_semaphore, #tpu.memory_space<semaphore_mem>>) src(%dma_wait3A_113 : memref<80xi32, #tpu.memory_space<hbm>>) dst(%arg9 : memref<80xi32, #tpu.memory_space<vmem>>)
      tpu.yield
    }) : () -> ()
    "tpu.region"() ({
      %run_scoped3A = tpu.sem_alloc : memref<!tpu.dma_semaphore, #tpu.memory_space<semaphore_mem>>
      %dma_start3A_111 = tpu.memref_slice %arg4[%mul3A_31] : memref<320000xi32, #tpu.memory_space<hbm>> -> memref<80xi32, #tpu.memory_space<hbm>>
      %dma_start3A_112 = tpu.memref_slice %arg4[%mul3A_31] : memref<320000xi32, #tpu.memory_space<hbm>> -> memref<80xi32, #tpu.memory_space<hbm>>
      tpu.enqueue_dma source(%dma_start3A_112 : memref<80xi32, #tpu.memory_space<hbm>>) target(%arg10 : memref<80xi32, #tpu.memory_space<vmem>>) target_semaphore(%run_scoped3A : memref<!tpu.dma_semaphore, #tpu.memory_space<semaphore_mem>>)
      %dma_wait3A = tpu.memref_slice %arg4[%mul3A_31] : memref<320000xi32, #tpu.memory_space<hbm>> -> memref<80xi32, #tpu.memory_space<hbm>>
      %dma_wait3A_113 = tpu.memref_slice %arg4[%mul3A_31] : memref<320000xi32, #tpu.memory_space<hbm>> -> memref<80xi32, #tpu.memory_space<hbm>>
      tpu.wait_dma2 semaphore(%run_scoped3A : memref<!tpu.dma_semaphore, #tpu.memory_space<semaphore_mem>>) src(%dma_wait3A_113 : memref<80xi32, #tpu.memory_space<hbm>>) dst(%arg10 : memref<80xi32, #tpu.memory_space<vmem>>)
      tpu.yield
    }) : () -> ()
    %dma_start3A_32 = arith.constant 0 : i32
    %dma_start3A_33 = arith.constant 0 : i32
    %dma_start3A_34 = tpu.memref_slice %arg2[%dma_start3A_32, %dma_start3A_33] : memref<10240x128xf32, #tpu.memory_space<hbm>> -> memref<10240x128xf32, #tpu.memory_space<hbm>>
    tpu.enqueue_indirect_dma source(%dma_start3A_34 : memref<10240x128xf32, #tpu.memory_space<hbm>>) target(%arg14 : memref<80x128xf32, #tpu.memory_space<vmem>>) offsets(%arg9 : memref<80xi32, #tpu.memory_space<vmem>>) semaphore(%arg18 : memref<!tpu.dma_semaphore, #tpu.memory_space<semaphore_mem>>)
    %add3A_35 = arith.constant 64 : i32
    %add3A_36 = arith.addi %add3A, %add3A_35 : i32
    %mul3A_37 = arith.constant 80 : i32
    %mul3A_38 = arith.muli %add3A_36, %mul3A_37 : i32
    "tpu.region"() ({
      %run_scoped3A = tpu.sem_alloc : memref<!tpu.dma_semaphore, #tpu.memory_space<semaphore_mem>>
      %dma_start3A_111 = tpu.memref_slice %arg3[%mul3A_38] : memref<320000xi32, #tpu.memory_space<hbm>> -> memref<80xi32, #tpu.memory_space<hbm>>
      %dma_start3A_112 = tpu.memref_slice %arg3[%mul3A_38] : memref<320000xi32, #tpu.memory_space<hbm>> -> memref<80xi32, #tpu.memory_space<hbm>>
      tpu.enqueue_dma source(%dma_start3A_112 : memref<80xi32, #tpu.memory_space<hbm>>) target(%arg11 : memref<80xi32, #tpu.memory_space<vmem>>) target_semaphore(%run_scoped3A : memref<!tpu.dma_semaphore, #tpu.memory_space<semaphore_mem>>)
      %dma_wait3A = tpu.memref_slice %arg3[%mul3A_38] : memref<320000xi32, #tpu.memory_space<hbm>> -> memref<80xi32, #tpu.memory_space<hbm>>
      %dma_wait3A_113 = tpu.memref_slice %arg3[%mul3A_38] : memref<320000xi32, #tpu.memory_space<hbm>> -> memref<80xi32, #tpu.memory_space<hbm>>
      tpu.wait_dma2 semaphore(%run_scoped3A : memref<!tpu.dma_semaphore, #tpu.memory_space<semaphore_mem>>) src(%dma_wait3A_113 : memref<80xi32, #tpu.memory_space<hbm>>) dst(%arg11 : memref<80xi32, #tpu.memory_space<vmem>>)
      tpu.yield
    }) : () -> ()
    "tpu.region"() ({
      %run_scoped3A = tpu.sem_alloc : memref<!tpu.dma_semaphore, #tpu.memory_space<semaphore_mem>>
      %dma_start3A_111 = tpu.memref_slice %arg4[%mul3A_38] : memref<320000xi32, #tpu.memory_space<hbm>> -> memref<80xi32, #tpu.memory_space<hbm>>
      %dma_start3A_112 = tpu.memref_slice %arg4[%mul3A_38] : memref<320000xi32, #tpu.memory_space<hbm>> -> memref<80xi32, #tpu.memory_space<hbm>>
      tpu.enqueue_dma source(%dma_start3A_112 : memref<80xi32, #tpu.memory_space<hbm>>) target(%arg12 : memref<80xi32, #tpu.memory_space<vmem>>) target_semaphore(%run_scoped3A : memref<!tpu.dma_semaphore, #tpu.memory_space<semaphore_mem>>)
      %dma_wait3A = tpu.memref_slice %arg4[%mul3A_38] : memref<320000xi32, #tpu.memory_space<hbm>> -> memref<80xi32, #tpu.memory_space<hbm>>
      %dma_wait3A_113 = tpu.memref_slice %arg4[%mul3A_38] : memref<320000xi32, #tpu.memory_space<hbm>> -> memref<80xi32, #tpu.memory_space<hbm>>
      tpu.wait_dma2 semaphore(%run_scoped3A : memref<!tpu.dma_semaphore, #tpu.memory_space<semaphore_mem>>) src(%dma_wait3A_113 : memref<80xi32, #tpu.memory_space<hbm>>) dst(%arg12 : memref<80xi32, #tpu.memory_space<vmem>>)
      tpu.yield
    }) : () -> ()
    %dma_start3A_39 = arith.constant 0 : i32
    %dma_start3A_40 = arith.constant 0 : i32
    %dma_start3A_41 = tpu.memref_slice %arg2[%dma_start3A_39, %dma_start3A_40] : memref<10240x128xf32, #tpu.memory_space<hbm>> -> memref<10240x128xf32, #tpu.memory_space<hbm>>
    tpu.enqueue_indirect_dma source(%dma_start3A_41 : memref<10240x128xf32, #tpu.memory_space<hbm>>) target(%arg15 : memref<80x128xf32, #tpu.memory_space<vmem>>) offsets(%arg11 : memref<80xi32, #tpu.memory_space<vmem>>) semaphore(%arg19 : memref<!tpu.dma_semaphore, #tpu.memory_space<semaphore_mem>>)
    %barrier3A = arith.constant 0 : index
    tpu.barrier barrier_id(%barrier3A)
    %jit3A = arith.constant 3 : i32
    %div3A = arith.divsi %add3A_21, %jit3A : i32
    %sign3A = arith.constant 0 : i32
    %sign3A_42 = arith.cmpi sgt, %add3A_21, %sign3A : i32
    %sign3A_43 = arith.extui %sign3A_42 : i1 to i32
    %sign3A_44 = arith.constant 0 : i32
    %sign3A_45 = arith.cmpi slt, %add3A_21, %sign3A_44 : i32
    %sign3A_46 = arith.extui %sign3A_45 : i1 to i32
    %sign3A_47 = arith.subi %sign3A_43, %sign3A_46 : i32
    %sign3A_48 = arith.constant 0 : i32
    %sign3A_49 = arith.cmpi sgt, %jit3A, %sign3A_48 : i32
    %sign3A_50 = arith.extui %sign3A_49 : i1 to i32
    %sign3A_51 = arith.constant 0 : i32
    %sign3A_52 = arith.cmpi slt, %jit3A, %sign3A_51 : i32
    %sign3A_53 = arith.extui %sign3A_52 : i1 to i32
    %sign3A_54 = arith.subi %sign3A_50, %sign3A_53 : i32
    %ne3A = arith.cmpi ne, %sign3A_47, %sign3A_54 : i32
    %rem3A = arith.remsi %add3A_21, %jit3A : i32
    %ne3A_55 = arith.constant 0 : i32
    %ne3A_56 = arith.cmpi ne, %rem3A, %ne3A_55 : i32
    %and3A = arith.andi %ne3A, %ne3A_56 : i1
    %sub3A = arith.constant 1 : i32
    %sub3A_57 = arith.subi %div3A, %sub3A : i32
    %select_n3A = arith.select %and3A, %sub3A_57, %div3A : i32
    %while3A = arith.constant 0 : i32
    %while3A_58 = arith.constant 0 : i32
    %while3A_59 = arith.subi %select_n3A, %while3A_58 : i32
    %while3A_60 = arith.addi %while3A_58, %while3A_59 : i32
    %while3A_61 = arith.constant 1 : i32
    %while3A_62 = arith.divsi %while3A_59, %while3A_61 : i32
    %while3A_63 = arith.muli %while3A_62, %while3A_61 : i32
    %while3A_64 = arith.addi %while3A_58, %while3A_63 : i32
    %while3A_65 = arith.constant 1 : i32
    scf.for %while3A_111 = %while3A_58 to %while3A_64 step %while3A_65  : i32 {
      %mul3A_112 = arith.constant 3 : i32
      %mul3A_113 = arith.muli %mul3A_112, %while3A_111 : i32
      %add3A_114 = arith.constant 0 : i32
      %add3A_115 = arith.addi %mul3A_113, %add3A_114 : i32
      %dma_wait3A = arith.constant 0 : i32
      %dma_wait3A_116 = arith.constant 0 : i32
      %dma_wait3A_117 = tpu.memref_slice %arg2[%dma_wait3A, %dma_wait3A_116] : memref<10240x128xf32, #tpu.memory_space<hbm>> -> memref<10240x128xf32, #tpu.memory_space<hbm>>
      tpu.wait_indirect_dma semaphore(%arg17 : memref<!tpu.dma_semaphore, #tpu.memory_space<semaphore_mem>>) src(%dma_wait3A_117 : memref<10240x128xf32, #tpu.memory_space<hbm>>) dst(%arg13 : memref<80x128xf32, #tpu.memory_space<vmem>>)
      "tpu.region"() ({
        %run_scoped3A = tpu.sem_alloc : memref<!tpu.dma_semaphore, #tpu.memory_space<semaphore_mem>>
        %dma_start3A_146 = arith.constant 0 : i32
        %dma_start3A_147 = arith.constant 0 : i32
        %dma_start3A_148 = tpu.memref_slice %arg16[%dma_start3A_146, %dma_start3A_147] : memref<10240x128xf32, #tpu.memory_space<vmem_shared>> -> memref<10240x128xf32, #tpu.memory_space<vmem_shared>>
        tpu.enqueue_indirect_dma source(%arg13 : memref<80x128xf32, #tpu.memory_space<vmem>>) target(%dma_start3A_148 : memref<10240x128xf32, #tpu.memory_space<vmem_shared>>) offsets(%arg8 : memref<80xi32, #tpu.memory_space<vmem>>) semaphore(%run_scoped3A : memref<!tpu.dma_semaphore, #tpu.memory_space<semaphore_mem>>) {add = true}
        %dma_wait3A_149 = arith.constant 0 : i32
        %dma_wait3A_150 = arith.constant 0 : i32
        %dma_wait3A_151 = tpu.memref_slice %arg16[%dma_wait3A_149, %dma_wait3A_150] : memref<10240x128xf32, #tpu.memory_space<vmem_shared>> -> memref<10240x128xf32, #tpu.memory_space<vmem_shared>>
        tpu.wait_indirect_dma semaphore(%run_scoped3A : memref<!tpu.dma_semaphore, #tpu.memory_space<semaphore_mem>>) src(%arg13 : memref<80x128xf32, #tpu.memory_space<vmem>>) dst(%dma_wait3A_151 : memref<10240x128xf32, #tpu.memory_space<vmem_shared>>)
        tpu.yield
      }) : () -> ()
      %add3A_118 = arith.constant 3 : i32
      %add3A_119 = arith.addi %add3A_115, %add3A_118 : i32
      %lt3A_120 = arith.cmpi slt, %add3A_119, %add3A_21 : i32
      %convert_element_type3A_121 = arith.extui %lt3A_120 : i1 to i32
      %cond3A_122 = arith.constant 0 : i32
      %cond3A_123 = arith.cmpi ne, %convert_element_type3A_121, %cond3A_122 : i32
      scf.if %cond3A_123 {
        %add3A_146 = arith.constant 3 : i32
        %add3A_147 = arith.addi %add3A_115, %add3A_146 : i32
        %mul3A_148 = arith.constant 32 : i32
        %mul3A_149 = arith.muli %mul3A_148, %add3A_147 : i32
        %add3A_150 = arith.addi %add3A, %mul3A_149 : i32
        %mul3A_151 = arith.constant 80 : i32
        %mul3A_152 = arith.muli %add3A_150, %mul3A_151 : i32
        "tpu.region"() ({
          %run_scoped3A = tpu.sem_alloc : memref<!tpu.dma_semaphore, #tpu.memory_space<semaphore_mem>>
          %dma_start3A_156 = tpu.memref_slice %arg3[%mul3A_152] : memref<320000xi32, #tpu.memory_space<hbm>> -> memref<80xi32, #tpu.memory_space<hbm>>
          %dma_start3A_157 = tpu.memref_slice %arg3[%mul3A_152] : memref<320000xi32, #tpu.memory_space<hbm>> -> memref<80xi32, #tpu.memory_space<hbm>>
          tpu.enqueue_dma source(%dma_start3A_157 : memref<80xi32, #tpu.memory_space<hbm>>) target(%arg7 : memref<80xi32, #tpu.memory_space<vmem>>) target_semaphore(%run_scoped3A : memref<!tpu.dma_semaphore, #tpu.memory_space<semaphore_mem>>)
          %dma_wait3A_158 = tpu.memref_slice %arg3[%mul3A_152] : memref<320000xi32, #tpu.memory_space<hbm>> -> memref<80xi32, #tpu.memory_space<hbm>>
          %dma_wait3A_159 = tpu.memref_slice %arg3[%mul3A_152] : memref<320000xi32, #tpu.memory_space<hbm>> -> memref<80xi32, #tpu.memory_space<hbm>>
          tpu.wait_dma2 semaphore(%run_scoped3A : memref<!tpu.dma_semaphore, #tpu.memory_space<semaphore_mem>>) src(%dma_wait3A_159 : memref<80xi32, #tpu.memory_space<hbm>>) dst(%arg7 : memref<80xi32, #tpu.memory_space<vmem>>)
          tpu.yield
        }) : () -> ()
        "tpu.region"() ({
          %run_scoped3A = tpu.sem_alloc : memref<!tpu.dma_semaphore, #tpu.memory_space<semaphore_mem>>
          %dma_start3A_156 = tpu.memref_slice %arg4[%mul3A_152] : memref<320000xi32, #tpu.memory_space<hbm>> -> memref<80xi32, #tpu.memory_space<hbm>>
          %dma_start3A_157 = tpu.memref_slice %arg4[%mul3A_152] : memref<320000xi32, #tpu.memory_space<hbm>> -> memref<80xi32, #tpu.memory_space<hbm>>
          tpu.enqueue_dma source(%dma_start3A_157 : memref<80xi32, #tpu.memory_space<hbm>>) target(%arg8 : memref<80xi32, #tpu.memory_space<vmem>>) target_semaphore(%run_scoped3A : memref<!tpu.dma_semaphore, #tpu.memory_space<semaphore_mem>>)
          %dma_wait3A_158 = tpu.memref_slice %arg4[%mul3A_152] : memref<320000xi32, #tpu.memory_space<hbm>> -> memref<80xi32, #tpu.memory_space<hbm>>
          %dma_wait3A_159 = tpu.memref_slice %arg4[%mul3A_152] : memref<320000xi32, #tpu.memory_space<hbm>> -> memref<80xi32, #tpu.memory_space<hbm>>
          tpu.wait_dma2 semaphore(%run_scoped3A : memref<!tpu.dma_semaphore, #tpu.memory_space<semaphore_mem>>) src(%dma_wait3A_159 : memref<80xi32, #tpu.memory_space<hbm>>) dst(%arg8 : memref<80xi32, #tpu.memory_space<vmem>>)
          tpu.yield
        }) : () -> ()
        %dma_start3A_153 = arith.constant 0 : i32
        %dma_start3A_154 = arith.constant 0 : i32
        %dma_start3A_155 = tpu.memref_slice %arg2[%dma_start3A_153, %dma_start3A_154] : memref<10240x128xf32, #tpu.memory_space<hbm>> -> memref<10240x128xf32, #tpu.memory_space<hbm>>
        tpu.enqueue_indirect_dma source(%dma_start3A_155 : memref<10240x128xf32, #tpu.memory_space<hbm>>) target(%arg13 : memref<80x128xf32, #tpu.memory_space<vmem>>) offsets(%arg7 : memref<80xi32, #tpu.memory_space<vmem>>) semaphore(%arg17 : memref<!tpu.dma_semaphore, #tpu.memory_space<semaphore_mem>>)
      } else {
      }
      %add3A_124 = arith.constant 1 : i32
      %add3A_125 = arith.addi %mul3A_113, %add3A_124 : i32
      %dma_wait3A_126 = arith.constant 0 : i32
      %dma_wait3A_127 = arith.constant 0 : i32
      %dma_wait3A_128 = tpu.memref_slice %arg2[%dma_wait3A_126, %dma_wait3A_127] : memref<10240x128xf32, #tpu.memory_space<hbm>> -> memref<10240x128xf32, #tpu.memory_space<hbm>>
      tpu.wait_indirect_dma semaphore(%arg18 : memref<!tpu.dma_semaphore, #tpu.memory_space<semaphore_mem>>) src(%dma_wait3A_128 : memref<10240x128xf32, #tpu.memory_space<hbm>>) dst(%arg14 : memref<80x128xf32, #tpu.memory_space<vmem>>)
      "tpu.region"() ({
        %run_scoped3A = tpu.sem_alloc : memref<!tpu.dma_semaphore, #tpu.memory_space<semaphore_mem>>
        %dma_start3A_146 = arith.constant 0 : i32
        %dma_start3A_147 = arith.constant 0 : i32
        %dma_start3A_148 = tpu.memref_slice %arg16[%dma_start3A_146, %dma_start3A_147] : memref<10240x128xf32, #tpu.memory_space<vmem_shared>> -> memref<10240x128xf32, #tpu.memory_space<vmem_shared>>
        tpu.enqueue_indirect_dma source(%arg14 : memref<80x128xf32, #tpu.memory_space<vmem>>) target(%dma_start3A_148 : memref<10240x128xf32, #tpu.memory_space<vmem_shared>>) offsets(%arg10 : memref<80xi32, #tpu.memory_space<vmem>>) semaphore(%run_scoped3A : memref<!tpu.dma_semaphore, #tpu.memory_space<semaphore_mem>>) {add = true}
        %dma_wait3A_149 = arith.constant 0 : i32
        %dma_wait3A_150 = arith.constant 0 : i32
        %dma_wait3A_151 = tpu.memref_slice %arg16[%dma_wait3A_149, %dma_wait3A_150] : memref<10240x128xf32, #tpu.memory_space<vmem_shared>> -> memref<10240x128xf32, #tpu.memory_space<vmem_shared>>
        tpu.wait_indirect_dma semaphore(%run_scoped3A : memref<!tpu.dma_semaphore, #tpu.memory_space<semaphore_mem>>) src(%arg14 : memref<80x128xf32, #tpu.memory_space<vmem>>) dst(%dma_wait3A_151 : memref<10240x128xf32, #tpu.memory_space<vmem_shared>>)
        tpu.yield
      }) : () -> ()
      %add3A_129 = arith.constant 3 : i32
      %add3A_130 = arith.addi %add3A_125, %add3A_129 : i32
      %lt3A_131 = arith.cmpi slt, %add3A_130, %add3A_21 : i32
      %convert_element_type3A_132 = arith.extui %lt3A_131 : i1 to i32
      %cond3A_133 = arith.constant 0 : i32
      %cond3A_134 = arith.cmpi ne, %convert_element_type3A_132, %cond3A_133 : i32
      scf.if %cond3A_134 {
        %add3A_146 = arith.constant 3 : i32
        %add3A_147 = arith.addi %add3A_125, %add3A_146 : i32
        %mul3A_148 = arith.constant 32 : i32
        %mul3A_149 = arith.muli %mul3A_148, %add3A_147 : i32
        %add3A_150 = arith.addi %add3A, %mul3A_149 : i32
        %mul3A_151 = arith.constant 80 : i32
        %mul3A_152 = arith.muli %add3A_150, %mul3A_151 : i32
        "tpu.region"() ({
          %run_scoped3A = tpu.sem_alloc : memref<!tpu.dma_semaphore, #tpu.memory_space<semaphore_mem>>
          %dma_start3A_156 = tpu.memref_slice %arg3[%mul3A_152] : memref<320000xi32, #tpu.memory_space<hbm>> -> memref<80xi32, #tpu.memory_space<hbm>>
          %dma_start3A_157 = tpu.memref_slice %arg3[%mul3A_152] : memref<320000xi32, #tpu.memory_space<hbm>> -> memref<80xi32, #tpu.memory_space<hbm>>
          tpu.enqueue_dma source(%dma_start3A_157 : memref<80xi32, #tpu.memory_space<hbm>>) target(%arg9 : memref<80xi32, #tpu.memory_space<vmem>>) target_semaphore(%run_scoped3A : memref<!tpu.dma_semaphore, #tpu.memory_space<semaphore_mem>>)
          %dma_wait3A_158 = tpu.memref_slice %arg3[%mul3A_152] : memref<320000xi32, #tpu.memory_space<hbm>> -> memref<80xi32, #tpu.memory_space<hbm>>
          %dma_wait3A_159 = tpu.memref_slice %arg3[%mul3A_152] : memref<320000xi32, #tpu.memory_space<hbm>> -> memref<80xi32, #tpu.memory_space<hbm>>
          tpu.wait_dma2 semaphore(%run_scoped3A : memref<!tpu.dma_semaphore, #tpu.memory_space<semaphore_mem>>) src(%dma_wait3A_159 : memref<80xi32, #tpu.memory_space<hbm>>) dst(%arg9 : memref<80xi32, #tpu.memory_space<vmem>>)
          tpu.yield
        }) : () -> ()
        "tpu.region"() ({
          %run_scoped3A = tpu.sem_alloc : memref<!tpu.dma_semaphore, #tpu.memory_space<semaphore_mem>>
          %dma_start3A_156 = tpu.memref_slice %arg4[%mul3A_152] : memref<320000xi32, #tpu.memory_space<hbm>> -> memref<80xi32, #tpu.memory_space<hbm>>
          %dma_start3A_157 = tpu.memref_slice %arg4[%mul3A_152] : memref<320000xi32, #tpu.memory_space<hbm>> -> memref<80xi32, #tpu.memory_space<hbm>>
          tpu.enqueue_dma source(%dma_start3A_157 : memref<80xi32, #tpu.memory_space<hbm>>) target(%arg10 : memref<80xi32, #tpu.memory_space<vmem>>) target_semaphore(%run_scoped3A : memref<!tpu.dma_semaphore, #tpu.memory_space<semaphore_mem>>)
          %dma_wait3A_158 = tpu.memref_slice %arg4[%mul3A_152] : memref<320000xi32, #tpu.memory_space<hbm>> -> memref<80xi32, #tpu.memory_space<hbm>>
          %dma_wait3A_159 = tpu.memref_slice %arg4[%mul3A_152] : memref<320000xi32, #tpu.memory_space<hbm>> -> memref<80xi32, #tpu.memory_space<hbm>>
          tpu.wait_dma2 semaphore(%run_scoped3A : memref<!tpu.dma_semaphore, #tpu.memory_space<semaphore_mem>>) src(%dma_wait3A_159 : memref<80xi32, #tpu.memory_space<hbm>>) dst(%arg10 : memref<80xi32, #tpu.memory_space<vmem>>)
          tpu.yield
        }) : () -> ()
        %dma_start3A_153 = arith.constant 0 : i32
        %dma_start3A_154 = arith.constant 0 : i32
        %dma_start3A_155 = tpu.memref_slice %arg2[%dma_start3A_153, %dma_start3A_154] : memref<10240x128xf32, #tpu.memory_space<hbm>> -> memref<10240x128xf32, #tpu.memory_space<hbm>>
        tpu.enqueue_indirect_dma source(%dma_start3A_155 : memref<10240x128xf32, #tpu.memory_space<hbm>>) target(%arg14 : memref<80x128xf32, #tpu.memory_space<vmem>>) offsets(%arg9 : memref<80xi32, #tpu.memory_space<vmem>>) semaphore(%arg18 : memref<!tpu.dma_semaphore, #tpu.memory_space<semaphore_mem>>)
      } else {
      }
      %add3A_135 = arith.constant 2 : i32
      %add3A_136 = arith.addi %mul3A_113, %add3A_135 : i32
      %dma_wait3A_137 = arith.constant 0 : i32
      %dma_wait3A_138 = arith.constant 0 : i32
      %dma_wait3A_139 = tpu.memref_slice %arg2[%dma_wait3A_137, %dma_wait3A_138] : memref<10240x128xf32, #tpu.memory_space<hbm>> -> memref<10240x128xf32, #tpu.memory_space<hbm>>
      tpu.wait_indirect_dma semaphore(%arg19 : memref<!tpu.dma_semaphore, #tpu.memory_space<semaphore_mem>>) src(%dma_wait3A_139 : memref<10240x128xf32, #tpu.memory_space<hbm>>) dst(%arg15 : memref<80x128xf32, #tpu.memory_space<vmem>>)
      "tpu.region"() ({
        %run_scoped3A = tpu.sem_alloc : memref<!tpu.dma_semaphore, #tpu.memory_space<semaphore_mem>>
        %dma_start3A_146 = arith.constant 0 : i32
        %dma_start3A_147 = arith.constant 0 : i32
        %dma_start3A_148 = tpu.memref_slice %arg16[%dma_start3A_146, %dma_start3A_147] : memref<10240x128xf32, #tpu.memory_space<vmem_shared>> -> memref<10240x128xf32, #tpu.memory_space<vmem_shared>>
        tpu.enqueue_indirect_dma source(%arg15 : memref<80x128xf32, #tpu.memory_space<vmem>>) target(%dma_start3A_148 : memref<10240x128xf32, #tpu.memory_space<vmem_shared>>) offsets(%arg12 : memref<80xi32, #tpu.memory_space<vmem>>) semaphore(%run_scoped3A : memref<!tpu.dma_semaphore, #tpu.memory_space<semaphore_mem>>) {add = true}
        %dma_wait3A_149 = arith.constant 0 : i32
        %dma_wait3A_150 = arith.constant 0 : i32
        %dma_wait3A_151 = tpu.memref_slice %arg16[%dma_wait3A_149, %dma_wait3A_150] : memref<10240x128xf32, #tpu.memory_space<vmem_shared>> -> memref<10240x128xf32, #tpu.memory_space<vmem_shared>>
        tpu.wait_indirect_dma semaphore(%run_scoped3A : memref<!tpu.dma_semaphore, #tpu.memory_space<semaphore_mem>>) src(%arg15 : memref<80x128xf32, #tpu.memory_space<vmem>>) dst(%dma_wait3A_151 : memref<10240x128xf32, #tpu.memory_space<vmem_shared>>)
        tpu.yield
      }) : () -> ()
      %add3A_140 = arith.constant 3 : i32
      %add3A_141 = arith.addi %add3A_136, %add3A_140 : i32
      %lt3A_142 = arith.cmpi slt, %add3A_141, %add3A_21 : i32
      %convert_element_type3A_143 = arith.extui %lt3A_142 : i1 to i32
      %cond3A_144 = arith.constant 0 : i32
      %cond3A_145 = arith.cmpi ne, %convert_element_type3A_143, %cond3A_144 : i32
      scf.if %cond3A_145 {
        %add3A_146 = arith.constant 3 : i32
        %add3A_147 = arith.addi %add3A_136, %add3A_146 : i32
        %mul3A_148 = arith.constant 32 : i32
        %mul3A_149 = arith.muli %mul3A_148, %add3A_147 : i32
        %add3A_150 = arith.addi %add3A, %mul3A_149 : i32
        %mul3A_151 = arith.constant 80 : i32
        %mul3A_152 = arith.muli %add3A_150, %mul3A_151 : i32
        "tpu.region"() ({
          %run_scoped3A = tpu.sem_alloc : memref<!tpu.dma_semaphore, #tpu.memory_space<semaphore_mem>>
          %dma_start3A_156 = tpu.memref_slice %arg3[%mul3A_152] : memref<320000xi32, #tpu.memory_space<hbm>> -> memref<80xi32, #tpu.memory_space<hbm>>
          %dma_start3A_157 = tpu.memref_slice %arg3[%mul3A_152] : memref<320000xi32, #tpu.memory_space<hbm>> -> memref<80xi32, #tpu.memory_space<hbm>>
          tpu.enqueue_dma source(%dma_start3A_157 : memref<80xi32, #tpu.memory_space<hbm>>) target(%arg11 : memref<80xi32, #tpu.memory_space<vmem>>) target_semaphore(%run_scoped3A : memref<!tpu.dma_semaphore, #tpu.memory_space<semaphore_mem>>)
          %dma_wait3A_158 = tpu.memref_slice %arg3[%mul3A_152] : memref<320000xi32, #tpu.memory_space<hbm>> -> memref<80xi32, #tpu.memory_space<hbm>>
          %dma_wait3A_159 = tpu.memref_slice %arg3[%mul3A_152] : memref<320000xi32, #tpu.memory_space<hbm>> -> memref<80xi32, #tpu.memory_space<hbm>>
          tpu.wait_dma2 semaphore(%run_scoped3A : memref<!tpu.dma_semaphore, #tpu.memory_space<semaphore_mem>>) src(%dma_wait3A_159 : memref<80xi32, #tpu.memory_space<hbm>>) dst(%arg11 : memref<80xi32, #tpu.memory_space<vmem>>)
          tpu.yield
        }) : () -> ()
        "tpu.region"() ({
          %run_scoped3A = tpu.sem_alloc : memref<!tpu.dma_semaphore, #tpu.memory_space<semaphore_mem>>
          %dma_start3A_156 = tpu.memref_slice %arg4[%mul3A_152] : memref<320000xi32, #tpu.memory_space<hbm>> -> memref<80xi32, #tpu.memory_space<hbm>>
          %dma_start3A_157 = tpu.memref_slice %arg4[%mul3A_152] : memref<320000xi32, #tpu.memory_space<hbm>> -> memref<80xi32, #tpu.memory_space<hbm>>
          tpu.enqueue_dma source(%dma_start3A_157 : memref<80xi32, #tpu.memory_space<hbm>>) target(%arg12 : memref<80xi32, #tpu.memory_space<vmem>>) target_semaphore(%run_scoped3A : memref<!tpu.dma_semaphore, #tpu.memory_space<semaphore_mem>>)
          %dma_wait3A_158 = tpu.memref_slice %arg4[%mul3A_152] : memref<320000xi32, #tpu.memory_space<hbm>> -> memref<80xi32, #tpu.memory_space<hbm>>
          %dma_wait3A_159 = tpu.memref_slice %arg4[%mul3A_152] : memref<320000xi32, #tpu.memory_space<hbm>> -> memref<80xi32, #tpu.memory_space<hbm>>
          tpu.wait_dma2 semaphore(%run_scoped3A : memref<!tpu.dma_semaphore, #tpu.memory_space<semaphore_mem>>) src(%dma_wait3A_159 : memref<80xi32, #tpu.memory_space<hbm>>) dst(%arg12 : memref<80xi32, #tpu.memory_space<vmem>>)
          tpu.yield
        }) : () -> ()
        %dma_start3A_153 = arith.constant 0 : i32
        %dma_start3A_154 = arith.constant 0 : i32
        %dma_start3A_155 = tpu.memref_slice %arg2[%dma_start3A_153, %dma_start3A_154] : memref<10240x128xf32, #tpu.memory_space<hbm>> -> memref<10240x128xf32, #tpu.memory_space<hbm>>
        tpu.enqueue_indirect_dma source(%dma_start3A_155 : memref<10240x128xf32, #tpu.memory_space<hbm>>) target(%arg15 : memref<80x128xf32, #tpu.memory_space<vmem>>) offsets(%arg11 : memref<80xi32, #tpu.memory_space<vmem>>) semaphore(%arg19 : memref<!tpu.dma_semaphore, #tpu.memory_space<semaphore_mem>>)
      } else {
      }
    }
    %while3A_66 = arith.constant 1 : i32
    scf.for %while3A_111 = %while3A_64 to %while3A_60 step %while3A_66  : i32 {
      %mul3A_112 = arith.constant 3 : i32
      %mul3A_113 = arith.muli %mul3A_112, %while3A_111 : i32
      %add3A_114 = arith.constant 0 : i32
      %add3A_115 = arith.addi %mul3A_113, %add3A_114 : i32
      %dma_wait3A = arith.constant 0 : i32
      %dma_wait3A_116 = arith.constant 0 : i32
      %dma_wait3A_117 = tpu.memref_slice %arg2[%dma_wait3A, %dma_wait3A_116] : memref<10240x128xf32, #tpu.memory_space<hbm>> -> memref<10240x128xf32, #tpu.memory_space<hbm>>
      tpu.wait_indirect_dma semaphore(%arg17 : memref<!tpu.dma_semaphore, #tpu.memory_space<semaphore_mem>>) src(%dma_wait3A_117 : memref<10240x128xf32, #tpu.memory_space<hbm>>) dst(%arg13 : memref<80x128xf32, #tpu.memory_space<vmem>>)
      "tpu.region"() ({
        %run_scoped3A = tpu.sem_alloc : memref<!tpu.dma_semaphore, #tpu.memory_space<semaphore_mem>>
        %dma_start3A_146 = arith.constant 0 : i32
        %dma_start3A_147 = arith.constant 0 : i32
        %dma_start3A_148 = tpu.memref_slice %arg16[%dma_start3A_146, %dma_start3A_147] : memref<10240x128xf32, #tpu.memory_space<vmem_shared>> -> memref<10240x128xf32, #tpu.memory_space<vmem_shared>>
        tpu.enqueue_indirect_dma source(%arg13 : memref<80x128xf32, #tpu.memory_space<vmem>>) target(%dma_start3A_148 : memref<10240x128xf32, #tpu.memory_space<vmem_shared>>) offsets(%arg8 : memref<80xi32, #tpu.memory_space<vmem>>) semaphore(%run_scoped3A : memref<!tpu.dma_semaphore, #tpu.memory_space<semaphore_mem>>) {add = true}
        %dma_wait3A_149 = arith.constant 0 : i32
        %dma_wait3A_150 = arith.constant 0 : i32
        %dma_wait3A_151 = tpu.memref_slice %arg16[%dma_wait3A_149, %dma_wait3A_150] : memref<10240x128xf32, #tpu.memory_space<vmem_shared>> -> memref<10240x128xf32, #tpu.memory_space<vmem_shared>>
        tpu.wait_indirect_dma semaphore(%run_scoped3A : memref<!tpu.dma_semaphore, #tpu.memory_space<semaphore_mem>>) src(%arg13 : memref<80x128xf32, #tpu.memory_space<vmem>>) dst(%dma_wait3A_151 : memref<10240x128xf32, #tpu.memory_space<vmem_shared>>)
        tpu.yield
      }) : () -> ()
      %add3A_118 = arith.constant 3 : i32
      %add3A_119 = arith.addi %add3A_115, %add3A_118 : i32
      %lt3A_120 = arith.cmpi slt, %add3A_119, %add3A_21 : i32
      %convert_element_type3A_121 = arith.extui %lt3A_120 : i1 to i32
      %cond3A_122 = arith.constant 0 : i32
      %cond3A_123 = arith.cmpi ne, %convert_element_type3A_121, %cond3A_122 : i32
      scf.if %cond3A_123 {
        %add3A_146 = arith.constant 3 : i32
        %add3A_147 = arith.addi %add3A_115, %add3A_146 : i32
        %mul3A_148 = arith.constant 32 : i32
        %mul3A_149 = arith.muli %mul3A_148, %add3A_147 : i32
        %add3A_150 = arith.addi %add3A, %mul3A_149 : i32
        %mul3A_151 = arith.constant 80 : i32
        %mul3A_152 = arith.muli %add3A_150, %mul3A_151 : i32
        "tpu.region"() ({
          %run_scoped3A = tpu.sem_alloc : memref<!tpu.dma_semaphore, #tpu.memory_space<semaphore_mem>>
          %dma_start3A_156 = tpu.memref_slice %arg3[%mul3A_152] : memref<320000xi32, #tpu.memory_space<hbm>> -> memref<80xi32, #tpu.memory_space<hbm>>
          %dma_start3A_157 = tpu.memref_slice %arg3[%mul3A_152] : memref<320000xi32, #tpu.memory_space<hbm>> -> memref<80xi32, #tpu.memory_space<hbm>>
          tpu.enqueue_dma source(%dma_start3A_157 : memref<80xi32, #tpu.memory_space<hbm>>) target(%arg7 : memref<80xi32, #tpu.memory_space<vmem>>) target_semaphore(%run_scoped3A : memref<!tpu.dma_semaphore, #tpu.memory_space<semaphore_mem>>)
          %dma_wait3A_158 = tpu.memref_slice %arg3[%mul3A_152] : memref<320000xi32, #tpu.memory_space<hbm>> -> memref<80xi32, #tpu.memory_space<hbm>>
          %dma_wait3A_159 = tpu.memref_slice %arg3[%mul3A_152] : memref<320000xi32, #tpu.memory_space<hbm>> -> memref<80xi32, #tpu.memory_space<hbm>>
          tpu.wait_dma2 semaphore(%run_scoped3A : memref<!tpu.dma_semaphore, #tpu.memory_space<semaphore_mem>>) src(%dma_wait3A_159 : memref<80xi32, #tpu.memory_space<hbm>>) dst(%arg7 : memref<80xi32, #tpu.memory_space<vmem>>)
          tpu.yield
        }) : () -> ()
        "tpu.region"() ({
          %run_scoped3A = tpu.sem_alloc : memref<!tpu.dma_semaphore, #tpu.memory_space<semaphore_mem>>
          %dma_start3A_156 = tpu.memref_slice %arg4[%mul3A_152] : memref<320000xi32, #tpu.memory_space<hbm>> -> memref<80xi32, #tpu.memory_space<hbm>>
          %dma_start3A_157 = tpu.memref_slice %arg4[%mul3A_152] : memref<320000xi32, #tpu.memory_space<hbm>> -> memref<80xi32, #tpu.memory_space<hbm>>
          tpu.enqueue_dma source(%dma_start3A_157 : memref<80xi32, #tpu.memory_space<hbm>>) target(%arg8 : memref<80xi32, #tpu.memory_space<vmem>>) target_semaphore(%run_scoped3A : memref<!tpu.dma_semaphore, #tpu.memory_space<semaphore_mem>>)
          %dma_wait3A_158 = tpu.memref_slice %arg4[%mul3A_152] : memref<320000xi32, #tpu.memory_space<hbm>> -> memref<80xi32, #tpu.memory_space<hbm>>
          %dma_wait3A_159 = tpu.memref_slice %arg4[%mul3A_152] : memref<320000xi32, #tpu.memory_space<hbm>> -> memref<80xi32, #tpu.memory_space<hbm>>
          tpu.wait_dma2 semaphore(%run_scoped3A : memref<!tpu.dma_semaphore, #tpu.memory_space<semaphore_mem>>) src(%dma_wait3A_159 : memref<80xi32, #tpu.memory_space<hbm>>) dst(%arg8 : memref<80xi32, #tpu.memory_space<vmem>>)
          tpu.yield
        }) : () -> ()
        %dma_start3A_153 = arith.constant 0 : i32
        %dma_start3A_154 = arith.constant 0 : i32
        %dma_start3A_155 = tpu.memref_slice %arg2[%dma_start3A_153, %dma_start3A_154] : memref<10240x128xf32, #tpu.memory_space<hbm>> -> memref<10240x128xf32, #tpu.memory_space<hbm>>
        tpu.enqueue_indirect_dma source(%dma_start3A_155 : memref<10240x128xf32, #tpu.memory_space<hbm>>) target(%arg13 : memref<80x128xf32, #tpu.memory_space<vmem>>) offsets(%arg7 : memref<80xi32, #tpu.memory_space<vmem>>) semaphore(%arg17 : memref<!tpu.dma_semaphore, #tpu.memory_space<semaphore_mem>>)
      } else {
      }
      %add3A_124 = arith.constant 1 : i32
      %add3A_125 = arith.addi %mul3A_113, %add3A_124 : i32
      %dma_wait3A_126 = arith.constant 0 : i32
      %dma_wait3A_127 = arith.constant 0 : i32
      %dma_wait3A_128 = tpu.memref_slice %arg2[%dma_wait3A_126, %dma_wait3A_127] : memref<10240x128xf32, #tpu.memory_space<hbm>> -> memref<10240x128xf32, #tpu.memory_space<hbm>>
      tpu.wait_indirect_dma semaphore(%arg18 : memref<!tpu.dma_semaphore, #tpu.memory_space<semaphore_mem>>) src(%dma_wait3A_128 : memref<10240x128xf32, #tpu.memory_space<hbm>>) dst(%arg14 : memref<80x128xf32, #tpu.memory_space<vmem>>)
      "tpu.region"() ({
        %run_scoped3A = tpu.sem_alloc : memref<!tpu.dma_semaphore, #tpu.memory_space<semaphore_mem>>
        %dma_start3A_146 = arith.constant 0 : i32
        %dma_start3A_147 = arith.constant 0 : i32
        %dma_start3A_148 = tpu.memref_slice %arg16[%dma_start3A_146, %dma_start3A_147] : memref<10240x128xf32, #tpu.memory_space<vmem_shared>> -> memref<10240x128xf32, #tpu.memory_space<vmem_shared>>
        tpu.enqueue_indirect_dma source(%arg14 : memref<80x128xf32, #tpu.memory_space<vmem>>) target(%dma_start3A_148 : memref<10240x128xf32, #tpu.memory_space<vmem_shared>>) offsets(%arg10 : memref<80xi32, #tpu.memory_space<vmem>>) semaphore(%run_scoped3A : memref<!tpu.dma_semaphore, #tpu.memory_space<semaphore_mem>>) {add = true}
        %dma_wait3A_149 = arith.constant 0 : i32
        %dma_wait3A_150 = arith.constant 0 : i32
        %dma_wait3A_151 = tpu.memref_slice %arg16[%dma_wait3A_149, %dma_wait3A_150] : memref<10240x128xf32, #tpu.memory_space<vmem_shared>> -> memref<10240x128xf32, #tpu.memory_space<vmem_shared>>
        tpu.wait_indirect_dma semaphore(%run_scoped3A : memref<!tpu.dma_semaphore, #tpu.memory_space<semaphore_mem>>) src(%arg14 : memref<80x128xf32, #tpu.memory_space<vmem>>) dst(%dma_wait3A_151 : memref<10240x128xf32, #tpu.memory_space<vmem_shared>>)
        tpu.yield
      }) : () -> ()
      %add3A_129 = arith.constant 3 : i32
      %add3A_130 = arith.addi %add3A_125, %add3A_129 : i32
      %lt3A_131 = arith.cmpi slt, %add3A_130, %add3A_21 : i32
      %convert_element_type3A_132 = arith.extui %lt3A_131 : i1 to i32
      %cond3A_133 = arith.constant 0 : i32
      %cond3A_134 = arith.cmpi ne, %convert_element_type3A_132, %cond3A_133 : i32
      scf.if %cond3A_134 {
        %add3A_146 = arith.constant 3 : i32
        %add3A_147 = arith.addi %add3A_125, %add3A_146 : i32
        %mul3A_148 = arith.constant 32 : i32
        %mul3A_149 = arith.muli %mul3A_148, %add3A_147 : i32
        %add3A_150 = arith.addi %add3A, %mul3A_149 : i32
        %mul3A_151 = arith.constant 80 : i32
        %mul3A_152 = arith.muli %add3A_150, %mul3A_151 : i32
        "tpu.region"() ({
          %run_scoped3A = tpu.sem_alloc : memref<!tpu.dma_semaphore, #tpu.memory_space<semaphore_mem>>
          %dma_start3A_156 = tpu.memref_slice %arg3[%mul3A_152] : memref<320000xi32, #tpu.memory_space<hbm>> -> memref<80xi32, #tpu.memory_space<hbm>>
          %dma_start3A_157 = tpu.memref_slice %arg3[%mul3A_152] : memref<320000xi32, #tpu.memory_space<hbm>> -> memref<80xi32, #tpu.memory_space<hbm>>
          tpu.enqueue_dma source(%dma_start3A_157 : memref<80xi32, #tpu.memory_space<hbm>>) target(%arg9 : memref<80xi32, #tpu.memory_space<vmem>>) target_semaphore(%run_scoped3A : memref<!tpu.dma_semaphore, #tpu.memory_space<semaphore_mem>>)
          %dma_wait3A_158 = tpu.memref_slice %arg3[%mul3A_152] : memref<320000xi32, #tpu.memory_space<hbm>> -> memref<80xi32, #tpu.memory_space<hbm>>
          %dma_wait3A_159 = tpu.memref_slice %arg3[%mul3A_152] : memref<320000xi32, #tpu.memory_space<hbm>> -> memref<80xi32, #tpu.memory_space<hbm>>
          tpu.wait_dma2 semaphore(%run_scoped3A : memref<!tpu.dma_semaphore, #tpu.memory_space<semaphore_mem>>) src(%dma_wait3A_159 : memref<80xi32, #tpu.memory_space<hbm>>) dst(%arg9 : memref<80xi32, #tpu.memory_space<vmem>>)
          tpu.yield
        }) : () -> ()
        "tpu.region"() ({
          %run_scoped3A = tpu.sem_alloc : memref<!tpu.dma_semaphore, #tpu.memory_space<semaphore_mem>>
          %dma_start3A_156 = tpu.memref_slice %arg4[%mul3A_152] : memref<320000xi32, #tpu.memory_space<hbm>> -> memref<80xi32, #tpu.memory_space<hbm>>
          %dma_start3A_157 = tpu.memref_slice %arg4[%mul3A_152] : memref<320000xi32, #tpu.memory_space<hbm>> -> memref<80xi32, #tpu.memory_space<hbm>>
          tpu.enqueue_dma source(%dma_start3A_157 : memref<80xi32, #tpu.memory_space<hbm>>) target(%arg10 : memref<80xi32, #tpu.memory_space<vmem>>) target_semaphore(%run_scoped3A : memref<!tpu.dma_semaphore, #tpu.memory_space<semaphore_mem>>)
          %dma_wait3A_158 = tpu.memref_slice %arg4[%mul3A_152] : memref<320000xi32, #tpu.memory_space<hbm>> -> memref<80xi32, #tpu.memory_space<hbm>>
          %dma_wait3A_159 = tpu.memref_slice %arg4[%mul3A_152] : memref<320000xi32, #tpu.memory_space<hbm>> -> memref<80xi32, #tpu.memory_space<hbm>>
          tpu.wait_dma2 semaphore(%run_scoped3A : memref<!tpu.dma_semaphore, #tpu.memory_space<semaphore_mem>>) src(%dma_wait3A_159 : memref<80xi32, #tpu.memory_space<hbm>>) dst(%arg10 : memref<80xi32, #tpu.memory_space<vmem>>)
          tpu.yield
        }) : () -> ()
        %dma_start3A_153 = arith.constant 0 : i32
        %dma_start3A_154 = arith.constant 0 : i32
        %dma_start3A_155 = tpu.memref_slice %arg2[%dma_start3A_153, %dma_start3A_154] : memref<10240x128xf32, #tpu.memory_space<hbm>> -> memref<10240x128xf32, #tpu.memory_space<hbm>>
        tpu.enqueue_indirect_dma source(%dma_start3A_155 : memref<10240x128xf32, #tpu.memory_space<hbm>>) target(%arg14 : memref<80x128xf32, #tpu.memory_space<vmem>>) offsets(%arg9 : memref<80xi32, #tpu.memory_space<vmem>>) semaphore(%arg18 : memref<!tpu.dma_semaphore, #tpu.memory_space<semaphore_mem>>)
      } else {
      }
      %add3A_135 = arith.constant 2 : i32
      %add3A_136 = arith.addi %mul3A_113, %add3A_135 : i32
      %dma_wait3A_137 = arith.constant 0 : i32
      %dma_wait3A_138 = arith.constant 0 : i32
      %dma_wait3A_139 = tpu.memref_slice %arg2[%dma_wait3A_137, %dma_wait3A_138] : memref<10240x128xf32, #tpu.memory_space<hbm>> -> memref<10240x128xf32, #tpu.memory_space<hbm>>
      tpu.wait_indirect_dma semaphore(%arg19 : memref<!tpu.dma_semaphore, #tpu.memory_space<semaphore_mem>>) src(%dma_wait3A_139 : memref<10240x128xf32, #tpu.memory_space<hbm>>) dst(%arg15 : memref<80x128xf32, #tpu.memory_space<vmem>>)
      "tpu.region"() ({
        %run_scoped3A = tpu.sem_alloc : memref<!tpu.dma_semaphore, #tpu.memory_space<semaphore_mem>>
        %dma_start3A_146 = arith.constant 0 : i32
        %dma_start3A_147 = arith.constant 0 : i32
        %dma_start3A_148 = tpu.memref_slice %arg16[%dma_start3A_146, %dma_start3A_147] : memref<10240x128xf32, #tpu.memory_space<vmem_shared>> -> memref<10240x128xf32, #tpu.memory_space<vmem_shared>>
        tpu.enqueue_indirect_dma source(%arg15 : memref<80x128xf32, #tpu.memory_space<vmem>>) target(%dma_start3A_148 : memref<10240x128xf32, #tpu.memory_space<vmem_shared>>) offsets(%arg12 : memref<80xi32, #tpu.memory_space<vmem>>) semaphore(%run_scoped3A : memref<!tpu.dma_semaphore, #tpu.memory_space<semaphore_mem>>) {add = true}
        %dma_wait3A_149 = arith.constant 0 : i32
        %dma_wait3A_150 = arith.constant 0 : i32
        %dma_wait3A_151 = tpu.memref_slice %arg16[%dma_wait3A_149, %dma_wait3A_150] : memref<10240x128xf32, #tpu.memory_space<vmem_shared>> -> memref<10240x128xf32, #tpu.memory_space<vmem_shared>>
        tpu.wait_indirect_dma semaphore(%run_scoped3A : memref<!tpu.dma_semaphore, #tpu.memory_space<semaphore_mem>>) src(%arg15 : memref<80x128xf32, #tpu.memory_space<vmem>>) dst(%dma_wait3A_151 : memref<10240x128xf32, #tpu.memory_space<vmem_shared>>)
        tpu.yield
      }) : () -> ()
      %add3A_140 = arith.constant 3 : i32
      %add3A_141 = arith.addi %add3A_136, %add3A_140 : i32
      %lt3A_142 = arith.cmpi slt, %add3A_141, %add3A_21 : i32
      %convert_element_type3A_143 = arith.extui %lt3A_142 : i1 to i32
      %cond3A_144 = arith.constant 0 : i32
      %cond3A_145 = arith.cmpi ne, %convert_element_type3A_143, %cond3A_144 : i32
      scf.if %cond3A_145 {
        %add3A_146 = arith.constant 3 : i32
        %add3A_147 = arith.addi %add3A_136, %add3A_146 : i32
        %mul3A_148 = arith.constant 32 : i32
        %mul3A_149 = arith.muli %mul3A_148, %add3A_147 : i32
        %add3A_150 = arith.addi %add3A, %mul3A_149 : i32
        %mul3A_151 = arith.constant 80 : i32
        %mul3A_152 = arith.muli %add3A_150, %mul3A_151 : i32
        "tpu.region"() ({
          %run_scoped3A = tpu.sem_alloc : memref<!tpu.dma_semaphore, #tpu.memory_space<semaphore_mem>>
          %dma_start3A_156 = tpu.memref_slice %arg3[%mul3A_152] : memref<320000xi32, #tpu.memory_space<hbm>> -> memref<80xi32, #tpu.memory_space<hbm>>
          %dma_start3A_157 = tpu.memref_slice %arg3[%mul3A_152] : memref<320000xi32, #tpu.memory_space<hbm>> -> memref<80xi32, #tpu.memory_space<hbm>>
          tpu.enqueue_dma source(%dma_start3A_157 : memref<80xi32, #tpu.memory_space<hbm>>) target(%arg11 : memref<80xi32, #tpu.memory_space<vmem>>) target_semaphore(%run_scoped3A : memref<!tpu.dma_semaphore, #tpu.memory_space<semaphore_mem>>)
          %dma_wait3A_158 = tpu.memref_slice %arg3[%mul3A_152] : memref<320000xi32, #tpu.memory_space<hbm>> -> memref<80xi32, #tpu.memory_space<hbm>>
          %dma_wait3A_159 = tpu.memref_slice %arg3[%mul3A_152] : memref<320000xi32, #tpu.memory_space<hbm>> -> memref<80xi32, #tpu.memory_space<hbm>>
          tpu.wait_dma2 semaphore(%run_scoped3A : memref<!tpu.dma_semaphore, #tpu.memory_space<semaphore_mem>>) src(%dma_wait3A_159 : memref<80xi32, #tpu.memory_space<hbm>>) dst(%arg11 : memref<80xi32, #tpu.memory_space<vmem>>)
          tpu.yield
        }) : () -> ()
        "tpu.region"() ({
          %run_scoped3A = tpu.sem_alloc : memref<!tpu.dma_semaphore, #tpu.memory_space<semaphore_mem>>
          %dma_start3A_156 = tpu.memref_slice %arg4[%mul3A_152] : memref<320000xi32, #tpu.memory_space<hbm>> -> memref<80xi32, #tpu.memory_space<hbm>>
          %dma_start3A_157 = tpu.memref_slice %arg4[%mul3A_152] : memref<320000xi32, #tpu.memory_space<hbm>> -> memref<80xi32, #tpu.memory_space<hbm>>
          tpu.enqueue_dma source(%dma_start3A_157 : memref<80xi32, #tpu.memory_space<hbm>>) target(%arg12 : memref<80xi32, #tpu.memory_space<vmem>>) target_semaphore(%run_scoped3A : memref<!tpu.dma_semaphore, #tpu.memory_space<semaphore_mem>>)
          %dma_wait3A_158 = tpu.memref_slice %arg4[%mul3A_152] : memref<320000xi32, #tpu.memory_space<hbm>> -> memref<80xi32, #tpu.memory_space<hbm>>
          %dma_wait3A_159 = tpu.memref_slice %arg4[%mul3A_152] : memref<320000xi32, #tpu.memory_space<hbm>> -> memref<80xi32, #tpu.memory_space<hbm>>
          tpu.wait_dma2 semaphore(%run_scoped3A : memref<!tpu.dma_semaphore, #tpu.memory_space<semaphore_mem>>) src(%dma_wait3A_159 : memref<80xi32, #tpu.memory_space<hbm>>) dst(%arg12 : memref<80xi32, #tpu.memory_space<vmem>>)
          tpu.yield
        }) : () -> ()
        %dma_start3A_153 = arith.constant 0 : i32
        %dma_start3A_154 = arith.constant 0 : i32
        %dma_start3A_155 = tpu.memref_slice %arg2[%dma_start3A_153, %dma_start3A_154] : memref<10240x128xf32, #tpu.memory_space<hbm>> -> memref<10240x128xf32, #tpu.memory_space<hbm>>
        tpu.enqueue_indirect_dma source(%dma_start3A_155 : memref<10240x128xf32, #tpu.memory_space<hbm>>) target(%arg15 : memref<80x128xf32, #tpu.memory_space<vmem>>) offsets(%arg11 : memref<80xi32, #tpu.memory_space<vmem>>) semaphore(%arg19 : memref<!tpu.dma_semaphore, #tpu.memory_space<semaphore_mem>>)
      } else {
      }
    }
    %mul3A_67 = arith.constant 3 : i32
    %mul3A_68 = arith.muli %mul3A_67, %select_n3A : i32
    %sub3A_69 = arith.subi %add3A_21, %mul3A_68 : i32
    %ge3A = arith.constant 1 : i32
    %ge3A_70 = arith.cmpi sge, %sub3A_69, %ge3A : i32
    %convert_element_type3A_71 = arith.extui %ge3A_70 : i1 to i32
    %cond3A = arith.constant 0 : i32
    %cond3A_72 = arith.cmpi ne, %convert_element_type3A_71, %cond3A : i32
    scf.if %cond3A_72 {
      %dma_wait3A = arith.constant 0 : i32
      %dma_wait3A_111 = arith.constant 0 : i32
      %dma_wait3A_112 = tpu.memref_slice %arg2[%dma_wait3A, %dma_wait3A_111] : memref<10240x128xf32, #tpu.memory_space<hbm>> -> memref<10240x128xf32, #tpu.memory_space<hbm>>
      tpu.wait_indirect_dma semaphore(%arg17 : memref<!tpu.dma_semaphore, #tpu.memory_space<semaphore_mem>>) src(%dma_wait3A_112 : memref<10240x128xf32, #tpu.memory_space<hbm>>) dst(%arg13 : memref<80x128xf32, #tpu.memory_space<vmem>>)
      "tpu.region"() ({
        %run_scoped3A = tpu.sem_alloc : memref<!tpu.dma_semaphore, #tpu.memory_space<semaphore_mem>>
        %dma_start3A_113 = arith.constant 0 : i32
        %dma_start3A_114 = arith.constant 0 : i32
        %dma_start3A_115 = tpu.memref_slice %arg16[%dma_start3A_113, %dma_start3A_114] : memref<10240x128xf32, #tpu.memory_space<vmem_shared>> -> memref<10240x128xf32, #tpu.memory_space<vmem_shared>>
        tpu.enqueue_indirect_dma source(%arg13 : memref<80x128xf32, #tpu.memory_space<vmem>>) target(%dma_start3A_115 : memref<10240x128xf32, #tpu.memory_space<vmem_shared>>) offsets(%arg8 : memref<80xi32, #tpu.memory_space<vmem>>) semaphore(%run_scoped3A : memref<!tpu.dma_semaphore, #tpu.memory_space<semaphore_mem>>) {add = true}
        %dma_wait3A_116 = arith.constant 0 : i32
        %dma_wait3A_117 = arith.constant 0 : i32
        %dma_wait3A_118 = tpu.memref_slice %arg16[%dma_wait3A_116, %dma_wait3A_117] : memref<10240x128xf32, #tpu.memory_space<vmem_shared>> -> memref<10240x128xf32, #tpu.memory_space<vmem_shared>>
        tpu.wait_indirect_dma semaphore(%run_scoped3A : memref<!tpu.dma_semaphore, #tpu.memory_space<semaphore_mem>>) src(%arg13 : memref<80x128xf32, #tpu.memory_space<vmem>>) dst(%dma_wait3A_118 : memref<10240x128xf32, #tpu.memory_space<vmem_shared>>)
        tpu.yield
      }) : () -> ()
    } else {
    }
    %ge3A_73 = arith.constant 2 : i32
    %ge3A_74 = arith.cmpi sge, %sub3A_69, %ge3A_73 : i32
    %convert_element_type3A_75 = arith.extui %ge3A_74 : i1 to i32
    %cond3A_76 = arith.constant 0 : i32
    %cond3A_77 = arith.cmpi ne, %convert_element_type3A_75, %cond3A_76 : i32
    scf.if %cond3A_77 {
      %dma_wait3A = arith.constant 0 : i32
      %dma_wait3A_111 = arith.constant 0 : i32
      %dma_wait3A_112 = tpu.memref_slice %arg2[%dma_wait3A, %dma_wait3A_111] : memref<10240x128xf32, #tpu.memory_space<hbm>> -> memref<10240x128xf32, #tpu.memory_space<hbm>>
      tpu.wait_indirect_dma semaphore(%arg18 : memref<!tpu.dma_semaphore, #tpu.memory_space<semaphore_mem>>) src(%dma_wait3A_112 : memref<10240x128xf32, #tpu.memory_space<hbm>>) dst(%arg14 : memref<80x128xf32, #tpu.memory_space<vmem>>)
      "tpu.region"() ({
        %run_scoped3A = tpu.sem_alloc : memref<!tpu.dma_semaphore, #tpu.memory_space<semaphore_mem>>
        %dma_start3A_113 = arith.constant 0 : i32
        %dma_start3A_114 = arith.constant 0 : i32
        %dma_start3A_115 = tpu.memref_slice %arg16[%dma_start3A_113, %dma_start3A_114] : memref<10240x128xf32, #tpu.memory_space<vmem_shared>> -> memref<10240x128xf32, #tpu.memory_space<vmem_shared>>
        tpu.enqueue_indirect_dma source(%arg14 : memref<80x128xf32, #tpu.memory_space<vmem>>) target(%dma_start3A_115 : memref<10240x128xf32, #tpu.memory_space<vmem_shared>>) offsets(%arg10 : memref<80xi32, #tpu.memory_space<vmem>>) semaphore(%run_scoped3A : memref<!tpu.dma_semaphore, #tpu.memory_space<semaphore_mem>>) {add = true}
        %dma_wait3A_116 = arith.constant 0 : i32
        %dma_wait3A_117 = arith.constant 0 : i32
        %dma_wait3A_118 = tpu.memref_slice %arg16[%dma_wait3A_116, %dma_wait3A_117] : memref<10240x128xf32, #tpu.memory_space<vmem_shared>> -> memref<10240x128xf32, #tpu.memory_space<vmem_shared>>
        tpu.wait_indirect_dma semaphore(%run_scoped3A : memref<!tpu.dma_semaphore, #tpu.memory_space<semaphore_mem>>) src(%arg14 : memref<80x128xf32, #tpu.memory_space<vmem>>) dst(%dma_wait3A_118 : memref<10240x128xf32, #tpu.memory_space<vmem_shared>>)
        tpu.yield
      }) : () -> ()
    } else {
    }
    %barrier3A_78 = arith.constant 0 : index
    tpu.barrier barrier_id(%barrier3A_78)
    %add3A_79 = arith.constant 0 : i32
    %add3A_80 = arith.addi %mul3A_2, %add3A_79 : i32
    "tpu.region"() ({
      %run_scoped3A = tpu.sem_alloc : memref<!tpu.dma_semaphore, #tpu.memory_space<semaphore_mem>>
      %dma_start3A_111 = arith.constant 0 : i32
      %dma_start3A_112 = tpu.memref_slice %arg16[%add3A_80, %dma_start3A_111] : memref<10240x128xf32, #tpu.memory_space<vmem_shared>> -> memref<80x128xf32, #tpu.memory_space<vmem_shared>>
      %dma_start3A_113 = arith.constant 0 : i32
      %dma_start3A_114 = tpu.memref_slice %arg16[%add3A_80, %dma_start3A_113] : memref<10240x128xf32, #tpu.memory_space<vmem_shared>> -> memref<80x128xf32, #tpu.memory_space<vmem_shared>>
      tpu.enqueue_dma source(%dma_start3A_114 : memref<80x128xf32, #tpu.memory_space<vmem_shared>>) target(%arg13 : memref<80x128xf32, #tpu.memory_space<vmem>>) target_semaphore(%run_scoped3A : memref<!tpu.dma_semaphore, #tpu.memory_space<semaphore_mem>>)
      %dma_wait3A = arith.constant 0 : i32
      %dma_wait3A_115 = tpu.memref_slice %arg16[%add3A_80, %dma_wait3A] : memref<10240x128xf32, #tpu.memory_space<vmem_shared>> -> memref<80x128xf32, #tpu.memory_space<vmem_shared>>
      %dma_wait3A_116 = arith.constant 0 : i32
      %dma_wait3A_117 = tpu.memref_slice %arg16[%add3A_80, %dma_wait3A_116] : memref<10240x128xf32, #tpu.memory_space<vmem_shared>> -> memref<80x128xf32, #tpu.memory_space<vmem_shared>>
      tpu.wait_dma2 semaphore(%run_scoped3A : memref<!tpu.dma_semaphore, #tpu.memory_space<semaphore_mem>>) src(%dma_wait3A_117 : memref<80x128xf32, #tpu.memory_space<vmem_shared>>) dst(%arg13 : memref<80x128xf32, #tpu.memory_space<vmem>>)
      tpu.yield
    }) : () -> ()
    %add3A_81 = arith.constant 0 : i32
    %add3A_82 = arith.addi %mul3A_2, %add3A_81 : i32
    "tpu.region"() ({
      %run_scoped3A = tpu.sem_alloc : memref<!tpu.dma_semaphore, #tpu.memory_space<semaphore_mem>>
      %dma_start3A_111 = arith.constant 0 : i32
      %dma_start3A_112 = tpu.memref_slice %arg6[%arg0, %add3A_82, %dma_start3A_111] : memref<2x10240x128xf32, #tpu.memory_space<hbm>> -> memref<1x80x128xf32, #tpu.memory_space<hbm>>
      %dma_start3A_113 = tpu.memref_squeeze %dma_start3A_112 : memref<1x80x128xf32, #tpu.memory_space<hbm>> -> memref<80x128xf32, #tpu.memory_space<hbm>>
      %dma_start3A_114 = arith.constant 0 : i32
      %dma_start3A_115 = tpu.memref_slice %arg6[%arg0, %add3A_82, %dma_start3A_114] : memref<2x10240x128xf32, #tpu.memory_space<hbm>> -> memref<1x80x128xf32, #tpu.memory_space<hbm>>
      %dma_start3A_116 = tpu.memref_squeeze %dma_start3A_115 : memref<1x80x128xf32, #tpu.memory_space<hbm>> -> memref<80x128xf32, #tpu.memory_space<hbm>>
      tpu.enqueue_dma source(%arg13 : memref<80x128xf32, #tpu.memory_space<vmem>>) target(%dma_start3A_116 : memref<80x128xf32, #tpu.memory_space<hbm>>) target_semaphore(%run_scoped3A : memref<!tpu.dma_semaphore, #tpu.memory_space<semaphore_mem>>)
      %dma_wait3A = arith.constant 0 : i32
      %dma_wait3A_117 = tpu.memref_slice %arg6[%arg0, %add3A_82, %dma_wait3A] : memref<2x10240x128xf32, #tpu.memory_space<hbm>> -> memref<1x80x128xf32, #tpu.memory_space<hbm>>
      %dma_wait3A_118 = tpu.memref_squeeze %dma_wait3A_117 : memref<1x80x128xf32, #tpu.memory_space<hbm>> -> memref<80x128xf32, #tpu.memory_space<hbm>>
      %dma_wait3A_119 = arith.constant 0 : i32
      %dma_wait3A_120 = tpu.memref_slice %arg6[%arg0, %add3A_82, %dma_wait3A_119] : memref<2x10240x128xf32, #tpu.memory_space<hbm>> -> memref<1x80x128xf32, #tpu.memory_space<hbm>>
      %dma_wait3A_121 = tpu.memref_squeeze %dma_wait3A_120 : memref<1x80x128xf32, #tpu.memory_space<hbm>> -> memref<80x128xf32, #tpu.memory_space<hbm>>
      tpu.wait_dma2 semaphore(%run_scoped3A : memref<!tpu.dma_semaphore, #tpu.memory_space<semaphore_mem>>) src(%arg13 : memref<80x128xf32, #tpu.memory_space<vmem>>) dst(%dma_wait3A_121 : memref<80x128xf32, #tpu.memory_space<hbm>>)
      tpu.yield
    }) : () -> ()
    %add3A_83 = arith.constant 80 : i32
    %add3A_84 = arith.addi %mul3A_2, %add3A_83 : i32
    "tpu.region"() ({
      %run_scoped3A = tpu.sem_alloc : memref<!tpu.dma_semaphore, #tpu.memory_space<semaphore_mem>>
      %dma_start3A_111 = arith.constant 0 : i32
      %dma_start3A_112 = tpu.memref_slice %arg16[%add3A_84, %dma_start3A_111] : memref<10240x128xf32, #tpu.memory_space<vmem_shared>> -> memref<80x128xf32, #tpu.memory_space<vmem_shared>>
      %dma_start3A_113 = arith.constant 0 : i32
      %dma_start3A_114 = tpu.memref_slice %arg16[%add3A_84, %dma_start3A_113] : memref<10240x128xf32, #tpu.memory_space<vmem_shared>> -> memref<80x128xf32, #tpu.memory_space<vmem_shared>>
      tpu.enqueue_dma source(%dma_start3A_114 : memref<80x128xf32, #tpu.memory_space<vmem_shared>>) target(%arg13 : memref<80x128xf32, #tpu.memory_space<vmem>>) target_semaphore(%run_scoped3A : memref<!tpu.dma_semaphore, #tpu.memory_space<semaphore_mem>>)
      %dma_wait3A = arith.constant 0 : i32
      %dma_wait3A_115 = tpu.memref_slice %arg16[%add3A_84, %dma_wait3A] : memref<10240x128xf32, #tpu.memory_space<vmem_shared>> -> memref<80x128xf32, #tpu.memory_space<vmem_shared>>
      %dma_wait3A_116 = arith.constant 0 : i32
      %dma_wait3A_117 = tpu.memref_slice %arg16[%add3A_84, %dma_wait3A_116] : memref<10240x128xf32, #tpu.memory_space<vmem_shared>> -> memref<80x128xf32, #tpu.memory_space<vmem_shared>>
      tpu.wait_dma2 semaphore(%run_scoped3A : memref<!tpu.dma_semaphore, #tpu.memory_space<semaphore_mem>>) src(%dma_wait3A_117 : memref<80x128xf32, #tpu.memory_space<vmem_shared>>) dst(%arg13 : memref<80x128xf32, #tpu.memory_space<vmem>>)
      tpu.yield
    }) : () -> ()
    %add3A_85 = arith.constant 80 : i32
    %add3A_86 = arith.addi %mul3A_2, %add3A_85 : i32
    "tpu.region"() ({
      %run_scoped3A = tpu.sem_alloc : memref<!tpu.dma_semaphore, #tpu.memory_space<semaphore_mem>>
      %dma_start3A_111 = arith.constant 0 : i32
      %dma_start3A_112 = tpu.memref_slice %arg6[%arg0, %add3A_86, %dma_start3A_111] : memref<2x10240x128xf32, #tpu.memory_space<hbm>> -> memref<1x80x128xf32, #tpu.memory_space<hbm>>
      %dma_start3A_113 = tpu.memref_squeeze %dma_start3A_112 : memref<1x80x128xf32, #tpu.memory_space<hbm>> -> memref<80x128xf32, #tpu.memory_space<hbm>>
      %dma_start3A_114 = arith.constant 0 : i32
      %dma_start3A_115 = tpu.memref_slice %arg6[%arg0, %add3A_86, %dma_start3A_114] : memref<2x10240x128xf32, #tpu.memory_space<hbm>> -> memref<1x80x128xf32, #tpu.memory_space<hbm>>
      %dma_start3A_116 = tpu.memref_squeeze %dma_start3A_115 : memref<1x80x128xf32, #tpu.memory_space<hbm>> -> memref<80x128xf32, #tpu.memory_space<hbm>>
      tpu.enqueue_dma source(%arg13 : memref<80x128xf32, #tpu.memory_space<vmem>>) target(%dma_start3A_116 : memref<80x128xf32, #tpu.memory_space<hbm>>) target_semaphore(%run_scoped3A : memref<!tpu.dma_semaphore, #tpu.memory_space<semaphore_mem>>)
      %dma_wait3A = arith.constant 0 : i32
      %dma_wait3A_117 = tpu.memref_slice %arg6[%arg0, %add3A_86, %dma_wait3A] : memref<2x10240x128xf32, #tpu.memory_space<hbm>> -> memref<1x80x128xf32, #tpu.memory_space<hbm>>
      %dma_wait3A_118 = tpu.memref_squeeze %dma_wait3A_117 : memref<1x80x128xf32, #tpu.memory_space<hbm>> -> memref<80x128xf32, #tpu.memory_space<hbm>>
      %dma_wait3A_119 = arith.constant 0 : i32
      %dma_wait3A_120 = tpu.memref_slice %arg6[%arg0, %add3A_86, %dma_wait3A_119] : memref<2x10240x128xf32, #tpu.memory_space<hbm>> -> memref<1x80x128xf32, #tpu.memory_space<hbm>>
      %dma_wait3A_121 = tpu.memref_squeeze %dma_wait3A_120 : memref<1x80x128xf32, #tpu.memory_space<hbm>> -> memref<80x128xf32, #tpu.memory_space<hbm>>
      tpu.wait_dma2 semaphore(%run_scoped3A : memref<!tpu.dma_semaphore, #tpu.memory_space<semaphore_mem>>) src(%arg13 : memref<80x128xf32, #tpu.memory_space<vmem>>) dst(%dma_wait3A_121 : memref<80x128xf32, #tpu.memory_space<hbm>>)
      tpu.yield
    }) : () -> ()
    %add3A_87 = arith.constant 160 : i32
    %add3A_88 = arith.addi %mul3A_2, %add3A_87 : i32
    "tpu.region"() ({
      %run_scoped3A = tpu.sem_alloc : memref<!tpu.dma_semaphore, #tpu.memory_space<semaphore_mem>>
      %dma_start3A_111 = arith.constant 0 : i32
      %dma_start3A_112 = tpu.memref_slice %arg16[%add3A_88, %dma_start3A_111] : memref<10240x128xf32, #tpu.memory_space<vmem_shared>> -> memref<80x128xf32, #tpu.memory_space<vmem_shared>>
      %dma_start3A_113 = arith.constant 0 : i32
      %dma_start3A_114 = tpu.memref_slice %arg16[%add3A_88, %dma_start3A_113] : memref<10240x128xf32, #tpu.memory_space<vmem_shared>> -> memref<80x128xf32, #tpu.memory_space<vmem_shared>>
      tpu.enqueue_dma source(%dma_start3A_114 : memref<80x128xf32, #tpu.memory_space<vmem_shared>>) target(%arg13 : memref<80x128xf32, #tpu.memory_space<vmem>>) target_semaphore(%run_scoped3A : memref<!tpu.dma_semaphore, #tpu.memory_space<semaphore_mem>>)
      %dma_wait3A = arith.constant 0 : i32
      %dma_wait3A_115 = tpu.memref_slice %arg16[%add3A_88, %dma_wait3A] : memref<10240x128xf32, #tpu.memory_space<vmem_shared>> -> memref<80x128xf32, #tpu.memory_space<vmem_shared>>
      %dma_wait3A_116 = arith.constant 0 : i32
      %dma_wait3A_117 = tpu.memref_slice %arg16[%add3A_88, %dma_wait3A_116] : memref<10240x128xf32, #tpu.memory_space<vmem_shared>> -> memref<80x128xf32, #tpu.memory_space<vmem_shared>>
      tpu.wait_dma2 semaphore(%run_scoped3A : memref<!tpu.dma_semaphore, #tpu.memory_space<semaphore_mem>>) src(%dma_wait3A_117 : memref<80x128xf32, #tpu.memory_space<vmem_shared>>) dst(%arg13 : memref<80x128xf32, #tpu.memory_space<vmem>>)
      tpu.yield
    }) : () -> ()
    %add3A_89 = arith.constant 160 : i32
    %add3A_90 = arith.addi %mul3A_2, %add3A_89 : i32
    "tpu.region"() ({
      %run_scoped3A = tpu.sem_alloc : memref<!tpu.dma_semaphore, #tpu.memory_space<semaphore_mem>>
      %dma_start3A_111 = arith.constant 0 : i32
      %dma_start3A_112 = tpu.memref_slice %arg6[%arg0, %add3A_90, %dma_start3A_111] : memref<2x10240x128xf32, #tpu.memory_space<hbm>> -> memref<1x80x128xf32, #tpu.memory_space<hbm>>
      %dma_start3A_113 = tpu.memref_squeeze %dma_start3A_112 : memref<1x80x128xf32, #tpu.memory_space<hbm>> -> memref<80x128xf32, #tpu.memory_space<hbm>>
      %dma_start3A_114 = arith.constant 0 : i32
      %dma_start3A_115 = tpu.memref_slice %arg6[%arg0, %add3A_90, %dma_start3A_114] : memref<2x10240x128xf32, #tpu.memory_space<hbm>> -> memref<1x80x128xf32, #tpu.memory_space<hbm>>
      %dma_start3A_116 = tpu.memref_squeeze %dma_start3A_115 : memref<1x80x128xf32, #tpu.memory_space<hbm>> -> memref<80x128xf32, #tpu.memory_space<hbm>>
      tpu.enqueue_dma source(%arg13 : memref<80x128xf32, #tpu.memory_space<vmem>>) target(%dma_start3A_116 : memref<80x128xf32, #tpu.memory_space<hbm>>) target_semaphore(%run_scoped3A : memref<!tpu.dma_semaphore, #tpu.memory_space<semaphore_mem>>)
      %dma_wait3A = arith.constant 0 : i32
      %dma_wait3A_117 = tpu.memref_slice %arg6[%arg0, %add3A_90, %dma_wait3A] : memref<2x10240x128xf32, #tpu.memory_space<hbm>> -> memref<1x80x128xf32, #tpu.memory_space<hbm>>
      %dma_wait3A_118 = tpu.memref_squeeze %dma_wait3A_117 : memref<1x80x128xf32, #tpu.memory_space<hbm>> -> memref<80x128xf32, #tpu.memory_space<hbm>>
      %dma_wait3A_119 = arith.constant 0 : i32
      %dma_wait3A_120 = tpu.memref_slice %arg6[%arg0, %add3A_90, %dma_wait3A_119] : memref<2x10240x128xf32, #tpu.memory_space<hbm>> -> memref<1x80x128xf32, #tpu.memory_space<hbm>>
      %dma_wait3A_121 = tpu.memref_squeeze %dma_wait3A_120 : memref<1x80x128xf32, #tpu.memory_space<hbm>> -> memref<80x128xf32, #tpu.memory_space<hbm>>
      tpu.wait_dma2 semaphore(%run_scoped3A : memref<!tpu.dma_semaphore, #tpu.memory_space<semaphore_mem>>) src(%arg13 : memref<80x128xf32, #tpu.memory_space<vmem>>) dst(%dma_wait3A_121 : memref<80x128xf32, #tpu.memory_space<hbm>>)
      tpu.yield
    }) : () -> ()
    %add3A_91 = arith.constant 240 : i32
    %add3A_92 = arith.addi %mul3A_2, %add3A_91 : i32
    "tpu.region"() ({
      %run_scoped3A = tpu.sem_alloc : memref<!tpu.dma_semaphore, #tpu.memory_space<semaphore_mem>>
      %dma_start3A_111 = arith.constant 0 : i32
      %dma_start3A_112 = tpu.memref_slice %arg16[%add3A_92, %dma_start3A_111] : memref<10240x128xf32, #tpu.memory_space<vmem_shared>> -> memref<80x128xf32, #tpu.memory_space<vmem_shared>>
      %dma_start3A_113 = arith.constant 0 : i32
      %dma_start3A_114 = tpu.memref_slice %arg16[%add3A_92, %dma_start3A_113] : memref<10240x128xf32, #tpu.memory_space<vmem_shared>> -> memref<80x128xf32, #tpu.memory_space<vmem_shared>>
      tpu.enqueue_dma source(%dma_start3A_114 : memref<80x128xf32, #tpu.memory_space<vmem_shared>>) target(%arg13 : memref<80x128xf32, #tpu.memory_space<vmem>>) target_semaphore(%run_scoped3A : memref<!tpu.dma_semaphore, #tpu.memory_space<semaphore_mem>>)
      %dma_wait3A = arith.constant 0 : i32
      %dma_wait3A_115 = tpu.memref_slice %arg16[%add3A_92, %dma_wait3A] : memref<10240x128xf32, #tpu.memory_space<vmem_shared>> -> memref<80x128xf32, #tpu.memory_space<vmem_shared>>
      %dma_wait3A_116 = arith.constant 0 : i32
      %dma_wait3A_117 = tpu.memref_slice %arg16[%add3A_92, %dma_wait3A_116] : memref<10240x128xf32, #tpu.memory_space<vmem_shared>> -> memref<80x128xf32, #tpu.memory_space<vmem_shared>>
      tpu.wait_dma2 semaphore(%run_scoped3A : memref<!tpu.dma_semaphore, #tpu.memory_space<semaphore_mem>>) src(%dma_wait3A_117 : memref<80x128xf32, #tpu.memory_space<vmem_shared>>) dst(%arg13 : memref<80x128xf32, #tpu.memory_space<vmem>>)
      tpu.yield
    }) : () -> ()
    %add3A_93 = arith.constant 240 : i32
    %add3A_94 = arith.addi %mul3A_2, %add3A_93 : i32
    "tpu.region"() ({
      %run_scoped3A = tpu.sem_alloc : memref<!tpu.dma_semaphore, #tpu.memory_space<semaphore_mem>>
      %dma_start3A_111 = arith.constant 0 : i32
      %dma_start3A_112 = tpu.memref_slice %arg6[%arg0, %add3A_94, %dma_start3A_111] : memref<2x10240x128xf32, #tpu.memory_space<hbm>> -> memref<1x80x128xf32, #tpu.memory_space<hbm>>
      %dma_start3A_113 = tpu.memref_squeeze %dma_start3A_112 : memref<1x80x128xf32, #tpu.memory_space<hbm>> -> memref<80x128xf32, #tpu.memory_space<hbm>>
      %dma_start3A_114 = arith.constant 0 : i32
      %dma_start3A_115 = tpu.memref_slice %arg6[%arg0, %add3A_94, %dma_start3A_114] : memref<2x10240x128xf32, #tpu.memory_space<hbm>> -> memref<1x80x128xf32, #tpu.memory_space<hbm>>
      %dma_start3A_116 = tpu.memref_squeeze %dma_start3A_115 : memref<1x80x128xf32, #tpu.memory_space<hbm>> -> memref<80x128xf32, #tpu.memory_space<hbm>>
      tpu.enqueue_dma source(%arg13 : memref<80x128xf32, #tpu.memory_space<vmem>>) target(%dma_start3A_116 : memref<80x128xf32, #tpu.memory_space<hbm>>) target_semaphore(%run_scoped3A : memref<!tpu.dma_semaphore, #tpu.memory_space<semaphore_mem>>)
      %dma_wait3A = arith.constant 0 : i32
      %dma_wait3A_117 = tpu.memref_slice %arg6[%arg0, %add3A_94, %dma_wait3A] : memref<2x10240x128xf32, #tpu.memory_space<hbm>> -> memref<1x80x128xf32, #tpu.memory_space<hbm>>
      %dma_wait3A_118 = tpu.memref_squeeze %dma_wait3A_117 : memref<1x80x128xf32, #tpu.memory_space<hbm>> -> memref<80x128xf32, #tpu.memory_space<hbm>>
      %dma_wait3A_119 = arith.constant 0 : i32
      %dma_wait3A_120 = tpu.memref_slice %arg6[%arg0, %add3A_94, %dma_wait3A_119] : memref<2x10240x128xf32, #tpu.memory_space<hbm>> -> memref<1x80x128xf32, #tpu.memory_space<hbm>>
      %dma_wait3A_121 = tpu.memref_squeeze %dma_wait3A_120 : memref<1x80x128xf32, #tpu.memory_space<hbm>> -> memref<80x128xf32, #tpu.memory_space<hbm>>
      tpu.wait_dma2 semaphore(%run_scoped3A : memref<!tpu.dma_semaphore, #tpu.memory_space<semaphore_mem>>) src(%arg13 : memref<80x128xf32, #tpu.memory_space<vmem>>) dst(%dma_wait3A_121 : memref<80x128xf32, #tpu.memory_space<hbm>>)
      tpu.yield
    }) : () -> ()
    %add3A_95 = arith.constant 320 : i32
    %add3A_96 = arith.addi %mul3A_2, %add3A_95 : i32
    "tpu.region"() ({
      %run_scoped3A = tpu.sem_alloc : memref<!tpu.dma_semaphore, #tpu.memory_space<semaphore_mem>>
      %dma_start3A_111 = arith.constant 0 : i32
      %dma_start3A_112 = tpu.memref_slice %arg16[%add3A_96, %dma_start3A_111] : memref<10240x128xf32, #tpu.memory_space<vmem_shared>> -> memref<80x128xf32, #tpu.memory_space<vmem_shared>>
      %dma_start3A_113 = arith.constant 0 : i32
      %dma_start3A_114 = tpu.memref_slice %arg16[%add3A_96, %dma_start3A_113] : memref<10240x128xf32, #tpu.memory_space<vmem_shared>> -> memref<80x128xf32, #tpu.memory_space<vmem_shared>>
      tpu.enqueue_dma source(%dma_start3A_114 : memref<80x128xf32, #tpu.memory_space<vmem_shared>>) target(%arg13 : memref<80x128xf32, #tpu.memory_space<vmem>>) target_semaphore(%run_scoped3A : memref<!tpu.dma_semaphore, #tpu.memory_space<semaphore_mem>>)
      %dma_wait3A = arith.constant 0 : i32
      %dma_wait3A_115 = tpu.memref_slice %arg16[%add3A_96, %dma_wait3A] : memref<10240x128xf32, #tpu.memory_space<vmem_shared>> -> memref<80x128xf32, #tpu.memory_space<vmem_shared>>
      %dma_wait3A_116 = arith.constant 0 : i32
      %dma_wait3A_117 = tpu.memref_slice %arg16[%add3A_96, %dma_wait3A_116] : memref<10240x128xf32, #tpu.memory_space<vmem_shared>> -> memref<80x128xf32, #tpu.memory_space<vmem_shared>>
      tpu.wait_dma2 semaphore(%run_scoped3A : memref<!tpu.dma_semaphore, #tpu.memory_space<semaphore_mem>>) src(%dma_wait3A_117 : memref<80x128xf32, #tpu.memory_space<vmem_shared>>) dst(%arg13 : memref<80x128xf32, #tpu.memory_space<vmem>>)
      tpu.yield
    }) : () -> ()
    %add3A_97 = arith.constant 320 : i32
    %add3A_98 = arith.addi %mul3A_2, %add3A_97 : i32
    "tpu.region"() ({
      %run_scoped3A = tpu.sem_alloc : memref<!tpu.dma_semaphore, #tpu.memory_space<semaphore_mem>>
      %dma_start3A_111 = arith.constant 0 : i32
      %dma_start3A_112 = tpu.memref_slice %arg6[%arg0, %add3A_98, %dma_start3A_111] : memref<2x10240x128xf32, #tpu.memory_space<hbm>> -> memref<1x80x128xf32, #tpu.memory_space<hbm>>
      %dma_start3A_113 = tpu.memref_squeeze %dma_start3A_112 : memref<1x80x128xf32, #tpu.memory_space<hbm>> -> memref<80x128xf32, #tpu.memory_space<hbm>>
      %dma_start3A_114 = arith.constant 0 : i32
      %dma_start3A_115 = tpu.memref_slice %arg6[%arg0, %add3A_98, %dma_start3A_114] : memref<2x10240x128xf32, #tpu.memory_space<hbm>> -> memref<1x80x128xf32, #tpu.memory_space<hbm>>
      %dma_start3A_116 = tpu.memref_squeeze %dma_start3A_115 : memref<1x80x128xf32, #tpu.memory_space<hbm>> -> memref<80x128xf32, #tpu.memory_space<hbm>>
      tpu.enqueue_dma source(%arg13 : memref<80x128xf32, #tpu.memory_space<vmem>>) target(%dma_start3A_116 : memref<80x128xf32, #tpu.memory_space<hbm>>) target_semaphore(%run_scoped3A : memref<!tpu.dma_semaphore, #tpu.memory_space<semaphore_mem>>)
      %dma_wait3A = arith.constant 0 : i32
      %dma_wait3A_117 = tpu.memref_slice %arg6[%arg0, %add3A_98, %dma_wait3A] : memref<2x10240x128xf32, #tpu.memory_space<hbm>> -> memref<1x80x128xf32, #tpu.memory_space<hbm>>
      %dma_wait3A_118 = tpu.memref_squeeze %dma_wait3A_117 : memref<1x80x128xf32, #tpu.memory_space<hbm>> -> memref<80x128xf32, #tpu.memory_space<hbm>>
      %dma_wait3A_119 = arith.constant 0 : i32
      %dma_wait3A_120 = tpu.memref_slice %arg6[%arg0, %add3A_98, %dma_wait3A_119] : memref<2x10240x128xf32, #tpu.memory_space<hbm>> -> memref<1x80x128xf32, #tpu.memory_space<hbm>>
      %dma_wait3A_121 = tpu.memref_squeeze %dma_wait3A_120 : memref<1x80x128xf32, #tpu.memory_space<hbm>> -> memref<80x128xf32, #tpu.memory_space<hbm>>
      tpu.wait_dma2 semaphore(%run_scoped3A : memref<!tpu.dma_semaphore, #tpu.memory_space<semaphore_mem>>) src(%arg13 : memref<80x128xf32, #tpu.memory_space<vmem>>) dst(%dma_wait3A_121 : memref<80x128xf32, #tpu.memory_space<hbm>>)
      tpu.yield
    }) : () -> ()
    %add3A_99 = arith.constant 400 : i32
    %add3A_100 = arith.addi %mul3A_2, %add3A_99 : i32
    "tpu.region"() ({
      %run_scoped3A = tpu.sem_alloc : memref<!tpu.dma_semaphore, #tpu.memory_space<semaphore_mem>>
      %dma_start3A_111 = arith.constant 0 : i32
      %dma_start3A_112 = tpu.memref_slice %arg16[%add3A_100, %dma_start3A_111] : memref<10240x128xf32, #tpu.memory_space<vmem_shared>> -> memref<80x128xf32, #tpu.memory_space<vmem_shared>>
      %dma_start3A_113 = arith.constant 0 : i32
      %dma_start3A_114 = tpu.memref_slice %arg16[%add3A_100, %dma_start3A_113] : memref<10240x128xf32, #tpu.memory_space<vmem_shared>> -> memref<80x128xf32, #tpu.memory_space<vmem_shared>>
      tpu.enqueue_dma source(%dma_start3A_114 : memref<80x128xf32, #tpu.memory_space<vmem_shared>>) target(%arg13 : memref<80x128xf32, #tpu.memory_space<vmem>>) target_semaphore(%run_scoped3A : memref<!tpu.dma_semaphore, #tpu.memory_space<semaphore_mem>>)
      %dma_wait3A = arith.constant 0 : i32
      %dma_wait3A_115 = tpu.memref_slice %arg16[%add3A_100, %dma_wait3A] : memref<10240x128xf32, #tpu.memory_space<vmem_shared>> -> memref<80x128xf32, #tpu.memory_space<vmem_shared>>
      %dma_wait3A_116 = arith.constant 0 : i32
      %dma_wait3A_117 = tpu.memref_slice %arg16[%add3A_100, %dma_wait3A_116] : memref<10240x128xf32, #tpu.memory_space<vmem_shared>> -> memref<80x128xf32, #tpu.memory_space<vmem_shared>>
      tpu.wait_dma2 semaphore(%run_scoped3A : memref<!tpu.dma_semaphore, #tpu.memory_space<semaphore_mem>>) src(%dma_wait3A_117 : memref<80x128xf32, #tpu.memory_space<vmem_shared>>) dst(%arg13 : memref<80x128xf32, #tpu.memory_space<vmem>>)
      tpu.yield
    }) : () -> ()
    %add3A_101 = arith.constant 400 : i32
    %add3A_102 = arith.addi %mul3A_2, %add3A_101 : i32
    "tpu.region"() ({
      %run_scoped3A = tpu.sem_alloc : memref<!tpu.dma_semaphore, #tpu.memory_space<semaphore_mem>>
      %dma_start3A_111 = arith.constant 0 : i32
      %dma_start3A_112 = tpu.memref_slice %arg6[%arg0, %add3A_102, %dma_start3A_111] : memref<2x10240x128xf32, #tpu.memory_space<hbm>> -> memref<1x80x128xf32, #tpu.memory_space<hbm>>
      %dma_start3A_113 = tpu.memref_squeeze %dma_start3A_112 : memref<1x80x128xf32, #tpu.memory_space<hbm>> -> memref<80x128xf32, #tpu.memory_space<hbm>>
      %dma_start3A_114 = arith.constant 0 : i32
      %dma_start3A_115 = tpu.memref_slice %arg6[%arg0, %add3A_102, %dma_start3A_114] : memref<2x10240x128xf32, #tpu.memory_space<hbm>> -> memref<1x80x128xf32, #tpu.memory_space<hbm>>
      %dma_start3A_116 = tpu.memref_squeeze %dma_start3A_115 : memref<1x80x128xf32, #tpu.memory_space<hbm>> -> memref<80x128xf32, #tpu.memory_space<hbm>>
      tpu.enqueue_dma source(%arg13 : memref<80x128xf32, #tpu.memory_space<vmem>>) target(%dma_start3A_116 : memref<80x128xf32, #tpu.memory_space<hbm>>) target_semaphore(%run_scoped3A : memref<!tpu.dma_semaphore, #tpu.memory_space<semaphore_mem>>)
      %dma_wait3A = arith.constant 0 : i32
      %dma_wait3A_117 = tpu.memref_slice %arg6[%arg0, %add3A_102, %dma_wait3A] : memref<2x10240x128xf32, #tpu.memory_space<hbm>> -> memref<1x80x128xf32, #tpu.memory_space<hbm>>
      %dma_wait3A_118 = tpu.memref_squeeze %dma_wait3A_117 : memref<1x80x128xf32, #tpu.memory_space<hbm>> -> memref<80x128xf32, #tpu.memory_space<hbm>>
      %dma_wait3A_119 = arith.constant 0 : i32
      %dma_wait3A_120 = tpu.memref_slice %arg6[%arg0, %add3A_102, %dma_wait3A_119] : memref<2x10240x128xf32, #tpu.memory_space<hbm>> -> memref<1x80x128xf32, #tpu.memory_space<hbm>>
      %dma_wait3A_121 = tpu.memref_squeeze %dma_wait3A_120 : memref<1x80x128xf32, #tpu.memory_space<hbm>> -> memref<80x128xf32, #tpu.memory_space<hbm>>
      tpu.wait_dma2 semaphore(%run_scoped3A : memref<!tpu.dma_semaphore, #tpu.memory_space<semaphore_mem>>) src(%arg13 : memref<80x128xf32, #tpu.memory_space<vmem>>) dst(%dma_wait3A_121 : memref<80x128xf32, #tpu.memory_space<hbm>>)
      tpu.yield
    }) : () -> ()
    %add3A_103 = arith.constant 480 : i32
    %add3A_104 = arith.addi %mul3A_2, %add3A_103 : i32
    "tpu.region"() ({
      %run_scoped3A = tpu.sem_alloc : memref<!tpu.dma_semaphore, #tpu.memory_space<semaphore_mem>>
      %dma_start3A_111 = arith.constant 0 : i32
      %dma_start3A_112 = tpu.memref_slice %arg16[%add3A_104, %dma_start3A_111] : memref<10240x128xf32, #tpu.memory_space<vmem_shared>> -> memref<80x128xf32, #tpu.memory_space<vmem_shared>>
      %dma_start3A_113 = arith.constant 0 : i32
      %dma_start3A_114 = tpu.memref_slice %arg16[%add3A_104, %dma_start3A_113] : memref<10240x128xf32, #tpu.memory_space<vmem_shared>> -> memref<80x128xf32, #tpu.memory_space<vmem_shared>>
      tpu.enqueue_dma source(%dma_start3A_114 : memref<80x128xf32, #tpu.memory_space<vmem_shared>>) target(%arg13 : memref<80x128xf32, #tpu.memory_space<vmem>>) target_semaphore(%run_scoped3A : memref<!tpu.dma_semaphore, #tpu.memory_space<semaphore_mem>>)
      %dma_wait3A = arith.constant 0 : i32
      %dma_wait3A_115 = tpu.memref_slice %arg16[%add3A_104, %dma_wait3A] : memref<10240x128xf32, #tpu.memory_space<vmem_shared>> -> memref<80x128xf32, #tpu.memory_space<vmem_shared>>
      %dma_wait3A_116 = arith.constant 0 : i32
      %dma_wait3A_117 = tpu.memref_slice %arg16[%add3A_104, %dma_wait3A_116] : memref<10240x128xf32, #tpu.memory_space<vmem_shared>> -> memref<80x128xf32, #tpu.memory_space<vmem_shared>>
      tpu.wait_dma2 semaphore(%run_scoped3A : memref<!tpu.dma_semaphore, #tpu.memory_space<semaphore_mem>>) src(%dma_wait3A_117 : memref<80x128xf32, #tpu.memory_space<vmem_shared>>) dst(%arg13 : memref<80x128xf32, #tpu.memory_space<vmem>>)
      tpu.yield
    }) : () -> ()
    %add3A_105 = arith.constant 480 : i32
    %add3A_106 = arith.addi %mul3A_2, %add3A_105 : i32
    "tpu.region"() ({
      %run_scoped3A = tpu.sem_alloc : memref<!tpu.dma_semaphore, #tpu.memory_space<semaphore_mem>>
      %dma_start3A_111 = arith.constant 0 : i32
      %dma_start3A_112 = tpu.memref_slice %arg6[%arg0, %add3A_106, %dma_start3A_111] : memref<2x10240x128xf32, #tpu.memory_space<hbm>> -> memref<1x80x128xf32, #tpu.memory_space<hbm>>
      %dma_start3A_113 = tpu.memref_squeeze %dma_start3A_112 : memref<1x80x128xf32, #tpu.memory_space<hbm>> -> memref<80x128xf32, #tpu.memory_space<hbm>>
      %dma_start3A_114 = arith.constant 0 : i32
      %dma_start3A_115 = tpu.memref_slice %arg6[%arg0, %add3A_106, %dma_start3A_114] : memref<2x10240x128xf32, #tpu.memory_space<hbm>> -> memref<1x80x128xf32, #tpu.memory_space<hbm>>
      %dma_start3A_116 = tpu.memref_squeeze %dma_start3A_115 : memref<1x80x128xf32, #tpu.memory_space<hbm>> -> memref<80x128xf32, #tpu.memory_space<hbm>>
      tpu.enqueue_dma source(%arg13 : memref<80x128xf32, #tpu.memory_space<vmem>>) target(%dma_start3A_116 : memref<80x128xf32, #tpu.memory_space<hbm>>) target_semaphore(%run_scoped3A : memref<!tpu.dma_semaphore, #tpu.memory_space<semaphore_mem>>)
      %dma_wait3A = arith.constant 0 : i32
      %dma_wait3A_117 = tpu.memref_slice %arg6[%arg0, %add3A_106, %dma_wait3A] : memref<2x10240x128xf32, #tpu.memory_space<hbm>> -> memref<1x80x128xf32, #tpu.memory_space<hbm>>
      %dma_wait3A_118 = tpu.memref_squeeze %dma_wait3A_117 : memref<1x80x128xf32, #tpu.memory_space<hbm>> -> memref<80x128xf32, #tpu.memory_space<hbm>>
      %dma_wait3A_119 = arith.constant 0 : i32
      %dma_wait3A_120 = tpu.memref_slice %arg6[%arg0, %add3A_106, %dma_wait3A_119] : memref<2x10240x128xf32, #tpu.memory_space<hbm>> -> memref<1x80x128xf32, #tpu.memory_space<hbm>>
      %dma_wait3A_121 = tpu.memref_squeeze %dma_wait3A_120 : memref<1x80x128xf32, #tpu.memory_space<hbm>> -> memref<80x128xf32, #tpu.memory_space<hbm>>
      tpu.wait_dma2 semaphore(%run_scoped3A : memref<!tpu.dma_semaphore, #tpu.memory_space<semaphore_mem>>) src(%arg13 : memref<80x128xf32, #tpu.memory_space<vmem>>) dst(%dma_wait3A_121 : memref<80x128xf32, #tpu.memory_space<hbm>>)
      tpu.yield
    }) : () -> ()
    %add3A_107 = arith.constant 560 : i32
    %add3A_108 = arith.addi %mul3A_2, %add3A_107 : i32
    "tpu.region"() ({
      %run_scoped3A = tpu.sem_alloc : memref<!tpu.dma_semaphore, #tpu.memory_space<semaphore_mem>>
      %dma_start3A_111 = arith.constant 0 : i32
      %dma_start3A_112 = tpu.memref_slice %arg16[%add3A_108, %dma_start3A_111] : memref<10240x128xf32, #tpu.memory_space<vmem_shared>> -> memref<80x128xf32, #tpu.memory_space<vmem_shared>>
      %dma_start3A_113 = arith.constant 0 : i32
      %dma_start3A_114 = tpu.memref_slice %arg16[%add3A_108, %dma_start3A_113] : memref<10240x128xf32, #tpu.memory_space<vmem_shared>> -> memref<80x128xf32, #tpu.memory_space<vmem_shared>>
      tpu.enqueue_dma source(%dma_start3A_114 : memref<80x128xf32, #tpu.memory_space<vmem_shared>>) target(%arg13 : memref<80x128xf32, #tpu.memory_space<vmem>>) target_semaphore(%run_scoped3A : memref<!tpu.dma_semaphore, #tpu.memory_space<semaphore_mem>>)
      %dma_wait3A = arith.constant 0 : i32
      %dma_wait3A_115 = tpu.memref_slice %arg16[%add3A_108, %dma_wait3A] : memref<10240x128xf32, #tpu.memory_space<vmem_shared>> -> memref<80x128xf32, #tpu.memory_space<vmem_shared>>
      %dma_wait3A_116 = arith.constant 0 : i32
      %dma_wait3A_117 = tpu.memref_slice %arg16[%add3A_108, %dma_wait3A_116] : memref<10240x128xf32, #tpu.memory_space<vmem_shared>> -> memref<80x128xf32, #tpu.memory_space<vmem_shared>>
      tpu.wait_dma2 semaphore(%run_scoped3A : memref<!tpu.dma_semaphore, #tpu.memory_space<semaphore_mem>>) src(%dma_wait3A_117 : memref<80x128xf32, #tpu.memory_space<vmem_shared>>) dst(%arg13 : memref<80x128xf32, #tpu.memory_space<vmem>>)
      tpu.yield
    }) : () -> ()
    %add3A_109 = arith.constant 560 : i32
    %add3A_110 = arith.addi %mul3A_2, %add3A_109 : i32
    "tpu.region"() ({
      %run_scoped3A = tpu.sem_alloc : memref<!tpu.dma_semaphore, #tpu.memory_space<semaphore_mem>>
      %dma_start3A_111 = arith.constant 0 : i32
      %dma_start3A_112 = tpu.memref_slice %arg6[%arg0, %add3A_110, %dma_start3A_111] : memref<2x10240x128xf32, #tpu.memory_space<hbm>> -> memref<1x80x128xf32, #tpu.memory_space<hbm>>
      %dma_start3A_113 = tpu.memref_squeeze %dma_start3A_112 : memref<1x80x128xf32, #tpu.memory_space<hbm>> -> memref<80x128xf32, #tpu.memory_space<hbm>>
      %dma_start3A_114 = arith.constant 0 : i32
      %dma_start3A_115 = tpu.memref_slice %arg6[%arg0, %add3A_110, %dma_start3A_114] : memref<2x10240x128xf32, #tpu.memory_space<hbm>> -> memref<1x80x128xf32, #tpu.memory_space<hbm>>
      %dma_start3A_116 = tpu.memref_squeeze %dma_start3A_115 : memref<1x80x128xf32, #tpu.memory_space<hbm>> -> memref<80x128xf32, #tpu.memory_space<hbm>>
      tpu.enqueue_dma source(%arg13 : memref<80x128xf32, #tpu.memory_space<vmem>>) target(%dma_start3A_116 : memref<80x128xf32, #tpu.memory_space<hbm>>) target_semaphore(%run_scoped3A : memref<!tpu.dma_semaphore, #tpu.memory_space<semaphore_mem>>)
      %dma_wait3A = arith.constant 0 : i32
      %dma_wait3A_117 = tpu.memref_slice %arg6[%arg0, %add3A_110, %dma_wait3A] : memref<2x10240x128xf32, #tpu.memory_space<hbm>> -> memref<1x80x128xf32, #tpu.memory_space<hbm>>
      %dma_wait3A_118 = tpu.memref_squeeze %dma_wait3A_117 : memref<1x80x128xf32, #tpu.memory_space<hbm>> -> memref<80x128xf32, #tpu.memory_space<hbm>>
      %dma_wait3A_119 = arith.constant 0 : i32
      %dma_wait3A_120 = tpu.memref_slice %arg6[%arg0, %add3A_110, %dma_wait3A_119] : memref<2x10240x128xf32, #tpu.memory_space<hbm>> -> memref<1x80x128xf32, #tpu.memory_space<hbm>>
      %dma_wait3A_121 = tpu.memref_squeeze %dma_wait3A_120 : memref<1x80x128xf32, #tpu.memory_space<hbm>> -> memref<80x128xf32, #tpu.memory_space<hbm>>
      tpu.wait_dma2 semaphore(%run_scoped3A : memref<!tpu.dma_semaphore, #tpu.memory_space<semaphore_mem>>) src(%arg13 : memref<80x128xf32, #tpu.memory_space<vmem>>) dst(%dma_wait3A_121 : memref<80x128xf32, #tpu.memory_space<hbm>>)
      tpu.yield
    }) : () -> ()
    return
  }
}

#map = affine_map<(d0, d1) -> (0, 0)>
#map1 = affine_map<(d0, d1) -> (0)>
module attributes {stable_mosaic.version = 14 : i64} {
  func.func @_deg_body(%arg0: i32, %arg1: i32, %arg2: memref<4096x80xi32, #tpu.memory_space<hbm>>, %arg3: memref<80xf32, #tpu.memory_space<hbm>>, %arg4: memref<640xf32, #tpu.memory_space<hbm>>, %arg5: memref<2x10240xf32, #tpu.memory_space<hbm>>, %arg6: memref<128x80xi32, #tpu.memory_space<vmem>>, %arg7: memref<80xf32, #tpu.memory_space<vmem>>, %arg8: memref<640xf32, #tpu.memory_space<vmem>>, %arg9: memref<10240xf32, #tpu.memory_space<vmem_shared>>, %arg10: memref<!tpu.dma_semaphore, #tpu.memory_space<semaphore_mem>>) attributes {dimension_semantics = [#tpu.dimension_semantics<core_parallel>, #tpu.dimension_semantics<subcore_parallel>], iteration_bounds = array<i64: 2, 16>, scalar_prefetch = 0 : i64, scratch_operands = 5 : i64, tpu.core_type = #tpu.core_type<sc_vector_subcore>, window_params = [{transform_indices = #map}, {transform_indices = #map1}, {transform_indices = #map1}, {transform_indices = #map}]} {
    %mul3A = arith.constant 2 : i32
    %mul3A_0 = arith.muli %arg1, %mul3A : i32
    %add3A = arith.addi %mul3A_0, %arg0 : i32
    %mul3A_1 = arith.constant 640 : i32
    %mul3A_2 = arith.muli %arg1, %mul3A_1 : i32
    %mul3A_3 = arith.constant 128 : i32
    %mul3A_4 = arith.muli %add3A, %mul3A_3 : i32
    "tpu.region"() ({
      %run_scoped3A = tpu.sem_alloc : memref<!tpu.dma_semaphore, #tpu.memory_space<semaphore_mem>>
      %dma_start3A = arith.constant 0 : i32
      %dma_start3A_17 = tpu.memref_slice %arg2[%mul3A_4, %dma_start3A] : memref<4096x80xi32, #tpu.memory_space<hbm>> -> memref<128x80xi32, #tpu.memory_space<hbm>>
      %dma_start3A_18 = arith.constant 0 : i32
      %dma_start3A_19 = tpu.memref_slice %arg2[%mul3A_4, %dma_start3A_18] : memref<4096x80xi32, #tpu.memory_space<hbm>> -> memref<128x80xi32, #tpu.memory_space<hbm>>
      tpu.enqueue_dma source(%dma_start3A_19 : memref<128x80xi32, #tpu.memory_space<hbm>>) target(%arg6 : memref<128x80xi32, #tpu.memory_space<vmem>>) target_semaphore(%run_scoped3A : memref<!tpu.dma_semaphore, #tpu.memory_space<semaphore_mem>>)
      %dma_wait3A = arith.constant 0 : i32
      %dma_wait3A_20 = tpu.memref_slice %arg2[%mul3A_4, %dma_wait3A] : memref<4096x80xi32, #tpu.memory_space<hbm>> -> memref<128x80xi32, #tpu.memory_space<hbm>>
      %dma_wait3A_21 = arith.constant 0 : i32
      %dma_wait3A_22 = tpu.memref_slice %arg2[%mul3A_4, %dma_wait3A_21] : memref<4096x80xi32, #tpu.memory_space<hbm>> -> memref<128x80xi32, #tpu.memory_space<hbm>>
      tpu.wait_dma2 semaphore(%run_scoped3A : memref<!tpu.dma_semaphore, #tpu.memory_space<semaphore_mem>>) src(%dma_wait3A_22 : memref<128x80xi32, #tpu.memory_space<hbm>>) dst(%arg6 : memref<128x80xi32, #tpu.memory_space<vmem>>)
      tpu.yield
    }) : () -> ()
    "tpu.region"() ({
      %run_scoped3A = tpu.sem_alloc : memref<!tpu.dma_semaphore, #tpu.memory_space<semaphore_mem>>
      tpu.enqueue_dma source(%arg4 : memref<640xf32, #tpu.memory_space<hbm>>) target(%arg8 : memref<640xf32, #tpu.memory_space<vmem>>) target_semaphore(%run_scoped3A : memref<!tpu.dma_semaphore, #tpu.memory_space<semaphore_mem>>)
      tpu.wait_dma2 semaphore(%run_scoped3A : memref<!tpu.dma_semaphore, #tpu.memory_space<semaphore_mem>>) src(%arg4 : memref<640xf32, #tpu.memory_space<hbm>>) dst(%arg8 : memref<640xf32, #tpu.memory_space<vmem>>)
      tpu.yield
    }) : () -> ()
    "tpu.region"() ({
      %run_scoped3A = tpu.sem_alloc : memref<!tpu.dma_semaphore, #tpu.memory_space<semaphore_mem>>
      tpu.enqueue_dma source(%arg3 : memref<80xf32, #tpu.memory_space<hbm>>) target(%arg7 : memref<80xf32, #tpu.memory_space<vmem>>) target_semaphore(%run_scoped3A : memref<!tpu.dma_semaphore, #tpu.memory_space<semaphore_mem>>)
      tpu.wait_dma2 semaphore(%run_scoped3A : memref<!tpu.dma_semaphore, #tpu.memory_space<semaphore_mem>>) src(%arg3 : memref<80xf32, #tpu.memory_space<hbm>>) dst(%arg7 : memref<80xf32, #tpu.memory_space<vmem>>)
      tpu.yield
    }) : () -> ()
    "tpu.region"() ({
      %run_scoped3A = tpu.sem_alloc : memref<!tpu.dma_semaphore, #tpu.memory_space<semaphore_mem>>
      %dma_start3A = tpu.memref_slice %arg9[%mul3A_2] : memref<10240xf32, #tpu.memory_space<vmem_shared>> -> memref<640xf32, #tpu.memory_space<vmem_shared>>
      %dma_start3A_17 = tpu.memref_slice %arg9[%mul3A_2] : memref<10240xf32, #tpu.memory_space<vmem_shared>> -> memref<640xf32, #tpu.memory_space<vmem_shared>>
      tpu.enqueue_dma source(%arg8 : memref<640xf32, #tpu.memory_space<vmem>>) target(%dma_start3A_17 : memref<640xf32, #tpu.memory_space<vmem_shared>>) target_semaphore(%run_scoped3A : memref<!tpu.dma_semaphore, #tpu.memory_space<semaphore_mem>>)
      %dma_wait3A = tpu.memref_slice %arg9[%mul3A_2] : memref<10240xf32, #tpu.memory_space<vmem_shared>> -> memref<640xf32, #tpu.memory_space<vmem_shared>>
      %dma_wait3A_18 = tpu.memref_slice %arg9[%mul3A_2] : memref<10240xf32, #tpu.memory_space<vmem_shared>> -> memref<640xf32, #tpu.memory_space<vmem_shared>>
      tpu.wait_dma2 semaphore(%run_scoped3A : memref<!tpu.dma_semaphore, #tpu.memory_space<semaphore_mem>>) src(%arg8 : memref<640xf32, #tpu.memory_space<vmem>>) dst(%dma_wait3A_18 : memref<640xf32, #tpu.memory_space<vmem_shared>>)
      tpu.yield
    }) : () -> ()
    %barrier3A = arith.constant 0 : index
    tpu.barrier barrier_id(%barrier3A)
    %scan3A = arith.constant 0 : i32
    %scan3A_5 = arith.constant 0 : i32
    %scan3A_6 = arith.constant 128 : i32
    %scan3A_7 = arith.addi %scan3A_5, %scan3A_6 : i32
    %scan3A_8 = arith.constant 1 : i32
    scf.for %scan3A_17 = %scan3A_5 to %scan3A_7 step %scan3A_8  : i32 {
      %dma_start3A = arith.constant 0 : i32
      %dma_start3A_18 = tpu.memref_slice %arg6[%scan3A_17, %dma_start3A] : memref<128x80xi32, #tpu.memory_space<vmem>> -> memref<1x80xi32, #tpu.memory_space<vmem>>
      %dma_start3A_19 = tpu.memref_squeeze %dma_start3A_18 : memref<1x80xi32, #tpu.memory_space<vmem>> -> memref<80xi32, #tpu.memory_space<vmem>>
      %dma_start3A_20 = arith.constant 0 : i32
      %dma_start3A_21 = tpu.memref_slice %arg9[%dma_start3A_20] : memref<10240xf32, #tpu.memory_space<vmem_shared>> -> memref<10240xf32, #tpu.memory_space<vmem_shared>>
      tpu.enqueue_indirect_dma source(%arg7 : memref<80xf32, #tpu.memory_space<vmem>>) target(%dma_start3A_21 : memref<10240xf32, #tpu.memory_space<vmem_shared>>) offsets(%dma_start3A_19 : memref<80xi32, #tpu.memory_space<vmem>>) semaphore(%arg10 : memref<!tpu.dma_semaphore, #tpu.memory_space<semaphore_mem>>) {add = true}
    }
    %scan3A_9 = arith.constant 128 : i32
    %scan3A_10 = arith.constant 0 : i32
    %scan3A_11 = arith.constant 0 : i32
    %scan3A_12 = arith.constant 128 : i32
    %scan3A_13 = arith.addi %scan3A_11, %scan3A_12 : i32
    %scan3A_14 = arith.constant 1 : i32
    scf.for %scan3A_17 = %scan3A_11 to %scan3A_13 step %scan3A_14  : i32 {
      %dma_wait3A = arith.constant 0 : i32
      %dma_wait3A_18 = arith.constant 0 : i32
      %dma_wait3A_19 = tpu.memref_slice %arg6[%dma_wait3A, %dma_wait3A_18] : memref<128x80xi32, #tpu.memory_space<vmem>> -> memref<1x80xi32, #tpu.memory_space<vmem>>
      %dma_wait3A_20 = tpu.memref_squeeze %dma_wait3A_19 : memref<1x80xi32, #tpu.memory_space<vmem>> -> memref<80xi32, #tpu.memory_space<vmem>>
      %dma_wait3A_21 = arith.constant 0 : i32
      %dma_wait3A_22 = tpu.memref_slice %arg9[%dma_wait3A_21] : memref<10240xf32, #tpu.memory_space<vmem_shared>> -> memref<10240xf32, #tpu.memory_space<vmem_shared>>
      tpu.wait_indirect_dma semaphore(%arg10 : memref<!tpu.dma_semaphore, #tpu.memory_space<semaphore_mem>>) src(%arg7 : memref<80xf32, #tpu.memory_space<vmem>>) dst(%dma_wait3A_22 : memref<10240xf32, #tpu.memory_space<vmem_shared>>)
    }
    %scan3A_15 = arith.constant 128 : i32
    %barrier3A_16 = arith.constant 0 : index
    tpu.barrier barrier_id(%barrier3A_16)
    "tpu.region"() ({
      %run_scoped3A = tpu.sem_alloc : memref<!tpu.dma_semaphore, #tpu.memory_space<semaphore_mem>>
      %dma_start3A = tpu.memref_slice %arg9[%mul3A_2] : memref<10240xf32, #tpu.memory_space<vmem_shared>> -> memref<640xf32, #tpu.memory_space<vmem_shared>>
      %dma_start3A_17 = tpu.memref_slice %arg9[%mul3A_2] : memref<10240xf32, #tpu.memory_space<vmem_shared>> -> memref<640xf32, #tpu.memory_space<vmem_shared>>
      tpu.enqueue_dma source(%dma_start3A_17 : memref<640xf32, #tpu.memory_space<vmem_shared>>) target(%arg8 : memref<640xf32, #tpu.memory_space<vmem>>) target_semaphore(%run_scoped3A : memref<!tpu.dma_semaphore, #tpu.memory_space<semaphore_mem>>)
      %dma_wait3A = tpu.memref_slice %arg9[%mul3A_2] : memref<10240xf32, #tpu.memory_space<vmem_shared>> -> memref<640xf32, #tpu.memory_space<vmem_shared>>
      %dma_wait3A_18 = tpu.memref_slice %arg9[%mul3A_2] : memref<10240xf32, #tpu.memory_space<vmem_shared>> -> memref<640xf32, #tpu.memory_space<vmem_shared>>
      tpu.wait_dma2 semaphore(%run_scoped3A : memref<!tpu.dma_semaphore, #tpu.memory_space<semaphore_mem>>) src(%dma_wait3A_18 : memref<640xf32, #tpu.memory_space<vmem_shared>>) dst(%arg8 : memref<640xf32, #tpu.memory_space<vmem>>)
      tpu.yield
    }) : () -> ()
    "tpu.region"() ({
      %run_scoped3A = tpu.sem_alloc : memref<!tpu.dma_semaphore, #tpu.memory_space<semaphore_mem>>
      %dma_start3A = tpu.memref_slice %arg5[%arg0, %mul3A_2] : memref<2x10240xf32, #tpu.memory_space<hbm>> -> memref<1x640xf32, #tpu.memory_space<hbm>>
      %dma_start3A_17 = tpu.memref_squeeze %dma_start3A : memref<1x640xf32, #tpu.memory_space<hbm>> -> memref<640xf32, #tpu.memory_space<hbm>>
      %dma_start3A_18 = tpu.memref_slice %arg5[%arg0, %mul3A_2] : memref<2x10240xf32, #tpu.memory_space<hbm>> -> memref<1x640xf32, #tpu.memory_space<hbm>>
      %dma_start3A_19 = tpu.memref_squeeze %dma_start3A_18 : memref<1x640xf32, #tpu.memory_space<hbm>> -> memref<640xf32, #tpu.memory_space<hbm>>
      tpu.enqueue_dma source(%arg8 : memref<640xf32, #tpu.memory_space<vmem>>) target(%dma_start3A_19 : memref<640xf32, #tpu.memory_space<hbm>>) target_semaphore(%run_scoped3A : memref<!tpu.dma_semaphore, #tpu.memory_space<semaphore_mem>>)
      %dma_wait3A = tpu.memref_slice %arg5[%arg0, %mul3A_2] : memref<2x10240xf32, #tpu.memory_space<hbm>> -> memref<1x640xf32, #tpu.memory_space<hbm>>
      %dma_wait3A_20 = tpu.memref_squeeze %dma_wait3A : memref<1x640xf32, #tpu.memory_space<hbm>> -> memref<640xf32, #tpu.memory_space<hbm>>
      %dma_wait3A_21 = tpu.memref_slice %arg5[%arg0, %mul3A_2] : memref<2x10240xf32, #tpu.memory_space<hbm>> -> memref<1x640xf32, #tpu.memory_space<hbm>>
      %dma_wait3A_22 = tpu.memref_squeeze %dma_wait3A_21 : memref<1x640xf32, #tpu.memory_space<hbm>> -> memref<640xf32, #tpu.memory_space<hbm>>
      tpu.wait_dma2 semaphore(%run_scoped3A : memref<!tpu.dma_semaphore, #tpu.memory_space<semaphore_mem>>) src(%arg8 : memref<640xf32, #tpu.memory_space<vmem>>) dst(%dma_wait3A_22 : memref<640xf32, #tpu.memory_space<hbm>>)
      tpu.yield
    }) : () -> ()
    return
  }
}

#map = affine_map<(d0, d1) -> (0, 0)>
#map1 = affine_map<(d0, d1) -> (0)>
#map2 = affine_map<(d0, d1) -> (0, 0, 0)>
module attributes {stable_mosaic.version = 14 : i64} {
  func.func @_layer_body(%arg0: i32, %arg1: i32, %arg2: memref<10240x128xf32, #tpu.memory_space<hbm>>, %arg3: memref<320000xi32, #tpu.memory_space<hbm>>, %arg4: memref<320000xi32, #tpu.memory_space<hbm>>, %arg5: memref<80x128xf32, #tpu.memory_space<hbm>>, %arg6: memref<2x10240x128xf32, #tpu.memory_space<hbm>>, %arg7: memref<80xi32, #tpu.memory_space<vmem>>, %arg8: memref<80xi32, #tpu.memory_space<vmem>>, %arg9: memref<80xi32, #tpu.memory_space<vmem>>, %arg10: memref<80xi32, #tpu.memory_space<vmem>>, %arg11: memref<80xi32, #tpu.memory_space<vmem>>, %arg12: memref<80xi32, #tpu.memory_space<vmem>>, %arg13: memref<80x128xf32, #tpu.memory_space<vmem>>, %arg14: memref<80x128xf32, #tpu.memory_space<vmem>>, %arg15: memref<80x128xf32, #tpu.memory_space<vmem>>, %arg16: memref<10240x128xf32, #tpu.memory_space<vmem_shared>>, %arg17: memref<!tpu.dma_semaphore, #tpu.memory_space<semaphore_mem>>, %arg18: memref<!tpu.dma_semaphore, #tpu.memory_space<semaphore_mem>>, %arg19: memref<!tpu.dma_semaphore, #tpu.memory_space<semaphore_mem>>) attributes {dimension_semantics = [#tpu.dimension_semantics<core_parallel>, #tpu.dimension_semantics<subcore_parallel>], iteration_bounds = array<i64: 2, 16>, scalar_prefetch = 0 : i64, scratch_operands = 13 : i64, tpu.core_type = #tpu.core_type<sc_vector_subcore>, window_params = [{transform_indices = #map}, {transform_indices = #map1}, {transform_indices = #map1}, {transform_indices = #map}, {transform_indices = #map2}]} {
    %mul3A = arith.constant 2 : i32
    %mul3A_0 = arith.muli %arg1, %mul3A : i32
    %add3A = arith.addi %mul3A_0, %arg0 : i32
    %mul3A_1 = arith.constant 640 : i32
    %mul3A_2 = arith.muli %arg1, %mul3A_1 : i32
    "tpu.region"() ({
      %run_scoped3A = tpu.sem_alloc : memref<!tpu.dma_semaphore, #tpu.memory_space<semaphore_mem>>
      tpu.enqueue_dma source(%arg5 : memref<80x128xf32, #tpu.memory_space<hbm>>) target(%arg13 : memref<80x128xf32, #tpu.memory_space<vmem>>) target_semaphore(%run_scoped3A : memref<!tpu.dma_semaphore, #tpu.memory_space<semaphore_mem>>)
      tpu.wait_dma2 semaphore(%run_scoped3A : memref<!tpu.dma_semaphore, #tpu.memory_space<semaphore_mem>>) src(%arg5 : memref<80x128xf32, #tpu.memory_space<hbm>>) dst(%arg13 : memref<80x128xf32, #tpu.memory_space<vmem>>)
      tpu.yield
    }) : () -> ()
    %add3A_3 = arith.constant 0 : i32
    %add3A_4 = arith.addi %mul3A_2, %add3A_3 : i32
    "tpu.region"() ({
      %run_scoped3A = tpu.sem_alloc : memref<!tpu.dma_semaphore, #tpu.memory_space<semaphore_mem>>
      %dma_start3A_111 = arith.constant 0 : i32
      %dma_start3A_112 = tpu.memref_slice %arg16[%add3A_4, %dma_start3A_111] : memref<10240x128xf32, #tpu.memory_space<vmem_shared>> -> memref<80x128xf32, #tpu.memory_space<vmem_shared>>
      %dma_start3A_113 = arith.constant 0 : i32
      %dma_start3A_114 = tpu.memref_slice %arg16[%add3A_4, %dma_start3A_113] : memref<10240x128xf32, #tpu.memory_space<vmem_shared>> -> memref<80x128xf32, #tpu.memory_space<vmem_shared>>
      tpu.enqueue_dma source(%arg13 : memref<80x128xf32, #tpu.memory_space<vmem>>) target(%dma_start3A_114 : memref<80x128xf32, #tpu.memory_space<vmem_shared>>) target_semaphore(%run_scoped3A : memref<!tpu.dma_semaphore, #tpu.memory_space<semaphore_mem>>)
      %dma_wait3A = arith.constant 0 : i32
      %dma_wait3A_115 = tpu.memref_slice %arg16[%add3A_4, %dma_wait3A] : memref<10240x128xf32, #tpu.memory_space<vmem_shared>> -> memref<80x128xf32, #tpu.memory_space<vmem_shared>>
      %dma_wait3A_116 = arith.constant 0 : i32
      %dma_wait3A_117 = tpu.memref_slice %arg16[%add3A_4, %dma_wait3A_116] : memref<10240x128xf32, #tpu.memory_space<vmem_shared>> -> memref<80x128xf32, #tpu.memory_space<vmem_shared>>
      tpu.wait_dma2 semaphore(%run_scoped3A : memref<!tpu.dma_semaphore, #tpu.memory_space<semaphore_mem>>) src(%arg13 : memref<80x128xf32, #tpu.memory_space<vmem>>) dst(%dma_wait3A_117 : memref<80x128xf32, #tpu.memory_space<vmem_shared>>)
      tpu.yield
    }) : () -> ()
    %add3A_5 = arith.constant 80 : i32
    %add3A_6 = arith.addi %mul3A_2, %add3A_5 : i32
    "tpu.region"() ({
      %run_scoped3A = tpu.sem_alloc : memref<!tpu.dma_semaphore, #tpu.memory_space<semaphore_mem>>
      %dma_start3A_111 = arith.constant 0 : i32
      %dma_start3A_112 = tpu.memref_slice %arg16[%add3A_6, %dma_start3A_111] : memref<10240x128xf32, #tpu.memory_space<vmem_shared>> -> memref<80x128xf32, #tpu.memory_space<vmem_shared>>
      %dma_start3A_113 = arith.constant 0 : i32
      %dma_start3A_114 = tpu.memref_slice %arg16[%add3A_6, %dma_start3A_113] : memref<10240x128xf32, #tpu.memory_space<vmem_shared>> -> memref<80x128xf32, #tpu.memory_space<vmem_shared>>
      tpu.enqueue_dma source(%arg13 : memref<80x128xf32, #tpu.memory_space<vmem>>) target(%dma_start3A_114 : memref<80x128xf32, #tpu.memory_space<vmem_shared>>) target_semaphore(%run_scoped3A : memref<!tpu.dma_semaphore, #tpu.memory_space<semaphore_mem>>)
      %dma_wait3A = arith.constant 0 : i32
      %dma_wait3A_115 = tpu.memref_slice %arg16[%add3A_6, %dma_wait3A] : memref<10240x128xf32, #tpu.memory_space<vmem_shared>> -> memref<80x128xf32, #tpu.memory_space<vmem_shared>>
      %dma_wait3A_116 = arith.constant 0 : i32
      %dma_wait3A_117 = tpu.memref_slice %arg16[%add3A_6, %dma_wait3A_116] : memref<10240x128xf32, #tpu.memory_space<vmem_shared>> -> memref<80x128xf32, #tpu.memory_space<vmem_shared>>
      tpu.wait_dma2 semaphore(%run_scoped3A : memref<!tpu.dma_semaphore, #tpu.memory_space<semaphore_mem>>) src(%arg13 : memref<80x128xf32, #tpu.memory_space<vmem>>) dst(%dma_wait3A_117 : memref<80x128xf32, #tpu.memory_space<vmem_shared>>)
      tpu.yield
    }) : () -> ()
    %add3A_7 = arith.constant 160 : i32
    %add3A_8 = arith.addi %mul3A_2, %add3A_7 : i32
    "tpu.region"() ({
      %run_scoped3A = tpu.sem_alloc : memref<!tpu.dma_semaphore, #tpu.memory_space<semaphore_mem>>
      %dma_start3A_111 = arith.constant 0 : i32
      %dma_start3A_112 = tpu.memref_slice %arg16[%add3A_8, %dma_start3A_111] : memref<10240x128xf32, #tpu.memory_space<vmem_shared>> -> memref<80x128xf32, #tpu.memory_space<vmem_shared>>
      %dma_start3A_113 = arith.constant 0 : i32
      %dma_start3A_114 = tpu.memref_slice %arg16[%add3A_8, %dma_start3A_113] : memref<10240x128xf32, #tpu.memory_space<vmem_shared>> -> memref<80x128xf32, #tpu.memory_space<vmem_shared>>
      tpu.enqueue_dma source(%arg13 : memref<80x128xf32, #tpu.memory_space<vmem>>) target(%dma_start3A_114 : memref<80x128xf32, #tpu.memory_space<vmem_shared>>) target_semaphore(%run_scoped3A : memref<!tpu.dma_semaphore, #tpu.memory_space<semaphore_mem>>)
      %dma_wait3A = arith.constant 0 : i32
      %dma_wait3A_115 = tpu.memref_slice %arg16[%add3A_8, %dma_wait3A] : memref<10240x128xf32, #tpu.memory_space<vmem_shared>> -> memref<80x128xf32, #tpu.memory_space<vmem_shared>>
      %dma_wait3A_116 = arith.constant 0 : i32
      %dma_wait3A_117 = tpu.memref_slice %arg16[%add3A_8, %dma_wait3A_116] : memref<10240x128xf32, #tpu.memory_space<vmem_shared>> -> memref<80x128xf32, #tpu.memory_space<vmem_shared>>
      tpu.wait_dma2 semaphore(%run_scoped3A : memref<!tpu.dma_semaphore, #tpu.memory_space<semaphore_mem>>) src(%arg13 : memref<80x128xf32, #tpu.memory_space<vmem>>) dst(%dma_wait3A_117 : memref<80x128xf32, #tpu.memory_space<vmem_shared>>)
      tpu.yield
    }) : () -> ()
    %add3A_9 = arith.constant 240 : i32
    %add3A_10 = arith.addi %mul3A_2, %add3A_9 : i32
    "tpu.region"() ({
      %run_scoped3A = tpu.sem_alloc : memref<!tpu.dma_semaphore, #tpu.memory_space<semaphore_mem>>
      %dma_start3A_111 = arith.constant 0 : i32
      %dma_start3A_112 = tpu.memref_slice %arg16[%add3A_10, %dma_start3A_111] : memref<10240x128xf32, #tpu.memory_space<vmem_shared>> -> memref<80x128xf32, #tpu.memory_space<vmem_shared>>
      %dma_start3A_113 = arith.constant 0 : i32
      %dma_start3A_114 = tpu.memref_slice %arg16[%add3A_10, %dma_start3A_113] : memref<10240x128xf32, #tpu.memory_space<vmem_shared>> -> memref<80x128xf32, #tpu.memory_space<vmem_shared>>
      tpu.enqueue_dma source(%arg13 : memref<80x128xf32, #tpu.memory_space<vmem>>) target(%dma_start3A_114 : memref<80x128xf32, #tpu.memory_space<vmem_shared>>) target_semaphore(%run_scoped3A : memref<!tpu.dma_semaphore, #tpu.memory_space<semaphore_mem>>)
      %dma_wait3A = arith.constant 0 : i32
      %dma_wait3A_115 = tpu.memref_slice %arg16[%add3A_10, %dma_wait3A] : memref<10240x128xf32, #tpu.memory_space<vmem_shared>> -> memref<80x128xf32, #tpu.memory_space<vmem_shared>>
      %dma_wait3A_116 = arith.constant 0 : i32
      %dma_wait3A_117 = tpu.memref_slice %arg16[%add3A_10, %dma_wait3A_116] : memref<10240x128xf32, #tpu.memory_space<vmem_shared>> -> memref<80x128xf32, #tpu.memory_space<vmem_shared>>
      tpu.wait_dma2 semaphore(%run_scoped3A : memref<!tpu.dma_semaphore, #tpu.memory_space<semaphore_mem>>) src(%arg13 : memref<80x128xf32, #tpu.memory_space<vmem>>) dst(%dma_wait3A_117 : memref<80x128xf32, #tpu.memory_space<vmem_shared>>)
      tpu.yield
    }) : () -> ()
    %add3A_11 = arith.constant 320 : i32
    %add3A_12 = arith.addi %mul3A_2, %add3A_11 : i32
    "tpu.region"() ({
      %run_scoped3A = tpu.sem_alloc : memref<!tpu.dma_semaphore, #tpu.memory_space<semaphore_mem>>
      %dma_start3A_111 = arith.constant 0 : i32
      %dma_start3A_112 = tpu.memref_slice %arg16[%add3A_12, %dma_start3A_111] : memref<10240x128xf32, #tpu.memory_space<vmem_shared>> -> memref<80x128xf32, #tpu.memory_space<vmem_shared>>
      %dma_start3A_113 = arith.constant 0 : i32
      %dma_start3A_114 = tpu.memref_slice %arg16[%add3A_12, %dma_start3A_113] : memref<10240x128xf32, #tpu.memory_space<vmem_shared>> -> memref<80x128xf32, #tpu.memory_space<vmem_shared>>
      tpu.enqueue_dma source(%arg13 : memref<80x128xf32, #tpu.memory_space<vmem>>) target(%dma_start3A_114 : memref<80x128xf32, #tpu.memory_space<vmem_shared>>) target_semaphore(%run_scoped3A : memref<!tpu.dma_semaphore, #tpu.memory_space<semaphore_mem>>)
      %dma_wait3A = arith.constant 0 : i32
      %dma_wait3A_115 = tpu.memref_slice %arg16[%add3A_12, %dma_wait3A] : memref<10240x128xf32, #tpu.memory_space<vmem_shared>> -> memref<80x128xf32, #tpu.memory_space<vmem_shared>>
      %dma_wait3A_116 = arith.constant 0 : i32
      %dma_wait3A_117 = tpu.memref_slice %arg16[%add3A_12, %dma_wait3A_116] : memref<10240x128xf32, #tpu.memory_space<vmem_shared>> -> memref<80x128xf32, #tpu.memory_space<vmem_shared>>
      tpu.wait_dma2 semaphore(%run_scoped3A : memref<!tpu.dma_semaphore, #tpu.memory_space<semaphore_mem>>) src(%arg13 : memref<80x128xf32, #tpu.memory_space<vmem>>) dst(%dma_wait3A_117 : memref<80x128xf32, #tpu.memory_space<vmem_shared>>)
      tpu.yield
    }) : () -> ()
    %add3A_13 = arith.constant 400 : i32
    %add3A_14 = arith.addi %mul3A_2, %add3A_13 : i32
    "tpu.region"() ({
      %run_scoped3A = tpu.sem_alloc : memref<!tpu.dma_semaphore, #tpu.memory_space<semaphore_mem>>
      %dma_start3A_111 = arith.constant 0 : i32
      %dma_start3A_112 = tpu.memref_slice %arg16[%add3A_14, %dma_start3A_111] : memref<10240x128xf32, #tpu.memory_space<vmem_shared>> -> memref<80x128xf32, #tpu.memory_space<vmem_shared>>
      %dma_start3A_113 = arith.constant 0 : i32
      %dma_start3A_114 = tpu.memref_slice %arg16[%add3A_14, %dma_start3A_113] : memref<10240x128xf32, #tpu.memory_space<vmem_shared>> -> memref<80x128xf32, #tpu.memory_space<vmem_shared>>
      tpu.enqueue_dma source(%arg13 : memref<80x128xf32, #tpu.memory_space<vmem>>) target(%dma_start3A_114 : memref<80x128xf32, #tpu.memory_space<vmem_shared>>) target_semaphore(%run_scoped3A : memref<!tpu.dma_semaphore, #tpu.memory_space<semaphore_mem>>)
      %dma_wait3A = arith.constant 0 : i32
      %dma_wait3A_115 = tpu.memref_slice %arg16[%add3A_14, %dma_wait3A] : memref<10240x128xf32, #tpu.memory_space<vmem_shared>> -> memref<80x128xf32, #tpu.memory_space<vmem_shared>>
      %dma_wait3A_116 = arith.constant 0 : i32
      %dma_wait3A_117 = tpu.memref_slice %arg16[%add3A_14, %dma_wait3A_116] : memref<10240x128xf32, #tpu.memory_space<vmem_shared>> -> memref<80x128xf32, #tpu.memory_space<vmem_shared>>
      tpu.wait_dma2 semaphore(%run_scoped3A : memref<!tpu.dma_semaphore, #tpu.memory_space<semaphore_mem>>) src(%arg13 : memref<80x128xf32, #tpu.memory_space<vmem>>) dst(%dma_wait3A_117 : memref<80x128xf32, #tpu.memory_space<vmem_shared>>)
      tpu.yield
    }) : () -> ()
    %add3A_15 = arith.constant 480 : i32
    %add3A_16 = arith.addi %mul3A_2, %add3A_15 : i32
    "tpu.region"() ({
      %run_scoped3A = tpu.sem_alloc : memref<!tpu.dma_semaphore, #tpu.memory_space<semaphore_mem>>
      %dma_start3A_111 = arith.constant 0 : i32
      %dma_start3A_112 = tpu.memref_slice %arg16[%add3A_16, %dma_start3A_111] : memref<10240x128xf32, #tpu.memory_space<vmem_shared>> -> memref<80x128xf32, #tpu.memory_space<vmem_shared>>
      %dma_start3A_113 = arith.constant 0 : i32
      %dma_start3A_114 = tpu.memref_slice %arg16[%add3A_16, %dma_start3A_113] : memref<10240x128xf32, #tpu.memory_space<vmem_shared>> -> memref<80x128xf32, #tpu.memory_space<vmem_shared>>
      tpu.enqueue_dma source(%arg13 : memref<80x128xf32, #tpu.memory_space<vmem>>) target(%dma_start3A_114 : memref<80x128xf32, #tpu.memory_space<vmem_shared>>) target_semaphore(%run_scoped3A : memref<!tpu.dma_semaphore, #tpu.memory_space<semaphore_mem>>)
      %dma_wait3A = arith.constant 0 : i32
      %dma_wait3A_115 = tpu.memref_slice %arg16[%add3A_16, %dma_wait3A] : memref<10240x128xf32, #tpu.memory_space<vmem_shared>> -> memref<80x128xf32, #tpu.memory_space<vmem_shared>>
      %dma_wait3A_116 = arith.constant 0 : i32
      %dma_wait3A_117 = tpu.memref_slice %arg16[%add3A_16, %dma_wait3A_116] : memref<10240x128xf32, #tpu.memory_space<vmem_shared>> -> memref<80x128xf32, #tpu.memory_space<vmem_shared>>
      tpu.wait_dma2 semaphore(%run_scoped3A : memref<!tpu.dma_semaphore, #tpu.memory_space<semaphore_mem>>) src(%arg13 : memref<80x128xf32, #tpu.memory_space<vmem>>) dst(%dma_wait3A_117 : memref<80x128xf32, #tpu.memory_space<vmem_shared>>)
      tpu.yield
    }) : () -> ()
    %add3A_17 = arith.constant 560 : i32
    %add3A_18 = arith.addi %mul3A_2, %add3A_17 : i32
    "tpu.region"() ({
      %run_scoped3A = tpu.sem_alloc : memref<!tpu.dma_semaphore, #tpu.memory_space<semaphore_mem>>
      %dma_start3A_111 = arith.constant 0 : i32
      %dma_start3A_112 = tpu.memref_slice %arg16[%add3A_18, %dma_start3A_111] : memref<10240x128xf32, #tpu.memory_space<vmem_shared>> -> memref<80x128xf32, #tpu.memory_space<vmem_shared>>
      %dma_start3A_113 = arith.constant 0 : i32
      %dma_start3A_114 = tpu.memref_slice %arg16[%add3A_18, %dma_start3A_113] : memref<10240x128xf32, #tpu.memory_space<vmem_shared>> -> memref<80x128xf32, #tpu.memory_space<vmem_shared>>
      tpu.enqueue_dma source(%arg13 : memref<80x128xf32, #tpu.memory_space<vmem>>) target(%dma_start3A_114 : memref<80x128xf32, #tpu.memory_space<vmem_shared>>) target_semaphore(%run_scoped3A : memref<!tpu.dma_semaphore, #tpu.memory_space<semaphore_mem>>)
      %dma_wait3A = arith.constant 0 : i32
      %dma_wait3A_115 = tpu.memref_slice %arg16[%add3A_18, %dma_wait3A] : memref<10240x128xf32, #tpu.memory_space<vmem_shared>> -> memref<80x128xf32, #tpu.memory_space<vmem_shared>>
      %dma_wait3A_116 = arith.constant 0 : i32
      %dma_wait3A_117 = tpu.memref_slice %arg16[%add3A_18, %dma_wait3A_116] : memref<10240x128xf32, #tpu.memory_space<vmem_shared>> -> memref<80x128xf32, #tpu.memory_space<vmem_shared>>
      tpu.wait_dma2 semaphore(%run_scoped3A : memref<!tpu.dma_semaphore, #tpu.memory_space<semaphore_mem>>) src(%arg13 : memref<80x128xf32, #tpu.memory_space<vmem>>) dst(%dma_wait3A_117 : memref<80x128xf32, #tpu.memory_space<vmem_shared>>)
      tpu.yield
    }) : () -> ()
    %lt3A = arith.constant 0 : i32
    %lt3A_19 = arith.cmpi slt, %add3A, %lt3A : i32
    %convert_element_type3A = arith.extui %lt3A_19 : i1 to i32
    %add3A_20 = arith.constant 125 : i32
    %add3A_21 = arith.addi %add3A_20, %convert_element_type3A : i32
    %add3A_22 = arith.constant 0 : i32
    %add3A_23 = arith.addi %add3A, %add3A_22 : i32
    %mul3A_24 = arith.constant 80 : i32
    %mul3A_25 = arith.muli %add3A_23, %mul3A_24 : i32
    "tpu.region"() ({
      %run_scoped3A = tpu.sem_alloc : memref<!tpu.dma_semaphore, #tpu.memory_space<semaphore_mem>>
      %dma_start3A_111 = tpu.memref_slice %arg3[%mul3A_25] : memref<320000xi32, #tpu.memory_space<hbm>> -> memref<80xi32, #tpu.memory_space<hbm>>
      %dma_start3A_112 = tpu.memref_slice %arg3[%mul3A_25] : memref<320000xi32, #tpu.memory_space<hbm>> -> memref<80xi32, #tpu.memory_space<hbm>>
      tpu.enqueue_dma source(%dma_start3A_112 : memref<80xi32, #tpu.memory_space<hbm>>) target(%arg7 : memref<80xi32, #tpu.memory_space<vmem>>) target_semaphore(%run_scoped3A : memref<!tpu.dma_semaphore, #tpu.memory_space<semaphore_mem>>)
      %dma_wait3A = tpu.memref_slice %arg3[%mul3A_25] : memref<320000xi32, #tpu.memory_space<hbm>> -> memref<80xi32, #tpu.memory_space<hbm>>
      %dma_wait3A_113 = tpu.memref_slice %arg3[%mul3A_25] : memref<320000xi32, #tpu.memory_space<hbm>> -> memref<80xi32, #tpu.memory_space<hbm>>
      tpu.wait_dma2 semaphore(%run_scoped3A : memref<!tpu.dma_semaphore, #tpu.memory_space<semaphore_mem>>) src(%dma_wait3A_113 : memref<80xi32, #tpu.memory_space<hbm>>) dst(%arg7 : memref<80xi32, #tpu.memory_space<vmem>>)
      tpu.yield
    }) : () -> ()
    "tpu.region"() ({
      %run_scoped3A = tpu.sem_alloc : memref<!tpu.dma_semaphore, #tpu.memory_space<semaphore_mem>>
      %dma_start3A_111 = tpu.memref_slice %arg4[%mul3A_25] : memref<320000xi32, #tpu.memory_space<hbm>> -> memref<80xi32, #tpu.memory_space<hbm>>
      %dma_start3A_112 = tpu.memref_slice %arg4[%mul3A_25] : memref<320000xi32, #tpu.memory_space<hbm>> -> memref<80xi32, #tpu.memory_space<hbm>>
      tpu.enqueue_dma source(%dma_start3A_112 : memref<80xi32, #tpu.memory_space<hbm>>) target(%arg8 : memref<80xi32, #tpu.memory_space<vmem>>) target_semaphore(%run_scoped3A : memref<!tpu.dma_semaphore, #tpu.memory_space<semaphore_mem>>)
      %dma_wait3A = tpu.memref_slice %arg4[%mul3A_25] : memref<320000xi32, #tpu.memory_space<hbm>> -> memref<80xi32, #tpu.memory_space<hbm>>
      %dma_wait3A_113 = tpu.memref_slice %arg4[%mul3A_25] : memref<320000xi32, #tpu.memory_space<hbm>> -> memref<80xi32, #tpu.memory_space<hbm>>
      tpu.wait_dma2 semaphore(%run_scoped3A : memref<!tpu.dma_semaphore, #tpu.memory_space<semaphore_mem>>) src(%dma_wait3A_113 : memref<80xi32, #tpu.memory_space<hbm>>) dst(%arg8 : memref<80xi32, #tpu.memory_space<vmem>>)
      tpu.yield
    }) : () -> ()
    %dma_start3A = arith.constant 0 : i32
    %dma_start3A_26 = arith.constant 0 : i32
    %dma_start3A_27 = tpu.memref_slice %arg2[%dma_start3A, %dma_start3A_26] : memref<10240x128xf32, #tpu.memory_space<hbm>> -> memref<10240x128xf32, #tpu.memory_space<hbm>>
    tpu.enqueue_indirect_dma source(%dma_start3A_27 : memref<10240x128xf32, #tpu.memory_space<hbm>>) target(%arg13 : memref<80x128xf32, #tpu.memory_space<vmem>>) offsets(%arg7 : memref<80xi32, #tpu.memory_space<vmem>>) semaphore(%arg17 : memref<!tpu.dma_semaphore, #tpu.memory_space<semaphore_mem>>)
    %add3A_28 = arith.constant 32 : i32
    %add3A_29 = arith.addi %add3A, %add3A_28 : i32
    %mul3A_30 = arith.constant 80 : i32
    %mul3A_31 = arith.muli %add3A_29, %mul3A_30 : i32
    "tpu.region"() ({
      %run_scoped3A = tpu.sem_alloc : memref<!tpu.dma_semaphore, #tpu.memory_space<semaphore_mem>>
      %dma_start3A_111 = tpu.memref_slice %arg3[%mul3A_31] : memref<320000xi32, #tpu.memory_space<hbm>> -> memref<80xi32, #tpu.memory_space<hbm>>
      %dma_start3A_112 = tpu.memref_slice %arg3[%mul3A_31] : memref<320000xi32, #tpu.memory_space<hbm>> -> memref<80xi32, #tpu.memory_space<hbm>>
      tpu.enqueue_dma source(%dma_start3A_112 : memref<80xi32, #tpu.memory_space<hbm>>) target(%arg9 : memref<80xi32, #tpu.memory_space<vmem>>) target_semaphore(%run_scoped3A : memref<!tpu.dma_semaphore, #tpu.memory_space<semaphore_mem>>)
      %dma_wait3A = tpu.memref_slice %arg3[%mul3A_31] : memref<320000xi32, #tpu.memory_space<hbm>> -> memref<80xi32, #tpu.memory_space<hbm>>
      %dma_wait3A_113 = tpu.memref_slice %arg3[%mul3A_31] : memref<320000xi32, #tpu.memory_space<hbm>> -> memref<80xi32, #tpu.memory_space<hbm>>
      tpu.wait_dma2 semaphore(%run_scoped3A : memref<!tpu.dma_semaphore, #tpu.memory_space<semaphore_mem>>) src(%dma_wait3A_113 : memref<80xi32, #tpu.memory_space<hbm>>) dst(%arg9 : memref<80xi32, #tpu.memory_space<vmem>>)
      tpu.yield
    }) : () -> ()
    "tpu.region"() ({
      %run_scoped3A = tpu.sem_alloc : memref<!tpu.dma_semaphore, #tpu.memory_space<semaphore_mem>>
      %dma_start3A_111 = tpu.memref_slice %arg4[%mul3A_31] : memref<320000xi32, #tpu.memory_space<hbm>> -> memref<80xi32, #tpu.memory_space<hbm>>
      %dma_start3A_112 = tpu.memref_slice %arg4[%mul3A_31] : memref<320000xi32, #tpu.memory_space<hbm>> -> memref<80xi32, #tpu.memory_space<hbm>>
      tpu.enqueue_dma source(%dma_start3A_112 : memref<80xi32, #tpu.memory_space<hbm>>) target(%arg10 : memref<80xi32, #tpu.memory_space<vmem>>) target_semaphore(%run_scoped3A : memref<!tpu.dma_semaphore, #tpu.memory_space<semaphore_mem>>)
      %dma_wait3A = tpu.memref_slice %arg4[%mul3A_31] : memref<320000xi32, #tpu.memory_space<hbm>> -> memref<80xi32, #tpu.memory_space<hbm>>
      %dma_wait3A_113 = tpu.memref_slice %arg4[%mul3A_31] : memref<320000xi32, #tpu.memory_space<hbm>> -> memref<80xi32, #tpu.memory_space<hbm>>
      tpu.wait_dma2 semaphore(%run_scoped3A : memref<!tpu.dma_semaphore, #tpu.memory_space<semaphore_mem>>) src(%dma_wait3A_113 : memref<80xi32, #tpu.memory_space<hbm>>) dst(%arg10 : memref<80xi32, #tpu.memory_space<vmem>>)
      tpu.yield
    }) : () -> ()
    %dma_start3A_32 = arith.constant 0 : i32
    %dma_start3A_33 = arith.constant 0 : i32
    %dma_start3A_34 = tpu.memref_slice %arg2[%dma_start3A_32, %dma_start3A_33] : memref<10240x128xf32, #tpu.memory_space<hbm>> -> memref<10240x128xf32, #tpu.memory_space<hbm>>
    tpu.enqueue_indirect_dma source(%dma_start3A_34 : memref<10240x128xf32, #tpu.memory_space<hbm>>) target(%arg14 : memref<80x128xf32, #tpu.memory_space<vmem>>) offsets(%arg9 : memref<80xi32, #tpu.memory_space<vmem>>) semaphore(%arg18 : memref<!tpu.dma_semaphore, #tpu.memory_space<semaphore_mem>>)
    %add3A_35 = arith.constant 64 : i32
    %add3A_36 = arith.addi %add3A, %add3A_35 : i32
    %mul3A_37 = arith.constant 80 : i32
    %mul3A_38 = arith.muli %add3A_36, %mul3A_37 : i32
    "tpu.region"() ({
      %run_scoped3A = tpu.sem_alloc : memref<!tpu.dma_semaphore, #tpu.memory_space<semaphore_mem>>
      %dma_start3A_111 = tpu.memref_slice %arg3[%mul3A_38] : memref<320000xi32, #tpu.memory_space<hbm>> -> memref<80xi32, #tpu.memory_space<hbm>>
      %dma_start3A_112 = tpu.memref_slice %arg3[%mul3A_38] : memref<320000xi32, #tpu.memory_space<hbm>> -> memref<80xi32, #tpu.memory_space<hbm>>
      tpu.enqueue_dma source(%dma_start3A_112 : memref<80xi32, #tpu.memory_space<hbm>>) target(%arg11 : memref<80xi32, #tpu.memory_space<vmem>>) target_semaphore(%run_scoped3A : memref<!tpu.dma_semaphore, #tpu.memory_space<semaphore_mem>>)
      %dma_wait3A = tpu.memref_slice %arg3[%mul3A_38] : memref<320000xi32, #tpu.memory_space<hbm>> -> memref<80xi32, #tpu.memory_space<hbm>>
      %dma_wait3A_113 = tpu.memref_slice %arg3[%mul3A_38] : memref<320000xi32, #tpu.memory_space<hbm>> -> memref<80xi32, #tpu.memory_space<hbm>>
      tpu.wait_dma2 semaphore(%run_scoped3A : memref<!tpu.dma_semaphore, #tpu.memory_space<semaphore_mem>>) src(%dma_wait3A_113 : memref<80xi32, #tpu.memory_space<hbm>>) dst(%arg11 : memref<80xi32, #tpu.memory_space<vmem>>)
      tpu.yield
    }) : () -> ()
    "tpu.region"() ({
      %run_scoped3A = tpu.sem_alloc : memref<!tpu.dma_semaphore, #tpu.memory_space<semaphore_mem>>
      %dma_start3A_111 = tpu.memref_slice %arg4[%mul3A_38] : memref<320000xi32, #tpu.memory_space<hbm>> -> memref<80xi32, #tpu.memory_space<hbm>>
      %dma_start3A_112 = tpu.memref_slice %arg4[%mul3A_38] : memref<320000xi32, #tpu.memory_space<hbm>> -> memref<80xi32, #tpu.memory_space<hbm>>
      tpu.enqueue_dma source(%dma_start3A_112 : memref<80xi32, #tpu.memory_space<hbm>>) target(%arg12 : memref<80xi32, #tpu.memory_space<vmem>>) target_semaphore(%run_scoped3A : memref<!tpu.dma_semaphore, #tpu.memory_space<semaphore_mem>>)
      %dma_wait3A = tpu.memref_slice %arg4[%mul3A_38] : memref<320000xi32, #tpu.memory_space<hbm>> -> memref<80xi32, #tpu.memory_space<hbm>>
      %dma_wait3A_113 = tpu.memref_slice %arg4[%mul3A_38] : memref<320000xi32, #tpu.memory_space<hbm>> -> memref<80xi32, #tpu.memory_space<hbm>>
      tpu.wait_dma2 semaphore(%run_scoped3A : memref<!tpu.dma_semaphore, #tpu.memory_space<semaphore_mem>>) src(%dma_wait3A_113 : memref<80xi32, #tpu.memory_space<hbm>>) dst(%arg12 : memref<80xi32, #tpu.memory_space<vmem>>)
      tpu.yield
    }) : () -> ()
    %dma_start3A_39 = arith.constant 0 : i32
    %dma_start3A_40 = arith.constant 0 : i32
    %dma_start3A_41 = tpu.memref_slice %arg2[%dma_start3A_39, %dma_start3A_40] : memref<10240x128xf32, #tpu.memory_space<hbm>> -> memref<10240x128xf32, #tpu.memory_space<hbm>>
    tpu.enqueue_indirect_dma source(%dma_start3A_41 : memref<10240x128xf32, #tpu.memory_space<hbm>>) target(%arg15 : memref<80x128xf32, #tpu.memory_space<vmem>>) offsets(%arg11 : memref<80xi32, #tpu.memory_space<vmem>>) semaphore(%arg19 : memref<!tpu.dma_semaphore, #tpu.memory_space<semaphore_mem>>)
    %barrier3A = arith.constant 0 : index
    tpu.barrier barrier_id(%barrier3A)
    %jit3A = arith.constant 3 : i32
    %div3A = arith.divsi %add3A_21, %jit3A : i32
    %sign3A = arith.constant 0 : i32
    %sign3A_42 = arith.cmpi sgt, %add3A_21, %sign3A : i32
    %sign3A_43 = arith.extui %sign3A_42 : i1 to i32
    %sign3A_44 = arith.constant 0 : i32
    %sign3A_45 = arith.cmpi slt, %add3A_21, %sign3A_44 : i32
    %sign3A_46 = arith.extui %sign3A_45 : i1 to i32
    %sign3A_47 = arith.subi %sign3A_43, %sign3A_46 : i32
    %sign3A_48 = arith.constant 0 : i32
    %sign3A_49 = arith.cmpi sgt, %jit3A, %sign3A_48 : i32
    %sign3A_50 = arith.extui %sign3A_49 : i1 to i32
    %sign3A_51 = arith.constant 0 : i32
    %sign3A_52 = arith.cmpi slt, %jit3A, %sign3A_51 : i32
    %sign3A_53 = arith.extui %sign3A_52 : i1 to i32
    %sign3A_54 = arith.subi %sign3A_50, %sign3A_53 : i32
    %ne3A = arith.cmpi ne, %sign3A_47, %sign3A_54 : i32
    %rem3A = arith.remsi %add3A_21, %jit3A : i32
    %ne3A_55 = arith.constant 0 : i32
    %ne3A_56 = arith.cmpi ne, %rem3A, %ne3A_55 : i32
    %and3A = arith.andi %ne3A, %ne3A_56 : i1
    %sub3A = arith.constant 1 : i32
    %sub3A_57 = arith.subi %div3A, %sub3A : i32
    %select_n3A = arith.select %and3A, %sub3A_57, %div3A : i32
    %while3A = arith.constant 0 : i32
    %while3A_58 = arith.constant 0 : i32
    %while3A_59 = arith.subi %select_n3A, %while3A_58 : i32
    %while3A_60 = arith.addi %while3A_58, %while3A_59 : i32
    %while3A_61 = arith.constant 1 : i32
    %while3A_62 = arith.divsi %while3A_59, %while3A_61 : i32
    %while3A_63 = arith.muli %while3A_62, %while3A_61 : i32
    %while3A_64 = arith.addi %while3A_58, %while3A_63 : i32
    %while3A_65 = arith.constant 1 : i32
    scf.for %while3A_111 = %while3A_58 to %while3A_64 step %while3A_65  : i32 {
      %mul3A_112 = arith.constant 3 : i32
      %mul3A_113 = arith.muli %mul3A_112, %while3A_111 : i32
      %add3A_114 = arith.constant 0 : i32
      %add3A_115 = arith.addi %mul3A_113, %add3A_114 : i32
      %dma_wait3A = arith.constant 0 : i32
      %dma_wait3A_116 = arith.constant 0 : i32
      %dma_wait3A_117 = tpu.memref_slice %arg2[%dma_wait3A, %dma_wait3A_116] : memref<10240x128xf32, #tpu.memory_space<hbm>> -> memref<10240x128xf32, #tpu.memory_space<hbm>>
      tpu.wait_indirect_dma semaphore(%arg17 : memref<!tpu.dma_semaphore, #tpu.memory_space<semaphore_mem>>) src(%dma_wait3A_117 : memref<10240x128xf32, #tpu.memory_space<hbm>>) dst(%arg13 : memref<80x128xf32, #tpu.memory_space<vmem>>)
      "tpu.region"() ({
        %run_scoped3A = tpu.sem_alloc : memref<!tpu.dma_semaphore, #tpu.memory_space<semaphore_mem>>
        %dma_start3A_146 = arith.constant 0 : i32
        %dma_start3A_147 = arith.constant 0 : i32
        %dma_start3A_148 = tpu.memref_slice %arg16[%dma_start3A_146, %dma_start3A_147] : memref<10240x128xf32, #tpu.memory_space<vmem_shared>> -> memref<10240x128xf32, #tpu.memory_space<vmem_shared>>
        tpu.enqueue_indirect_dma source(%arg13 : memref<80x128xf32, #tpu.memory_space<vmem>>) target(%dma_start3A_148 : memref<10240x128xf32, #tpu.memory_space<vmem_shared>>) offsets(%arg8 : memref<80xi32, #tpu.memory_space<vmem>>) semaphore(%run_scoped3A : memref<!tpu.dma_semaphore, #tpu.memory_space<semaphore_mem>>) {add = true}
        %dma_wait3A_149 = arith.constant 0 : i32
        %dma_wait3A_150 = arith.constant 0 : i32
        %dma_wait3A_151 = tpu.memref_slice %arg16[%dma_wait3A_149, %dma_wait3A_150] : memref<10240x128xf32, #tpu.memory_space<vmem_shared>> -> memref<10240x128xf32, #tpu.memory_space<vmem_shared>>
        tpu.wait_indirect_dma semaphore(%run_scoped3A : memref<!tpu.dma_semaphore, #tpu.memory_space<semaphore_mem>>) src(%arg13 : memref<80x128xf32, #tpu.memory_space<vmem>>) dst(%dma_wait3A_151 : memref<10240x128xf32, #tpu.memory_space<vmem_shared>>)
        tpu.yield
      }) : () -> ()
      %add3A_118 = arith.constant 3 : i32
      %add3A_119 = arith.addi %add3A_115, %add3A_118 : i32
      %lt3A_120 = arith.cmpi slt, %add3A_119, %add3A_21 : i32
      %convert_element_type3A_121 = arith.extui %lt3A_120 : i1 to i32
      %cond3A_122 = arith.constant 0 : i32
      %cond3A_123 = arith.cmpi ne, %convert_element_type3A_121, %cond3A_122 : i32
      scf.if %cond3A_123 {
        %add3A_146 = arith.constant 3 : i32
        %add3A_147 = arith.addi %add3A_115, %add3A_146 : i32
        %mul3A_148 = arith.constant 32 : i32
        %mul3A_149 = arith.muli %mul3A_148, %add3A_147 : i32
        %add3A_150 = arith.addi %add3A, %mul3A_149 : i32
        %mul3A_151 = arith.constant 80 : i32
        %mul3A_152 = arith.muli %add3A_150, %mul3A_151 : i32
        "tpu.region"() ({
          %run_scoped3A = tpu.sem_alloc : memref<!tpu.dma_semaphore, #tpu.memory_space<semaphore_mem>>
          %dma_start3A_156 = tpu.memref_slice %arg3[%mul3A_152] : memref<320000xi32, #tpu.memory_space<hbm>> -> memref<80xi32, #tpu.memory_space<hbm>>
          %dma_start3A_157 = tpu.memref_slice %arg3[%mul3A_152] : memref<320000xi32, #tpu.memory_space<hbm>> -> memref<80xi32, #tpu.memory_space<hbm>>
          tpu.enqueue_dma source(%dma_start3A_157 : memref<80xi32, #tpu.memory_space<hbm>>) target(%arg7 : memref<80xi32, #tpu.memory_space<vmem>>) target_semaphore(%run_scoped3A : memref<!tpu.dma_semaphore, #tpu.memory_space<semaphore_mem>>)
          %dma_wait3A_158 = tpu.memref_slice %arg3[%mul3A_152] : memref<320000xi32, #tpu.memory_space<hbm>> -> memref<80xi32, #tpu.memory_space<hbm>>
          %dma_wait3A_159 = tpu.memref_slice %arg3[%mul3A_152] : memref<320000xi32, #tpu.memory_space<hbm>> -> memref<80xi32, #tpu.memory_space<hbm>>
          tpu.wait_dma2 semaphore(%run_scoped3A : memref<!tpu.dma_semaphore, #tpu.memory_space<semaphore_mem>>) src(%dma_wait3A_159 : memref<80xi32, #tpu.memory_space<hbm>>) dst(%arg7 : memref<80xi32, #tpu.memory_space<vmem>>)
          tpu.yield
        }) : () -> ()
        "tpu.region"() ({
          %run_scoped3A = tpu.sem_alloc : memref<!tpu.dma_semaphore, #tpu.memory_space<semaphore_mem>>
          %dma_start3A_156 = tpu.memref_slice %arg4[%mul3A_152] : memref<320000xi32, #tpu.memory_space<hbm>> -> memref<80xi32, #tpu.memory_space<hbm>>
          %dma_start3A_157 = tpu.memref_slice %arg4[%mul3A_152] : memref<320000xi32, #tpu.memory_space<hbm>> -> memref<80xi32, #tpu.memory_space<hbm>>
          tpu.enqueue_dma source(%dma_start3A_157 : memref<80xi32, #tpu.memory_space<hbm>>) target(%arg8 : memref<80xi32, #tpu.memory_space<vmem>>) target_semaphore(%run_scoped3A : memref<!tpu.dma_semaphore, #tpu.memory_space<semaphore_mem>>)
          %dma_wait3A_158 = tpu.memref_slice %arg4[%mul3A_152] : memref<320000xi32, #tpu.memory_space<hbm>> -> memref<80xi32, #tpu.memory_space<hbm>>
          %dma_wait3A_159 = tpu.memref_slice %arg4[%mul3A_152] : memref<320000xi32, #tpu.memory_space<hbm>> -> memref<80xi32, #tpu.memory_space<hbm>>
          tpu.wait_dma2 semaphore(%run_scoped3A : memref<!tpu.dma_semaphore, #tpu.memory_space<semaphore_mem>>) src(%dma_wait3A_159 : memref<80xi32, #tpu.memory_space<hbm>>) dst(%arg8 : memref<80xi32, #tpu.memory_space<vmem>>)
          tpu.yield
        }) : () -> ()
        %dma_start3A_153 = arith.constant 0 : i32
        %dma_start3A_154 = arith.constant 0 : i32
        %dma_start3A_155 = tpu.memref_slice %arg2[%dma_start3A_153, %dma_start3A_154] : memref<10240x128xf32, #tpu.memory_space<hbm>> -> memref<10240x128xf32, #tpu.memory_space<hbm>>
        tpu.enqueue_indirect_dma source(%dma_start3A_155 : memref<10240x128xf32, #tpu.memory_space<hbm>>) target(%arg13 : memref<80x128xf32, #tpu.memory_space<vmem>>) offsets(%arg7 : memref<80xi32, #tpu.memory_space<vmem>>) semaphore(%arg17 : memref<!tpu.dma_semaphore, #tpu.memory_space<semaphore_mem>>)
      } else {
      }
      %add3A_124 = arith.constant 1 : i32
      %add3A_125 = arith.addi %mul3A_113, %add3A_124 : i32
      %dma_wait3A_126 = arith.constant 0 : i32
      %dma_wait3A_127 = arith.constant 0 : i32
      %dma_wait3A_128 = tpu.memref_slice %arg2[%dma_wait3A_126, %dma_wait3A_127] : memref<10240x128xf32, #tpu.memory_space<hbm>> -> memref<10240x128xf32, #tpu.memory_space<hbm>>
      tpu.wait_indirect_dma semaphore(%arg18 : memref<!tpu.dma_semaphore, #tpu.memory_space<semaphore_mem>>) src(%dma_wait3A_128 : memref<10240x128xf32, #tpu.memory_space<hbm>>) dst(%arg14 : memref<80x128xf32, #tpu.memory_space<vmem>>)
      "tpu.region"() ({
        %run_scoped3A = tpu.sem_alloc : memref<!tpu.dma_semaphore, #tpu.memory_space<semaphore_mem>>
        %dma_start3A_146 = arith.constant 0 : i32
        %dma_start3A_147 = arith.constant 0 : i32
        %dma_start3A_148 = tpu.memref_slice %arg16[%dma_start3A_146, %dma_start3A_147] : memref<10240x128xf32, #tpu.memory_space<vmem_shared>> -> memref<10240x128xf32, #tpu.memory_space<vmem_shared>>
        tpu.enqueue_indirect_dma source(%arg14 : memref<80x128xf32, #tpu.memory_space<vmem>>) target(%dma_start3A_148 : memref<10240x128xf32, #tpu.memory_space<vmem_shared>>) offsets(%arg10 : memref<80xi32, #tpu.memory_space<vmem>>) semaphore(%run_scoped3A : memref<!tpu.dma_semaphore, #tpu.memory_space<semaphore_mem>>) {add = true}
        %dma_wait3A_149 = arith.constant 0 : i32
        %dma_wait3A_150 = arith.constant 0 : i32
        %dma_wait3A_151 = tpu.memref_slice %arg16[%dma_wait3A_149, %dma_wait3A_150] : memref<10240x128xf32, #tpu.memory_space<vmem_shared>> -> memref<10240x128xf32, #tpu.memory_space<vmem_shared>>
        tpu.wait_indirect_dma semaphore(%run_scoped3A : memref<!tpu.dma_semaphore, #tpu.memory_space<semaphore_mem>>) src(%arg14 : memref<80x128xf32, #tpu.memory_space<vmem>>) dst(%dma_wait3A_151 : memref<10240x128xf32, #tpu.memory_space<vmem_shared>>)
        tpu.yield
      }) : () -> ()
      %add3A_129 = arith.constant 3 : i32
      %add3A_130 = arith.addi %add3A_125, %add3A_129 : i32
      %lt3A_131 = arith.cmpi slt, %add3A_130, %add3A_21 : i32
      %convert_element_type3A_132 = arith.extui %lt3A_131 : i1 to i32
      %cond3A_133 = arith.constant 0 : i32
      %cond3A_134 = arith.cmpi ne, %convert_element_type3A_132, %cond3A_133 : i32
      scf.if %cond3A_134 {
        %add3A_146 = arith.constant 3 : i32
        %add3A_147 = arith.addi %add3A_125, %add3A_146 : i32
        %mul3A_148 = arith.constant 32 : i32
        %mul3A_149 = arith.muli %mul3A_148, %add3A_147 : i32
        %add3A_150 = arith.addi %add3A, %mul3A_149 : i32
        %mul3A_151 = arith.constant 80 : i32
        %mul3A_152 = arith.muli %add3A_150, %mul3A_151 : i32
        "tpu.region"() ({
          %run_scoped3A = tpu.sem_alloc : memref<!tpu.dma_semaphore, #tpu.memory_space<semaphore_mem>>
          %dma_start3A_156 = tpu.memref_slice %arg3[%mul3A_152] : memref<320000xi32, #tpu.memory_space<hbm>> -> memref<80xi32, #tpu.memory_space<hbm>>
          %dma_start3A_157 = tpu.memref_slice %arg3[%mul3A_152] : memref<320000xi32, #tpu.memory_space<hbm>> -> memref<80xi32, #tpu.memory_space<hbm>>
          tpu.enqueue_dma source(%dma_start3A_157 : memref<80xi32, #tpu.memory_space<hbm>>) target(%arg9 : memref<80xi32, #tpu.memory_space<vmem>>) target_semaphore(%run_scoped3A : memref<!tpu.dma_semaphore, #tpu.memory_space<semaphore_mem>>)
          %dma_wait3A_158 = tpu.memref_slice %arg3[%mul3A_152] : memref<320000xi32, #tpu.memory_space<hbm>> -> memref<80xi32, #tpu.memory_space<hbm>>
          %dma_wait3A_159 = tpu.memref_slice %arg3[%mul3A_152] : memref<320000xi32, #tpu.memory_space<hbm>> -> memref<80xi32, #tpu.memory_space<hbm>>
          tpu.wait_dma2 semaphore(%run_scoped3A : memref<!tpu.dma_semaphore, #tpu.memory_space<semaphore_mem>>) src(%dma_wait3A_159 : memref<80xi32, #tpu.memory_space<hbm>>) dst(%arg9 : memref<80xi32, #tpu.memory_space<vmem>>)
          tpu.yield
        }) : () -> ()
        "tpu.region"() ({
          %run_scoped3A = tpu.sem_alloc : memref<!tpu.dma_semaphore, #tpu.memory_space<semaphore_mem>>
          %dma_start3A_156 = tpu.memref_slice %arg4[%mul3A_152] : memref<320000xi32, #tpu.memory_space<hbm>> -> memref<80xi32, #tpu.memory_space<hbm>>
          %dma_start3A_157 = tpu.memref_slice %arg4[%mul3A_152] : memref<320000xi32, #tpu.memory_space<hbm>> -> memref<80xi32, #tpu.memory_space<hbm>>
          tpu.enqueue_dma source(%dma_start3A_157 : memref<80xi32, #tpu.memory_space<hbm>>) target(%arg10 : memref<80xi32, #tpu.memory_space<vmem>>) target_semaphore(%run_scoped3A : memref<!tpu.dma_semaphore, #tpu.memory_space<semaphore_mem>>)
          %dma_wait3A_158 = tpu.memref_slice %arg4[%mul3A_152] : memref<320000xi32, #tpu.memory_space<hbm>> -> memref<80xi32, #tpu.memory_space<hbm>>
          %dma_wait3A_159 = tpu.memref_slice %arg4[%mul3A_152] : memref<320000xi32, #tpu.memory_space<hbm>> -> memref<80xi32, #tpu.memory_space<hbm>>
          tpu.wait_dma2 semaphore(%run_scoped3A : memref<!tpu.dma_semaphore, #tpu.memory_space<semaphore_mem>>) src(%dma_wait3A_159 : memref<80xi32, #tpu.memory_space<hbm>>) dst(%arg10 : memref<80xi32, #tpu.memory_space<vmem>>)
          tpu.yield
        }) : () -> ()
        %dma_start3A_153 = arith.constant 0 : i32
        %dma_start3A_154 = arith.constant 0 : i32
        %dma_start3A_155 = tpu.memref_slice %arg2[%dma_start3A_153, %dma_start3A_154] : memref<10240x128xf32, #tpu.memory_space<hbm>> -> memref<10240x128xf32, #tpu.memory_space<hbm>>
        tpu.enqueue_indirect_dma source(%dma_start3A_155 : memref<10240x128xf32, #tpu.memory_space<hbm>>) target(%arg14 : memref<80x128xf32, #tpu.memory_space<vmem>>) offsets(%arg9 : memref<80xi32, #tpu.memory_space<vmem>>) semaphore(%arg18 : memref<!tpu.dma_semaphore, #tpu.memory_space<semaphore_mem>>)
      } else {
      }
      %add3A_135 = arith.constant 2 : i32
      %add3A_136 = arith.addi %mul3A_113, %add3A_135 : i32
      %dma_wait3A_137 = arith.constant 0 : i32
      %dma_wait3A_138 = arith.constant 0 : i32
      %dma_wait3A_139 = tpu.memref_slice %arg2[%dma_wait3A_137, %dma_wait3A_138] : memref<10240x128xf32, #tpu.memory_space<hbm>> -> memref<10240x128xf32, #tpu.memory_space<hbm>>
      tpu.wait_indirect_dma semaphore(%arg19 : memref<!tpu.dma_semaphore, #tpu.memory_space<semaphore_mem>>) src(%dma_wait3A_139 : memref<10240x128xf32, #tpu.memory_space<hbm>>) dst(%arg15 : memref<80x128xf32, #tpu.memory_space<vmem>>)
      "tpu.region"() ({
        %run_scoped3A = tpu.sem_alloc : memref<!tpu.dma_semaphore, #tpu.memory_space<semaphore_mem>>
        %dma_start3A_146 = arith.constant 0 : i32
        %dma_start3A_147 = arith.constant 0 : i32
        %dma_start3A_148 = tpu.memref_slice %arg16[%dma_start3A_146, %dma_start3A_147] : memref<10240x128xf32, #tpu.memory_space<vmem_shared>> -> memref<10240x128xf32, #tpu.memory_space<vmem_shared>>
        tpu.enqueue_indirect_dma source(%arg15 : memref<80x128xf32, #tpu.memory_space<vmem>>) target(%dma_start3A_148 : memref<10240x128xf32, #tpu.memory_space<vmem_shared>>) offsets(%arg12 : memref<80xi32, #tpu.memory_space<vmem>>) semaphore(%run_scoped3A : memref<!tpu.dma_semaphore, #tpu.memory_space<semaphore_mem>>) {add = true}
        %dma_wait3A_149 = arith.constant 0 : i32
        %dma_wait3A_150 = arith.constant 0 : i32
        %dma_wait3A_151 = tpu.memref_slice %arg16[%dma_wait3A_149, %dma_wait3A_150] : memref<10240x128xf32, #tpu.memory_space<vmem_shared>> -> memref<10240x128xf32, #tpu.memory_space<vmem_shared>>
        tpu.wait_indirect_dma semaphore(%run_scoped3A : memref<!tpu.dma_semaphore, #tpu.memory_space<semaphore_mem>>) src(%arg15 : memref<80x128xf32, #tpu.memory_space<vmem>>) dst(%dma_wait3A_151 : memref<10240x128xf32, #tpu.memory_space<vmem_shared>>)
        tpu.yield
      }) : () -> ()
      %add3A_140 = arith.constant 3 : i32
      %add3A_141 = arith.addi %add3A_136, %add3A_140 : i32
      %lt3A_142 = arith.cmpi slt, %add3A_141, %add3A_21 : i32
      %convert_element_type3A_143 = arith.extui %lt3A_142 : i1 to i32
      %cond3A_144 = arith.constant 0 : i32
      %cond3A_145 = arith.cmpi ne, %convert_element_type3A_143, %cond3A_144 : i32
      scf.if %cond3A_145 {
        %add3A_146 = arith.constant 3 : i32
        %add3A_147 = arith.addi %add3A_136, %add3A_146 : i32
        %mul3A_148 = arith.constant 32 : i32
        %mul3A_149 = arith.muli %mul3A_148, %add3A_147 : i32
        %add3A_150 = arith.addi %add3A, %mul3A_149 : i32
        %mul3A_151 = arith.constant 80 : i32
        %mul3A_152 = arith.muli %add3A_150, %mul3A_151 : i32
        "tpu.region"() ({
          %run_scoped3A = tpu.sem_alloc : memref<!tpu.dma_semaphore, #tpu.memory_space<semaphore_mem>>
          %dma_start3A_156 = tpu.memref_slice %arg3[%mul3A_152] : memref<320000xi32, #tpu.memory_space<hbm>> -> memref<80xi32, #tpu.memory_space<hbm>>
          %dma_start3A_157 = tpu.memref_slice %arg3[%mul3A_152] : memref<320000xi32, #tpu.memory_space<hbm>> -> memref<80xi32, #tpu.memory_space<hbm>>
          tpu.enqueue_dma source(%dma_start3A_157 : memref<80xi32, #tpu.memory_space<hbm>>) target(%arg11 : memref<80xi32, #tpu.memory_space<vmem>>) target_semaphore(%run_scoped3A : memref<!tpu.dma_semaphore, #tpu.memory_space<semaphore_mem>>)
          %dma_wait3A_158 = tpu.memref_slice %arg3[%mul3A_152] : memref<320000xi32, #tpu.memory_space<hbm>> -> memref<80xi32, #tpu.memory_space<hbm>>
          %dma_wait3A_159 = tpu.memref_slice %arg3[%mul3A_152] : memref<320000xi32, #tpu.memory_space<hbm>> -> memref<80xi32, #tpu.memory_space<hbm>>
          tpu.wait_dma2 semaphore(%run_scoped3A : memref<!tpu.dma_semaphore, #tpu.memory_space<semaphore_mem>>) src(%dma_wait3A_159 : memref<80xi32, #tpu.memory_space<hbm>>) dst(%arg11 : memref<80xi32, #tpu.memory_space<vmem>>)
          tpu.yield
        }) : () -> ()
        "tpu.region"() ({
          %run_scoped3A = tpu.sem_alloc : memref<!tpu.dma_semaphore, #tpu.memory_space<semaphore_mem>>
          %dma_start3A_156 = tpu.memref_slice %arg4[%mul3A_152] : memref<320000xi32, #tpu.memory_space<hbm>> -> memref<80xi32, #tpu.memory_space<hbm>>
          %dma_start3A_157 = tpu.memref_slice %arg4[%mul3A_152] : memref<320000xi32, #tpu.memory_space<hbm>> -> memref<80xi32, #tpu.memory_space<hbm>>
          tpu.enqueue_dma source(%dma_start3A_157 : memref<80xi32, #tpu.memory_space<hbm>>) target(%arg12 : memref<80xi32, #tpu.memory_space<vmem>>) target_semaphore(%run_scoped3A : memref<!tpu.dma_semaphore, #tpu.memory_space<semaphore_mem>>)
          %dma_wait3A_158 = tpu.memref_slice %arg4[%mul3A_152] : memref<320000xi32, #tpu.memory_space<hbm>> -> memref<80xi32, #tpu.memory_space<hbm>>
          %dma_wait3A_159 = tpu.memref_slice %arg4[%mul3A_152] : memref<320000xi32, #tpu.memory_space<hbm>> -> memref<80xi32, #tpu.memory_space<hbm>>
          tpu.wait_dma2 semaphore(%run_scoped3A : memref<!tpu.dma_semaphore, #tpu.memory_space<semaphore_mem>>) src(%dma_wait3A_159 : memref<80xi32, #tpu.memory_space<hbm>>) dst(%arg12 : memref<80xi32, #tpu.memory_space<vmem>>)
          tpu.yield
        }) : () -> ()
        %dma_start3A_153 = arith.constant 0 : i32
        %dma_start3A_154 = arith.constant 0 : i32
        %dma_start3A_155 = tpu.memref_slice %arg2[%dma_start3A_153, %dma_start3A_154] : memref<10240x128xf32, #tpu.memory_space<hbm>> -> memref<10240x128xf32, #tpu.memory_space<hbm>>
        tpu.enqueue_indirect_dma source(%dma_start3A_155 : memref<10240x128xf32, #tpu.memory_space<hbm>>) target(%arg15 : memref<80x128xf32, #tpu.memory_space<vmem>>) offsets(%arg11 : memref<80xi32, #tpu.memory_space<vmem>>) semaphore(%arg19 : memref<!tpu.dma_semaphore, #tpu.memory_space<semaphore_mem>>)
      } else {
      }
    }
    %while3A_66 = arith.constant 1 : i32
    scf.for %while3A_111 = %while3A_64 to %while3A_60 step %while3A_66  : i32 {
      %mul3A_112 = arith.constant 3 : i32
      %mul3A_113 = arith.muli %mul3A_112, %while3A_111 : i32
      %add3A_114 = arith.constant 0 : i32
      %add3A_115 = arith.addi %mul3A_113, %add3A_114 : i32
      %dma_wait3A = arith.constant 0 : i32
      %dma_wait3A_116 = arith.constant 0 : i32
      %dma_wait3A_117 = tpu.memref_slice %arg2[%dma_wait3A, %dma_wait3A_116] : memref<10240x128xf32, #tpu.memory_space<hbm>> -> memref<10240x128xf32, #tpu.memory_space<hbm>>
      tpu.wait_indirect_dma semaphore(%arg17 : memref<!tpu.dma_semaphore, #tpu.memory_space<semaphore_mem>>) src(%dma_wait3A_117 : memref<10240x128xf32, #tpu.memory_space<hbm>>) dst(%arg13 : memref<80x128xf32, #tpu.memory_space<vmem>>)
      "tpu.region"() ({
        %run_scoped3A = tpu.sem_alloc : memref<!tpu.dma_semaphore, #tpu.memory_space<semaphore_mem>>
        %dma_start3A_146 = arith.constant 0 : i32
        %dma_start3A_147 = arith.constant 0 : i32
        %dma_start3A_148 = tpu.memref_slice %arg16[%dma_start3A_146, %dma_start3A_147] : memref<10240x128xf32, #tpu.memory_space<vmem_shared>> -> memref<10240x128xf32, #tpu.memory_space<vmem_shared>>
        tpu.enqueue_indirect_dma source(%arg13 : memref<80x128xf32, #tpu.memory_space<vmem>>) target(%dma_start3A_148 : memref<10240x128xf32, #tpu.memory_space<vmem_shared>>) offsets(%arg8 : memref<80xi32, #tpu.memory_space<vmem>>) semaphore(%run_scoped3A : memref<!tpu.dma_semaphore, #tpu.memory_space<semaphore_mem>>) {add = true}
        %dma_wait3A_149 = arith.constant 0 : i32
        %dma_wait3A_150 = arith.constant 0 : i32
        %dma_wait3A_151 = tpu.memref_slice %arg16[%dma_wait3A_149, %dma_wait3A_150] : memref<10240x128xf32, #tpu.memory_space<vmem_shared>> -> memref<10240x128xf32, #tpu.memory_space<vmem_shared>>
        tpu.wait_indirect_dma semaphore(%run_scoped3A : memref<!tpu.dma_semaphore, #tpu.memory_space<semaphore_mem>>) src(%arg13 : memref<80x128xf32, #tpu.memory_space<vmem>>) dst(%dma_wait3A_151 : memref<10240x128xf32, #tpu.memory_space<vmem_shared>>)
        tpu.yield
      }) : () -> ()
      %add3A_118 = arith.constant 3 : i32
      %add3A_119 = arith.addi %add3A_115, %add3A_118 : i32
      %lt3A_120 = arith.cmpi slt, %add3A_119, %add3A_21 : i32
      %convert_element_type3A_121 = arith.extui %lt3A_120 : i1 to i32
      %cond3A_122 = arith.constant 0 : i32
      %cond3A_123 = arith.cmpi ne, %convert_element_type3A_121, %cond3A_122 : i32
      scf.if %cond3A_123 {
        %add3A_146 = arith.constant 3 : i32
        %add3A_147 = arith.addi %add3A_115, %add3A_146 : i32
        %mul3A_148 = arith.constant 32 : i32
        %mul3A_149 = arith.muli %mul3A_148, %add3A_147 : i32
        %add3A_150 = arith.addi %add3A, %mul3A_149 : i32
        %mul3A_151 = arith.constant 80 : i32
        %mul3A_152 = arith.muli %add3A_150, %mul3A_151 : i32
        "tpu.region"() ({
          %run_scoped3A = tpu.sem_alloc : memref<!tpu.dma_semaphore, #tpu.memory_space<semaphore_mem>>
          %dma_start3A_156 = tpu.memref_slice %arg3[%mul3A_152] : memref<320000xi32, #tpu.memory_space<hbm>> -> memref<80xi32, #tpu.memory_space<hbm>>
          %dma_start3A_157 = tpu.memref_slice %arg3[%mul3A_152] : memref<320000xi32, #tpu.memory_space<hbm>> -> memref<80xi32, #tpu.memory_space<hbm>>
          tpu.enqueue_dma source(%dma_start3A_157 : memref<80xi32, #tpu.memory_space<hbm>>) target(%arg7 : memref<80xi32, #tpu.memory_space<vmem>>) target_semaphore(%run_scoped3A : memref<!tpu.dma_semaphore, #tpu.memory_space<semaphore_mem>>)
          %dma_wait3A_158 = tpu.memref_slice %arg3[%mul3A_152] : memref<320000xi32, #tpu.memory_space<hbm>> -> memref<80xi32, #tpu.memory_space<hbm>>
          %dma_wait3A_159 = tpu.memref_slice %arg3[%mul3A_152] : memref<320000xi32, #tpu.memory_space<hbm>> -> memref<80xi32, #tpu.memory_space<hbm>>
          tpu.wait_dma2 semaphore(%run_scoped3A : memref<!tpu.dma_semaphore, #tpu.memory_space<semaphore_mem>>) src(%dma_wait3A_159 : memref<80xi32, #tpu.memory_space<hbm>>) dst(%arg7 : memref<80xi32, #tpu.memory_space<vmem>>)
          tpu.yield
        }) : () -> ()
        "tpu.region"() ({
          %run_scoped3A = tpu.sem_alloc : memref<!tpu.dma_semaphore, #tpu.memory_space<semaphore_mem>>
          %dma_start3A_156 = tpu.memref_slice %arg4[%mul3A_152] : memref<320000xi32, #tpu.memory_space<hbm>> -> memref<80xi32, #tpu.memory_space<hbm>>
          %dma_start3A_157 = tpu.memref_slice %arg4[%mul3A_152] : memref<320000xi32, #tpu.memory_space<hbm>> -> memref<80xi32, #tpu.memory_space<hbm>>
          tpu.enqueue_dma source(%dma_start3A_157 : memref<80xi32, #tpu.memory_space<hbm>>) target(%arg8 : memref<80xi32, #tpu.memory_space<vmem>>) target_semaphore(%run_scoped3A : memref<!tpu.dma_semaphore, #tpu.memory_space<semaphore_mem>>)
          %dma_wait3A_158 = tpu.memref_slice %arg4[%mul3A_152] : memref<320000xi32, #tpu.memory_space<hbm>> -> memref<80xi32, #tpu.memory_space<hbm>>
          %dma_wait3A_159 = tpu.memref_slice %arg4[%mul3A_152] : memref<320000xi32, #tpu.memory_space<hbm>> -> memref<80xi32, #tpu.memory_space<hbm>>
          tpu.wait_dma2 semaphore(%run_scoped3A : memref<!tpu.dma_semaphore, #tpu.memory_space<semaphore_mem>>) src(%dma_wait3A_159 : memref<80xi32, #tpu.memory_space<hbm>>) dst(%arg8 : memref<80xi32, #tpu.memory_space<vmem>>)
          tpu.yield
        }) : () -> ()
        %dma_start3A_153 = arith.constant 0 : i32
        %dma_start3A_154 = arith.constant 0 : i32
        %dma_start3A_155 = tpu.memref_slice %arg2[%dma_start3A_153, %dma_start3A_154] : memref<10240x128xf32, #tpu.memory_space<hbm>> -> memref<10240x128xf32, #tpu.memory_space<hbm>>
        tpu.enqueue_indirect_dma source(%dma_start3A_155 : memref<10240x128xf32, #tpu.memory_space<hbm>>) target(%arg13 : memref<80x128xf32, #tpu.memory_space<vmem>>) offsets(%arg7 : memref<80xi32, #tpu.memory_space<vmem>>) semaphore(%arg17 : memref<!tpu.dma_semaphore, #tpu.memory_space<semaphore_mem>>)
      } else {
      }
      %add3A_124 = arith.constant 1 : i32
      %add3A_125 = arith.addi %mul3A_113, %add3A_124 : i32
      %dma_wait3A_126 = arith.constant 0 : i32
      %dma_wait3A_127 = arith.constant 0 : i32
      %dma_wait3A_128 = tpu.memref_slice %arg2[%dma_wait3A_126, %dma_wait3A_127] : memref<10240x128xf32, #tpu.memory_space<hbm>> -> memref<10240x128xf32, #tpu.memory_space<hbm>>
      tpu.wait_indirect_dma semaphore(%arg18 : memref<!tpu.dma_semaphore, #tpu.memory_space<semaphore_mem>>) src(%dma_wait3A_128 : memref<10240x128xf32, #tpu.memory_space<hbm>>) dst(%arg14 : memref<80x128xf32, #tpu.memory_space<vmem>>)
      "tpu.region"() ({
        %run_scoped3A = tpu.sem_alloc : memref<!tpu.dma_semaphore, #tpu.memory_space<semaphore_mem>>
        %dma_start3A_146 = arith.constant 0 : i32
        %dma_start3A_147 = arith.constant 0 : i32
        %dma_start3A_148 = tpu.memref_slice %arg16[%dma_start3A_146, %dma_start3A_147] : memref<10240x128xf32, #tpu.memory_space<vmem_shared>> -> memref<10240x128xf32, #tpu.memory_space<vmem_shared>>
        tpu.enqueue_indirect_dma source(%arg14 : memref<80x128xf32, #tpu.memory_space<vmem>>) target(%dma_start3A_148 : memref<10240x128xf32, #tpu.memory_space<vmem_shared>>) offsets(%arg10 : memref<80xi32, #tpu.memory_space<vmem>>) semaphore(%run_scoped3A : memref<!tpu.dma_semaphore, #tpu.memory_space<semaphore_mem>>) {add = true}
        %dma_wait3A_149 = arith.constant 0 : i32
        %dma_wait3A_150 = arith.constant 0 : i32
        %dma_wait3A_151 = tpu.memref_slice %arg16[%dma_wait3A_149, %dma_wait3A_150] : memref<10240x128xf32, #tpu.memory_space<vmem_shared>> -> memref<10240x128xf32, #tpu.memory_space<vmem_shared>>
        tpu.wait_indirect_dma semaphore(%run_scoped3A : memref<!tpu.dma_semaphore, #tpu.memory_space<semaphore_mem>>) src(%arg14 : memref<80x128xf32, #tpu.memory_space<vmem>>) dst(%dma_wait3A_151 : memref<10240x128xf32, #tpu.memory_space<vmem_shared>>)
        tpu.yield
      }) : () -> ()
      %add3A_129 = arith.constant 3 : i32
      %add3A_130 = arith.addi %add3A_125, %add3A_129 : i32
      %lt3A_131 = arith.cmpi slt, %add3A_130, %add3A_21 : i32
      %convert_element_type3A_132 = arith.extui %lt3A_131 : i1 to i32
      %cond3A_133 = arith.constant 0 : i32
      %cond3A_134 = arith.cmpi ne, %convert_element_type3A_132, %cond3A_133 : i32
      scf.if %cond3A_134 {
        %add3A_146 = arith.constant 3 : i32
        %add3A_147 = arith.addi %add3A_125, %add3A_146 : i32
        %mul3A_148 = arith.constant 32 : i32
        %mul3A_149 = arith.muli %mul3A_148, %add3A_147 : i32
        %add3A_150 = arith.addi %add3A, %mul3A_149 : i32
        %mul3A_151 = arith.constant 80 : i32
        %mul3A_152 = arith.muli %add3A_150, %mul3A_151 : i32
        "tpu.region"() ({
          %run_scoped3A = tpu.sem_alloc : memref<!tpu.dma_semaphore, #tpu.memory_space<semaphore_mem>>
          %dma_start3A_156 = tpu.memref_slice %arg3[%mul3A_152] : memref<320000xi32, #tpu.memory_space<hbm>> -> memref<80xi32, #tpu.memory_space<hbm>>
          %dma_start3A_157 = tpu.memref_slice %arg3[%mul3A_152] : memref<320000xi32, #tpu.memory_space<hbm>> -> memref<80xi32, #tpu.memory_space<hbm>>
          tpu.enqueue_dma source(%dma_start3A_157 : memref<80xi32, #tpu.memory_space<hbm>>) target(%arg9 : memref<80xi32, #tpu.memory_space<vmem>>) target_semaphore(%run_scoped3A : memref<!tpu.dma_semaphore, #tpu.memory_space<semaphore_mem>>)
          %dma_wait3A_158 = tpu.memref_slice %arg3[%mul3A_152] : memref<320000xi32, #tpu.memory_space<hbm>> -> memref<80xi32, #tpu.memory_space<hbm>>
          %dma_wait3A_159 = tpu.memref_slice %arg3[%mul3A_152] : memref<320000xi32, #tpu.memory_space<hbm>> -> memref<80xi32, #tpu.memory_space<hbm>>
          tpu.wait_dma2 semaphore(%run_scoped3A : memref<!tpu.dma_semaphore, #tpu.memory_space<semaphore_mem>>) src(%dma_wait3A_159 : memref<80xi32, #tpu.memory_space<hbm>>) dst(%arg9 : memref<80xi32, #tpu.memory_space<vmem>>)
          tpu.yield
        }) : () -> ()
        "tpu.region"() ({
          %run_scoped3A = tpu.sem_alloc : memref<!tpu.dma_semaphore, #tpu.memory_space<semaphore_mem>>
          %dma_start3A_156 = tpu.memref_slice %arg4[%mul3A_152] : memref<320000xi32, #tpu.memory_space<hbm>> -> memref<80xi32, #tpu.memory_space<hbm>>
          %dma_start3A_157 = tpu.memref_slice %arg4[%mul3A_152] : memref<320000xi32, #tpu.memory_space<hbm>> -> memref<80xi32, #tpu.memory_space<hbm>>
          tpu.enqueue_dma source(%dma_start3A_157 : memref<80xi32, #tpu.memory_space<hbm>>) target(%arg10 : memref<80xi32, #tpu.memory_space<vmem>>) target_semaphore(%run_scoped3A : memref<!tpu.dma_semaphore, #tpu.memory_space<semaphore_mem>>)
          %dma_wait3A_158 = tpu.memref_slice %arg4[%mul3A_152] : memref<320000xi32, #tpu.memory_space<hbm>> -> memref<80xi32, #tpu.memory_space<hbm>>
          %dma_wait3A_159 = tpu.memref_slice %arg4[%mul3A_152] : memref<320000xi32, #tpu.memory_space<hbm>> -> memref<80xi32, #tpu.memory_space<hbm>>
          tpu.wait_dma2 semaphore(%run_scoped3A : memref<!tpu.dma_semaphore, #tpu.memory_space<semaphore_mem>>) src(%dma_wait3A_159 : memref<80xi32, #tpu.memory_space<hbm>>) dst(%arg10 : memref<80xi32, #tpu.memory_space<vmem>>)
          tpu.yield
        }) : () -> ()
        %dma_start3A_153 = arith.constant 0 : i32
        %dma_start3A_154 = arith.constant 0 : i32
        %dma_start3A_155 = tpu.memref_slice %arg2[%dma_start3A_153, %dma_start3A_154] : memref<10240x128xf32, #tpu.memory_space<hbm>> -> memref<10240x128xf32, #tpu.memory_space<hbm>>
        tpu.enqueue_indirect_dma source(%dma_start3A_155 : memref<10240x128xf32, #tpu.memory_space<hbm>>) target(%arg14 : memref<80x128xf32, #tpu.memory_space<vmem>>) offsets(%arg9 : memref<80xi32, #tpu.memory_space<vmem>>) semaphore(%arg18 : memref<!tpu.dma_semaphore, #tpu.memory_space<semaphore_mem>>)
      } else {
      }
      %add3A_135 = arith.constant 2 : i32
      %add3A_136 = arith.addi %mul3A_113, %add3A_135 : i32
      %dma_wait3A_137 = arith.constant 0 : i32
      %dma_wait3A_138 = arith.constant 0 : i32
      %dma_wait3A_139 = tpu.memref_slice %arg2[%dma_wait3A_137, %dma_wait3A_138] : memref<10240x128xf32, #tpu.memory_space<hbm>> -> memref<10240x128xf32, #tpu.memory_space<hbm>>
      tpu.wait_indirect_dma semaphore(%arg19 : memref<!tpu.dma_semaphore, #tpu.memory_space<semaphore_mem>>) src(%dma_wait3A_139 : memref<10240x128xf32, #tpu.memory_space<hbm>>) dst(%arg15 : memref<80x128xf32, #tpu.memory_space<vmem>>)
      "tpu.region"() ({
        %run_scoped3A = tpu.sem_alloc : memref<!tpu.dma_semaphore, #tpu.memory_space<semaphore_mem>>
        %dma_start3A_146 = arith.constant 0 : i32
        %dma_start3A_147 = arith.constant 0 : i32
        %dma_start3A_148 = tpu.memref_slice %arg16[%dma_start3A_146, %dma_start3A_147] : memref<10240x128xf32, #tpu.memory_space<vmem_shared>> -> memref<10240x128xf32, #tpu.memory_space<vmem_shared>>
        tpu.enqueue_indirect_dma source(%arg15 : memref<80x128xf32, #tpu.memory_space<vmem>>) target(%dma_start3A_148 : memref<10240x128xf32, #tpu.memory_space<vmem_shared>>) offsets(%arg12 : memref<80xi32, #tpu.memory_space<vmem>>) semaphore(%run_scoped3A : memref<!tpu.dma_semaphore, #tpu.memory_space<semaphore_mem>>) {add = true}
        %dma_wait3A_149 = arith.constant 0 : i32
        %dma_wait3A_150 = arith.constant 0 : i32
        %dma_wait3A_151 = tpu.memref_slice %arg16[%dma_wait3A_149, %dma_wait3A_150] : memref<10240x128xf32, #tpu.memory_space<vmem_shared>> -> memref<10240x128xf32, #tpu.memory_space<vmem_shared>>
        tpu.wait_indirect_dma semaphore(%run_scoped3A : memref<!tpu.dma_semaphore, #tpu.memory_space<semaphore_mem>>) src(%arg15 : memref<80x128xf32, #tpu.memory_space<vmem>>) dst(%dma_wait3A_151 : memref<10240x128xf32, #tpu.memory_space<vmem_shared>>)
        tpu.yield
      }) : () -> ()
      %add3A_140 = arith.constant 3 : i32
      %add3A_141 = arith.addi %add3A_136, %add3A_140 : i32
      %lt3A_142 = arith.cmpi slt, %add3A_141, %add3A_21 : i32
      %convert_element_type3A_143 = arith.extui %lt3A_142 : i1 to i32
      %cond3A_144 = arith.constant 0 : i32
      %cond3A_145 = arith.cmpi ne, %convert_element_type3A_143, %cond3A_144 : i32
      scf.if %cond3A_145 {
        %add3A_146 = arith.constant 3 : i32
        %add3A_147 = arith.addi %add3A_136, %add3A_146 : i32
        %mul3A_148 = arith.constant 32 : i32
        %mul3A_149 = arith.muli %mul3A_148, %add3A_147 : i32
        %add3A_150 = arith.addi %add3A, %mul3A_149 : i32
        %mul3A_151 = arith.constant 80 : i32
        %mul3A_152 = arith.muli %add3A_150, %mul3A_151 : i32
        "tpu.region"() ({
          %run_scoped3A = tpu.sem_alloc : memref<!tpu.dma_semaphore, #tpu.memory_space<semaphore_mem>>
          %dma_start3A_156 = tpu.memref_slice %arg3[%mul3A_152] : memref<320000xi32, #tpu.memory_space<hbm>> -> memref<80xi32, #tpu.memory_space<hbm>>
          %dma_start3A_157 = tpu.memref_slice %arg3[%mul3A_152] : memref<320000xi32, #tpu.memory_space<hbm>> -> memref<80xi32, #tpu.memory_space<hbm>>
          tpu.enqueue_dma source(%dma_start3A_157 : memref<80xi32, #tpu.memory_space<hbm>>) target(%arg11 : memref<80xi32, #tpu.memory_space<vmem>>) target_semaphore(%run_scoped3A : memref<!tpu.dma_semaphore, #tpu.memory_space<semaphore_mem>>)
          %dma_wait3A_158 = tpu.memref_slice %arg3[%mul3A_152] : memref<320000xi32, #tpu.memory_space<hbm>> -> memref<80xi32, #tpu.memory_space<hbm>>
          %dma_wait3A_159 = tpu.memref_slice %arg3[%mul3A_152] : memref<320000xi32, #tpu.memory_space<hbm>> -> memref<80xi32, #tpu.memory_space<hbm>>
          tpu.wait_dma2 semaphore(%run_scoped3A : memref<!tpu.dma_semaphore, #tpu.memory_space<semaphore_mem>>) src(%dma_wait3A_159 : memref<80xi32, #tpu.memory_space<hbm>>) dst(%arg11 : memref<80xi32, #tpu.memory_space<vmem>>)
          tpu.yield
        }) : () -> ()
        "tpu.region"() ({
          %run_scoped3A = tpu.sem_alloc : memref<!tpu.dma_semaphore, #tpu.memory_space<semaphore_mem>>
          %dma_start3A_156 = tpu.memref_slice %arg4[%mul3A_152] : memref<320000xi32, #tpu.memory_space<hbm>> -> memref<80xi32, #tpu.memory_space<hbm>>
          %dma_start3A_157 = tpu.memref_slice %arg4[%mul3A_152] : memref<320000xi32, #tpu.memory_space<hbm>> -> memref<80xi32, #tpu.memory_space<hbm>>
          tpu.enqueue_dma source(%dma_start3A_157 : memref<80xi32, #tpu.memory_space<hbm>>) target(%arg12 : memref<80xi32, #tpu.memory_space<vmem>>) target_semaphore(%run_scoped3A : memref<!tpu.dma_semaphore, #tpu.memory_space<semaphore_mem>>)
          %dma_wait3A_158 = tpu.memref_slice %arg4[%mul3A_152] : memref<320000xi32, #tpu.memory_space<hbm>> -> memref<80xi32, #tpu.memory_space<hbm>>
          %dma_wait3A_159 = tpu.memref_slice %arg4[%mul3A_152] : memref<320000xi32, #tpu.memory_space<hbm>> -> memref<80xi32, #tpu.memory_space<hbm>>
          tpu.wait_dma2 semaphore(%run_scoped3A : memref<!tpu.dma_semaphore, #tpu.memory_space<semaphore_mem>>) src(%dma_wait3A_159 : memref<80xi32, #tpu.memory_space<hbm>>) dst(%arg12 : memref<80xi32, #tpu.memory_space<vmem>>)
          tpu.yield
        }) : () -> ()
        %dma_start3A_153 = arith.constant 0 : i32
        %dma_start3A_154 = arith.constant 0 : i32
        %dma_start3A_155 = tpu.memref_slice %arg2[%dma_start3A_153, %dma_start3A_154] : memref<10240x128xf32, #tpu.memory_space<hbm>> -> memref<10240x128xf32, #tpu.memory_space<hbm>>
        tpu.enqueue_indirect_dma source(%dma_start3A_155 : memref<10240x128xf32, #tpu.memory_space<hbm>>) target(%arg15 : memref<80x128xf32, #tpu.memory_space<vmem>>) offsets(%arg11 : memref<80xi32, #tpu.memory_space<vmem>>) semaphore(%arg19 : memref<!tpu.dma_semaphore, #tpu.memory_space<semaphore_mem>>)
      } else {
      }
    }
    %mul3A_67 = arith.constant 3 : i32
    %mul3A_68 = arith.muli %mul3A_67, %select_n3A : i32
    %sub3A_69 = arith.subi %add3A_21, %mul3A_68 : i32
    %ge3A = arith.constant 1 : i32
    %ge3A_70 = arith.cmpi sge, %sub3A_69, %ge3A : i32
    %convert_element_type3A_71 = arith.extui %ge3A_70 : i1 to i32
    %cond3A = arith.constant 0 : i32
    %cond3A_72 = arith.cmpi ne, %convert_element_type3A_71, %cond3A : i32
    scf.if %cond3A_72 {
      %dma_wait3A = arith.constant 0 : i32
      %dma_wait3A_111 = arith.constant 0 : i32
      %dma_wait3A_112 = tpu.memref_slice %arg2[%dma_wait3A, %dma_wait3A_111] : memref<10240x128xf32, #tpu.memory_space<hbm>> -> memref<10240x128xf32, #tpu.memory_space<hbm>>
      tpu.wait_indirect_dma semaphore(%arg17 : memref<!tpu.dma_semaphore, #tpu.memory_space<semaphore_mem>>) src(%dma_wait3A_112 : memref<10240x128xf32, #tpu.memory_space<hbm>>) dst(%arg13 : memref<80x128xf32, #tpu.memory_space<vmem>>)
      "tpu.region"() ({
        %run_scoped3A = tpu.sem_alloc : memref<!tpu.dma_semaphore, #tpu.memory_space<semaphore_mem>>
        %dma_start3A_113 = arith.constant 0 : i32
        %dma_start3A_114 = arith.constant 0 : i32
        %dma_start3A_115 = tpu.memref_slice %arg16[%dma_start3A_113, %dma_start3A_114] : memref<10240x128xf32, #tpu.memory_space<vmem_shared>> -> memref<10240x128xf32, #tpu.memory_space<vmem_shared>>
        tpu.enqueue_indirect_dma source(%arg13 : memref<80x128xf32, #tpu.memory_space<vmem>>) target(%dma_start3A_115 : memref<10240x128xf32, #tpu.memory_space<vmem_shared>>) offsets(%arg8 : memref<80xi32, #tpu.memory_space<vmem>>) semaphore(%run_scoped3A : memref<!tpu.dma_semaphore, #tpu.memory_space<semaphore_mem>>) {add = true}
        %dma_wait3A_116 = arith.constant 0 : i32
        %dma_wait3A_117 = arith.constant 0 : i32
        %dma_wait3A_118 = tpu.memref_slice %arg16[%dma_wait3A_116, %dma_wait3A_117] : memref<10240x128xf32, #tpu.memory_space<vmem_shared>> -> memref<10240x128xf32, #tpu.memory_space<vmem_shared>>
        tpu.wait_indirect_dma semaphore(%run_scoped3A : memref<!tpu.dma_semaphore, #tpu.memory_space<semaphore_mem>>) src(%arg13 : memref<80x128xf32, #tpu.memory_space<vmem>>) dst(%dma_wait3A_118 : memref<10240x128xf32, #tpu.memory_space<vmem_shared>>)
        tpu.yield
      }) : () -> ()
    } else {
    }
    %ge3A_73 = arith.constant 2 : i32
    %ge3A_74 = arith.cmpi sge, %sub3A_69, %ge3A_73 : i32
    %convert_element_type3A_75 = arith.extui %ge3A_74 : i1 to i32
    %cond3A_76 = arith.constant 0 : i32
    %cond3A_77 = arith.cmpi ne, %convert_element_type3A_75, %cond3A_76 : i32
    scf.if %cond3A_77 {
      %dma_wait3A = arith.constant 0 : i32
      %dma_wait3A_111 = arith.constant 0 : i32
      %dma_wait3A_112 = tpu.memref_slice %arg2[%dma_wait3A, %dma_wait3A_111] : memref<10240x128xf32, #tpu.memory_space<hbm>> -> memref<10240x128xf32, #tpu.memory_space<hbm>>
      tpu.wait_indirect_dma semaphore(%arg18 : memref<!tpu.dma_semaphore, #tpu.memory_space<semaphore_mem>>) src(%dma_wait3A_112 : memref<10240x128xf32, #tpu.memory_space<hbm>>) dst(%arg14 : memref<80x128xf32, #tpu.memory_space<vmem>>)
      "tpu.region"() ({
        %run_scoped3A = tpu.sem_alloc : memref<!tpu.dma_semaphore, #tpu.memory_space<semaphore_mem>>
        %dma_start3A_113 = arith.constant 0 : i32
        %dma_start3A_114 = arith.constant 0 : i32
        %dma_start3A_115 = tpu.memref_slice %arg16[%dma_start3A_113, %dma_start3A_114] : memref<10240x128xf32, #tpu.memory_space<vmem_shared>> -> memref<10240x128xf32, #tpu.memory_space<vmem_shared>>
        tpu.enqueue_indirect_dma source(%arg14 : memref<80x128xf32, #tpu.memory_space<vmem>>) target(%dma_start3A_115 : memref<10240x128xf32, #tpu.memory_space<vmem_shared>>) offsets(%arg10 : memref<80xi32, #tpu.memory_space<vmem>>) semaphore(%run_scoped3A : memref<!tpu.dma_semaphore, #tpu.memory_space<semaphore_mem>>) {add = true}
        %dma_wait3A_116 = arith.constant 0 : i32
        %dma_wait3A_117 = arith.constant 0 : i32
        %dma_wait3A_118 = tpu.memref_slice %arg16[%dma_wait3A_116, %dma_wait3A_117] : memref<10240x128xf32, #tpu.memory_space<vmem_shared>> -> memref<10240x128xf32, #tpu.memory_space<vmem_shared>>
        tpu.wait_indirect_dma semaphore(%run_scoped3A : memref<!tpu.dma_semaphore, #tpu.memory_space<semaphore_mem>>) src(%arg14 : memref<80x128xf32, #tpu.memory_space<vmem>>) dst(%dma_wait3A_118 : memref<10240x128xf32, #tpu.memory_space<vmem_shared>>)
        tpu.yield
      }) : () -> ()
    } else {
    }
    %barrier3A_78 = arith.constant 0 : index
    tpu.barrier barrier_id(%barrier3A_78)
    %add3A_79 = arith.constant 0 : i32
    %add3A_80 = arith.addi %mul3A_2, %add3A_79 : i32
    "tpu.region"() ({
      %run_scoped3A = tpu.sem_alloc : memref<!tpu.dma_semaphore, #tpu.memory_space<semaphore_mem>>
      %dma_start3A_111 = arith.constant 0 : i32
      %dma_start3A_112 = tpu.memref_slice %arg16[%add3A_80, %dma_start3A_111] : memref<10240x128xf32, #tpu.memory_space<vmem_shared>> -> memref<80x128xf32, #tpu.memory_space<vmem_shared>>
      %dma_start3A_113 = arith.constant 0 : i32
      %dma_start3A_114 = tpu.memref_slice %arg16[%add3A_80, %dma_start3A_113] : memref<10240x128xf32, #tpu.memory_space<vmem_shared>> -> memref<80x128xf32, #tpu.memory_space<vmem_shared>>
      tpu.enqueue_dma source(%dma_start3A_114 : memref<80x128xf32, #tpu.memory_space<vmem_shared>>) target(%arg13 : memref<80x128xf32, #tpu.memory_space<vmem>>) target_semaphore(%run_scoped3A : memref<!tpu.dma_semaphore, #tpu.memory_space<semaphore_mem>>)
      %dma_wait3A = arith.constant 0 : i32
      %dma_wait3A_115 = tpu.memref_slice %arg16[%add3A_80, %dma_wait3A] : memref<10240x128xf32, #tpu.memory_space<vmem_shared>> -> memref<80x128xf32, #tpu.memory_space<vmem_shared>>
      %dma_wait3A_116 = arith.constant 0 : i32
      %dma_wait3A_117 = tpu.memref_slice %arg16[%add3A_80, %dma_wait3A_116] : memref<10240x128xf32, #tpu.memory_space<vmem_shared>> -> memref<80x128xf32, #tpu.memory_space<vmem_shared>>
      tpu.wait_dma2 semaphore(%run_scoped3A : memref<!tpu.dma_semaphore, #tpu.memory_space<semaphore_mem>>) src(%dma_wait3A_117 : memref<80x128xf32, #tpu.memory_space<vmem_shared>>) dst(%arg13 : memref<80x128xf32, #tpu.memory_space<vmem>>)
      tpu.yield
    }) : () -> ()
    %add3A_81 = arith.constant 0 : i32
    %add3A_82 = arith.addi %mul3A_2, %add3A_81 : i32
    "tpu.region"() ({
      %run_scoped3A = tpu.sem_alloc : memref<!tpu.dma_semaphore, #tpu.memory_space<semaphore_mem>>
      %dma_start3A_111 = arith.constant 0 : i32
      %dma_start3A_112 = tpu.memref_slice %arg6[%arg0, %add3A_82, %dma_start3A_111] : memref<2x10240x128xf32, #tpu.memory_space<hbm>> -> memref<1x80x128xf32, #tpu.memory_space<hbm>>
      %dma_start3A_113 = tpu.memref_squeeze %dma_start3A_112 : memref<1x80x128xf32, #tpu.memory_space<hbm>> -> memref<80x128xf32, #tpu.memory_space<hbm>>
      %dma_start3A_114 = arith.constant 0 : i32
      %dma_start3A_115 = tpu.memref_slice %arg6[%arg0, %add3A_82, %dma_start3A_114] : memref<2x10240x128xf32, #tpu.memory_space<hbm>> -> memref<1x80x128xf32, #tpu.memory_space<hbm>>
      %dma_start3A_116 = tpu.memref_squeeze %dma_start3A_115 : memref<1x80x128xf32, #tpu.memory_space<hbm>> -> memref<80x128xf32, #tpu.memory_space<hbm>>
      tpu.enqueue_dma source(%arg13 : memref<80x128xf32, #tpu.memory_space<vmem>>) target(%dma_start3A_116 : memref<80x128xf32, #tpu.memory_space<hbm>>) target_semaphore(%run_scoped3A : memref<!tpu.dma_semaphore, #tpu.memory_space<semaphore_mem>>)
      %dma_wait3A = arith.constant 0 : i32
      %dma_wait3A_117 = tpu.memref_slice %arg6[%arg0, %add3A_82, %dma_wait3A] : memref<2x10240x128xf32, #tpu.memory_space<hbm>> -> memref<1x80x128xf32, #tpu.memory_space<hbm>>
      %dma_wait3A_118 = tpu.memref_squeeze %dma_wait3A_117 : memref<1x80x128xf32, #tpu.memory_space<hbm>> -> memref<80x128xf32, #tpu.memory_space<hbm>>
      %dma_wait3A_119 = arith.constant 0 : i32
      %dma_wait3A_120 = tpu.memref_slice %arg6[%arg0, %add3A_82, %dma_wait3A_119] : memref<2x10240x128xf32, #tpu.memory_space<hbm>> -> memref<1x80x128xf32, #tpu.memory_space<hbm>>
      %dma_wait3A_121 = tpu.memref_squeeze %dma_wait3A_120 : memref<1x80x128xf32, #tpu.memory_space<hbm>> -> memref<80x128xf32, #tpu.memory_space<hbm>>
      tpu.wait_dma2 semaphore(%run_scoped3A : memref<!tpu.dma_semaphore, #tpu.memory_space<semaphore_mem>>) src(%arg13 : memref<80x128xf32, #tpu.memory_space<vmem>>) dst(%dma_wait3A_121 : memref<80x128xf32, #tpu.memory_space<hbm>>)
      tpu.yield
    }) : () -> ()
    %add3A_83 = arith.constant 80 : i32
    %add3A_84 = arith.addi %mul3A_2, %add3A_83 : i32
    "tpu.region"() ({
      %run_scoped3A = tpu.sem_alloc : memref<!tpu.dma_semaphore, #tpu.memory_space<semaphore_mem>>
      %dma_start3A_111 = arith.constant 0 : i32
      %dma_start3A_112 = tpu.memref_slice %arg16[%add3A_84, %dma_start3A_111] : memref<10240x128xf32, #tpu.memory_space<vmem_shared>> -> memref<80x128xf32, #tpu.memory_space<vmem_shared>>
      %dma_start3A_113 = arith.constant 0 : i32
      %dma_start3A_114 = tpu.memref_slice %arg16[%add3A_84, %dma_start3A_113] : memref<10240x128xf32, #tpu.memory_space<vmem_shared>> -> memref<80x128xf32, #tpu.memory_space<vmem_shared>>
      tpu.enqueue_dma source(%dma_start3A_114 : memref<80x128xf32, #tpu.memory_space<vmem_shared>>) target(%arg13 : memref<80x128xf32, #tpu.memory_space<vmem>>) target_semaphore(%run_scoped3A : memref<!tpu.dma_semaphore, #tpu.memory_space<semaphore_mem>>)
      %dma_wait3A = arith.constant 0 : i32
      %dma_wait3A_115 = tpu.memref_slice %arg16[%add3A_84, %dma_wait3A] : memref<10240x128xf32, #tpu.memory_space<vmem_shared>> -> memref<80x128xf32, #tpu.memory_space<vmem_shared>>
      %dma_wait3A_116 = arith.constant 0 : i32
      %dma_wait3A_117 = tpu.memref_slice %arg16[%add3A_84, %dma_wait3A_116] : memref<10240x128xf32, #tpu.memory_space<vmem_shared>> -> memref<80x128xf32, #tpu.memory_space<vmem_shared>>
      tpu.wait_dma2 semaphore(%run_scoped3A : memref<!tpu.dma_semaphore, #tpu.memory_space<semaphore_mem>>) src(%dma_wait3A_117 : memref<80x128xf32, #tpu.memory_space<vmem_shared>>) dst(%arg13 : memref<80x128xf32, #tpu.memory_space<vmem>>)
      tpu.yield
    }) : () -> ()
    %add3A_85 = arith.constant 80 : i32
    %add3A_86 = arith.addi %mul3A_2, %add3A_85 : i32
    "tpu.region"() ({
      %run_scoped3A = tpu.sem_alloc : memref<!tpu.dma_semaphore, #tpu.memory_space<semaphore_mem>>
      %dma_start3A_111 = arith.constant 0 : i32
      %dma_start3A_112 = tpu.memref_slice %arg6[%arg0, %add3A_86, %dma_start3A_111] : memref<2x10240x128xf32, #tpu.memory_space<hbm>> -> memref<1x80x128xf32, #tpu.memory_space<hbm>>
      %dma_start3A_113 = tpu.memref_squeeze %dma_start3A_112 : memref<1x80x128xf32, #tpu.memory_space<hbm>> -> memref<80x128xf32, #tpu.memory_space<hbm>>
      %dma_start3A_114 = arith.constant 0 : i32
      %dma_start3A_115 = tpu.memref_slice %arg6[%arg0, %add3A_86, %dma_start3A_114] : memref<2x10240x128xf32, #tpu.memory_space<hbm>> -> memref<1x80x128xf32, #tpu.memory_space<hbm>>
      %dma_start3A_116 = tpu.memref_squeeze %dma_start3A_115 : memref<1x80x128xf32, #tpu.memory_space<hbm>> -> memref<80x128xf32, #tpu.memory_space<hbm>>
      tpu.enqueue_dma source(%arg13 : memref<80x128xf32, #tpu.memory_space<vmem>>) target(%dma_start3A_116 : memref<80x128xf32, #tpu.memory_space<hbm>>) target_semaphore(%run_scoped3A : memref<!tpu.dma_semaphore, #tpu.memory_space<semaphore_mem>>)
      %dma_wait3A = arith.constant 0 : i32
      %dma_wait3A_117 = tpu.memref_slice %arg6[%arg0, %add3A_86, %dma_wait3A] : memref<2x10240x128xf32, #tpu.memory_space<hbm>> -> memref<1x80x128xf32, #tpu.memory_space<hbm>>
      %dma_wait3A_118 = tpu.memref_squeeze %dma_wait3A_117 : memref<1x80x128xf32, #tpu.memory_space<hbm>> -> memref<80x128xf32, #tpu.memory_space<hbm>>
      %dma_wait3A_119 = arith.constant 0 : i32
      %dma_wait3A_120 = tpu.memref_slice %arg6[%arg0, %add3A_86, %dma_wait3A_119] : memref<2x10240x128xf32, #tpu.memory_space<hbm>> -> memref<1x80x128xf32, #tpu.memory_space<hbm>>
      %dma_wait3A_121 = tpu.memref_squeeze %dma_wait3A_120 : memref<1x80x128xf32, #tpu.memory_space<hbm>> -> memref<80x128xf32, #tpu.memory_space<hbm>>
      tpu.wait_dma2 semaphore(%run_scoped3A : memref<!tpu.dma_semaphore, #tpu.memory_space<semaphore_mem>>) src(%arg13 : memref<80x128xf32, #tpu.memory_space<vmem>>) dst(%dma_wait3A_121 : memref<80x128xf32, #tpu.memory_space<hbm>>)
      tpu.yield
    }) : () -> ()
    %add3A_87 = arith.constant 160 : i32
    %add3A_88 = arith.addi %mul3A_2, %add3A_87 : i32
    "tpu.region"() ({
      %run_scoped3A = tpu.sem_alloc : memref<!tpu.dma_semaphore, #tpu.memory_space<semaphore_mem>>
      %dma_start3A_111 = arith.constant 0 : i32
      %dma_start3A_112 = tpu.memref_slice %arg16[%add3A_88, %dma_start3A_111] : memref<10240x128xf32, #tpu.memory_space<vmem_shared>> -> memref<80x128xf32, #tpu.memory_space<vmem_shared>>
      %dma_start3A_113 = arith.constant 0 : i32
      %dma_start3A_114 = tpu.memref_slice %arg16[%add3A_88, %dma_start3A_113] : memref<10240x128xf32, #tpu.memory_space<vmem_shared>> -> memref<80x128xf32, #tpu.memory_space<vmem_shared>>
      tpu.enqueue_dma source(%dma_start3A_114 : memref<80x128xf32, #tpu.memory_space<vmem_shared>>) target(%arg13 : memref<80x128xf32, #tpu.memory_space<vmem>>) target_semaphore(%run_scoped3A : memref<!tpu.dma_semaphore, #tpu.memory_space<semaphore_mem>>)
      %dma_wait3A = arith.constant 0 : i32
      %dma_wait3A_115 = tpu.memref_slice %arg16[%add3A_88, %dma_wait3A] : memref<10240x128xf32, #tpu.memory_space<vmem_shared>> -> memref<80x128xf32, #tpu.memory_space<vmem_shared>>
      %dma_wait3A_116 = arith.constant 0 : i32
      %dma_wait3A_117 = tpu.memref_slice %arg16[%add3A_88, %dma_wait3A_116] : memref<10240x128xf32, #tpu.memory_space<vmem_shared>> -> memref<80x128xf32, #tpu.memory_space<vmem_shared>>
      tpu.wait_dma2 semaphore(%run_scoped3A : memref<!tpu.dma_semaphore, #tpu.memory_space<semaphore_mem>>) src(%dma_wait3A_117 : memref<80x128xf32, #tpu.memory_space<vmem_shared>>) dst(%arg13 : memref<80x128xf32, #tpu.memory_space<vmem>>)
      tpu.yield
    }) : () -> ()
    %add3A_89 = arith.constant 160 : i32
    %add3A_90 = arith.addi %mul3A_2, %add3A_89 : i32
    "tpu.region"() ({
      %run_scoped3A = tpu.sem_alloc : memref<!tpu.dma_semaphore, #tpu.memory_space<semaphore_mem>>
      %dma_start3A_111 = arith.constant 0 : i32
      %dma_start3A_112 = tpu.memref_slice %arg6[%arg0, %add3A_90, %dma_start3A_111] : memref<2x10240x128xf32, #tpu.memory_space<hbm>> -> memref<1x80x128xf32, #tpu.memory_space<hbm>>
      %dma_start3A_113 = tpu.memref_squeeze %dma_start3A_112 : memref<1x80x128xf32, #tpu.memory_space<hbm>> -> memref<80x128xf32, #tpu.memory_space<hbm>>
      %dma_start3A_114 = arith.constant 0 : i32
      %dma_start3A_115 = tpu.memref_slice %arg6[%arg0, %add3A_90, %dma_start3A_114] : memref<2x10240x128xf32, #tpu.memory_space<hbm>> -> memref<1x80x128xf32, #tpu.memory_space<hbm>>
      %dma_start3A_116 = tpu.memref_squeeze %dma_start3A_115 : memref<1x80x128xf32, #tpu.memory_space<hbm>> -> memref<80x128xf32, #tpu.memory_space<hbm>>
      tpu.enqueue_dma source(%arg13 : memref<80x128xf32, #tpu.memory_space<vmem>>) target(%dma_start3A_116 : memref<80x128xf32, #tpu.memory_space<hbm>>) target_semaphore(%run_scoped3A : memref<!tpu.dma_semaphore, #tpu.memory_space<semaphore_mem>>)
      %dma_wait3A = arith.constant 0 : i32
      %dma_wait3A_117 = tpu.memref_slice %arg6[%arg0, %add3A_90, %dma_wait3A] : memref<2x10240x128xf32, #tpu.memory_space<hbm>> -> memref<1x80x128xf32, #tpu.memory_space<hbm>>
      %dma_wait3A_118 = tpu.memref_squeeze %dma_wait3A_117 : memref<1x80x128xf32, #tpu.memory_space<hbm>> -> memref<80x128xf32, #tpu.memory_space<hbm>>
      %dma_wait3A_119 = arith.constant 0 : i32
      %dma_wait3A_120 = tpu.memref_slice %arg6[%arg0, %add3A_90, %dma_wait3A_119] : memref<2x10240x128xf32, #tpu.memory_space<hbm>> -> memref<1x80x128xf32, #tpu.memory_space<hbm>>
      %dma_wait3A_121 = tpu.memref_squeeze %dma_wait3A_120 : memref<1x80x128xf32, #tpu.memory_space<hbm>> -> memref<80x128xf32, #tpu.memory_space<hbm>>
      tpu.wait_dma2 semaphore(%run_scoped3A : memref<!tpu.dma_semaphore, #tpu.memory_space<semaphore_mem>>) src(%arg13 : memref<80x128xf32, #tpu.memory_space<vmem>>) dst(%dma_wait3A_121 : memref<80x128xf32, #tpu.memory_space<hbm>>)
      tpu.yield
    }) : () -> ()
    %add3A_91 = arith.constant 240 : i32
    %add3A_92 = arith.addi %mul3A_2, %add3A_91 : i32
    "tpu.region"() ({
      %run_scoped3A = tpu.sem_alloc : memref<!tpu.dma_semaphore, #tpu.memory_space<semaphore_mem>>
      %dma_start3A_111 = arith.constant 0 : i32
      %dma_start3A_112 = tpu.memref_slice %arg16[%add3A_92, %dma_start3A_111] : memref<10240x128xf32, #tpu.memory_space<vmem_shared>> -> memref<80x128xf32, #tpu.memory_space<vmem_shared>>
      %dma_start3A_113 = arith.constant 0 : i32
      %dma_start3A_114 = tpu.memref_slice %arg16[%add3A_92, %dma_start3A_113] : memref<10240x128xf32, #tpu.memory_space<vmem_shared>> -> memref<80x128xf32, #tpu.memory_space<vmem_shared>>
      tpu.enqueue_dma source(%dma_start3A_114 : memref<80x128xf32, #tpu.memory_space<vmem_shared>>) target(%arg13 : memref<80x128xf32, #tpu.memory_space<vmem>>) target_semaphore(%run_scoped3A : memref<!tpu.dma_semaphore, #tpu.memory_space<semaphore_mem>>)
      %dma_wait3A = arith.constant 0 : i32
      %dma_wait3A_115 = tpu.memref_slice %arg16[%add3A_92, %dma_wait3A] : memref<10240x128xf32, #tpu.memory_space<vmem_shared>> -> memref<80x128xf32, #tpu.memory_space<vmem_shared>>
      %dma_wait3A_116 = arith.constant 0 : i32
      %dma_wait3A_117 = tpu.memref_slice %arg16[%add3A_92, %dma_wait3A_116] : memref<10240x128xf32, #tpu.memory_space<vmem_shared>> -> memref<80x128xf32, #tpu.memory_space<vmem_shared>>
      tpu.wait_dma2 semaphore(%run_scoped3A : memref<!tpu.dma_semaphore, #tpu.memory_space<semaphore_mem>>) src(%dma_wait3A_117 : memref<80x128xf32, #tpu.memory_space<vmem_shared>>) dst(%arg13 : memref<80x128xf32, #tpu.memory_space<vmem>>)
      tpu.yield
    }) : () -> ()
    %add3A_93 = arith.constant 240 : i32
    %add3A_94 = arith.addi %mul3A_2, %add3A_93 : i32
    "tpu.region"() ({
      %run_scoped3A = tpu.sem_alloc : memref<!tpu.dma_semaphore, #tpu.memory_space<semaphore_mem>>
      %dma_start3A_111 = arith.constant 0 : i32
      %dma_start3A_112 = tpu.memref_slice %arg6[%arg0, %add3A_94, %dma_start3A_111] : memref<2x10240x128xf32, #tpu.memory_space<hbm>> -> memref<1x80x128xf32, #tpu.memory_space<hbm>>
      %dma_start3A_113 = tpu.memref_squeeze %dma_start3A_112 : memref<1x80x128xf32, #tpu.memory_space<hbm>> -> memref<80x128xf32, #tpu.memory_space<hbm>>
      %dma_start3A_114 = arith.constant 0 : i32
      %dma_start3A_115 = tpu.memref_slice %arg6[%arg0, %add3A_94, %dma_start3A_114] : memref<2x10240x128xf32, #tpu.memory_space<hbm>> -> memref<1x80x128xf32, #tpu.memory_space<hbm>>
      %dma_start3A_116 = tpu.memref_squeeze %dma_start3A_115 : memref<1x80x128xf32, #tpu.memory_space<hbm>> -> memref<80x128xf32, #tpu.memory_space<hbm>>
      tpu.enqueue_dma source(%arg13 : memref<80x128xf32, #tpu.memory_space<vmem>>) target(%dma_start3A_116 : memref<80x128xf32, #tpu.memory_space<hbm>>) target_semaphore(%run_scoped3A : memref<!tpu.dma_semaphore, #tpu.memory_space<semaphore_mem>>)
      %dma_wait3A = arith.constant 0 : i32
      %dma_wait3A_117 = tpu.memref_slice %arg6[%arg0, %add3A_94, %dma_wait3A] : memref<2x10240x128xf32, #tpu.memory_space<hbm>> -> memref<1x80x128xf32, #tpu.memory_space<hbm>>
      %dma_wait3A_118 = tpu.memref_squeeze %dma_wait3A_117 : memref<1x80x128xf32, #tpu.memory_space<hbm>> -> memref<80x128xf32, #tpu.memory_space<hbm>>
      %dma_wait3A_119 = arith.constant 0 : i32
      %dma_wait3A_120 = tpu.memref_slice %arg6[%arg0, %add3A_94, %dma_wait3A_119] : memref<2x10240x128xf32, #tpu.memory_space<hbm>> -> memref<1x80x128xf32, #tpu.memory_space<hbm>>
      %dma_wait3A_121 = tpu.memref_squeeze %dma_wait3A_120 : memref<1x80x128xf32, #tpu.memory_space<hbm>> -> memref<80x128xf32, #tpu.memory_space<hbm>>
      tpu.wait_dma2 semaphore(%run_scoped3A : memref<!tpu.dma_semaphore, #tpu.memory_space<semaphore_mem>>) src(%arg13 : memref<80x128xf32, #tpu.memory_space<vmem>>) dst(%dma_wait3A_121 : memref<80x128xf32, #tpu.memory_space<hbm>>)
      tpu.yield
    }) : () -> ()
    %add3A_95 = arith.constant 320 : i32
    %add3A_96 = arith.addi %mul3A_2, %add3A_95 : i32
    "tpu.region"() ({
      %run_scoped3A = tpu.sem_alloc : memref<!tpu.dma_semaphore, #tpu.memory_space<semaphore_mem>>
      %dma_start3A_111 = arith.constant 0 : i32
      %dma_start3A_112 = tpu.memref_slice %arg16[%add3A_96, %dma_start3A_111] : memref<10240x128xf32, #tpu.memory_space<vmem_shared>> -> memref<80x128xf32, #tpu.memory_space<vmem_shared>>
      %dma_start3A_113 = arith.constant 0 : i32
      %dma_start3A_114 = tpu.memref_slice %arg16[%add3A_96, %dma_start3A_113] : memref<10240x128xf32, #tpu.memory_space<vmem_shared>> -> memref<80x128xf32, #tpu.memory_space<vmem_shared>>
      tpu.enqueue_dma source(%dma_start3A_114 : memref<80x128xf32, #tpu.memory_space<vmem_shared>>) target(%arg13 : memref<80x128xf32, #tpu.memory_space<vmem>>) target_semaphore(%run_scoped3A : memref<!tpu.dma_semaphore, #tpu.memory_space<semaphore_mem>>)
      %dma_wait3A = arith.constant 0 : i32
      %dma_wait3A_115 = tpu.memref_slice %arg16[%add3A_96, %dma_wait3A] : memref<10240x128xf32, #tpu.memory_space<vmem_shared>> -> memref<80x128xf32, #tpu.memory_space<vmem_shared>>
      %dma_wait3A_116 = arith.constant 0 : i32
      %dma_wait3A_117 = tpu.memref_slice %arg16[%add3A_96, %dma_wait3A_116] : memref<10240x128xf32, #tpu.memory_space<vmem_shared>> -> memref<80x128xf32, #tpu.memory_space<vmem_shared>>
      tpu.wait_dma2 semaphore(%run_scoped3A : memref<!tpu.dma_semaphore, #tpu.memory_space<semaphore_mem>>) src(%dma_wait3A_117 : memref<80x128xf32, #tpu.memory_space<vmem_shared>>) dst(%arg13 : memref<80x128xf32, #tpu.memory_space<vmem>>)
      tpu.yield
    }) : () -> ()
    %add3A_97 = arith.constant 320 : i32
    %add3A_98 = arith.addi %mul3A_2, %add3A_97 : i32
    "tpu.region"() ({
      %run_scoped3A = tpu.sem_alloc : memref<!tpu.dma_semaphore, #tpu.memory_space<semaphore_mem>>
      %dma_start3A_111 = arith.constant 0 : i32
      %dma_start3A_112 = tpu.memref_slice %arg6[%arg0, %add3A_98, %dma_start3A_111] : memref<2x10240x128xf32, #tpu.memory_space<hbm>> -> memref<1x80x128xf32, #tpu.memory_space<hbm>>
      %dma_start3A_113 = tpu.memref_squeeze %dma_start3A_112 : memref<1x80x128xf32, #tpu.memory_space<hbm>> -> memref<80x128xf32, #tpu.memory_space<hbm>>
      %dma_start3A_114 = arith.constant 0 : i32
      %dma_start3A_115 = tpu.memref_slice %arg6[%arg0, %add3A_98, %dma_start3A_114] : memref<2x10240x128xf32, #tpu.memory_space<hbm>> -> memref<1x80x128xf32, #tpu.memory_space<hbm>>
      %dma_start3A_116 = tpu.memref_squeeze %dma_start3A_115 : memref<1x80x128xf32, #tpu.memory_space<hbm>> -> memref<80x128xf32, #tpu.memory_space<hbm>>
      tpu.enqueue_dma source(%arg13 : memref<80x128xf32, #tpu.memory_space<vmem>>) target(%dma_start3A_116 : memref<80x128xf32, #tpu.memory_space<hbm>>) target_semaphore(%run_scoped3A : memref<!tpu.dma_semaphore, #tpu.memory_space<semaphore_mem>>)
      %dma_wait3A = arith.constant 0 : i32
      %dma_wait3A_117 = tpu.memref_slice %arg6[%arg0, %add3A_98, %dma_wait3A] : memref<2x10240x128xf32, #tpu.memory_space<hbm>> -> memref<1x80x128xf32, #tpu.memory_space<hbm>>
      %dma_wait3A_118 = tpu.memref_squeeze %dma_wait3A_117 : memref<1x80x128xf32, #tpu.memory_space<hbm>> -> memref<80x128xf32, #tpu.memory_space<hbm>>
      %dma_wait3A_119 = arith.constant 0 : i32
      %dma_wait3A_120 = tpu.memref_slice %arg6[%arg0, %add3A_98, %dma_wait3A_119] : memref<2x10240x128xf32, #tpu.memory_space<hbm>> -> memref<1x80x128xf32, #tpu.memory_space<hbm>>
      %dma_wait3A_121 = tpu.memref_squeeze %dma_wait3A_120 : memref<1x80x128xf32, #tpu.memory_space<hbm>> -> memref<80x128xf32, #tpu.memory_space<hbm>>
      tpu.wait_dma2 semaphore(%run_scoped3A : memref<!tpu.dma_semaphore, #tpu.memory_space<semaphore_mem>>) src(%arg13 : memref<80x128xf32, #tpu.memory_space<vmem>>) dst(%dma_wait3A_121 : memref<80x128xf32, #tpu.memory_space<hbm>>)
      tpu.yield
    }) : () -> ()
    %add3A_99 = arith.constant 400 : i32
    %add3A_100 = arith.addi %mul3A_2, %add3A_99 : i32
    "tpu.region"() ({
      %run_scoped3A = tpu.sem_alloc : memref<!tpu.dma_semaphore, #tpu.memory_space<semaphore_mem>>
      %dma_start3A_111 = arith.constant 0 : i32
      %dma_start3A_112 = tpu.memref_slice %arg16[%add3A_100, %dma_start3A_111] : memref<10240x128xf32, #tpu.memory_space<vmem_shared>> -> memref<80x128xf32, #tpu.memory_space<vmem_shared>>
      %dma_start3A_113 = arith.constant 0 : i32
      %dma_start3A_114 = tpu.memref_slice %arg16[%add3A_100, %dma_start3A_113] : memref<10240x128xf32, #tpu.memory_space<vmem_shared>> -> memref<80x128xf32, #tpu.memory_space<vmem_shared>>
      tpu.enqueue_dma source(%dma_start3A_114 : memref<80x128xf32, #tpu.memory_space<vmem_shared>>) target(%arg13 : memref<80x128xf32, #tpu.memory_space<vmem>>) target_semaphore(%run_scoped3A : memref<!tpu.dma_semaphore, #tpu.memory_space<semaphore_mem>>)
      %dma_wait3A = arith.constant 0 : i32
      %dma_wait3A_115 = tpu.memref_slice %arg16[%add3A_100, %dma_wait3A] : memref<10240x128xf32, #tpu.memory_space<vmem_shared>> -> memref<80x128xf32, #tpu.memory_space<vmem_shared>>
      %dma_wait3A_116 = arith.constant 0 : i32
      %dma_wait3A_117 = tpu.memref_slice %arg16[%add3A_100, %dma_wait3A_116] : memref<10240x128xf32, #tpu.memory_space<vmem_shared>> -> memref<80x128xf32, #tpu.memory_space<vmem_shared>>
      tpu.wait_dma2 semaphore(%run_scoped3A : memref<!tpu.dma_semaphore, #tpu.memory_space<semaphore_mem>>) src(%dma_wait3A_117 : memref<80x128xf32, #tpu.memory_space<vmem_shared>>) dst(%arg13 : memref<80x128xf32, #tpu.memory_space<vmem>>)
      tpu.yield
    }) : () -> ()
    %add3A_101 = arith.constant 400 : i32
    %add3A_102 = arith.addi %mul3A_2, %add3A_101 : i32
    "tpu.region"() ({
      %run_scoped3A = tpu.sem_alloc : memref<!tpu.dma_semaphore, #tpu.memory_space<semaphore_mem>>
      %dma_start3A_111 = arith.constant 0 : i32
      %dma_start3A_112 = tpu.memref_slice %arg6[%arg0, %add3A_102, %dma_start3A_111] : memref<2x10240x128xf32, #tpu.memory_space<hbm>> -> memref<1x80x128xf32, #tpu.memory_space<hbm>>
      %dma_start3A_113 = tpu.memref_squeeze %dma_start3A_112 : memref<1x80x128xf32, #tpu.memory_space<hbm>> -> memref<80x128xf32, #tpu.memory_space<hbm>>
      %dma_start3A_114 = arith.constant 0 : i32
      %dma_start3A_115 = tpu.memref_slice %arg6[%arg0, %add3A_102, %dma_start3A_114] : memref<2x10240x128xf32, #tpu.memory_space<hbm>> -> memref<1x80x128xf32, #tpu.memory_space<hbm>>
      %dma_start3A_116 = tpu.memref_squeeze %dma_start3A_115 : memref<1x80x128xf32, #tpu.memory_space<hbm>> -> memref<80x128xf32, #tpu.memory_space<hbm>>
      tpu.enqueue_dma source(%arg13 : memref<80x128xf32, #tpu.memory_space<vmem>>) target(%dma_start3A_116 : memref<80x128xf32, #tpu.memory_space<hbm>>) target_semaphore(%run_scoped3A : memref<!tpu.dma_semaphore, #tpu.memory_space<semaphore_mem>>)
      %dma_wait3A = arith.constant 0 : i32
      %dma_wait3A_117 = tpu.memref_slice %arg6[%arg0, %add3A_102, %dma_wait3A] : memref<2x10240x128xf32, #tpu.memory_space<hbm>> -> memref<1x80x128xf32, #tpu.memory_space<hbm>>
      %dma_wait3A_118 = tpu.memref_squeeze %dma_wait3A_117 : memref<1x80x128xf32, #tpu.memory_space<hbm>> -> memref<80x128xf32, #tpu.memory_space<hbm>>
      %dma_wait3A_119 = arith.constant 0 : i32
      %dma_wait3A_120 = tpu.memref_slice %arg6[%arg0, %add3A_102, %dma_wait3A_119] : memref<2x10240x128xf32, #tpu.memory_space<hbm>> -> memref<1x80x128xf32, #tpu.memory_space<hbm>>
      %dma_wait3A_121 = tpu.memref_squeeze %dma_wait3A_120 : memref<1x80x128xf32, #tpu.memory_space<hbm>> -> memref<80x128xf32, #tpu.memory_space<hbm>>
      tpu.wait_dma2 semaphore(%run_scoped3A : memref<!tpu.dma_semaphore, #tpu.memory_space<semaphore_mem>>) src(%arg13 : memref<80x128xf32, #tpu.memory_space<vmem>>) dst(%dma_wait3A_121 : memref<80x128xf32, #tpu.memory_space<hbm>>)
      tpu.yield
    }) : () -> ()
    %add3A_103 = arith.constant 480 : i32
    %add3A_104 = arith.addi %mul3A_2, %add3A_103 : i32
    "tpu.region"() ({
      %run_scoped3A = tpu.sem_alloc : memref<!tpu.dma_semaphore, #tpu.memory_space<semaphore_mem>>
      %dma_start3A_111 = arith.constant 0 : i32
      %dma_start3A_112 = tpu.memref_slice %arg16[%add3A_104, %dma_start3A_111] : memref<10240x128xf32, #tpu.memory_space<vmem_shared>> -> memref<80x128xf32, #tpu.memory_space<vmem_shared>>
      %dma_start3A_113 = arith.constant 0 : i32
      %dma_start3A_114 = tpu.memref_slice %arg16[%add3A_104, %dma_start3A_113] : memref<10240x128xf32, #tpu.memory_space<vmem_shared>> -> memref<80x128xf32, #tpu.memory_space<vmem_shared>>
      tpu.enqueue_dma source(%dma_start3A_114 : memref<80x128xf32, #tpu.memory_space<vmem_shared>>) target(%arg13 : memref<80x128xf32, #tpu.memory_space<vmem>>) target_semaphore(%run_scoped3A : memref<!tpu.dma_semaphore, #tpu.memory_space<semaphore_mem>>)
      %dma_wait3A = arith.constant 0 : i32
      %dma_wait3A_115 = tpu.memref_slice %arg16[%add3A_104, %dma_wait3A] : memref<10240x128xf32, #tpu.memory_space<vmem_shared>> -> memref<80x128xf32, #tpu.memory_space<vmem_shared>>
      %dma_wait3A_116 = arith.constant 0 : i32
      %dma_wait3A_117 = tpu.memref_slice %arg16[%add3A_104, %dma_wait3A_116] : memref<10240x128xf32, #tpu.memory_space<vmem_shared>> -> memref<80x128xf32, #tpu.memory_space<vmem_shared>>
      tpu.wait_dma2 semaphore(%run_scoped3A : memref<!tpu.dma_semaphore, #tpu.memory_space<semaphore_mem>>) src(%dma_wait3A_117 : memref<80x128xf32, #tpu.memory_space<vmem_shared>>) dst(%arg13 : memref<80x128xf32, #tpu.memory_space<vmem>>)
      tpu.yield
    }) : () -> ()
    %add3A_105 = arith.constant 480 : i32
    %add3A_106 = arith.addi %mul3A_2, %add3A_105 : i32
    "tpu.region"() ({
      %run_scoped3A = tpu.sem_alloc : memref<!tpu.dma_semaphore, #tpu.memory_space<semaphore_mem>>
      %dma_start3A_111 = arith.constant 0 : i32
      %dma_start3A_112 = tpu.memref_slice %arg6[%arg0, %add3A_106, %dma_start3A_111] : memref<2x10240x128xf32, #tpu.memory_space<hbm>> -> memref<1x80x128xf32, #tpu.memory_space<hbm>>
      %dma_start3A_113 = tpu.memref_squeeze %dma_start3A_112 : memref<1x80x128xf32, #tpu.memory_space<hbm>> -> memref<80x128xf32, #tpu.memory_space<hbm>>
      %dma_start3A_114 = arith.constant 0 : i32
      %dma_start3A_115 = tpu.memref_slice %arg6[%arg0, %add3A_106, %dma_start3A_114] : memref<2x10240x128xf32, #tpu.memory_space<hbm>> -> memref<1x80x128xf32, #tpu.memory_space<hbm>>
      %dma_start3A_116 = tpu.memref_squeeze %dma_start3A_115 : memref<1x80x128xf32, #tpu.memory_space<hbm>> -> memref<80x128xf32, #tpu.memory_space<hbm>>
      tpu.enqueue_dma source(%arg13 : memref<80x128xf32, #tpu.memory_space<vmem>>) target(%dma_start3A_116 : memref<80x128xf32, #tpu.memory_space<hbm>>) target_semaphore(%run_scoped3A : memref<!tpu.dma_semaphore, #tpu.memory_space<semaphore_mem>>)
      %dma_wait3A = arith.constant 0 : i32
      %dma_wait3A_117 = tpu.memref_slice %arg6[%arg0, %add3A_106, %dma_wait3A] : memref<2x10240x128xf32, #tpu.memory_space<hbm>> -> memref<1x80x128xf32, #tpu.memory_space<hbm>>
      %dma_wait3A_118 = tpu.memref_squeeze %dma_wait3A_117 : memref<1x80x128xf32, #tpu.memory_space<hbm>> -> memref<80x128xf32, #tpu.memory_space<hbm>>
      %dma_wait3A_119 = arith.constant 0 : i32
      %dma_wait3A_120 = tpu.memref_slice %arg6[%arg0, %add3A_106, %dma_wait3A_119] : memref<2x10240x128xf32, #tpu.memory_space<hbm>> -> memref<1x80x128xf32, #tpu.memory_space<hbm>>
      %dma_wait3A_121 = tpu.memref_squeeze %dma_wait3A_120 : memref<1x80x128xf32, #tpu.memory_space<hbm>> -> memref<80x128xf32, #tpu.memory_space<hbm>>
      tpu.wait_dma2 semaphore(%run_scoped3A : memref<!tpu.dma_semaphore, #tpu.memory_space<semaphore_mem>>) src(%arg13 : memref<80x128xf32, #tpu.memory_space<vmem>>) dst(%dma_wait3A_121 : memref<80x128xf32, #tpu.memory_space<hbm>>)
      tpu.yield
    }) : () -> ()
    %add3A_107 = arith.constant 560 : i32
    %add3A_108 = arith.addi %mul3A_2, %add3A_107 : i32
    "tpu.region"() ({
      %run_scoped3A = tpu.sem_alloc : memref<!tpu.dma_semaphore, #tpu.memory_space<semaphore_mem>>
      %dma_start3A_111 = arith.constant 0 : i32
      %dma_start3A_112 = tpu.memref_slice %arg16[%add3A_108, %dma_start3A_111] : memref<10240x128xf32, #tpu.memory_space<vmem_shared>> -> memref<80x128xf32, #tpu.memory_space<vmem_shared>>
      %dma_start3A_113 = arith.constant 0 : i32
      %dma_start3A_114 = tpu.memref_slice %arg16[%add3A_108, %dma_start3A_113] : memref<10240x128xf32, #tpu.memory_space<vmem_shared>> -> memref<80x128xf32, #tpu.memory_space<vmem_shared>>
      tpu.enqueue_dma source(%dma_start3A_114 : memref<80x128xf32, #tpu.memory_space<vmem_shared>>) target(%arg13 : memref<80x128xf32, #tpu.memory_space<vmem>>) target_semaphore(%run_scoped3A : memref<!tpu.dma_semaphore, #tpu.memory_space<semaphore_mem>>)
      %dma_wait3A = arith.constant 0 : i32
      %dma_wait3A_115 = tpu.memref_slice %arg16[%add3A_108, %dma_wait3A] : memref<10240x128xf32, #tpu.memory_space<vmem_shared>> -> memref<80x128xf32, #tpu.memory_space<vmem_shared>>
      %dma_wait3A_116 = arith.constant 0 : i32
      %dma_wait3A_117 = tpu.memref_slice %arg16[%add3A_108, %dma_wait3A_116] : memref<10240x128xf32, #tpu.memory_space<vmem_shared>> -> memref<80x128xf32, #tpu.memory_space<vmem_shared>>
      tpu.wait_dma2 semaphore(%run_scoped3A : memref<!tpu.dma_semaphore, #tpu.memory_space<semaphore_mem>>) src(%dma_wait3A_117 : memref<80x128xf32, #tpu.memory_space<vmem_shared>>) dst(%arg13 : memref<80x128xf32, #tpu.memory_space<vmem>>)
      tpu.yield
    }) : () -> ()
    %add3A_109 = arith.constant 560 : i32
    %add3A_110 = arith.addi %mul3A_2, %add3A_109 : i32
    "tpu.region"() ({
      %run_scoped3A = tpu.sem_alloc : memref<!tpu.dma_semaphore, #tpu.memory_space<semaphore_mem>>
      %dma_start3A_111 = arith.constant 0 : i32
      %dma_start3A_112 = tpu.memref_slice %arg6[%arg0, %add3A_110, %dma_start3A_111] : memref<2x10240x128xf32, #tpu.memory_space<hbm>> -> memref<1x80x128xf32, #tpu.memory_space<hbm>>
      %dma_start3A_113 = tpu.memref_squeeze %dma_start3A_112 : memref<1x80x128xf32, #tpu.memory_space<hbm>> -> memref<80x128xf32, #tpu.memory_space<hbm>>
      %dma_start3A_114 = arith.constant 0 : i32
      %dma_start3A_115 = tpu.memref_slice %arg6[%arg0, %add3A_110, %dma_start3A_114] : memref<2x10240x128xf32, #tpu.memory_space<hbm>> -> memref<1x80x128xf32, #tpu.memory_space<hbm>>
      %dma_start3A_116 = tpu.memref_squeeze %dma_start3A_115 : memref<1x80x128xf32, #tpu.memory_space<hbm>> -> memref<80x128xf32, #tpu.memory_space<hbm>>
      tpu.enqueue_dma source(%arg13 : memref<80x128xf32, #tpu.memory_space<vmem>>) target(%dma_start3A_116 : memref<80x128xf32, #tpu.memory_space<hbm>>) target_semaphore(%run_scoped3A : memref<!tpu.dma_semaphore, #tpu.memory_space<semaphore_mem>>)
      %dma_wait3A = arith.constant 0 : i32
      %dma_wait3A_117 = tpu.memref_slice %arg6[%arg0, %add3A_110, %dma_wait3A] : memref<2x10240x128xf32, #tpu.memory_space<hbm>> -> memref<1x80x128xf32, #tpu.memory_space<hbm>>
      %dma_wait3A_118 = tpu.memref_squeeze %dma_wait3A_117 : memref<1x80x128xf32, #tpu.memory_space<hbm>> -> memref<80x128xf32, #tpu.memory_space<hbm>>
      %dma_wait3A_119 = arith.constant 0 : i32
      %dma_wait3A_120 = tpu.memref_slice %arg6[%arg0, %add3A_110, %dma_wait3A_119] : memref<2x10240x128xf32, #tpu.memory_space<hbm>> -> memref<1x80x128xf32, #tpu.memory_space<hbm>>
      %dma_wait3A_121 = tpu.memref_squeeze %dma_wait3A_120 : memref<1x80x128xf32, #tpu.memory_space<hbm>> -> memref<80x128xf32, #tpu.memory_space<hbm>>
      tpu.wait_dma2 semaphore(%run_scoped3A : memref<!tpu.dma_semaphore, #tpu.memory_space<semaphore_mem>>) src(%arg13 : memref<80x128xf32, #tpu.memory_space<vmem>>) dst(%dma_wait3A_121 : memref<80x128xf32, #tpu.memory_space<hbm>>)
      tpu.yield
    }) : () -> ()
    return
  }
}

module attributes {stable_mosaic.version = 14 : i64} {
  func.func @_tc_in_body(%arg0: i32, %arg1: memref<1024x128xf32, #tpu.memory_space<vmem>>, %arg2: memref<128x128xf32, #tpu.memory_space<vmem>>, %arg3: memref<1x128xf32, #tpu.memory_space<vmem>>, %arg4: memref<2x1024xf32, #tpu.memory_space<vmem>>, %arg5: memref<1024x128xf32, #tpu.memory_space<vmem>>) attributes {dimension_semantics = [#tpu.dimension_semantics<arbitrary>], iteration_bounds = array<i64: 10>, scalar_prefetch = 0 : i64, scratch_operands = 0 : i64, tpu.core_type = #tpu.core_type<tc>, window_params = [{transform_indices = @transform_0, window_bounds = array<i64: 1024, 128>}, {pipeline_mode = #tpu.pipeline_mode<synchronous>, transform_indices = @transform_1, window_bounds = array<i64: 128, 128>}, {pipeline_mode = #tpu.pipeline_mode<synchronous>, transform_indices = @transform_2, window_bounds = array<i64: 1, 128>}, {transform_indices = @transform_3, window_bounds = array<i64: 2, 1024>}, {transform_indices = @transform_4, window_bounds = array<i64: 1024, 128>}]} {
    %get3A = arith.constant 0 : index
    %get3A_0 = arith.constant 0 : index
    %get3A_1 = vector.load %arg4[%get3A, %get3A_0] : memref<2x1024xf32, #tpu.memory_space<vmem>>, vector<2x1024xf32>
    %slice3A = vector.extract_strided_slice %get3A_1 {offsets = [0, 0], sizes = [1, 1024], strides = [1, 1]} : vector<2x1024xf32> to vector<1x1024xf32>
    %squeeze3A = vector.shape_cast %slice3A : vector<1x1024xf32> to vector<1024xf32>
    %slice3A_2 = vector.extract_strided_slice %get3A_1 {offsets = [1, 0], sizes = [1, 1024], strides = [1, 1]} : vector<2x1024xf32> to vector<1x1024xf32>
    %squeeze3A_3 = vector.shape_cast %slice3A_2 : vector<1x1024xf32> to vector<1024xf32>
    %add3A = arith.addf %squeeze3A, %squeeze3A_3 : vector<1024xf32>
    %gt3A = arith.constant 0.000000e+00 : f32
    %gt3A_4 = vector.broadcast %gt3A : f32 to vector<1024xf32>
    %gt3A_5 = arith.cmpf ogt, %add3A, %gt3A_4 : vector<1024xf32>
    %max3A = arith.constant 1.000000e+00 : f32
    %max3A_6 = vector.broadcast %max3A : f32 to vector<1024xf32>
    %max3A_7 = arith.maximumf %add3A, %max3A_6 : vector<1024xf32>
    %sqrt3A = math.sqrt %max3A_7 : vector<1024xf32>
    %div3A = arith.constant 1.000000e+00 : f32
    %div3A_8 = vector.broadcast %div3A : f32 to vector<1024xf32>
    %div3A_9 = arith.divf %div3A_8, %sqrt3A : vector<1024xf32>
    %jit3A = arith.constant 0.000000e+00 : f32
    %broadcast_in_dim3A = vector.broadcast %jit3A : f32 to vector<1024xf32>
    %select_n3A = arith.select %gt3A_5, %div3A_9, %broadcast_in_dim3A : vector<1024xi1>, vector<1024xf32>
    %get3A_10 = arith.constant 0 : index
    %get3A_11 = arith.constant 0 : index
    %get3A_12 = vector.load %arg1[%get3A_10, %get3A_11] : memref<1024x128xf32, #tpu.memory_space<vmem>>, vector<1024x128xf32>
    %get3A_13 = arith.constant 0 : index
    %get3A_14 = arith.constant 0 : index
    %get3A_15 = vector.load %arg2[%get3A_13, %get3A_14] : memref<128x128xf32, #tpu.memory_space<vmem>>, vector<128x128xf32>
    %dot_general3A = arith.constant dense<0.000000e+00> : vector<1024x128xf32>
    %dot_general3A_16 = tpu.matmul %get3A_12, %get3A_15, %dot_general3A {dimension_numbers = #tpu.dot_dimension_numbers<[1], [0], [0], [1], [0, 0, 1, 1], [], []>, transpose_lhs_hint = false} : vector<1024x128xf32>, vector<128x128xf32>, vector<1024x128xf32> -> vector<1024x128xf32>
    %get3A_17 = arith.constant 0 : index
    %get3A_18 = arith.constant 0 : index
    %get3A_19 = vector.load %arg3[%get3A_17, %get3A_18] : memref<1x128xf32, #tpu.memory_space<vmem>>, vector<1x128xf32>
    %add3A_20 = vector.broadcast %get3A_19 : vector<1x128xf32> to vector<1024x128xf32>
    %add3A_21 = arith.addf %dot_general3A_16, %add3A_20 : vector<1024x128xf32>
    %tanh3A = math.tanh %add3A_21 : vector<1024x128xf32>
    %broadcast_in_dim3A_22 = vector.shape_cast %select_n3A : vector<1024xf32> to vector<1024x1xf32>
    %mul3A = vector.broadcast %broadcast_in_dim3A_22 : vector<1024x1xf32> to vector<1024x128xf32>
    %mul3A_23 = arith.mulf %tanh3A, %mul3A : vector<1024x128xf32>
    %swap3A = arith.constant 0 : index
    %swap3A_24 = arith.constant 0 : index
    %swap3A_25 = vector.load %arg5[%swap3A, %swap3A_24] : memref<1024x128xf32, #tpu.memory_space<vmem>>, vector<1024x128xf32>
    tpu.vector_store %arg5[%swap3A, %swap3A_24], %mul3A_23 {strides = array<i32>} : memref<1024x128xf32, #tpu.memory_space<vmem>>, vector<1024x128xf32>,
    return
  }
  func.func @transform_0(%arg0: i32) -> (i32, i32) {
    %c0_i32 = arith.constant 0 : i32
    %c0_i32_0 = arith.constant 0 : i32
    return %arg0, %c0_i32 : i32, i32
  }
  func.func @transform_1(%arg0: i32) -> (i32, i32) {
    %c0_i32 = arith.constant 0 : i32
    %c0_i32_0 = arith.constant 0 : i32
    %c0_i32_1 = arith.constant 0 : i32
    return %c0_i32, %c0_i32_0 : i32, i32
  }
  func.func @transform_2(%arg0: i32) -> (i32, i32) {
    %c0_i32 = arith.constant 0 : i32
    %c0_i32_0 = arith.constant 0 : i32
    %c0_i32_1 = arith.constant 0 : i32
    return %c0_i32, %c0_i32_0 : i32, i32
  }
  func.func @transform_3(%arg0: i32) -> (i32, i32) {
    %c0_i32 = arith.constant 0 : i32
    %c0_i32_0 = arith.constant 0 : i32
    return %c0_i32, %arg0 : i32, i32
  }
  func.func @transform_4(%arg0: i32) -> (i32, i32) {
    %c0_i32 = arith.constant 0 : i32
    %c0_i32_0 = arith.constant 0 : i32
    return %arg0, %c0_i32 : i32, i32
  }
}

module attributes {stable_mosaic.version = 14 : i64} {
  func.func @_tc_mid_body(%arg0: i32, %arg1: memref<2x1024x128xf32, #tpu.memory_space<vmem>>, %arg2: memref<2x1024xf32, #tpu.memory_space<vmem>>, %arg3: memref<128x128xf32, #tpu.memory_space<vmem>>, %arg4: memref<1x128xf32, #tpu.memory_space<vmem>>, %arg5: memref<1024x128xf32, #tpu.memory_space<vmem>>) attributes {dimension_semantics = [#tpu.dimension_semantics<arbitrary>], iteration_bounds = array<i64: 10>, scalar_prefetch = 0 : i64, scratch_operands = 0 : i64, tpu.core_type = #tpu.core_type<tc>, window_params = [{transform_indices = @transform_0, window_bounds = array<i64: 2, 1024, 128>}, {transform_indices = @transform_1, window_bounds = array<i64: 2, 1024>}, {pipeline_mode = #tpu.pipeline_mode<synchronous>, transform_indices = @transform_2, window_bounds = array<i64: 128, 128>}, {pipeline_mode = #tpu.pipeline_mode<synchronous>, transform_indices = @transform_3, window_bounds = array<i64: 1, 128>}, {transform_indices = @transform_4, window_bounds = array<i64: 1024, 128>}]} {
    %get3A = arith.constant 0 : index
    %get3A_0 = arith.constant 0 : index
    %get3A_1 = vector.load %arg2[%get3A, %get3A_0] : memref<2x1024xf32, #tpu.memory_space<vmem>>, vector<2x1024xf32>
    %slice3A = vector.extract_strided_slice %get3A_1 {offsets = [0, 0], sizes = [1, 1024], strides = [1, 1]} : vector<2x1024xf32> to vector<1x1024xf32>
    %squeeze3A = vector.shape_cast %slice3A : vector<1x1024xf32> to vector<1024xf32>
    %slice3A_2 = vector.extract_strided_slice %get3A_1 {offsets = [1, 0], sizes = [1, 1024], strides = [1, 1]} : vector<2x1024xf32> to vector<1x1024xf32>
    %squeeze3A_3 = vector.shape_cast %slice3A_2 : vector<1x1024xf32> to vector<1024xf32>
    %add3A = arith.addf %squeeze3A, %squeeze3A_3 : vector<1024xf32>
    %gt3A = arith.constant 0.000000e+00 : f32
    %gt3A_4 = vector.broadcast %gt3A : f32 to vector<1024xf32>
    %gt3A_5 = arith.cmpf ogt, %add3A, %gt3A_4 : vector<1024xf32>
    %max3A = arith.constant 1.000000e+00 : f32
    %max3A_6 = vector.broadcast %max3A : f32 to vector<1024xf32>
    %max3A_7 = arith.maximumf %add3A, %max3A_6 : vector<1024xf32>
    %sqrt3A = math.sqrt %max3A_7 : vector<1024xf32>
    %div3A = arith.constant 1.000000e+00 : f32
    %div3A_8 = vector.broadcast %div3A : f32 to vector<1024xf32>
    %div3A_9 = arith.divf %div3A_8, %sqrt3A : vector<1024xf32>
    %jit3A = arith.constant 0.000000e+00 : f32
    %broadcast_in_dim3A = vector.broadcast %jit3A : f32 to vector<1024xf32>
    %select_n3A = arith.select %gt3A_5, %div3A_9, %broadcast_in_dim3A : vector<1024xi1>, vector<1024xf32>
    %get3A_10 = arith.constant 0 : index
    %get3A_11 = arith.constant 0 : index
    %get3A_12 = arith.constant 0 : index
    %get3A_13 = vector.load %arg1[%get3A_10, %get3A_11, %get3A_12] : memref<2x1024x128xf32, #tpu.memory_space<vmem>>, vector<1x1024x128xf32>
    %get3A_14 = vector.shape_cast %get3A_13 : vector<1x1024x128xf32> to vector<1024x128xf32>
    %get3A_15 = arith.constant 1 : index
    %get3A_16 = arith.constant 0 : index
    %get3A_17 = arith.constant 0 : index
    %get3A_18 = vector.load %arg1[%get3A_15, %get3A_16, %get3A_17] : memref<2x1024x128xf32, #tpu.memory_space<vmem>>, vector<1x1024x128xf32>
    %get3A_19 = vector.shape_cast %get3A_18 : vector<1x1024x128xf32> to vector<1024x128xf32>
    %add3A_20 = arith.addf %get3A_14, %get3A_19 : vector<1024x128xf32>
    %broadcast_in_dim3A_21 = vector.shape_cast %select_n3A : vector<1024xf32> to vector<1024x1xf32>
    %mul3A = vector.broadcast %broadcast_in_dim3A_21 : vector<1024x1xf32> to vector<1024x128xf32>
    %mul3A_22 = arith.mulf %add3A_20, %mul3A : vector<1024x128xf32>
    %get3A_23 = arith.constant 0 : index
    %get3A_24 = arith.constant 0 : index
    %get3A_25 = vector.load %arg3[%get3A_23, %get3A_24] : memref<128x128xf32, #tpu.memory_space<vmem>>, vector<128x128xf32>
    %dot_general3A = arith.constant dense<0.000000e+00> : vector<1024x128xf32>
    %dot_general3A_26 = tpu.matmul %mul3A_22, %get3A_25, %dot_general3A {dimension_numbers = #tpu.dot_dimension_numbers<[1], [0], [0], [1], [0, 0, 1, 1], [], []>, transpose_lhs_hint = false} : vector<1024x128xf32>, vector<128x128xf32>, vector<1024x128xf32> -> vector<1024x128xf32>
    %get3A_27 = arith.constant 0 : index
    %get3A_28 = arith.constant 0 : index
    %get3A_29 = vector.load %arg4[%get3A_27, %get3A_28] : memref<1x128xf32, #tpu.memory_space<vmem>>, vector<1x128xf32>
    %add3A_30 = vector.broadcast %get3A_29 : vector<1x128xf32> to vector<1024x128xf32>
    %add3A_31 = arith.addf %dot_general3A_26, %add3A_30 : vector<1024x128xf32>
    %tanh3A = math.tanh %add3A_31 : vector<1024x128xf32>
    %broadcast_in_dim3A_32 = vector.shape_cast %select_n3A : vector<1024xf32> to vector<1024x1xf32>
    %mul3A_33 = vector.broadcast %broadcast_in_dim3A_32 : vector<1024x1xf32> to vector<1024x128xf32>
    %mul3A_34 = arith.mulf %tanh3A, %mul3A_33 : vector<1024x128xf32>
    %swap3A = arith.constant 0 : index
    %swap3A_35 = arith.constant 0 : index
    %swap3A_36 = vector.load %arg5[%swap3A, %swap3A_35] : memref<1024x128xf32, #tpu.memory_space<vmem>>, vector<1024x128xf32>
    tpu.vector_store %arg5[%swap3A, %swap3A_35], %mul3A_34 {strides = array<i32>} : memref<1024x128xf32, #tpu.memory_space<vmem>>, vector<1024x128xf32>,
    return
  }
  func.func @transform_0(%arg0: i32) -> (i32, i32, i32) {
    %c0_i32 = arith.constant 0 : i32
    %c0_i32_0 = arith.constant 0 : i32
    %c0_i32_1 = arith.constant 0 : i32
    return %c0_i32, %arg0, %c0_i32_0 : i32, i32, i32
  }
  func.func @transform_1(%arg0: i32) -> (i32, i32) {
    %c0_i32 = arith.constant 0 : i32
    %c0_i32_0 = arith.constant 0 : i32
    return %c0_i32, %arg0 : i32, i32
  }
  func.func @transform_2(%arg0: i32) -> (i32, i32) {
    %c0_i32 = arith.constant 0 : i32
    %c0_i32_0 = arith.constant 0 : i32
    %c0_i32_1 = arith.constant 0 : i32
    return %c0_i32, %c0_i32_0 : i32, i32
  }
  func.func @transform_3(%arg0: i32) -> (i32, i32) {
    %c0_i32 = arith.constant 0 : i32
    %c0_i32_0 = arith.constant 0 : i32
    %c0_i32_1 = arith.constant 0 : i32
    return %c0_i32, %c0_i32_0 : i32, i32
  }
  func.func @transform_4(%arg0: i32) -> (i32, i32) {
    %c0_i32 = arith.constant 0 : i32
    %c0_i32_0 = arith.constant 0 : i32
    return %arg0, %c0_i32 : i32, i32
  }
}

module attributes {stable_mosaic.version = 14 : i64} {
  func.func @_tc_out_body(%arg0: i32, %arg1: memref<2x1024x128xf32, #tpu.memory_space<vmem>>, %arg2: memref<2x1024xf32, #tpu.memory_space<vmem>>, %arg3: memref<128x128xf32, #tpu.memory_space<vmem>>, %arg4: memref<1x128xf32, #tpu.memory_space<vmem>>, %arg5: memref<128x128xf32, #tpu.memory_space<vmem>>, %arg6: memref<1x128xf32, #tpu.memory_space<vmem>>, %arg7: memref<1024x128xf32, #tpu.memory_space<vmem>>, %arg8: memref<1024x128xf32, #tpu.memory_space<vmem>>, %arg9: memref<1x1xf32, #tpu.memory_space<vmem>>) attributes {dimension_semantics = [#tpu.dimension_semantics<arbitrary>], iteration_bounds = array<i64: 10>, scalar_prefetch = 0 : i64, scratch_operands = 0 : i64, tpu.core_type = #tpu.core_type<tc>, window_params = [{transform_indices = @transform_0, window_bounds = array<i64: 2, 1024, 128>}, {transform_indices = @transform_1, window_bounds = array<i64: 2, 1024>}, {pipeline_mode = #tpu.pipeline_mode<synchronous>, transform_indices = @transform_2, window_bounds = array<i64: 128, 128>}, {pipeline_mode = #tpu.pipeline_mode<synchronous>, transform_indices = @transform_3, window_bounds = array<i64: 1, 128>}, {pipeline_mode = #tpu.pipeline_mode<synchronous>, transform_indices = @transform_4, window_bounds = array<i64: 128, 128>}, {pipeline_mode = #tpu.pipeline_mode<synchronous>, transform_indices = @transform_5, window_bounds = array<i64: 1, 128>}, {transform_indices = @transform_6, window_bounds = array<i64: 1024, 128>}, {transform_indices = @transform_7, window_bounds = array<i64: 1024, 128>}, {pipeline_mode = #tpu.pipeline_mode<synchronous>, transform_indices = @transform_8, window_bounds = array<i64: 1, 1>}]} {
    %get3A = arith.constant 0 : index
    %get3A_0 = arith.constant 0 : index
    %get3A_1 = vector.load %arg2[%get3A, %get3A_0] : memref<2x1024xf32, #tpu.memory_space<vmem>>, vector<2x1024xf32>
    %slice3A = vector.extract_strided_slice %get3A_1 {offsets = [0, 0], sizes = [1, 1024], strides = [1, 1]} : vector<2x1024xf32> to vector<1x1024xf32>
    %squeeze3A = vector.shape_cast %slice3A : vector<1x1024xf32> to vector<1024xf32>
    %slice3A_2 = vector.extract_strided_slice %get3A_1 {offsets = [1, 0], sizes = [1, 1024], strides = [1, 1]} : vector<2x1024xf32> to vector<1x1024xf32>
    %squeeze3A_3 = vector.shape_cast %slice3A_2 : vector<1x1024xf32> to vector<1024xf32>
    %add3A = arith.addf %squeeze3A, %squeeze3A_3 : vector<1024xf32>
    %gt3A = arith.constant 0.000000e+00 : f32
    %gt3A_4 = vector.broadcast %gt3A : f32 to vector<1024xf32>
    %gt3A_5 = arith.cmpf ogt, %add3A, %gt3A_4 : vector<1024xf32>
    %max3A = arith.constant 1.000000e+00 : f32
    %max3A_6 = vector.broadcast %max3A : f32 to vector<1024xf32>
    %max3A_7 = arith.maximumf %add3A, %max3A_6 : vector<1024xf32>
    %sqrt3A = math.sqrt %max3A_7 : vector<1024xf32>
    %div3A = arith.constant 1.000000e+00 : f32
    %div3A_8 = vector.broadcast %div3A : f32 to vector<1024xf32>
    %div3A_9 = arith.divf %div3A_8, %sqrt3A : vector<1024xf32>
    %jit3A = arith.constant 0.000000e+00 : f32
    %broadcast_in_dim3A = vector.broadcast %jit3A : f32 to vector<1024xf32>
    %select_n3A = arith.select %gt3A_5, %div3A_9, %broadcast_in_dim3A : vector<1024xi1>, vector<1024xf32>
    %get3A_10 = arith.constant 0 : index
    %get3A_11 = arith.constant 0 : index
    %get3A_12 = arith.constant 0 : index
    %get3A_13 = vector.load %arg1[%get3A_10, %get3A_11, %get3A_12] : memref<2x1024x128xf32, #tpu.memory_space<vmem>>, vector<1x1024x128xf32>
    %get3A_14 = vector.shape_cast %get3A_13 : vector<1x1024x128xf32> to vector<1024x128xf32>
    %get3A_15 = arith.constant 1 : index
    %get3A_16 = arith.constant 0 : index
    %get3A_17 = arith.constant 0 : index
    %get3A_18 = vector.load %arg1[%get3A_15, %get3A_16, %get3A_17] : memref<2x1024x128xf32, #tpu.memory_space<vmem>>, vector<1x1024x128xf32>
    %get3A_19 = vector.shape_cast %get3A_18 : vector<1x1024x128xf32> to vector<1024x128xf32>
    %add3A_20 = arith.addf %get3A_14, %get3A_19 : vector<1024x128xf32>
    %broadcast_in_dim3A_21 = vector.shape_cast %select_n3A : vector<1024xf32> to vector<1024x1xf32>
    %mul3A = vector.broadcast %broadcast_in_dim3A_21 : vector<1024x1xf32> to vector<1024x128xf32>
    %mul3A_22 = arith.mulf %add3A_20, %mul3A : vector<1024x128xf32>
    %get3A_23 = arith.constant 0 : index
    %get3A_24 = arith.constant 0 : index
    %get3A_25 = vector.load %arg3[%get3A_23, %get3A_24] : memref<128x128xf32, #tpu.memory_space<vmem>>, vector<128x128xf32>
    %dot_general3A = arith.constant dense<0.000000e+00> : vector<1024x128xf32>
    %dot_general3A_26 = tpu.matmul %mul3A_22, %get3A_25, %dot_general3A {dimension_numbers = #tpu.dot_dimension_numbers<[1], [0], [0], [1], [0, 0, 1, 1], [], []>, transpose_lhs_hint = false} : vector<1024x128xf32>, vector<128x128xf32>, vector<1024x128xf32> -> vector<1024x128xf32>
    %get3A_27 = arith.constant 0 : index
    %get3A_28 = arith.constant 0 : index
    %get3A_29 = vector.load %arg4[%get3A_27, %get3A_28] : memref<1x128xf32, #tpu.memory_space<vmem>>, vector<1x128xf32>
    %add3A_30 = vector.broadcast %get3A_29 : vector<1x128xf32> to vector<1024x128xf32>
    %add3A_31 = arith.addf %dot_general3A_26, %add3A_30 : vector<1024x128xf32>
    %tanh3A = math.tanh %add3A_31 : vector<1024x128xf32>
    %get3A_32 = arith.constant 0 : index
    %get3A_33 = arith.constant 0 : index
    %get3A_34 = vector.load %arg5[%get3A_32, %get3A_33] : memref<128x128xf32, #tpu.memory_space<vmem>>, vector<128x128xf32>
    %dot_general3A_35 = arith.constant dense<0.000000e+00> : vector<1024x128xf32>
    %dot_general3A_36 = tpu.matmul %tanh3A, %get3A_34, %dot_general3A_35 {dimension_numbers = #tpu.dot_dimension_numbers<[1], [0], [0], [1], [0, 0, 1, 1], [], []>, transpose_lhs_hint = false} : vector<1024x128xf32>, vector<128x128xf32>, vector<1024x128xf32> -> vector<1024x128xf32>
    %get3A_37 = arith.constant 0 : index
    %get3A_38 = arith.constant 0 : index
    %get3A_39 = vector.load %arg6[%get3A_37, %get3A_38] : memref<1x128xf32, #tpu.memory_space<vmem>>, vector<1x128xf32>
    %add3A_40 = vector.broadcast %get3A_39 : vector<1x128xf32> to vector<1024x128xf32>
    %add3A_41 = arith.addf %dot_general3A_36, %add3A_40 : vector<1024x128xf32>
    %swap3A = arith.constant 0 : index
    %swap3A_42 = arith.constant 0 : index
    %swap3A_43 = vector.load %arg8[%swap3A, %swap3A_42] : memref<1024x128xf32, #tpu.memory_space<vmem>>, vector<1024x128xf32>
    tpu.vector_store %arg8[%swap3A, %swap3A_42], %add3A_41 {strides = array<i32>} : memref<1024x128xf32, #tpu.memory_space<vmem>>, vector<1024x128xf32>,
    %get3A_44 = arith.constant 0 : index
    %get3A_45 = arith.constant 0 : index
    %get3A_46 = vector.load %arg7[%get3A_44, %get3A_45] : memref<1024x128xf32, #tpu.memory_space<vmem>>, vector<1024x128xf32>
    %mul3A_47 = arith.mulf %tanh3A, %get3A_46 : vector<1024x128xf32>
    %reduce_sum3A = vector.shape_cast %mul3A_47 : vector<1024x128xf32> to vector<1x1024x128xf32>
    %reduce_sum3A_48 = arith.constant dense<0.000000e+00> : vector<1xf32>
    %reduce_sum3A_49 = vector.multi_reduction <add>, %reduce_sum3A, %reduce_sum3A_48 [1, 2] : vector<1x1024x128xf32> to vector<1xf32>
    %reduce_sum3A_50 = vector.shape_cast %reduce_sum3A_49 : vector<1xf32> to vector<1x1x1xf32>
    %reduce_sum3A_51 = vector.extract %reduce_sum3A_50[0, 0, 0] : f32 from vector<1x1x1xf32>
    %reshape3A = vector.broadcast %reduce_sum3A_51 : f32 to vector<1x1xf32>
    %eq3A = arith.constant 0 : i32
    %eq3A_52 = arith.cmpi eq, %arg0, %eq3A : i32
    %convert_element_type3A = arith.extui %eq3A_52 : i1 to i32
    %cond3A = arith.constant 0 : i32
    %cond3A_53 = arith.cmpi ne, %convert_element_type3A, %cond3A : i32
    scf.if %cond3A_53 {
      %swap3A_59 = arith.constant 0 : index
      %swap3A_60 = arith.constant 0 : index
      %swap3A_61 = vector.load %arg9[%swap3A_59, %swap3A_60] : memref<1x1xf32, #tpu.memory_space<vmem>>, vector<1x1xf32>
      tpu.vector_store %arg9[%swap3A_59, %swap3A_60], %reshape3A {strides = array<i32>} : memref<1x1xf32, #tpu.memory_space<vmem>>, vector<1x1xf32>,
    } else {
    }
    %gt3A_54 = arith.constant 0 : i32
    %gt3A_55 = arith.cmpi sgt, %arg0, %gt3A_54 : i32
    %convert_element_type3A_56 = arith.extui %gt3A_55 : i1 to i32
    %cond3A_57 = arith.constant 0 : i32
    %cond3A_58 = arith.cmpi ne, %convert_element_type3A_56, %cond3A_57 : i32
    scf.if %cond3A_58 {
      %get3A_59 = arith.constant 0 : index
      %get3A_60 = arith.constant 0 : index
      %get3A_61 = vector.load %arg9[%get3A_59, %get3A_60] : memref<1x1xf32, #tpu.memory_space<vmem>>, vector<1x1xf32>
      %add3A_62 = arith.addf %get3A_61, %reshape3A : vector<1x1xf32>
      %swap3A_63 = arith.constant 0 : index
      %swap3A_64 = arith.constant 0 : index
      %swap3A_65 = vector.load %arg9[%swap3A_63, %swap3A_64] : memref<1x1xf32, #tpu.memory_space<vmem>>, vector<1x1xf32>
      tpu.vector_store %arg9[%swap3A_63, %swap3A_64], %add3A_62 {strides = array<i32>} : memref<1x1xf32, #tpu.memory_space<vmem>>, vector<1x1xf32>,
    } else {
    }
    return
  }
  func.func @transform_0(%arg0: i32) -> (i32, i32, i32) {
    %c0_i32 = arith.constant 0 : i32
    %c0_i32_0 = arith.constant 0 : i32
    %c0_i32_1 = arith.constant 0 : i32
    return %c0_i32, %arg0, %c0_i32_0 : i32, i32, i32
  }
  func.func @transform_1(%arg0: i32) -> (i32, i32) {
    %c0_i32 = arith.constant 0 : i32
    %c0_i32_0 = arith.constant 0 : i32
    return %c0_i32, %arg0 : i32, i32
  }
  func.func @transform_2(%arg0: i32) -> (i32, i32) {
    %c0_i32 = arith.constant 0 : i32
    %c0_i32_0 = arith.constant 0 : i32
    %c0_i32_1 = arith.constant 0 : i32
    return %c0_i32, %c0_i32_0 : i32, i32
  }
  func.func @transform_3(%arg0: i32) -> (i32, i32) {
    %c0_i32 = arith.constant 0 : i32
    %c0_i32_0 = arith.constant 0 : i32
    %c0_i32_1 = arith.constant 0 : i32
    return %c0_i32, %c0_i32_0 : i32, i32
  }
  func.func @transform_4(%arg0: i32) -> (i32, i32) {
    %c0_i32 = arith.constant 0 : i32
    %c0_i32_0 = arith.constant 0 : i32
    %c0_i32_1 = arith.constant 0 : i32
    return %c0_i32, %c0_i32_0 : i32, i32
  }
  func.func @transform_5(%arg0: i32) -> (i32, i32) {
    %c0_i32 = arith.constant 0 : i32
    %c0_i32_0 = arith.constant 0 : i32
    %c0_i32_1 = arith.constant 0 : i32
    return %c0_i32, %c0_i32_0 : i32, i32
  }
  func.func @transform_6(%arg0: i32) -> (i32, i32) {
    %c0_i32 = arith.constant 0 : i32
    %c0_i32_0 = arith.constant 0 : i32
    return %arg0, %c0_i32 : i32, i32
  }
  func.func @transform_7(%arg0: i32) -> (i32, i32) {
    %c0_i32 = arith.constant 0 : i32
    %c0_i32_0 = arith.constant 0 : i32
    return %arg0, %c0_i32 : i32, i32
  }
  func.func @transform_8(%arg0: i32) -> (i32, i32) {
    %c0_i32 = arith.constant 0 : i32
    %c0_i32_0 = arith.constant 0 : i32
    %c0_i32_1 = arith.constant 0 : i32
    return %c0_i32, %c0_i32_0 : i32, i32
  }
}

</mosaic_0001>

<sc_bundles>
// kernel: kernel.11.cloned.1.call-start
scs
__scs_entry_jumppad:
0x0: {  	(pc) =	sbr.rel $0x88, $3  }
0x1: {  	(tag) =	ssettag $0x0;
	lr =	simm.s32 $0x1  }
0x2: {  	[smem:$0x3F95] =	sst lr;
	_ =	strace $0xD0000000  }
0x3: {  	_ = 	snop  }
0x4: {  	_ = 	snop  }
0x5: {  	_ = 	snop  }
0x6: {  	_ = 	snop  }
0x7: {  	_ = 	snop  }
__scs_overlays_trampoline_lowered:
0x8: {  	[smem:$0x3FA4] =	sst s0  }
0x9: {  	[smem:$0x3FA5] =	sst s1  }
0xa: {  	[smem:$0x3FA6] =	sst s2  }
0xb: {  	[smem:$0x3FA7] =	sst s3  }
0xc: {  	[smem:$0x3FA8] =	sst s4  }
0xd: {  	[smem:$0x3FA9] =	sst s5  }
0xe: {  	[smem:$0x3FAA] =	sst s6  }
0xf: {  	[smem:$0x3FAB] =	sst s7  }
0x10: {  	[smem:$0x3FAC] =	sst s8  }
0x11: {  	[smem:$0x3FAD] =	sst s9;
	s0 =	simm.s32 @!p0 $0x0  }
0x12: {  	s1 =	sld [smem:$0x3F93];
	s0 =	simm.s32 @p0 $0x1  }
0x13: {  	[smem:$0x3FAE] =	sst s0;
	s0 =	simm.s32 @!p1 $0x0  }
0x14: {  	s2 =	sld [smem:$0x3F92];
	s0 =	simm.s32 @p1 $0x1  }
0x15: {  	[smem:$0x3FAF] =	sst s0;
	s0 =	simm.s32 @!p2 $0x0  }
0x16: {  	s3 =	sld [smem:$0x3FDB];
	s0 =	simm.s32 @p2 $0x1  }
0x17: {  	s4 =	simm.s32 $0x1BF5;
	[smem:$0x3FB1] =	sst s0  }
0x18: {  	s0 =	sld [smem:$0x3F94];
	_ =	swait.ge [sflag:s4], $0x0  }
0x19: {  	s7 =	sld [smem:$0x3F95]  }
0x1a: {  	s8 =	sadd.s32 $0xFFFFE003, lr  }
0x1b: {  	s9 =	sadd.s32 $0xFFFFFEF7, lr;
	s5 =	simm.s32 $0xFFFFFFFF;
	p2 =	slt.u32 s8, $0xFFFFF086  }
0x1c: {  	p1 =	slt.u32 s9, $0xF7A;
	s5 =	simm.s32 @!p2 $0x0  }
0x1d: {  	s5 =	simm.s32 @p1 $0x1;
	p0 =	seq.s32 s7, s2  }
0x1e: {  	s7 =	smul.u32 @!p0 $0xF7A, s2;
	p2 =	seq.s32 @!p0 s5, $0x0  }
0x1f: {  	s9 =	smul.u32 $0xF7A, s1;
	s8 =	simm.s32 @!p0 $0x1BF5;
	p2 =	por !p2, p0  }
0x20: {  	[sflag:s8] =	ssyncset.s32 @!p0 $0xFFFFF086;
	s6 =	sadd.s32 @!p0 s3, s7;
	s7 =	simm.s32 @!p0 $0x108  }
0x21: {  	s3 =	sadd.s32 s3, s9;
	s6 =	sadd.s32 @!p0 $0x88, s6;
	s7 =	simm.s32 @p2 $0x1082  }
0x22: {  	[simem:s7], [sflag:s8] =	dma.local @!p0 [hbm:s6], $0xF7A  }
0x23: {  	s9 =	sor.u32 $0xD0000000, s2;
	s6 =	simm.s32 $0x108;
	_ =	swait.ge @!p0 [sflag:s8], $0x0  }
0x24: {  	s3 =	sadd.s32 $0x88, s3;
	s6 =	simm.s32 @!p1 $0x1082;
	[sflag:s4] =	ssyncset.s32 $0xFFFFF086  }
0x25: {  	[simem:s6], [sflag:s4] =	dma.local [hbm:s3], $0xF7A  }
0x26: {  	[smem:$0x3F95] =	sst s1;
	(tag) =	ssettag s2;
	_ =	strace s9  }
0x27: {  	s1 =	sld [smem:$0x3FA5]  }
0x28: {  	s2 =	sld [smem:$0x3FA6]  }
0x29: {  	s4 =	sld [smem:$0x3FA8]  }
0x2a: {  	p0 =	seq.s32 s5, $0x0;
	s5 =	sld [smem:$0x3FA9]  }
0x2b: {  	s6 =	sld [smem:$0x3FAA]  }
0x2c: {  	s7 =	sld [smem:$0x3FAB]  }
0x2d: {  	s3 =	simm.s32 $0x108;
	s8 =	sld [smem:$0x3FAC]  }
0x2e: {  	s3 =	simm.s32 @!p0 $0x1082;
	s9 =	sld [smem:$0x3FAD]  }
0x2f: {  	lr =	sadd.s32 s0, s3;
	s0 =	sld [smem:$0x3FA4]  }
0x30: {  	s3 =	sld [smem:$0x3FA7]  }
0x31: {  	[smem:$0x3FB0] =	sst s10  }
0x32: {  	s10 =	sld [smem:$0x3FAE];
	_ =	sdelay $0x3  }
0x33: {  	p0 =	seq.s32 s10, $0x1;
	s10 =	sld [smem:$0x3FB0];
	_ =	sdelay $0x3  }
0x34: {  	[smem:$0x3FB0] =	sst s10  }
0x35: {  	s10 =	sld [smem:$0x3FAF];
	_ =	sdelay $0x3  }
0x36: {  	p1 =	seq.s32 s10, $0x1;
	s10 =	sld [smem:$0x3FB0];
	_ =	sdelay $0x3  }
0x37: {  	[smem:$0x3FB0] =	sst s10  }
0x38: {  	s10 =	sld [smem:$0x3FB1]  }
0x39: {  	_ = 	snop;
	(pc) =	sbr.ind lr, $3  }
0x3a: {  	_ = 	snop  }
0x3b: {  	_ = 	snop  }
0x3c: {  	p2 =	seq.s32 s10, $0x1;
	s10 =	sld [smem:$0x3FB0]  }
0x3d: {  	_ =	shalt  }
0x3e: {  	_ =	shalt  }
0x3f: {  	_ =	shalt  }
0x40: {  	_ =	shalt  }
0x41: {  	_ =	shalt  }
0x42: {  	_ =	shalt  }
0x43: {  	_ =	shalt  }
0x44: {  	_ =	shalt  }
0x45: {  	_ =	shalt  }
0x46: {  	_ =	shalt  }
0x47: {  	_ =	shalt  }
0x48: {  	_ =	shalt  }
0x49: {  	_ =	shalt  }
0x4a: {  	_ =	shalt  }
0x4b: {  	_ =	shalt  }
0x4c: {  	_ =	shalt  }
0x4d: {  	_ =	shalt  }
0x4e: {  	_ =	shalt  }
0x4f: {  	_ =	shalt  }
0x50: {  	_ =	shalt  }
0x51: {  	_ =	shalt  }
0x52: {  	_ =	shalt  }
0x53: {  	_ =	shalt  }
0x54: {  	_ =	shalt  }
0x55: {  	_ =	shalt  }
0x56: {  	_ =	shalt  }
0x57: {  	_ =	shalt  }
0x58: {  	_ =	shalt  }
0x59: {  	_ =	shalt  }
0x5a: {  	_ =	shalt  }
0x5b: {  	_ =	shalt  }
0x5c: {  	_ =	shalt  }
0x5d: {  	_ =	shalt  }
0x5e: {  	_ =	shalt  }
0x5f: {  	_ =	shalt  }
0x60: {  	_ =	shalt  }
0x61: {  	_ =	shalt  }
0x62: {  	_ =	shalt  }
0x63: {  	_ =	shalt  }
0x64: {  	_ =	shalt  }
0x65: {  	_ =	shalt  }
0x66: {  	_ =	shalt  }
0x67: {  	_ =	shalt  }
0x68: {  	_ =	shalt  }
0x69: {  	_ =	shalt  }
0x6a: {  	_ =	shalt  }
0x6b: {  	_ =	shalt  }
0x6c: {  	_ =	shalt  }
0x6d: {  	_ =	shalt  }
0x6e: {  	_ =	shalt  }
0x6f: {  	_ =	shalt  }
0x70: {  	_ =	shalt  }
0x71: {  	_ =	shalt  }
0x72: {  	_ =	shalt  }
0x73: {  	_ =	shalt  }
0x74: {  	_ =	shalt  }
0x75: {  	_ =	shalt  }
0x76: {  	_ =	shalt  }
0x77: {  	_ =	shalt  }
0x78: {  	_ =	shalt  }
0x79: {  	_ =	shalt  }
0x7a: {  	_ =	shalt  }
0x7b: {  	_ =	shalt  }
0x7c: {  	_ =	shalt  }
0x7d: {  	_ =	shalt  }
0x7e: {  	_ =	shalt  }
0x7f: {  	_ =	shalt  }
0x80: {  	_ =	shalt  }
0x81: {  	_ =	shalt  }
0x82: {  	_ =	shalt  }
0x83: {  	_ =	shalt  }
0x84: {  	_ =	shalt  }
0x85: {  	_ =	shalt  }
0x86: {  	_ =	shalt  }
0x87: {  	_ =	shalt  }
.Lfunc_end0:
.L_simem_size_0:
called_computation.1_lowered:
.L_overlay_start_0:
0x88: {  	s2 =	sld [smem:$0x3FD9]  }
0x89: {  	s3 =	sld [smem:$0x3FFE];
	_ =	sdelay $0x1  }
0x8a: {  	s1 =	srdreg.scid  }
0x8b: {  	s0 =	sand.u32 $0x1, s1  }
0x8c: {  	s14 =	sshll.u32 s0, $0xA;
	s2 =	sadd.s32 s3, s2  }
0x8d: {  	s2 =	sadd.s32 s2, s14  }
0x8e: {  	[smem:$0x3FBC] =	sst s2  }
0x8f: {  	_ = 	snop  }
0x90: {  	s2 =	sld [smem:$0x3FD0];
	_ =	sdelay $0x2  }
0x91: {  	s15 =	simm.s32 $0xA;
	s4 =	simm.s32 $0x10  }
0x92: {  	[smem:s4], [sflag:s15] =	dma.local [hbm:s2], $0x1  }
0x93: {  	_ =	swait.eq [sflag:s15], $0x1  }
0x94: {  	[sflag:s15] =	ssyncset.done $0x0  }
0x95: {  	[sflag:s15] =	ssyncadd.s32 $0xFFFFFFFF  }
0x96: {  	s16 =	sld [smem:$0x10];
	(tm) =	ssettm $0x1  }
0x97: {  	s17 =	sld [smem:$0x3FFB];
	_ =	sdelay $0x3  }
0x98: {  	_ =	strace s17  }
0x99: {  	s3 =	sld [smem:$0x3FFC];
	_ =	sdelay $0x3  }
0x9a: {  	_ =	strace s3  }
0x9b: {  	s3 =	sld [smem:$0x3FFD];
	_ =	sdelay $0x3  }
0x9c: {  	_ =	strace s3  }
0x9d: {  	_ =	strace $0x8FFFFFFF  }
0x9e: {  	s18 =	sld [smem:$0x3FDB];
	_ =	sdelay $0x1  }
0x9f: {  	s19 =	simm.s32 $_scs_section_size  }
0xa0: {  	s5 =	simm.s32 $_size__tile_overlayer_lowered;
	s6 =	simm.s32 $_tile_overlayer_lowered  }
0xa1: {  	s22 =	simm.s32 $0x1BFF;
	s21 =	sshll.u32 s6, $0x1;
	s3 =	sadd.s32 s19, s18  }
0xa2: {  	s7 =	simm.s32 $0x0;
	s20 =	sshll.u32 s5, $0x1;
	s5 =	sadd.s32 s21, s3  }
0xa3: {  	[timem:s7], [sflag:s22] =	dma.local [hbm:s5], s20  }
0xa4: {  	_ =	swait.ge [sflag:s22], s20  }
0xa5: {  	s4 =	ssub.s32 $0x0, s20;
	[sflag:s22] =	ssyncset.done $0x0  }
0xa6: {  	[sflag:s22] =	ssyncadd.s32 s4;
	_ =	sdelay $0x1  }
0xa7: {  	s23 =	simm.s32 $0x1B8B  }
0xa8: {  	_ =	swait.ge [sflag:s23], $0x1  }
0xa9: {  	[sflag:s23] =	ssyncset.done $0x0  }
0xaa: {  	s25 =	simm.s32 $0x1B8E;
	s24 =	sld [smem:$0x3FFE];
	[sflag:s23] =	ssyncadd.s32 $0xFFFFFFFF  }
0xab: {  	s26 =	simm.s32 $execute0_lowered;
	[smem:$0x3FD2] =	sst s25  }
0xac: {  	s5 =	sshll.u32 s26, $0x1;
	_ =	strace $0x80000049;
	[dreg:$0x1] =	wrdreg $0xFFFFFFFF  }
0xad: {  	s28 =	simm.s32 $_size_execute0_lowered;
	s3 =	sadd.s32 s3, s5;
	[dreg:$0x0] =	wrdreg $0x0  }
0xae: {  	s5 =	sshll.u32 s28, $0x1;
	[dreg:$0x2] =	wrdreg s3  }
0xaf: {  	[dreg:$0x3] =	wrdreg s5  }
0xb0: {  	[dreg:$0x4] =	wrdreg $0xC0  }
0xb1: {  	_ =	task [dreg:s7], $0x5FFFF  }
0xb2: {  	[dreg:$0x1] =	wrdreg $0xFFFFFFFF  }
0xb3: {  	[dreg:$0x0] =	wrdreg $0x60  }
0xb4: {  	[dreg:$0x2] =	wrdreg s24  }
0xb5: {  	[dreg:$0x3] =	wrdreg s16  }
0xb6: {  	[dreg:$0x4] =	wrdreg $0x7B000  }
0xb7: {  	[dreg:$0x5] =	wrdreg $0x9  }
0xb8: {  	_ =	task.clear_ibuf [dreg:s7], $0x6FFFF;
	_ =	strace $0x90000049  }
0xb9: {  	s29 =	simm.s32 $0x9;
	_ =	strace $0x8000004B  }
0xba: {  	_ =	swait.ge [sflag:s29], $0x1  }
0xbb: {  	[sflag:s29] =	ssyncadd.s32 $0xFFFFFFFF  }
0xbc: {  	_ =	strace $0x9000004B  }
0xbd: {  	_ =	sfence  }
0xbe: {  	s30 =	sld [smem:$0x0];
	_ =	sdelay $0x2  }
0xbf: {  	s31 =	sshll.u32 s1, $0xD;
	s1 =	sshrl.u32 s1, $0x2  }
0xc0: {  	s3 =	sand.u32 $0x4000, s31;
	s1 =	sadd.s32 s1, s30  }
0xc1: {  	s0 =	sor.u32 s3, s0;
	s1 =	sshll.u32 s1, $0x11  }
0xc2: {  	s0 =	sor.u32 s1, s0  }
0xc3: {  	s0 =	sadd.s32 $0x8F2B, s0  }
0xc4: {  	[sflag:s0] =	ssyncadd.remote.s32 $0x1  }
0xc5: {  	_ =	sfence.sel $0xFFFF  }
0xc6: {  	[dreg:$0x0] =	wrdreg $0xFFFFFFFF;
	(pc) =	sbr.abs _section_cstart, $3  }
0xc7: {  	[dreg:$0x1] =	wrdreg $0xFFFFFFFF  }
0xc8: {  	_ =	task.clear_ibuf [dreg:s7], $0x2FFFF;
	_ =	strace $0x9FFFFFFF  }
0xc9: {  	(tm) =	ssettm $0x7FFFFFFF  }
tec
execute0_lowered:
.L_overlay_start_1:
0x0: {  	(tag) =	ssettag $0x1  }
0x1: {  	s0 =	rddreg [dreg:$0x0];
	s1 =	simm.s32 $0x0;
	s2 =	srdreg.scid  }
0x2: {  	s20 =	stileid.u32;
	[smem:$0x7FF] =	sst s1;
	s3 =	sadd.s32 $0x3200, s0  }
0x3: {  	s4 =	sand.u32 $0x1, s2;
	s5 =	sadd.s32 $0xD000, s0;
	s6 =	smul.u32 $0x14000, s20  }
0x4: {  	s7 =	sadd.s32 $0x3EE00, s0;
	s9 =	sshll.u32 s20, $0x1;
	s15 =	smul.u32 $0x140000, s4  }
0x5: {  	s2 =	ssub.s32 $0x2, s4;
	s26 =	sor.u32 s4, s9;
	s4 =	smul.u32 $0xA, s4  }
0x6: {  	s8 =	sshrl.u32 s2, $0x1;
	s9 =	sor.u32 $0x2800, s6;
	s10 =	sadd.s32 $0x5000, s6  }
0x7: {  	s11 =	sadd.s32 $0x7800, s6;
	s12 =	smul.u32 $0xA, s26;
	s13 =	sadd.s32 $0xA000, s6  }
0x8: {  	s14 =	sadd.s32 $0xC800, s6;
	s16 =	sadd.s32 $0xF000, s6;
	s17 =	sadd.s32 $0x11800, s6  }
0x9: {  	s2 =	ssub.s32 s2, s8;
	s8 =	smul.u32 $0x50, s26;
	s6 =	sadd.s32 s6, s15  }
0xa: {  	s31 =	sadd.s32 s15, s9;
	s19 =	sadd.s32 s15, s10;
	s21 =	sadd.s32 s15, s11  }
0xb: {  	s25 =	sadd.s32 s15, s14;
	s26 =	sadd.s32 s15, s16;
	s18 =	sadd.s32 s3, s12  }
0xc: {  	s6 =	sshrl.u32 s6, $0x3;
	s22 =	sshrl.u32 s21, $0x3;
	[dreg:$0x4] =	wrdreg s18  }
0xd: {  	s8 =	sshrl.u32 s8, $0x3;
	s18 =	sshrl.u32 s31, $0x3;
	s6 =	sadd.s32 s7, s6  }
0xe: {  	s31 =	sshrl.u32 s26, $0x3;
	[dreg:$0x5] =	wrdreg s6;
	s18 =	sadd.s32 s7, s18  }
0xf: {  	s6 =	sshrl.u32 s19, $0x3;
	s19 =	sadd.s32 s15, s13;
	s15 =	sadd.s32 s15, s17  }
0x10: {  	s21 =	sadd.s32 $0x280, s8;
	[dreg:$0x6] =	wrdreg s18;
	s6 =	sadd.s32 s7, s6  }
0x11: {  	s23 =	sshrl.u32 s19, $0x3;
	s19 =	sadd.s32 s5, s12;
	[dreg:$0x7] =	wrdreg s6  }
0x12: {  	s15 =	sshrl.u32 s15, $0x3;
	s6 =	sadd.s32 s7, s22;
	[dreg:$0xd] =	wrdreg s19  }
0x13: {  	s18 =	sadd.s32 $0x140, s8;
	s24 =	sadd.s32 s7, s23;
	[dreg:$0x8] =	wrdreg s6  }
0x14: {  	s8 =	simm.s32 $0x5300;
	s15 =	sadd.s32 s7, s15;
	[dreg:$0x9] =	wrdreg s24  }
0x15: {  	s22 =	sadd.s32 s3, s18;
	s23 =	sadd.s32 s3, s21;
	[dreg:$0xc] =	wrdreg s15  }
0x16: {  	s6 =	sshrl.u32 s25, $0x3;
	[dreg:$0xe] =	wrdreg s22;
	s24 =	smul.u32 $0x14, s20  }
0x17: {  	[dreg:$0x10] =	wrdreg s23;
	s25 =	smul.u32 $0x50000, s20;
	s6 =	sadd.s32 s7, s6  }
0x18: {  	s12 =	simm.s32 $0x0;
	[dreg:$0xa] =	wrdreg s6;
	s6 =	sadd.s32 s7, s31  }
0x19: {  	s7 =	sadd.s32 s5, s21;
	s3 =	sadd.s32 s24, s3;
	s26 =	sshrl.u32 s25, $0x2  }
0x1a: {  	s21 =	sadd.s32 $0x16E00, s0;
	s31 =	smax.u32 s2, $0x1;
	[dreg:$0xb] =	wrdreg s6  }
0x1b: {  	s0 =	simm.s32 $0x4;
	s2 =	simm.s32 $0x50;
	[dreg:$0x11] =	wrdreg s7  }
0x1c: {  	s6 =	sadd.s32 s5, s18;
	s18 =	rddreg [dreg:$0x2];
	s5 =	sadd.s32 s24, s5  }
0x1d: {  	s19 =	sadd.s32 s4, s3;
	s3 =	simm.s32 $0x100;
	s7 =	simm.s32 $0x280  }
0x1e: {  	[dreg:$0xf] =	wrdreg s6;
	s20 =	sadd.s32 s4, s5;
	s22 =	sadd.s32 s26, s18  }
0x1f: {  	s23 =	sadd.s32 s9, s18;
	s24 =	sadd.s32 s10, s18;
	s25 =	sadd.s32 s11, s18  }
.Ltmp0:
0x20: {  	s26 =	sadd.s32 s13, s18;
	s28 =	sadd.s32 s14, s18;
	(pc) =	sbr.rel .LBB2_1-.Ltmp0, $4  }
0x21: {  	s29 =	sadd.s32 s16, s18;
	s30 =	sadd.s32 s17, s18;
	s16 =	simm.s32 $0x300  }
0x22: {  	s17 =	simm.s32 $0x80;
	s4 =	simm.s32 $0x180;
	s5 =	simm.s32 $0x2B00  }
0x23: {  	s6 =	simm.s32 $0x200;
	s9 =	simm.s32 $0x1;
	s10 =	simm.s32 $0x2  }
0x24: {  	s11 =	simm.s32 $0x3;
	_ =	strace $0x8000004A;
	[dreg:$0x12] =	wrdreg s31  }
.LBB2_4:
0x25: {  	_ =	swait.ge [sflag:s9], $0x2800  }
0x26: {  	[sflag:s9] =	ssyncset.done $0x0  }
0x27: {  	[sflag:s9] =	ssyncadd.s32 $0xFFFFD800  }
0x28: {  	[spmem:s18] =	stream.indirect.scatter.add.f32 [tilespmem:s16], [sflag:$0x4], $0x80, s17, s2, $0xb8;
	[tilespmem:$0x1BB00] =	vst v63  }
0x29: {  	_ =	swait.ge [sflag:s0], $0x2800  }
0x2a: {  	[sflag:s0] =	ssyncset.done $0x0  }
0x2b: {  	[sflag:s0] =	ssyncadd.s32 $0xFFFFD800  }
0x2c: {  	_ =	swait.ge [sflag:s10], $0x2800  }
0x2d: {  	[sflag:s10] =	ssyncset.done $0x0  }
0x2e: {  	[sflag:s10] =	ssyncadd.s32 $0xFFFFD800  }
0x2f: {  	[spmem:s18] =	stream.indirect.scatter.add.f32 [tilespmem:s5], [sflag:$0x4], $0x80, s4, s2, $0xb8;
	[tilespmem:$0x1BB00] =	vst v63  }
0x30: {  	_ =	swait.ge [sflag:s0], $0x2800  }
0x31: {  	[sflag:s0] =	ssyncset.done $0x0  }
0x32: {  	[sflag:s0] =	ssyncadd.s32 $0xFFFFD800  }
0x33: {  	[bflag:$0x0] =	sbarrier.arrive $0xFFFF  }
0x34: {  	[tilespmem:s16], [sflag:$0x4] =	stream.linear.gather [spmem:s22], $0x2800, $0x38;
	[tilespmem:$0x1BB00] =	vst v63  }
0x35: {  	_ =	swait.ge [sflag:s0], $0x2800  }
0x36: {  	[sflag:s0] =	ssyncset.done $0x0  }
0x37: {  	s13 =	rddreg [dreg:$0x5];
	[sflag:s0] =	ssyncadd.s32 $0xFFFFD800  }
0x38: {  	[hbm4b:s13+s1] =	stream.linear.scatter [tilespmem:s16], [sflag:$0x4], $0x2800, $0x38;
	[tilespmem:$0x1BB00] =	vst v63  }
0x39: {  	_ =	swait.ge [sflag:s0], $0x2800  }
0x3a: {  	[sflag:s0] =	ssyncset.done $0x0  }
0x3b: {  	[sflag:s0] =	ssyncadd.s32 $0xFFFFD800  }
0x3c: {  	[tilespmem:s16], [sflag:$0x4] =	stream.linear.gather [spmem:s23], $0x2800, $0x38;
	[tilespmem:$0x1BB00] =	vst v63  }
0x3d: {  	_ =	swait.ge [sflag:s0], $0x2800  }
0x3e: {  	[sflag:s0] =	ssyncset.done $0x0  }
0x3f: {  	s15 =	rddreg [dreg:$0x6];
	[sflag:s0] =	ssyncadd.s32 $0xFFFFD800  }
0x40: {  	[hbm4b:s15+s1] =	stream.linear.scatter [tilespmem:s16], [sflag:$0x4], $0x2800, $0x38;
	[tilespmem:$0x1BB00] =	vst v63  }
0x41: {  	_ =	swait.ge [sflag:s0], $0x2800  }
0x42: {  	[sflag:s0] =	ssyncset.done $0x0  }
0x43: {  	[sflag:s0] =	ssyncadd.s32 $0xFFFFD800  }
0x44: {  	[tilespmem:s16], [sflag:$0x4] =	stream.linear.gather [spmem:s24], $0x2800, $0x38;
	[tilespmem:$0x1BB00] =	vst v63  }
0x45: {  	_ =	swait.ge [sflag:s0], $0x2800  }
0x46: {  	[sflag:s0] =	ssyncset.done $0x0  }
0x47: {  	s31 =	rddreg [dreg:$0x7];
	[sflag:s0] =	ssyncadd.s32 $0xFFFFD800  }
0x48: {  	[hbm4b:s31+s1] =	stream.linear.scatter [tilespmem:s16], [sflag:$0x4], $0x2800, $0x38;
	[tilespmem:$0x1BB00] =	vst v63  }
0x49: {  	_ =	swait.ge [sflag:s0], $0x2800  }
0x4a: {  	[sflag:s0] =	ssyncset.done $0x0  }
0x4b: {  	[sflag:s0] =	ssyncadd.s32 $0xFFFFD800  }
0x4c: {  	[tilespmem:s16], [sflag:$0x4] =	stream.linear.gather [spmem:s25], $0x2800, $0x38;
	[tilespmem:$0x1BB00] =	vst v63  }
0x4d: {  	_ =	swait.ge [sflag:s0], $0x2800  }
0x4e: {  	[sflag:s0] =	ssyncset.done $0x0  }
0x4f: {  	s14 =	rddreg [dreg:$0x8];
	[sflag:s0] =	ssyncadd.s32 $0xFFFFD800  }
0x50: {  	[hbm4b:s14+s1] =	stream.linear.scatter [tilespmem:s16], [sflag:$0x4], $0x2800, $0x38;
	[tilespmem:$0x1BB00] =	vst v63  }
0x51: {  	_ =	swait.ge [sflag:s0], $0x2800  }
0x52: {  	[sflag:s0] =	ssyncset.done $0x0  }
0x53: {  	[sflag:s0] =	ssyncadd.s32 $0xFFFFD800  }
0x54: {  	[tilespmem:s16], [sflag:$0x4] =	stream.linear.gather [spmem:s26], $0x2800, $0x38;
	[tilespmem:$0x1BB00] =	vst v63  }
0x55: {  	_ =	swait.ge [sflag:s0], $0x2800  }
0x56: {  	[sflag:s0] =	ssyncset.done $0x0  }
0x57: {  	s15 =	rddreg [dreg:$0x9];
	[sflag:s0] =	ssyncadd.s32 $0xFFFFD800  }
0x58: {  	[hbm4b:s15+s1] =	stream.linear.scatter [tilespmem:s16], [sflag:$0x4], $0x2800, $0x38;
	[tilespmem:$0x1BB00] =	vst v63  }
0x59: {  	_ =	swait.ge [sflag:s0], $0x2800  }
0x5a: {  	[sflag:s0] =	ssyncset.done $0x0  }
0x5b: {  	[sflag:s0] =	ssyncadd.s32 $0xFFFFD800  }
0x5c: {  	[tilespmem:s16], [sflag:$0x4] =	stream.linear.gather [spmem:s28], $0x2800, $0x38;
	[tilespmem:$0x1BB00] =	vst v63  }
0x5d: {  	_ =	swait.ge [sflag:s0], $0x2800  }
0x5e: {  	[sflag:s0] =	ssyncset.done $0x0  }
0x5f: {  	s31 =	rddreg [dreg:$0xa];
	[sflag:s0] =	ssyncadd.s32 $0xFFFFD800  }
0x60: {  	[hbm4b:s31+s1] =	stream.linear.scatter [tilespmem:s16], [sflag:$0x4], $0x2800, $0x38;
	[tilespmem:$0x1BB00] =	vst v63  }
0x61: {  	_ =	swait.ge [sflag:s0], $0x2800  }
0x62: {  	[sflag:s0] =	ssyncset.done $0x0  }
0x63: {  	[sflag:s0] =	ssyncadd.s32 $0xFFFFD800  }
0x64: {  	[tilespmem:s16], [sflag:$0x4] =	stream.linear.gather [spmem:s29], $0x2800, $0x38;
	[tilespmem:$0x1BB00] =	vst v63  }
0x65: {  	_ =	swait.ge [sflag:s0], $0x2800  }
0x66: {  	[sflag:s0] =	ssyncset.done $0x0  }
0x67: {  	s14 =	rddreg [dreg:$0xb];
	[sflag:s0] =	ssyncadd.s32 $0xFFFFD800  }
0x68: {  	[hbm4b:s14+s1] =	stream.linear.scatter [tilespmem:s16], [sflag:$0x4], $0x2800, $0x38;
	[tilespmem:$0x1BB00] =	vst v63  }
0x69: {  	_ =	swait.ge [sflag:s0], $0x2800  }
0x6a: {  	[sflag:s0] =	ssyncset.done $0x0  }
0x6b: {  	[sflag:s0] =	ssyncadd.s32 $0xFFFFD800  }
0x6c: {  	[tilespmem:s16], [sflag:$0x4] =	stream.linear.gather [spmem:s30], $0x2800, $0x38;
	[tilespmem:$0x1BB00] =	vst v63  }
0x6d: {  	_ =	swait.ge [sflag:s0], $0x2800  }
0x6e: {  	[sflag:s0] =	ssyncset.done $0x0  }
0x6f: {  	s15 =	rddreg [dreg:$0xc];
	[sflag:s0] =	ssyncadd.s32 $0xFFFFD800  }
0x70: {  	[hbm4b:s15+s1] =	stream.linear.scatter [tilespmem:s16], [sflag:$0x4], $0x2800, $0x38;
	[tilespmem:$0x1BB00] =	vst v63  }
0x71: {  	_ =	swait.ge [sflag:s0], $0x2800  }
0x72: {  	s12 =	sadd.s32 $0x1, s12;
	s31 =	rddreg [dreg:$0x12]  }
0x73: {  	p0 =	sne.s32 s12, s31  }
.Ltmp1:
0x74: {  	_ = 	snop;
	(pc) =	sbr.rel @!p0 .LBB2_5-.Ltmp1, $3  }
0x75: {  	_ =	sdelay $0x1  }
0x76: {  	[sflag:s0] =	ssyncset.done $0x0  }
0x77: {  	[sflag:s0] =	ssyncadd.s32 $0xFFFFD800  }
.LBB2_1:
0x78: {  	s13 =	rddreg [dreg:$0x1]  }
0x79: {  	[tilespmem:s16], [sflag:$0x4] =	stream.linear.gather [hbm4b:s13+s1], $0x2800, $0x38;
	[tilespmem:$0x1BB00] =	vst v63  }
0x7a: {  	_ =	swait.ge [sflag:s0], $0x2800  }
0x7b: {  	[sflag:s0] =	ssyncset.done $0x0  }
0x7c: {  	[sflag:s0] =	ssyncadd.s32 $0xFFFFD800  }
0x7d: {  	[spmem:s22] =	stream.linear.scatter [tilespmem:s16], [sflag:$0x4], $0x2800, $0x38;
	[tilespmem:$0x1BB00] =	vst v63  }
0x7e: {  	_ =	swait.ge [sflag:s0], $0x2800  }
0x7f: {  	[sflag:s0] =	ssyncset.done $0x0  }
0x80: {  	[sflag:s0] =	ssyncadd.s32 $0xFFFFD800  }
0x81: {  	[spmem:s23] =	stream.linear.scatter [tilespmem:s16], [sflag:$0x4], $0x2800, $0x38;
	[tilespmem:$0x1BB00] =	vst v63  }
0x82: {  	_ =	swait.ge [sflag:s0], $0x2800  }
0x83: {  	[sflag:s0] =	ssyncset.done $0x0  }
0x84: {  	[sflag:s0] =	ssyncadd.s32 $0xFFFFD800  }
0x85: {  	[spmem:s24] =	stream.linear.scatter [tilespmem:s16], [sflag:$0x4], $0x2800, $0x38;
	[tilespmem:$0x1BB00] =	vst v63  }
0x86: {  	_ =	swait.ge [sflag:s0], $0x2800  }
0x87: {  	[sflag:s0] =	ssyncset.done $0x0  }
0x88: {  	[sflag:s0] =	ssyncadd.s32 $0xFFFFD800  }
0x89: {  	[spmem:s25] =	stream.linear.scatter [tilespmem:s16], [sflag:$0x4], $0x2800, $0x38;
	[tilespmem:$0x1BB00] =	vst v63  }
0x8a: {  	_ =	swait.ge [sflag:s0], $0x2800  }
0x8b: {  	[sflag:s0] =	ssyncset.done $0x0  }
0x8c: {  	[sflag:s0] =	ssyncadd.s32 $0xFFFFD800  }
0x8d: {  	[spmem:s26] =	stream.linear.scatter [tilespmem:s16], [sflag:$0x4], $0x2800, $0x38;
	[tilespmem:$0x1BB00] =	vst v63  }
0x8e: {  	_ =	swait.ge [sflag:s0], $0x2800  }
0x8f: {  	[sflag:s0] =	ssyncset.done $0x0  }
0x90: {  	[sflag:s0] =	ssyncadd.s32 $0xFFFFD800  }
0x91: {  	[spmem:s28] =	stream.linear.scatter [tilespmem:s16], [sflag:$0x4], $0x2800, $0x38;
	[tilespmem:$0x1BB00] =	vst v63  }
0x92: {  	_ =	swait.ge [sflag:s0], $0x2800  }
0x93: {  	[sflag:s0] =	ssyncset.done $0x0  }
0x94: {  	[sflag:s0] =	ssyncadd.s32 $0xFFFFD800  }
0x95: {  	[spmem:s29] =	stream.linear.scatter [tilespmem:s16], [sflag:$0x4], $0x2800, $0x38;
	[tilespmem:$0x1BB00] =	vst v63  }
0x96: {  	_ =	swait.ge [sflag:s0], $0x2800  }
0x97: {  	[sflag:s0] =	ssyncset.done $0x0  }
0x98: {  	[sflag:s0] =	ssyncadd.s32 $0xFFFFD800  }
0x99: {  	[spmem:s30] =	stream.linear.scatter [tilespmem:s16], [sflag:$0x4], $0x2800, $0x38;
	[tilespmem:$0x1BB00] =	vst v63  }
0x9a: {  	_ =	swait.ge [sflag:s0], $0x2800  }
0x9b: {  	[sflag:s0] =	ssyncset.done $0x0  }
0x9c: {  	s14 =	rddreg [dreg:$0x4];
	[sflag:s0] =	ssyncadd.s32 $0xFFFFD800  }
0x9d: {  	[tilespmem:s1], [sflag:$0x4] =	stream.linear.gather [hbm4b:s14+s1], $0x50, $0x38;
	[tilespmem:$0x1BB00] =	vst v63  }
0x9e: {  	_ =	swait.ge [sflag:s0], $0x50  }
0x9f: {  	[sflag:s0] =	ssyncset.done $0x0  }
0xa0: {  	s15 =	rddreg [dreg:$0xd];
	[sflag:s0] =	ssyncadd.s32 $0xFFFFFFB0  }
0xa1: {  	[tilespmem:s17], [sflag:$0x4] =	stream.linear.gather [hbm4b:s15+s1], $0x50, $0x38;
	[tilespmem:$0x1BB00] =	vst v63  }
0xa2: {  	_ =	swait.ge [sflag:s0], $0x50  }
0xa3: {  	[sflag:s0] =	ssyncset.done $0x0  }
0xa4: {  	[sflag:s0] =	ssyncadd.s32 $0xFFFFFFB0  }
0xa5: {  	[tilespmem:s16], [sflag:$0x1] =	stream.indirect.gather [hbm4b:s21+s2], $0x80, s1, s2, $0xb8;
	[tilespmem:$0x1BB00] =	vst v63  }
0xa6: {  	s31 =	rddreg [dreg:$0xe]  }
0xa7: {  	[tilespmem:s3], [sflag:$0x4] =	stream.linear.gather [hbm4b:s31+s1], $0x50, $0x38;
	[tilespmem:$0x1BB00] =	vst v63  }
0xa8: {  	_ =	swait.ge [sflag:s0], $0x50  }
0xa9: {  	[sflag:s0] =	ssyncset.done $0x0  }
0xaa: {  	s14 =	rddreg [dreg:$0xf];
	[sflag:s0] =	ssyncadd.s32 $0xFFFFFFB0  }
0xab: {  	[tilespmem:s4], [sflag:$0x4] =	stream.linear.gather [hbm4b:s14+s1], $0x50, $0x38;
	[tilespmem:$0x1BB00] =	vst v63  }
0xac: {  	_ =	swait.ge [sflag:s0], $0x50  }
0xad: {  	[sflag:s0] =	ssyncset.done $0x0  }
0xae: {  	[sflag:s0] =	ssyncadd.s32 $0xFFFFFFB0  }
0xaf: {  	[tilespmem:s5], [sflag:$0x2] =	stream.indirect.gather [hbm4b:s21+s2], $0x80, s3, s2, $0xb8;
	[tilespmem:$0x1BB00] =	vst v63  }
0xb0: {  	s15 =	rddreg [dreg:$0x10]  }
0xb1: {  	[tilespmem:s6], [sflag:$0x4] =	stream.linear.gather [hbm4b:s15+s1], $0x50, $0x38;
	[tilespmem:$0x1BB00] =	vst v63  }
0xb2: {  	_ =	swait.ge [sflag:s0], $0x50  }
0xb3: {  	[sflag:s0] =	ssyncset.done $0x0  }
0xb4: {  	s31 =	rddreg [dreg:$0x11];
	[sflag:s0] =	ssyncadd.s32 $0xFFFFFFB0  }
0xb5: {  	[tilespmem:s7], [sflag:$0x4] =	stream.linear.gather [hbm4b:s31+s1], $0x50, $0x38;
	[tilespmem:$0x1BB00] =	vst v63  }
0xb6: {  	_ =	swait.ge [sflag:s0], $0x50  }
0xb7: {  	[sflag:s0] =	ssyncset.done $0x0  }
0xb8: {  	[sflag:s0] =	ssyncadd.s32 $0xFFFFFFB0  }
0xb9: {  	[tilespmem:s8], [sflag:$0x3] =	stream.indirect.gather [hbm4b:s21+s2], $0x80, s6, s2, $0xb8;
	[tilespmem:$0x1BB00] =	vst v63  }
0xba: {  	s13 =	simm.s32 $0x0;
	[bflag:$0x0] =	sbarrier.arrive $0xFFFF  }
.LBB2_2:
0xbb: {  	_ =	swait.ge [sflag:s9], $0x2800  }
0xbc: {  	[sflag:s9] =	ssyncset.done $0x0  }
0xbd: {  	[sflag:s9] =	ssyncadd.s32 $0xFFFFD800  }
0xbe: {  	[spmem:s18] =	stream.indirect.scatter.add.f32 [tilespmem:s16], [sflag:$0x4], $0x80, s17, s2, $0xb8;
	[tilespmem:$0x1BB00] =	vst v63  }
0xbf: {  	_ =	swait.ge [sflag:s0], $0x2800  }
0xc0: {  	s14 =	sadd.s32 s13, s19;
	[sflag:s0] =	ssyncset.done $0x0  }
0xc1: {  	s15 =	sadd.s32 $0x3C0, s14;
	[sflag:s0] =	ssyncadd.s32 $0xFFFFD800  }
0xc2: {  	[tilespmem:s1], [sflag:$0x4] =	stream.linear.gather [hbm4b:s15+s1], $0x50, $0x38;
	[tilespmem:$0x1BB00] =	vst v63  }
0xc3: {  	_ =	swait.ge [sflag:s0], $0x50  }
0xc4: {  	s15 =	sadd.s32 s13, s20;
	[sflag:s0] =	ssyncset.done $0x0  }
0xc5: {  	s31 =	sadd.s32 $0x3C0, s15;
	[sflag:s0] =	ssyncadd.s32 $0xFFFFFFB0  }
0xc6: {  	[tilespmem:s17], [sflag:$0x4] =	stream.linear.gather [hbm4b:s31+s1], $0x50, $0x38;
	[tilespmem:$0x1BB00] =	vst v63  }
0xc7: {  	_ =	swait.ge [sflag:s0], $0x50  }
0xc8: {  	[sflag:s0] =	ssyncset.done $0x0  }
0xc9: {  	[sflag:s0] =	ssyncadd.s32 $0xFFFFFFB0  }
0xca: {  	[tilespmem:s16], [sflag:$0x1] =	stream.indirect.gather [hbm4b:s21+s2], $0x80, s1, s2, $0xb8;
	[tilespmem:$0x1BB00] =	vst v63  }
0xcb: {  	_ =	swait.ge [sflag:s10], $0x2800  }
0xcc: {  	[sflag:s10] =	ssyncset.done $0x0  }
0xcd: {  	[sflag:s10] =	ssyncadd.s32 $0xFFFFD800  }
0xce: {  	[spmem:s18] =	stream.indirect.scatter.add.f32 [tilespmem:s5], [sflag:$0x4], $0x80, s4, s2, $0xb8;
	[tilespmem:$0x1BB00] =	vst v63  }
0xcf: {  	_ =	swait.ge [sflag:s0], $0x2800  }
0xd0: {  	[sflag:s0] =	ssyncset.done $0x0  }
0xd1: {  	s31 =	sadd.s32 $0x500, s14;
	[sflag:s0] =	ssyncadd.s32 $0xFFFFD800  }
0xd2: {  	[tilespmem:s3], [sflag:$0x4] =	stream.linear.gather [hbm4b:s31+s1], $0x50, $0x38;
	[tilespmem:$0x1BB00] =	vst v63  }
0xd3: {  	_ =	swait.ge [sflag:s0], $0x50  }
0xd4: {  	[sflag:s0] =	ssyncset.done $0x0  }
0xd5: {  	s31 =	sadd.s32 $0x500, s15;
	[sflag:s0] =	ssyncadd.s32 $0xFFFFFFB0  }
0xd6: {  	[tilespmem:s4], [sflag:$0x4] =	stream.linear.gather [hbm4b:s31+s1], $0x50, $0x38;
	[tilespmem:$0x1BB00] =	vst v63  }
0xd7: {  	_ =	swait.ge [sflag:s0], $0x50  }
0xd8: {  	[sflag:s0] =	ssyncset.done $0x0  }
0xd9: {  	[sflag:s0] =	ssyncadd.s32 $0xFFFFFFB0  }
0xda: {  	[tilespmem:s5], [sflag:$0x2] =	stream.indirect.gather [hbm4b:s21+s2], $0x80, s3, s2, $0xb8;
	[tilespmem:$0x1BB00] =	vst v63  }
0xdb: {  	_ =	swait.ge [sflag:s11], $0x2800  }
0xdc: {  	p0 =	seq.s32 s13, $0x9600;
	[sflag:s11] =	ssyncset.done $0x0  }
.Ltmp2:
0xdd: {  	[sflag:s11] =	ssyncadd.s32 $0xFFFFD800;
	(pc) =	sbr.rel @p0 .LBB2_4-.Ltmp2, $4  }
0xde: {  	[spmem:s18] =	stream.indirect.scatter.add.f32 [tilespmem:s8], [sflag:$0x4], $0x80, s7, s2, $0xb8;
	[tilespmem:$0x1BB00] =	vst v63  }
0xdf: {  	_ =	swait.ge [sflag:s0], $0x2800  }
0xe0: {  	[sflag:s0] =	ssyncset.done $0x0  }
0xe1: {  	[sflag:s0] =	ssyncadd.s32 $0xFFFFD800  }
0xe2: {  	s14 =	sadd.s32 $0x640, s14  }
0xe3: {  	[tilespmem:s6], [sflag:$0x4] =	stream.linear.gather [hbm4b:s14+s1], $0x50, $0x38;
	[tilespmem:$0x1BB00] =	vst v63  }
0xe4: {  	_ =	swait.ge [sflag:s0], $0x50  }
0xe5: {  	[sflag:s0] =	ssyncset.done $0x0  }
0xe6: {  	s31 =	sadd.s32 $0x640, s15;
	[sflag:s0] =	ssyncadd.s32 $0xFFFFFFB0  }
0xe7: {  	[tilespmem:s7], [sflag:$0x4] =	stream.linear.gather [hbm4b:s31+s1], $0x50, $0x38;
	[tilespmem:$0x1BB00] =	vst v63  }
.Ltmp3:
0xe8: {  	_ = 	snop;
	(pc) =	sbr.rel .LBB2_2-.Ltmp3, $4  }
0xe9: {  	_ =	swait.ge [sflag:s0], $0x50  }
0xea: {  	[sflag:s0] =	ssyncset.done $0x0  }
0xeb: {  	s13 =	sadd.s32 $0x3C0, s13;
	[sflag:s0] =	ssyncadd.s32 $0xFFFFFFB0  }
0xec: {  	[tilespmem:s8], [sflag:$0x3] =	stream.indirect.gather [hbm4b:s21+s2], $0x80, s6, s2, $0xb8;
	[tilespmem:$0x1BB00] =	vst v63  }
.LBB2_5:
0xed: {  	_ =	sfence.sel $0x180000  }
0xee: {  	[bflag:$0x0] =	sbarrier.arrive $0xFFFF  }
0xef: {  	_ =	strace $0x9000004A  }
0xf0: {  	s0 =	stileid.u32;
	[bflag:$0x2] =	sbarrier.arrive $0xFFFF  }
0xf1: {  	p0 =	sne.s32 s0, $0x0;
	s0 =	rddreg [dreg:$0x3]  }
0xf2: {  	s0 =	sadd.s32 @!p0 $0x100000, s0  }
0xf3: {  	[sflag:s0] =	ssyncadd.tile.s32 @!p0 $0x1;
	_ =	shalt  }
.Lfunc_end2:
_tile_overlayer_lowered:
.L_overlay_start_2:
0xf4: {  	(tag) =	ssettag $0x2  }
0xf5: {  	s0 =	rddreg [dreg:$0x0];
	s2 =	stileid.u32  }
0xf6: {  	s1 =	rddreg [dreg:$0x1];
	p0 =	sne.s32 s2, $0x0  }
0xf7: {  	s3 =	rddreg [dreg:$0x2];
	[bflag:$0x3] =	sbarrier.arrive $0xFFFF;
	s2 =	simm.s32 @!p0 $0x1C04  }
0xf8: {  	[timem:s3], [sflag:s2] =	dma.local @!p0 [hbm:s0], s1  }
0xf9: {  	s0 =	simm.s32 @!p0 $0x4  }
0xfa: {  	_ =	swait.ge @!p0 [sflag:s0], s1  }
0xfb: {  	s1 =	ssub.s32 @!p0 $0x0, s1;
	[sflag:s0] =	ssyncset.done @!p0 $0x0  }
0xfc: {  	[sflag:s0] =	ssyncadd.s32 @!p0 s1  }
0xfd: {  	[bflag:$0x3] =	sbarrier.arrive $0xFFFF  }
0xfe: {  	_ =	shalt  }

// kernel: kernel.14.cloned.1.call-start
scs
__scs_entry_jumppad:
0x0: {  	(pc) =	sbr.rel $0x88, $3  }
0x1: {  	(tag) =	ssettag $0x0;
	lr =	simm.s32 $0x1  }
0x2: {  	[smem:$0x3F95] =	sst lr;
	_ =	strace $0xD0000000  }
0x3: {  	_ = 	snop  }
0x4: {  	_ = 	snop  }
0x5: {  	_ = 	snop  }
0x6: {  	_ = 	snop  }
0x7: {  	_ = 	snop  }
__scs_overlays_trampoline_lowered:
0x8: {  	[smem:$0x3FA4] =	sst s0  }
0x9: {  	[smem:$0x3FA5] =	sst s1  }
0xa: {  	[smem:$0x3FA6] =	sst s2  }
0xb: {  	[smem:$0x3FA7] =	sst s3  }
0xc: {  	[smem:$0x3FA8] =	sst s4  }
0xd: {  	[smem:$0x3FA9] =	sst s5  }
0xe: {  	[smem:$0x3FAA] =	sst s6  }
0xf: {  	[smem:$0x3FAB] =	sst s7  }
0x10: {  	[smem:$0x3FAC] =	sst s8  }
0x11: {  	[smem:$0x3FAD] =	sst s9;
	s0 =	simm.s32 @!p0 $0x0  }
0x12: {  	s1 =	sld [smem:$0x3F93];
	s0 =	simm.s32 @p0 $0x1  }
0x13: {  	[smem:$0x3FAE] =	sst s0;
	s0 =	simm.s32 @!p1 $0x0  }
0x14: {  	s2 =	sld [smem:$0x3F92];
	s0 =	simm.s32 @p1 $0x1  }
0x15: {  	[smem:$0x3FAF] =	sst s0;
	s0 =	simm.s32 @!p2 $0x0  }
0x16: {  	s3 =	sld [smem:$0x3FDB];
	s0 =	simm.s32 @p2 $0x1  }
0x17: {  	s4 =	simm.s32 $0x1BF5;
	[smem:$0x3FB1] =	sst s0  }
0x18: {  	s0 =	sld [smem:$0x3F94];
	_ =	swait.ge [sflag:s4], $0x0  }
0x19: {  	s7 =	sld [smem:$0x3F95]  }
0x1a: {  	s8 =	sadd.s32 $0xFFFFE003, lr  }
0x1b: {  	s9 =	sadd.s32 $0xFFFFFEF7, lr;
	s5 =	simm.s32 $0xFFFFFFFF;
	p2 =	slt.u32 s8, $0xFFFFF086  }
0x1c: {  	p1 =	slt.u32 s9, $0xF7A;
	s5 =	simm.s32 @!p2 $0x0  }
0x1d: {  	s5 =	simm.s32 @p1 $0x1;
	p0 =	seq.s32 s7, s2  }
0x1e: {  	s7 =	smul.u32 @!p0 $0xF7A, s2;
	p2 =	seq.s32 @!p0 s5, $0x0  }
0x1f: {  	s9 =	smul.u32 $0xF7A, s1;
	s8 =	simm.s32 @!p0 $0x1BF5;
	p2 =	por !p2, p0  }
0x20: {  	[sflag:s8] =	ssyncset.s32 @!p0 $0xFFFFF086;
	s6 =	sadd.s32 @!p0 s3, s7;
	s7 =	simm.s32 @!p0 $0x108  }
0x21: {  	s3 =	sadd.s32 s3, s9;
	s6 =	sadd.s32 @!p0 $0x88, s6;
	s7 =	simm.s32 @p2 $0x1082  }
0x22: {  	[simem:s7], [sflag:s8] =	dma.local @!p0 [hbm:s6], $0xF7A  }
0x23: {  	s9 =	sor.u32 $0xD0000000, s2;
	s6 =	simm.s32 $0x108;
	_ =	swait.ge @!p0 [sflag:s8], $0x0  }
0x24: {  	s3 =	sadd.s32 $0x88, s3;
	s6 =	simm.s32 @!p1 $0x1082;
	[sflag:s4] =	ssyncset.s32 $0xFFFFF086  }
0x25: {  	[simem:s6], [sflag:s4] =	dma.local [hbm:s3], $0xF7A  }
0x26: {  	[smem:$0x3F95] =	sst s1;
	(tag) =	ssettag s2;
	_ =	strace s9  }
0x27: {  	s1 =	sld [smem:$0x3FA5]  }
0x28: {  	s2 =	sld [smem:$0x3FA6]  }
0x29: {  	s4 =	sld [smem:$0x3FA8]  }
0x2a: {  	p0 =	seq.s32 s5, $0x0;
	s5 =	sld [smem:$0x3FA9]  }
0x2b: {  	s6 =	sld [smem:$0x3FAA]  }
0x2c: {  	s7 =	sld [smem:$0x3FAB]  }
0x2d: {  	s3 =	simm.s32 $0x108;
	s8 =	sld [smem:$0x3FAC]  }
0x2e: {  	s3 =	simm.s32 @!p0 $0x1082;
	s9 =	sld [smem:$0x3FAD]  }
0x2f: {  	lr =	sadd.s32 s0, s3;
	s0 =	sld [smem:$0x3FA4]  }
0x30: {  	s3 =	sld [smem:$0x3FA7]  }
0x31: {  	[smem:$0x3FB0] =	sst s10  }
0x32: {  	s10 =	sld [smem:$0x3FAE];
	_ =	sdelay $0x3  }
0x33: {  	p0 =	seq.s32 s10, $0x1;
	s10 =	sld [smem:$0x3FB0];
	_ =	sdelay $0x3  }
0x34: {  	[smem:$0x3FB0] =	sst s10  }
0x35: {  	s10 =	sld [smem:$0x3FAF];
	_ =	sdelay $0x3  }
0x36: {  	p1 =	seq.s32 s10, $0x1;
	s10 =	sld [smem:$0x3FB0];
	_ =	sdelay $0x3  }
0x37: {  	[smem:$0x3FB0] =	sst s10  }
0x38: {  	s10 =	sld [smem:$0x3FB1]  }
0x39: {  	_ = 	snop;
	(pc) =	sbr.ind lr, $3  }
0x3a: {  	_ = 	snop  }
0x3b: {  	_ = 	snop  }
0x3c: {  	p2 =	seq.s32 s10, $0x1;
	s10 =	sld [smem:$0x3FB0]  }
0x3d: {  	_ =	shalt  }
0x3e: {  	_ =	shalt  }
0x3f: {  	_ =	shalt  }
0x40: {  	_ =	shalt  }
0x41: {  	_ =	shalt  }
0x42: {  	_ =	shalt  }
0x43: {  	_ =	shalt  }
0x44: {  	_ =	shalt  }
0x45: {  	_ =	shalt  }
0x46: {  	_ =	shalt  }
0x47: {  	_ =	shalt  }
0x48: {  	_ =	shalt  }
0x49: {  	_ =	shalt  }
0x4a: {  	_ =	shalt  }
0x4b: {  	_ =	shalt  }
0x4c: {  	_ =	shalt  }
0x4d: {  	_ =	shalt  }
0x4e: {  	_ =	shalt  }
0x4f: {  	_ =	shalt  }
0x50: {  	_ =	shalt  }
0x51: {  	_ =	shalt  }
0x52: {  	_ =	shalt  }
0x53: {  	_ =	shalt  }
0x54: {  	_ =	shalt  }
0x55: {  	_ =	shalt  }
0x56: {  	_ =	shalt  }
0x57: {  	_ =	shalt  }
0x58: {  	_ =	shalt  }
0x59: {  	_ =	shalt  }
0x5a: {  	_ =	shalt  }
0x5b: {  	_ =	shalt  }
0x5c: {  	_ =	shalt  }
0x5d: {  	_ =	shalt  }
0x5e: {  	_ =	shalt  }
0x5f: {  	_ =	shalt  }
0x60: {  	_ =	shalt  }
0x61: {  	_ =	shalt  }
0x62: {  	_ =	shalt  }
0x63: {  	_ =	shalt  }
0x64: {  	_ =	shalt  }
0x65: {  	_ =	shalt  }
0x66: {  	_ =	shalt  }
0x67: {  	_ =	shalt  }
0x68: {  	_ =	shalt  }
0x69: {  	_ =	shalt  }
0x6a: {  	_ =	shalt  }
0x6b: {  	_ =	shalt  }
0x6c: {  	_ =	shalt  }
0x6d: {  	_ =	shalt  }
0x6e: {  	_ =	shalt  }
0x6f: {  	_ =	shalt  }
0x70: {  	_ =	shalt  }
0x71: {  	_ =	shalt  }
0x72: {  	_ =	shalt  }
0x73: {  	_ =	shalt  }
0x74: {  	_ =	shalt  }
0x75: {  	_ =	shalt  }
0x76: {  	_ =	shalt  }
0x77: {  	_ =	shalt  }
0x78: {  	_ =	shalt  }
0x79: {  	_ =	shalt  }
0x7a: {  	_ =	shalt  }
0x7b: {  	_ =	shalt  }
0x7c: {  	_ =	shalt  }
0x7d: {  	_ =	shalt  }
0x7e: {  	_ =	shalt  }
0x7f: {  	_ =	shalt  }
0x80: {  	_ =	shalt  }
0x81: {  	_ =	shalt  }
0x82: {  	_ =	shalt  }
0x83: {  	_ =	shalt  }
0x84: {  	_ =	shalt  }
0x85: {  	_ =	shalt  }
0x86: {  	_ =	shalt  }
0x87: {  	_ =	shalt  }
.Lfunc_end0:
.L_simem_size_0:
called_computation.2_lowered:
.L_overlay_start_0:
0x88: {  	s2 =	sld [smem:$0x3FD9]  }
0x89: {  	s3 =	sld [smem:$0x3FFE];
	_ =	sdelay $0x1  }
0x8a: {  	s1 =	srdreg.scid  }
0x8b: {  	s0 =	sand.u32 $0x1, s1  }
0x8c: {  	s14 =	sshll.u32 s0, $0xA;
	s2 =	sadd.s32 s3, s2  }
0x8d: {  	s2 =	sadd.s32 s2, s14  }
0x8e: {  	[smem:$0x3FBC] =	sst s2  }
0x8f: {  	_ = 	snop  }
0x90: {  	s2 =	sld [smem:$0x3FD0];
	_ =	sdelay $0x2  }
0x91: {  	s15 =	simm.s32 $0xA;
	s4 =	simm.s32 $0x10  }
0x92: {  	[smem:s4], [sflag:s15] =	dma.local [hbm:s2], $0x1  }
0x93: {  	_ =	swait.eq [sflag:s15], $0x1  }
0x94: {  	[sflag:s15] =	ssyncset.done $0x0  }
0x95: {  	[sflag:s15] =	ssyncadd.s32 $0xFFFFFFFF  }
0x96: {  	s16 =	sld [smem:$0x10];
	(tm) =	ssettm $0x1  }
0x97: {  	s17 =	sld [smem:$0x3FFB];
	_ =	sdelay $0x3  }
0x98: {  	_ =	strace s17  }
0x99: {  	s3 =	sld [smem:$0x3FFC];
	_ =	sdelay $0x3  }
0x9a: {  	_ =	strace s3  }
0x9b: {  	s3 =	sld [smem:$0x3FFD];
	_ =	sdelay $0x3  }
0x9c: {  	_ =	strace s3  }
0x9d: {  	_ =	strace $0x8FFFFFFF  }
0x9e: {  	s18 =	sld [smem:$0x3FDB];
	_ =	sdelay $0x1  }
0x9f: {  	s19 =	simm.s32 $_scs_section_size  }
0xa0: {  	s5 =	simm.s32 $_size__tile_overlayer_lowered;
	s6 =	simm.s32 $_tile_overlayer_lowered  }
0xa1: {  	s22 =	simm.s32 $0x1BFF;
	s21 =	sshll.u32 s6, $0x1;
	s3 =	sadd.s32 s19, s18  }
0xa2: {  	s7 =	simm.s32 $0x0;
	s20 =	sshll.u32 s5, $0x1;
	s5 =	sadd.s32 s21, s3  }
0xa3: {  	[timem:s7], [sflag:s22] =	dma.local [hbm:s5], s20  }
0xa4: {  	_ =	swait.ge [sflag:s22], s20  }
0xa5: {  	s4 =	ssub.s32 $0x0, s20;
	[sflag:s22] =	ssyncset.done $0x0  }
0xa6: {  	[sflag:s22] =	ssyncadd.s32 s4;
	_ =	sdelay $0x1  }
0xa7: {  	s23 =	simm.s32 $0x1B8B  }
0xa8: {  	_ =	swait.ge [sflag:s23], $0x1  }
0xa9: {  	[sflag:s23] =	ssyncset.done $0x0  }
0xaa: {  	s25 =	simm.s32 $0x1B8E;
	s24 =	sld [smem:$0x3FFE];
	[sflag:s23] =	ssyncadd.s32 $0xFFFFFFFF  }
0xab: {  	s26 =	simm.s32 $execute0_lowered;
	[smem:$0x3FD2] =	sst s25  }
0xac: {  	s5 =	sshll.u32 s26, $0x1;
	_ =	strace $0x8000004C;
	[dreg:$0x1] =	wrdreg $0xFFFFFFFF  }
0xad: {  	s28 =	simm.s32 $_size_execute0_lowered;
	s3 =	sadd.s32 s3, s5;
	[dreg:$0x0] =	wrdreg $0x0  }
0xae: {  	s5 =	sshll.u32 s28, $0x1;
	[dreg:$0x2] =	wrdreg s3  }
0xaf: {  	[dreg:$0x3] =	wrdreg s5  }
0xb0: {  	[dreg:$0x4] =	wrdreg $0xC0  }
0xb1: {  	_ =	task [dreg:s7], $0x5FFFF  }
0xb2: {  	[dreg:$0x1] =	wrdreg $0xFFFFFFFF  }
0xb3: {  	[dreg:$0x0] =	wrdreg $0x60  }
0xb4: {  	[dreg:$0x2] =	wrdreg s24  }
0xb5: {  	[dreg:$0x3] =	wrdreg s16  }
0xb6: {  	[dreg:$0x4] =	wrdreg $0x7B000  }
0xb7: {  	[dreg:$0x5] =	wrdreg $0x9  }
0xb8: {  	_ =	task.clear_ibuf [dreg:s7], $0x6FFFF;
	_ =	strace $0x9000004C  }
0xb9: {  	s29 =	simm.s32 $0x9;
	_ =	strace $0x8000004E  }
0xba: {  	_ =	swait.ge [sflag:s29], $0x1  }
0xbb: {  	[sflag:s29] =	ssyncadd.s32 $0xFFFFFFFF  }
0xbc: {  	_ =	strace $0x9000004E  }
0xbd: {  	_ =	sfence  }
0xbe: {  	s30 =	sld [smem:$0x0];
	_ =	sdelay $0x2  }
0xbf: {  	s31 =	sshll.u32 s1, $0xD;
	s1 =	sshrl.u32 s1, $0x2  }
0xc0: {  	s3 =	sand.u32 $0x4000, s31;
	s1 =	sadd.s32 s1, s30  }
0xc1: {  	s0 =	sor.u32 s3, s0;
	s1 =	sshll.u32 s1, $0x11  }
0xc2: {  	s0 =	sor.u32 s1, s0  }
0xc3: {  	s0 =	sadd.s32 $0x8F2B, s0  }
0xc4: {  	[sflag:s0] =	ssyncadd.remote.s32 $0x1  }
0xc5: {  	_ =	sfence.sel $0xFFFF  }
0xc6: {  	[dreg:$0x0] =	wrdreg $0xFFFFFFFF;
	(pc) =	sbr.abs _section_cstart, $3  }
0xc7: {  	[dreg:$0x1] =	wrdreg $0xFFFFFFFF  }
0xc8: {  	_ =	task.clear_ibuf [dreg:s7], $0x2FFFF;
	_ =	strace $0x9FFFFFFF  }
0xc9: {  	(tm) =	ssettm $0x7FFFFFFF  }
tec
execute0_lowered:
.L_overlay_start_1:
0x0: {  	(tag) =	ssettag $0x1  }
0x1: {  	s0 =	rddreg [dreg:$0x0];
	s1 =	simm.s32 $0x0;
	s2 =	srdreg.scid  }
0x2: {  	s20 =	stileid.u32;
	[smem:$0x7FF] =	sst s1;
	s3 =	sadd.s32 $0x3200, s0  }
0x3: {  	s4 =	sand.u32 $0x1, s2;
	s5 =	sadd.s32 $0xD000, s0;
	s6 =	smul.u32 $0x14000, s20  }
0x4: {  	s7 =	sadd.s32 $0x3EE00, s0;
	s9 =	sshll.u32 s20, $0x1;
	s15 =	smul.u32 $0x140000, s4  }
0x5: {  	s2 =	ssub.s32 $0x2, s4;
	s26 =	sor.u32 s4, s9;
	s4 =	smul.u32 $0xA, s4  }
0x6: {  	s8 =	sshrl.u32 s2, $0x1;
	s9 =	sor.u32 $0x2800, s6;
	s10 =	sadd.s32 $0x5000, s6  }
0x7: {  	s11 =	sadd.s32 $0x7800, s6;
	s12 =	smul.u32 $0xA, s26;
	s13 =	sadd.s32 $0xA000, s6  }
0x8: {  	s14 =	sadd.s32 $0xC800, s6;
	s16 =	sadd.s32 $0xF000, s6;
	s17 =	sadd.s32 $0x11800, s6  }
0x9: {  	s2 =	ssub.s32 s2, s8;
	s8 =	smul.u32 $0x50, s26;
	s6 =	sadd.s32 s6, s15  }
0xa: {  	s31 =	sadd.s32 s15, s9;
	s19 =	sadd.s32 s15, s10;
	s21 =	sadd.s32 s15, s11  }
0xb: {  	s25 =	sadd.s32 s15, s14;
	s26 =	sadd.s32 s15, s16;
	s18 =	sadd.s32 s3, s12  }
0xc: {  	s6 =	sshrl.u32 s6, $0x3;
	s22 =	sshrl.u32 s21, $0x3;
	[dreg:$0x4] =	wrdreg s18  }
0xd: {  	s8 =	sshrl.u32 s8, $0x3;
	s18 =	sshrl.u32 s31, $0x3;
	s6 =	sadd.s32 s7, s6  }
0xe: {  	s31 =	sshrl.u32 s26, $0x3;
	[dreg:$0x5] =	wrdreg s6;
	s18 =	sadd.s32 s7, s18  }
0xf: {  	s6 =	sshrl.u32 s19, $0x3;
	s19 =	sadd.s32 s15, s13;
	s15 =	sadd.s32 s15, s17  }
0x10: {  	s21 =	sadd.s32 $0x280, s8;
	[dreg:$0x6] =	wrdreg s18;
	s6 =	sadd.s32 s7, s6  }
0x11: {  	s23 =	sshrl.u32 s19, $0x3;
	s19 =	sadd.s32 s5, s12;
	[dreg:$0x7] =	wrdreg s6  }
0x12: {  	s15 =	sshrl.u32 s15, $0x3;
	s6 =	sadd.s32 s7, s22;
	[dreg:$0xd] =	wrdreg s19  }
0x13: {  	s18 =	sadd.s32 $0x140, s8;
	s24 =	sadd.s32 s7, s23;
	[dreg:$0x8] =	wrdreg s6  }
0x14: {  	s8 =	simm.s32 $0x5300;
	s15 =	sadd.s32 s7, s15;
	[dreg:$0x9] =	wrdreg s24  }
0x15: {  	s22 =	sadd.s32 s3, s18;
	s23 =	sadd.s32 s3, s21;
	[dreg:$0xc] =	wrdreg s15  }
0x16: {  	s6 =	sshrl.u32 s25, $0x3;
	[dreg:$0xe] =	wrdreg s22;
	s24 =	smul.u32 $0x14, s20  }
0x17: {  	[dreg:$0x10] =	wrdreg s23;
	s25 =	smul.u32 $0x50000, s20;
	s6 =	sadd.s32 s7, s6  }
0x18: {  	s12 =	simm.s32 $0x0;
	[dreg:$0xa] =	wrdreg s6;
	s6 =	sadd.s32 s7, s31  }
0x19: {  	s7 =	sadd.s32 s5, s21;
	s3 =	sadd.s32 s24, s3;
	s26 =	sshrl.u32 s25, $0x2  }
0x1a: {  	s21 =	sadd.s32 $0x16E00, s0;
	s31 =	smax.u32 s2, $0x1;
	[dreg:$0xb] =	wrdreg s6  }
0x1b: {  	s0 =	simm.s32 $0x4;
	s2 =	simm.s32 $0x50;
	[dreg:$0x11] =	wrdreg s7  }
0x1c: {  	s6 =	sadd.s32 s5, s18;
	s18 =	rddreg [dreg:$0x2];
	s5 =	sadd.s32 s24, s5  }
0x1d: {  	s19 =	sadd.s32 s4, s3;
	s3 =	simm.s32 $0x100;
	s7 =	simm.s32 $0x280  }
0x1e: {  	[dreg:$0xf] =	wrdreg s6;
	s20 =	sadd.s32 s4, s5;
	s22 =	sadd.s32 s26, s18  }
0x1f: {  	s23 =	sadd.s32 s9, s18;
	s24 =	sadd.s32 s10, s18;
	s25 =	sadd.s32 s11, s18  }
.Ltmp0:
0x20: {  	s26 =	sadd.s32 s13, s18;
	s28 =	sadd.s32 s14, s18;
	(pc) =	sbr.rel .LBB2_1-.Ltmp0, $4  }
0x21: {  	s29 =	sadd.s32 s16, s18;
	s30 =	sadd.s32 s17, s18;
	s16 =	simm.s32 $0x300  }
0x22: {  	s17 =	simm.s32 $0x80;
	s4 =	simm.s32 $0x180;
	s5 =	simm.s32 $0x2B00  }
0x23: {  	s6 =	simm.s32 $0x200;
	s9 =	simm.s32 $0x1;
	s10 =	simm.s32 $0x2  }
0x24: {  	s11 =	simm.s32 $0x3;
	_ =	strace $0x8000004D;
	[dreg:$0x12] =	wrdreg s31  }
.LBB2_4:
0x25: {  	_ =	swait.ge [sflag:s9], $0x2800  }
0x26: {  	[sflag:s9] =	ssyncset.done $0x0  }
0x27: {  	[sflag:s9] =	ssyncadd.s32 $0xFFFFD800  }
0x28: {  	[spmem:s18] =	stream.indirect.scatter.add.f32 [tilespmem:s16], [sflag:$0x4], $0x80, s17, s2, $0xb8;
	[tilespmem:$0x1BB00] =	vst v63  }
0x29: {  	_ =	swait.ge [sflag:s0], $0x2800  }
0x2a: {  	[sflag:s0] =	ssyncset.done $0x0  }
0x2b: {  	[sflag:s0] =	ssyncadd.s32 $0xFFFFD800  }
0x2c: {  	_ =	swait.ge [sflag:s10], $0x2800  }
0x2d: {  	[sflag:s10] =	ssyncset.done $0x0  }
0x2e: {  	[sflag:s10] =	ssyncadd.s32 $0xFFFFD800  }
0x2f: {  	[spmem:s18] =	stream.indirect.scatter.add.f32 [tilespmem:s5], [sflag:$0x4], $0x80, s4, s2, $0xb8;
	[tilespmem:$0x1BB00] =	vst v63  }
0x30: {  	_ =	swait.ge [sflag:s0], $0x2800  }
0x31: {  	[sflag:s0] =	ssyncset.done $0x0  }
0x32: {  	[sflag:s0] =	ssyncadd.s32 $0xFFFFD800  }
0x33: {  	[bflag:$0x0] =	sbarrier.arrive $0xFFFF  }
0x34: {  	[tilespmem:s16], [sflag:$0x4] =	stream.linear.gather [spmem:s22], $0x2800, $0x38;
	[tilespmem:$0x1BB00] =	vst v63  }
0x35: {  	_ =	swait.ge [sflag:s0], $0x2800  }
0x36: {  	[sflag:s0] =	ssyncset.done $0x0  }
0x37: {  	s13 =	rddreg [dreg:$0x5];
	[sflag:s0] =	ssyncadd.s32 $0xFFFFD800  }
0x38: {  	[hbm4b:s13+s1] =	stream.linear.scatter [tilespmem:s16], [sflag:$0x4], $0x2800, $0x38;
	[tilespmem:$0x1BB00] =	vst v63  }
0x39: {  	_ =	swait.ge [sflag:s0], $0x2800  }
0x3a: {  	[sflag:s0] =	ssyncset.done $0x0  }
0x3b: {  	[sflag:s0] =	ssyncadd.s32 $0xFFFFD800  }
0x3c: {  	[tilespmem:s16], [sflag:$0x4] =	stream.linear.gather [spmem:s23], $0x2800, $0x38;
	[tilespmem:$0x1BB00] =	vst v63  }
0x3d: {  	_ =	swait.ge [sflag:s0], $0x2800  }
0x3e: {  	[sflag:s0] =	ssyncset.done $0x0  }
0x3f: {  	s15 =	rddreg [dreg:$0x6];
	[sflag:s0] =	ssyncadd.s32 $0xFFFFD800  }
0x40: {  	[hbm4b:s15+s1] =	stream.linear.scatter [tilespmem:s16], [sflag:$0x4], $0x2800, $0x38;
	[tilespmem:$0x1BB00] =	vst v63  }
0x41: {  	_ =	swait.ge [sflag:s0], $0x2800  }
0x42: {  	[sflag:s0] =	ssyncset.done $0x0  }
0x43: {  	[sflag:s0] =	ssyncadd.s32 $0xFFFFD800  }
0x44: {  	[tilespmem:s16], [sflag:$0x4] =	stream.linear.gather [spmem:s24], $0x2800, $0x38;
	[tilespmem:$0x1BB00] =	vst v63  }
0x45: {  	_ =	swait.ge [sflag:s0], $0x2800  }
0x46: {  	[sflag:s0] =	ssyncset.done $0x0  }
0x47: {  	s31 =	rddreg [dreg:$0x7];
	[sflag:s0] =	ssyncadd.s32 $0xFFFFD800  }
0x48: {  	[hbm4b:s31+s1] =	stream.linear.scatter [tilespmem:s16], [sflag:$0x4], $0x2800, $0x38;
	[tilespmem:$0x1BB00] =	vst v63  }
0x49: {  	_ =	swait.ge [sflag:s0], $0x2800  }
0x4a: {  	[sflag:s0] =	ssyncset.done $0x0  }
0x4b: {  	[sflag:s0] =	ssyncadd.s32 $0xFFFFD800  }
0x4c: {  	[tilespmem:s16], [sflag:$0x4] =	stream.linear.gather [spmem:s25], $0x2800, $0x38;
	[tilespmem:$0x1BB00] =	vst v63  }
0x4d: {  	_ =	swait.ge [sflag:s0], $0x2800  }
0x4e: {  	[sflag:s0] =	ssyncset.done $0x0  }
0x4f: {  	s14 =	rddreg [dreg:$0x8];
	[sflag:s0] =	ssyncadd.s32 $0xFFFFD800  }
0x50: {  	[hbm4b:s14+s1] =	stream.linear.scatter [tilespmem:s16], [sflag:$0x4], $0x2800, $0x38;
	[tilespmem:$0x1BB00] =	vst v63  }
0x51: {  	_ =	swait.ge [sflag:s0], $0x2800  }
0x52: {  	[sflag:s0] =	ssyncset.done $0x0  }
0x53: {  	[sflag:s0] =	ssyncadd.s32 $0xFFFFD800  }
0x54: {  	[tilespmem:s16], [sflag:$0x4] =	stream.linear.gather [spmem:s26], $0x2800, $0x38;
	[tilespmem:$0x1BB00] =	vst v63  }
0x55: {  	_ =	swait.ge [sflag:s0], $0x2800  }
0x56: {  	[sflag:s0] =	ssyncset.done $0x0  }
0x57: {  	s15 =	rddreg [dreg:$0x9];
	[sflag:s0] =	ssyncadd.s32 $0xFFFFD800  }
0x58: {  	[hbm4b:s15+s1] =	stream.linear.scatter [tilespmem:s16], [sflag:$0x4], $0x2800, $0x38;
	[tilespmem:$0x1BB00] =	vst v63  }
0x59: {  	_ =	swait.ge [sflag:s0], $0x2800  }
0x5a: {  	[sflag:s0] =	ssyncset.done $0x0  }
0x5b: {  	[sflag:s0] =	ssyncadd.s32 $0xFFFFD800  }
0x5c: {  	[tilespmem:s16], [sflag:$0x4] =	stream.linear.gather [spmem:s28], $0x2800, $0x38;
	[tilespmem:$0x1BB00] =	vst v63  }
0x5d: {  	_ =	swait.ge [sflag:s0], $0x2800  }
0x5e: {  	[sflag:s0] =	ssyncset.done $0x0  }
0x5f: {  	s31 =	rddreg [dreg:$0xa];
	[sflag:s0] =	ssyncadd.s32 $0xFFFFD800  }
0x60: {  	[hbm4b:s31+s1] =	stream.linear.scatter [tilespmem:s16], [sflag:$0x4], $0x2800, $0x38;
	[tilespmem:$0x1BB00] =	vst v63  }
0x61: {  	_ =	swait.ge [sflag:s0], $0x2800  }
0x62: {  	[sflag:s0] =	ssyncset.done $0x0  }
0x63: {  	[sflag:s0] =	ssyncadd.s32 $0xFFFFD800  }
0x64: {  	[tilespmem:s16], [sflag:$0x4] =	stream.linear.gather [spmem:s29], $0x2800, $0x38;
	[tilespmem:$0x1BB00] =	vst v63  }
0x65: {  	_ =	swait.ge [sflag:s0], $0x2800  }
0x66: {  	[sflag:s0] =	ssyncset.done $0x0  }
0x67: {  	s14 =	rddreg [dreg:$0xb];
	[sflag:s0] =	ssyncadd.s32 $0xFFFFD800  }
0x68: {  	[hbm4b:s14+s1] =	stream.linear.scatter [tilespmem:s16], [sflag:$0x4], $0x2800, $0x38;
	[tilespmem:$0x1BB00] =	vst v63  }
0x69: {  	_ =	swait.ge [sflag:s0], $0x2800  }
0x6a: {  	[sflag:s0] =	ssyncset.done $0x0  }
0x6b: {  	[sflag:s0] =	ssyncadd.s32 $0xFFFFD800  }
0x6c: {  	[tilespmem:s16], [sflag:$0x4] =	stream.linear.gather [spmem:s30], $0x2800, $0x38;
	[tilespmem:$0x1BB00] =	vst v63  }
0x6d: {  	_ =	swait.ge [sflag:s0], $0x2800  }
0x6e: {  	[sflag:s0] =	ssyncset.done $0x0  }
0x6f: {  	s15 =	rddreg [dreg:$0xc];
	[sflag:s0] =	ssyncadd.s32 $0xFFFFD800  }
0x70: {  	[hbm4b:s15+s1] =	stream.linear.scatter [tilespmem:s16], [sflag:$0x4], $0x2800, $0x38;
	[tilespmem:$0x1BB00] =	vst v63  }
0x71: {  	_ =	swait.ge [sflag:s0], $0x2800  }
0x72: {  	s12 =	sadd.s32 $0x1, s12;
	s31 =	rddreg [dreg:$0x12]  }
0x73: {  	p0 =	sne.s32 s12, s31  }
.Ltmp1:
0x74: {  	_ = 	snop;
	(pc) =	sbr.rel @!p0 .LBB2_5-.Ltmp1, $3  }
0x75: {  	_ =	sdelay $0x1  }
0x76: {  	[sflag:s0] =	ssyncset.done $0x0  }
0x77: {  	[sflag:s0] =	ssyncadd.s32 $0xFFFFD800  }
.LBB2_1:
0x78: {  	s13 =	rddreg [dreg:$0x1]  }
0x79: {  	[tilespmem:s16], [sflag:$0x4] =	stream.linear.gather [hbm4b:s13+s1], $0x2800, $0x38;
	[tilespmem:$0x1BB00] =	vst v63  }
0x7a: {  	_ =	swait.ge [sflag:s0], $0x2800  }
0x7b: {  	[sflag:s0] =	ssyncset.done $0x0  }
0x7c: {  	[sflag:s0] =	ssyncadd.s32 $0xFFFFD800  }
0x7d: {  	[spmem:s22] =	stream.linear.scatter [tilespmem:s16], [sflag:$0x4], $0x2800, $0x38;
	[tilespmem:$0x1BB00] =	vst v63  }
0x7e: {  	_ =	swait.ge [sflag:s0], $0x2800  }
0x7f: {  	[sflag:s0] =	ssyncset.done $0x0  }
0x80: {  	[sflag:s0] =	ssyncadd.s32 $0xFFFFD800  }
0x81: {  	[spmem:s23] =	stream.linear.scatter [tilespmem:s16], [sflag:$0x4], $0x2800, $0x38;
	[tilespmem:$0x1BB00] =	vst v63  }
0x82: {  	_ =	swait.ge [sflag:s0], $0x2800  }
0x83: {  	[sflag:s0] =	ssyncset.done $0x0  }
0x84: {  	[sflag:s0] =	ssyncadd.s32 $0xFFFFD800  }
0x85: {  	[spmem:s24] =	stream.linear.scatter [tilespmem:s16], [sflag:$0x4], $0x2800, $0x38;
	[tilespmem:$0x1BB00] =	vst v63  }
0x86: {  	_ =	swait.ge [sflag:s0], $0x2800  }
0x87: {  	[sflag:s0] =	ssyncset.done $0x0  }
0x88: {  	[sflag:s0] =	ssyncadd.s32 $0xFFFFD800  }
0x89: {  	[spmem:s25] =	stream.linear.scatter [tilespmem:s16], [sflag:$0x4], $0x2800, $0x38;
	[tilespmem:$0x1BB00] =	vst v63  }
0x8a: {  	_ =	swait.ge [sflag:s0], $0x2800  }
0x8b: {  	[sflag:s0] =	ssyncset.done $0x0  }
0x8c: {  	[sflag:s0] =	ssyncadd.s32 $0xFFFFD800  }
0x8d: {  	[spmem:s26] =	stream.linear.scatter [tilespmem:s16], [sflag:$0x4], $0x2800, $0x38;
	[tilespmem:$0x1BB00] =	vst v63  }
0x8e: {  	_ =	swait.ge [sflag:s0], $0x2800  }
0x8f: {  	[sflag:s0] =	ssyncset.done $0x0  }
0x90: {  	[sflag:s0] =	ssyncadd.s32 $0xFFFFD800  }
0x91: {  	[spmem:s28] =	stream.linear.scatter [tilespmem:s16], [sflag:$0x4], $0x2800, $0x38;
	[tilespmem:$0x1BB00] =	vst v63  }
0x92: {  	_ =	swait.ge [sflag:s0], $0x2800  }
0x93: {  	[sflag:s0] =	ssyncset.done $0x0  }
0x94: {  	[sflag:s0] =	ssyncadd.s32 $0xFFFFD800  }
0x95: {  	[spmem:s29] =	stream.linear.scatter [tilespmem:s16], [sflag:$0x4], $0x2800, $0x38;
	[tilespmem:$0x1BB00] =	vst v63  }
0x96: {  	_ =	swait.ge [sflag:s0], $0x2800  }
0x97: {  	[sflag:s0] =	ssyncset.done $0x0  }
0x98: {  	[sflag:s0] =	ssyncadd.s32 $0xFFFFD800  }
0x99: {  	[spmem:s30] =	stream.linear.scatter [tilespmem:s16], [sflag:$0x4], $0x2800, $0x38;
	[tilespmem:$0x1BB00] =	vst v63  }
0x9a: {  	_ =	swait.ge [sflag:s0], $0x2800  }
0x9b: {  	[sflag:s0] =	ssyncset.done $0x0  }
0x9c: {  	s14 =	rddreg [dreg:$0x4];
	[sflag:s0] =	ssyncadd.s32 $0xFFFFD800  }
0x9d: {  	[tilespmem:s1], [sflag:$0x4] =	stream.linear.gather [hbm4b:s14+s1], $0x50, $0x38;
	[tilespmem:$0x1BB00] =	vst v63  }
0x9e: {  	_ =	swait.ge [sflag:s0], $0x50  }
0x9f: {  	[sflag:s0] =	ssyncset.done $0x0  }
0xa0: {  	s15 =	rddreg [dreg:$0xd];
	[sflag:s0] =	ssyncadd.s32 $0xFFFFFFB0  }
0xa1: {  	[tilespmem:s17], [sflag:$0x4] =	stream.linear.gather [hbm4b:s15+s1], $0x50, $0x38;
	[tilespmem:$0x1BB00] =	vst v63  }
0xa2: {  	_ =	swait.ge [sflag:s0], $0x50  }
0xa3: {  	[sflag:s0] =	ssyncset.done $0x0  }
0xa4: {  	[sflag:s0] =	ssyncadd.s32 $0xFFFFFFB0  }
0xa5: {  	[tilespmem:s16], [sflag:$0x1] =	stream.indirect.gather [hbm4b:s21+s2], $0x80, s1, s2, $0xb8;
	[tilespmem:$0x1BB00] =	vst v63  }
0xa6: {  	s31 =	rddreg [dreg:$0xe]  }
0xa7: {  	[tilespmem:s3], [sflag:$0x4] =	stream.linear.gather [hbm4b:s31+s1], $0x50, $0x38;
	[tilespmem:$0x1BB00] =	vst v63  }
0xa8: {  	_ =	swait.ge [sflag:s0], $0x50  }
0xa9: {  	[sflag:s0] =	ssyncset.done $0x0  }
0xaa: {  	s14 =	rddreg [dreg:$0xf];
	[sflag:s0] =	ssyncadd.s32 $0xFFFFFFB0  }
0xab: {  	[tilespmem:s4], [sflag:$0x4] =	stream.linear.gather [hbm4b:s14+s1], $0x50, $0x38;
	[tilespmem:$0x1BB00] =	vst v63  }
0xac: {  	_ =	swait.ge [sflag:s0], $0x50  }
0xad: {  	[sflag:s0] =	ssyncset.done $0x0  }
0xae: {  	[sflag:s0] =	ssyncadd.s32 $0xFFFFFFB0  }
0xaf: {  	[tilespmem:s5], [sflag:$0x2] =	stream.indirect.gather [hbm4b:s21+s2], $0x80, s3, s2, $0xb8;
	[tilespmem:$0x1BB00] =	vst v63  }
0xb0: {  	s15 =	rddreg [dreg:$0x10]  }
0xb1: {  	[tilespmem:s6], [sflag:$0x4] =	stream.linear.gather [hbm4b:s15+s1], $0x50, $0x38;
	[tilespmem:$0x1BB00] =	vst v63  }
0xb2: {  	_ =	swait.ge [sflag:s0], $0x50  }
0xb3: {  	[sflag:s0] =	ssyncset.done $0x0  }
0xb4: {  	s31 =	rddreg [dreg:$0x11];
	[sflag:s0] =	ssyncadd.s32 $0xFFFFFFB0  }
0xb5: {  	[tilespmem:s7], [sflag:$0x4] =	stream.linear.gather [hbm4b:s31+s1], $0x50, $0x38;
	[tilespmem:$0x1BB00] =	vst v63  }
0xb6: {  	_ =	swait.ge [sflag:s0], $0x50  }
0xb7: {  	[sflag:s0] =	ssyncset.done $0x0  }
0xb8: {  	[sflag:s0] =	ssyncadd.s32 $0xFFFFFFB0  }
0xb9: {  	[tilespmem:s8], [sflag:$0x3] =	stream.indirect.gather [hbm4b:s21+s2], $0x80, s6, s2, $0xb8;
	[tilespmem:$0x1BB00] =	vst v63  }
0xba: {  	s13 =	simm.s32 $0x0;
	[bflag:$0x0] =	sbarrier.arrive $0xFFFF  }
.LBB2_2:
0xbb: {  	_ =	swait.ge [sflag:s9], $0x2800  }
0xbc: {  	[sflag:s9] =	ssyncset.done $0x0  }
0xbd: {  	[sflag:s9] =	ssyncadd.s32 $0xFFFFD800  }
0xbe: {  	[spmem:s18] =	stream.indirect.scatter.add.f32 [tilespmem:s16], [sflag:$0x4], $0x80, s17, s2, $0xb8;
	[tilespmem:$0x1BB00] =	vst v63  }
0xbf: {  	_ =	swait.ge [sflag:s0], $0x2800  }
0xc0: {  	s14 =	sadd.s32 s13, s19;
	[sflag:s0] =	ssyncset.done $0x0  }
0xc1: {  	s15 =	sadd.s32 $0x3C0, s14;
	[sflag:s0] =	ssyncadd.s32 $0xFFFFD800  }
0xc2: {  	[tilespmem:s1], [sflag:$0x4] =	stream.linear.gather [hbm4b:s15+s1], $0x50, $0x38;
	[tilespmem:$0x1BB00] =	vst v63  }
0xc3: {  	_ =	swait.ge [sflag:s0], $0x50  }
0xc4: {  	s15 =	sadd.s32 s13, s20;
	[sflag:s0] =	ssyncset.done $0x0  }
0xc5: {  	s31 =	sadd.s32 $0x3C0, s15;
	[sflag:s0] =	ssyncadd.s32 $0xFFFFFFB0  }
0xc6: {  	[tilespmem:s17], [sflag:$0x4] =	stream.linear.gather [hbm4b:s31+s1], $0x50, $0x38;
	[tilespmem:$0x1BB00] =	vst v63  }
0xc7: {  	_ =	swait.ge [sflag:s0], $0x50  }
0xc8: {  	[sflag:s0] =	ssyncset.done $0x0  }
0xc9: {  	[sflag:s0] =	ssyncadd.s32 $0xFFFFFFB0  }
0xca: {  	[tilespmem:s16], [sflag:$0x1] =	stream.indirect.gather [hbm4b:s21+s2], $0x80, s1, s2, $0xb8;
	[tilespmem:$0x1BB00] =	vst v63  }
0xcb: {  	_ =	swait.ge [sflag:s10], $0x2800  }
0xcc: {  	[sflag:s10] =	ssyncset.done $0x0  }
0xcd: {  	[sflag:s10] =	ssyncadd.s32 $0xFFFFD800  }
0xce: {  	[spmem:s18] =	stream.indirect.scatter.add.f32 [tilespmem:s5], [sflag:$0x4], $0x80, s4, s2, $0xb8;
	[tilespmem:$0x1BB00] =	vst v63  }
0xcf: {  	_ =	swait.ge [sflag:s0], $0x2800  }
0xd0: {  	[sflag:s0] =	ssyncset.done $0x0  }
0xd1: {  	s31 =	sadd.s32 $0x500, s14;
	[sflag:s0] =	ssyncadd.s32 $0xFFFFD800  }
0xd2: {  	[tilespmem:s3], [sflag:$0x4] =	stream.linear.gather [hbm4b:s31+s1], $0x50, $0x38;
	[tilespmem:$0x1BB00] =	vst v63  }
0xd3: {  	_ =	swait.ge [sflag:s0], $0x50  }
0xd4: {  	[sflag:s0] =	ssyncset.done $0x0  }
0xd5: {  	s31 =	sadd.s32 $0x500, s15;
	[sflag:s0] =	ssyncadd.s32 $0xFFFFFFB0  }
0xd6: {  	[tilespmem:s4], [sflag:$0x4] =	stream.linear.gather [hbm4b:s31+s1], $0x50, $0x38;
	[tilespmem:$0x1BB00] =	vst v63  }
0xd7: {  	_ =	swait.ge [sflag:s0], $0x50  }
0xd8: {  	[sflag:s0] =	ssyncset.done $0x0  }
0xd9: {  	[sflag:s0] =	ssyncadd.s32 $0xFFFFFFB0  }
0xda: {  	[tilespmem:s5], [sflag:$0x2] =	stream.indirect.gather [hbm4b:s21+s2], $0x80, s3, s2, $0xb8;
	[tilespmem:$0x1BB00] =	vst v63  }
0xdb: {  	_ =	swait.ge [sflag:s11], $0x2800  }
0xdc: {  	p0 =	seq.s32 s13, $0x9600;
	[sflag:s11] =	ssyncset.done $0x0  }
.Ltmp2:
0xdd: {  	[sflag:s11] =	ssyncadd.s32 $0xFFFFD800;
	(pc) =	sbr.rel @p0 .LBB2_4-.Ltmp2, $4  }
0xde: {  	[spmem:s18] =	stream.indirect.scatter.add.f32 [tilespmem:s8], [sflag:$0x4], $0x80, s7, s2, $0xb8;
	[tilespmem:$0x1BB00] =	vst v63  }
0xdf: {  	_ =	swait.ge [sflag:s0], $0x2800  }
0xe0: {  	[sflag:s0] =	ssyncset.done $0x0  }
0xe1: {  	[sflag:s0] =	ssyncadd.s32 $0xFFFFD800  }
0xe2: {  	s14 =	sadd.s32 $0x640, s14  }
0xe3: {  	[tilespmem:s6], [sflag:$0x4] =	stream.linear.gather [hbm4b:s14+s1], $0x50, $0x38;
	[tilespmem:$0x1BB00] =	vst v63  }
0xe4: {  	_ =	swait.ge [sflag:s0], $0x50  }
0xe5: {  	[sflag:s0] =	ssyncset.done $0x0  }
0xe6: {  	s31 =	sadd.s32 $0x640, s15;
	[sflag:s0] =	ssyncadd.s32 $0xFFFFFFB0  }
0xe7: {  	[tilespmem:s7], [sflag:$0x4] =	stream.linear.gather [hbm4b:s31+s1], $0x50, $0x38;
	[tilespmem:$0x1BB00] =	vst v63  }
.Ltmp3:
0xe8: {  	_ = 	snop;
	(pc) =	sbr.rel .LBB2_2-.Ltmp3, $4  }
0xe9: {  	_ =	swait.ge [sflag:s0], $0x50  }
0xea: {  	[sflag:s0] =	ssyncset.done $0x0  }
0xeb: {  	s13 =	sadd.s32 $0x3C0, s13;
	[sflag:s0] =	ssyncadd.s32 $0xFFFFFFB0  }
0xec: {  	[tilespmem:s8], [sflag:$0x3] =	stream.indirect.gather [hbm4b:s21+s2], $0x80, s6, s2, $0xb8;
	[tilespmem:$0x1BB00] =	vst v63  }
.LBB2_5:
0xed: {  	_ =	sfence.sel $0x180000  }
0xee: {  	[bflag:$0x0] =	sbarrier.arrive $0xFFFF  }
0xef: {  	_ =	strace $0x9000004D  }
0xf0: {  	s0 =	stileid.u32;
	[bflag:$0x2] =	sbarrier.arrive $0xFFFF  }
0xf1: {  	p0 =	sne.s32 s0, $0x0;
	s0 =	rddreg [dreg:$0x3]  }
0xf2: {  	s0 =	sadd.s32 @!p0 $0x100000, s0  }
0xf3: {  	[sflag:s0] =	ssyncadd.tile.s32 @!p0 $0x1;
	_ =	shalt  }
.Lfunc_end2:
_tile_overlayer_lowered:
.L_overlay_start_2:
0xf4: {  	(tag) =	ssettag $0x2  }
0xf5: {  	s0 =	rddreg [dreg:$0x0];
	s2 =	stileid.u32  }
0xf6: {  	s1 =	rddreg [dreg:$0x1];
	p0 =	sne.s32 s2, $0x0  }
0xf7: {  	s3 =	rddreg [dreg:$0x2];
	[bflag:$0x3] =	sbarrier.arrive $0xFFFF;
	s2 =	simm.s32 @!p0 $0x1C04  }
0xf8: {  	[timem:s3], [sflag:s2] =	dma.local @!p0 [hbm:s0], s1  }
0xf9: {  	s0 =	simm.s32 @!p0 $0x4  }
0xfa: {  	_ =	swait.ge @!p0 [sflag:s0], s1  }
0xfb: {  	s1 =	ssub.s32 @!p0 $0x0, s1;
	[sflag:s0] =	ssyncset.done @!p0 $0x0  }
0xfc: {  	[sflag:s0] =	ssyncadd.s32 @!p0 s1  }
0xfd: {  	[bflag:$0x3] =	sbarrier.arrive $0xFFFF  }
0xfe: {  	_ =	shalt  }

// kernel: kernel.8.cloned.1.call-start
scs
__scs_entry_jumppad:
0x0: {  	(pc) =	sbr.rel $0x88, $3  }
0x1: {  	(tag) =	ssettag $0x0;
	lr =	simm.s32 $0x1  }
0x2: {  	[smem:$0x3F95] =	sst lr;
	_ =	strace $0xD0000000  }
0x3: {  	_ = 	snop  }
0x4: {  	_ = 	snop  }
0x5: {  	_ = 	snop  }
0x6: {  	_ = 	snop  }
0x7: {  	_ = 	snop  }
__scs_overlays_trampoline_lowered:
0x8: {  	[smem:$0x3FA4] =	sst s0  }
0x9: {  	[smem:$0x3FA5] =	sst s1  }
0xa: {  	[smem:$0x3FA6] =	sst s2  }
0xb: {  	[smem:$0x3FA7] =	sst s3  }
0xc: {  	[smem:$0x3FA8] =	sst s4  }
0xd: {  	[smem:$0x3FA9] =	sst s5  }
0xe: {  	[smem:$0x3FAA] =	sst s6  }
0xf: {  	[smem:$0x3FAB] =	sst s7  }
0x10: {  	[smem:$0x3FAC] =	sst s8  }
0x11: {  	[smem:$0x3FAD] =	sst s9;
	s0 =	simm.s32 @!p0 $0x0  }
0x12: {  	s1 =	sld [smem:$0x3F93];
	s0 =	simm.s32 @p0 $0x1  }
0x13: {  	[smem:$0x3FAE] =	sst s0;
	s0 =	simm.s32 @!p1 $0x0  }
0x14: {  	s2 =	sld [smem:$0x3F92];
	s0 =	simm.s32 @p1 $0x1  }
0x15: {  	[smem:$0x3FAF] =	sst s0;
	s0 =	simm.s32 @!p2 $0x0  }
0x16: {  	s3 =	sld [smem:$0x3FDB];
	s0 =	simm.s32 @p2 $0x1  }
0x17: {  	s4 =	simm.s32 $0x1BF5;
	[smem:$0x3FB1] =	sst s0  }
0x18: {  	s0 =	sld [smem:$0x3F94];
	_ =	swait.ge [sflag:s4], $0x0  }
0x19: {  	s7 =	sld [smem:$0x3F95]  }
0x1a: {  	s8 =	sadd.s32 $0xFFFFE003, lr  }
0x1b: {  	s9 =	sadd.s32 $0xFFFFFEF7, lr;
	s5 =	simm.s32 $0xFFFFFFFF;
	p2 =	slt.u32 s8, $0xFFFFF086  }
0x1c: {  	p1 =	slt.u32 s9, $0xF7A;
	s5 =	simm.s32 @!p2 $0x0  }
0x1d: {  	s5 =	simm.s32 @p1 $0x1;
	p0 =	seq.s32 s7, s2  }
0x1e: {  	s7 =	smul.u32 @!p0 $0xF7A, s2;
	p2 =	seq.s32 @!p0 s5, $0x0  }
0x1f: {  	s9 =	smul.u32 $0xF7A, s1;
	s8 =	simm.s32 @!p0 $0x1BF5;
	p2 =	por !p2, p0  }
0x20: {  	[sflag:s8] =	ssyncset.s32 @!p0 $0xFFFFF086;
	s6 =	sadd.s32 @!p0 s3, s7;
	s7 =	simm.s32 @!p0 $0x108  }
0x21: {  	s3 =	sadd.s32 s3, s9;
	s6 =	sadd.s32 @!p0 $0x88, s6;
	s7 =	simm.s32 @p2 $0x1082  }
0x22: {  	[simem:s7], [sflag:s8] =	dma.local @!p0 [hbm:s6], $0xF7A  }
0x23: {  	s9 =	sor.u32 $0xD0000000, s2;
	s6 =	simm.s32 $0x108;
	_ =	swait.ge @!p0 [sflag:s8], $0x0  }
0x24: {  	s3 =	sadd.s32 $0x88, s3;
	s6 =	simm.s32 @!p1 $0x1082;
	[sflag:s4] =	ssyncset.s32 $0xFFFFF086  }
0x25: {  	[simem:s6], [sflag:s4] =	dma.local [hbm:s3], $0xF7A  }
0x26: {  	[smem:$0x3F95] =	sst s1;
	(tag) =	ssettag s2;
	_ =	strace s9  }
0x27: {  	s1 =	sld [smem:$0x3FA5]  }
0x28: {  	s2 =	sld [smem:$0x3FA6]  }
0x29: {  	s4 =	sld [smem:$0x3FA8]  }
0x2a: {  	p0 =	seq.s32 s5, $0x0;
	s5 =	sld [smem:$0x3FA9]  }
0x2b: {  	s6 =	sld [smem:$0x3FAA]  }
0x2c: {  	s7 =	sld [smem:$0x3FAB]  }
0x2d: {  	s3 =	simm.s32 $0x108;
	s8 =	sld [smem:$0x3FAC]  }
0x2e: {  	s3 =	simm.s32 @!p0 $0x1082;
	s9 =	sld [smem:$0x3FAD]  }
0x2f: {  	lr =	sadd.s32 s0, s3;
	s0 =	sld [smem:$0x3FA4]  }
0x30: {  	s3 =	sld [smem:$0x3FA7]  }
0x31: {  	[smem:$0x3FB0] =	sst s10  }
0x32: {  	s10 =	sld [smem:$0x3FAE];
	_ =	sdelay $0x3  }
0x33: {  	p0 =	seq.s32 s10, $0x1;
	s10 =	sld [smem:$0x3FB0];
	_ =	sdelay $0x3  }
0x34: {  	[smem:$0x3FB0] =	sst s10  }
0x35: {  	s10 =	sld [smem:$0x3FAF];
	_ =	sdelay $0x3  }
0x36: {  	p1 =	seq.s32 s10, $0x1;
	s10 =	sld [smem:$0x3FB0];
	_ =	sdelay $0x3  }
0x37: {  	[smem:$0x3FB0] =	sst s10  }
0x38: {  	s10 =	sld [smem:$0x3FB1]  }
0x39: {  	_ = 	snop;
	(pc) =	sbr.ind lr, $3  }
0x3a: {  	_ = 	snop  }
0x3b: {  	_ = 	snop  }
0x3c: {  	p2 =	seq.s32 s10, $0x1;
	s10 =	sld [smem:$0x3FB0]  }
0x3d: {  	_ =	shalt  }
0x3e: {  	_ =	shalt  }
0x3f: {  	_ =	shalt  }
0x40: {  	_ =	shalt  }
0x41: {  	_ =	shalt  }
0x42: {  	_ =	shalt  }
0x43: {  	_ =	shalt  }
0x44: {  	_ =	shalt  }
0x45: {  	_ =	shalt  }
0x46: {  	_ =	shalt  }
0x47: {  	_ =	shalt  }
0x48: {  	_ =	shalt  }
0x49: {  	_ =	shalt  }
0x4a: {  	_ =	shalt  }
0x4b: {  	_ =	shalt  }
0x4c: {  	_ =	shalt  }
0x4d: {  	_ =	shalt  }
0x4e: {  	_ =	shalt  }
0x4f: {  	_ =	shalt  }
0x50: {  	_ =	shalt  }
0x51: {  	_ =	shalt  }
0x52: {  	_ =	shalt  }
0x53: {  	_ =	shalt  }
0x54: {  	_ =	shalt  }
0x55: {  	_ =	shalt  }
0x56: {  	_ =	shalt  }
0x57: {  	_ =	shalt  }
0x58: {  	_ =	shalt  }
0x59: {  	_ =	shalt  }
0x5a: {  	_ =	shalt  }
0x5b: {  	_ =	shalt  }
0x5c: {  	_ =	shalt  }
0x5d: {  	_ =	shalt  }
0x5e: {  	_ =	shalt  }
0x5f: {  	_ =	shalt  }
0x60: {  	_ =	shalt  }
0x61: {  	_ =	shalt  }
0x62: {  	_ =	shalt  }
0x63: {  	_ =	shalt  }
0x64: {  	_ =	shalt  }
0x65: {  	_ =	shalt  }
0x66: {  	_ =	shalt  }
0x67: {  	_ =	shalt  }
0x68: {  	_ =	shalt  }
0x69: {  	_ =	shalt  }
0x6a: {  	_ =	shalt  }
0x6b: {  	_ =	shalt  }
0x6c: {  	_ =	shalt  }
0x6d: {  	_ =	shalt  }
0x6e: {  	_ =	shalt  }
0x6f: {  	_ =	shalt  }
0x70: {  	_ =	shalt  }
0x71: {  	_ =	shalt  }
0x72: {  	_ =	shalt  }
0x73: {  	_ =	shalt  }
0x74: {  	_ =	shalt  }
0x75: {  	_ =	shalt  }
0x76: {  	_ =	shalt  }
0x77: {  	_ =	shalt  }
0x78: {  	_ =	shalt  }
0x79: {  	_ =	shalt  }
0x7a: {  	_ =	shalt  }
0x7b: {  	_ =	shalt  }
0x7c: {  	_ =	shalt  }
0x7d: {  	_ =	shalt  }
0x7e: {  	_ =	shalt  }
0x7f: {  	_ =	shalt  }
0x80: {  	_ =	shalt  }
0x81: {  	_ =	shalt  }
0x82: {  	_ =	shalt  }
0x83: {  	_ =	shalt  }
0x84: {  	_ =	shalt  }
0x85: {  	_ =	shalt  }
0x86: {  	_ =	shalt  }
0x87: {  	_ =	shalt  }
.Lfunc_end0:
.L_simem_size_0:
called_computation_lowered:
.L_overlay_start_0:
0x88: {  	s2 =	sld [smem:$0x3FD9]  }
0x89: {  	s3 =	sld [smem:$0x3FFE];
	_ =	sdelay $0x1  }
0x8a: {  	s1 =	srdreg.scid  }
0x8b: {  	s0 =	sand.u32 $0x1, s1  }
0x8c: {  	s14 =	sshll.u32 s0, $0xA;
	s2 =	sadd.s32 s3, s2  }
0x8d: {  	s2 =	sadd.s32 s2, s14  }
0x8e: {  	[smem:$0x3FBC] =	sst s2  }
0x8f: {  	_ = 	snop  }
0x90: {  	s2 =	sld [smem:$0x3FD0];
	_ =	sdelay $0x2  }
0x91: {  	s15 =	simm.s32 $0xA;
	s4 =	simm.s32 $0x10  }
0x92: {  	[smem:s4], [sflag:s15] =	dma.local [hbm:s2], $0x1  }
0x93: {  	_ =	swait.eq [sflag:s15], $0x1  }
0x94: {  	[sflag:s15] =	ssyncset.done $0x0  }
0x95: {  	s16 =	sld [smem:$0x10];
	[sflag:s15] =	ssyncadd.s32 $0xFFFFFFFF  }
0x96: {  	s17 =	sld [smem:$0x11];
	(tm) =	ssettm $0x1  }
0x97: {  	s18 =	sld [smem:$0x3FFB];
	_ =	sdelay $0x3  }
0x98: {  	_ =	strace s18  }
0x99: {  	s4 =	sld [smem:$0x3FFC];
	_ =	sdelay $0x3  }
0x9a: {  	_ =	strace s4  }
0x9b: {  	s4 =	sld [smem:$0x3FFD];
	_ =	sdelay $0x3  }
0x9c: {  	_ =	strace s4  }
0x9d: {  	_ =	strace $0x8FFFFFFF  }
0x9e: {  	s19 =	sld [smem:$0x3FDB];
	_ =	sdelay $0x1  }
0x9f: {  	s5 =	simm.s32 $_scs_section_size  }
0xa0: {  	s6 =	simm.s32 $_size__tile_overlayer_lowered;
	s7 =	simm.s32 $_tile_overlayer_lowered  }
0xa1: {  	s22 =	simm.s32 $0x1BFF;
	s21 =	sshll.u32 s7, $0x1;
	s4 =	sadd.s32 s5, s19  }
0xa2: {  	s8 =	simm.s32 $0x0;
	s20 =	sshll.u32 s6, $0x1;
	s6 =	sadd.s32 s21, s4  }
0xa3: {  	[timem:s8], [sflag:s22] =	dma.local [hbm:s6], s20  }
0xa4: {  	_ =	swait.ge [sflag:s22], s20  }
0xa5: {  	s5 =	ssub.s32 $0x0, s20;
	[sflag:s22] =	ssyncset.done $0x0  }
0xa6: {  	[sflag:s22] =	ssyncadd.s32 s5;
	_ =	sdelay $0x1  }
0xa7: {  	s23 =	simm.s32 $0x1B8B  }
0xa8: {  	_ =	swait.ge [sflag:s23], $0x1  }
0xa9: {  	[sflag:s23] =	ssyncset.done $0x0  }
0xaa: {  	s25 =	simm.s32 $0x1B8E;
	s24 =	sld [smem:$0x3FFE];
	[sflag:s23] =	ssyncadd.s32 $0xFFFFFFFF  }
0xab: {  	s26 =	simm.s32 $execute0_lowered;
	[smem:$0x3FD2] =	sst s25  }
0xac: {  	s6 =	sshll.u32 s26, $0x1;
	_ =	strace $0x80000046;
	[dreg:$0x1] =	wrdreg $0xFFFFFFFF  }
0xad: {  	s28 =	simm.s32 $_size_execute0_lowered;
	s4 =	sadd.s32 s4, s6;
	[dreg:$0x0] =	wrdreg $0x0  }
0xae: {  	s6 =	sshll.u32 s28, $0x1;
	[dreg:$0x2] =	wrdreg s4  }
0xaf: {  	[dreg:$0x3] =	wrdreg s6  }
0xb0: {  	[dreg:$0x4] =	wrdreg $0xC0  }
0xb1: {  	_ =	task [dreg:s8], $0x5FFFF  }
0xb2: {  	[dreg:$0x1] =	wrdreg $0xFFFFFFFF  }
0xb3: {  	[dreg:$0x0] =	wrdreg $0x60  }
0xb4: {  	[dreg:$0x2] =	wrdreg s16  }
0xb5: {  	[dreg:$0x3] =	wrdreg s17  }
0xb6: {  	[dreg:$0x4] =	wrdreg s24  }
0xb7: {  	[dreg:$0x5] =	wrdreg $0x43000  }
0xb8: {  	[dreg:$0x6] =	wrdreg $0x9  }
0xb9: {  	_ =	task.clear_ibuf [dreg:s8], $0x7FFFF;
	_ =	strace $0x90000046  }
0xba: {  	s29 =	simm.s32 $0x9;
	_ =	strace $0x80000048  }
0xbb: {  	_ =	swait.ge [sflag:s29], $0x1  }
0xbc: {  	[sflag:s29] =	ssyncadd.s32 $0xFFFFFFFF  }
0xbd: {  	_ =	strace $0x90000048  }
0xbe: {  	_ =	sfence  }
0xbf: {  	s30 =	sld [smem:$0x0];
	_ =	sdelay $0x2  }
0xc0: {  	s31 =	sshll.u32 s1, $0xD;
	s1 =	sshrl.u32 s1, $0x2  }
0xc1: {  	s3 =	sand.u32 $0x4000, s31;
	s1 =	sadd.s32 s1, s30  }
0xc2: {  	s0 =	sor.u32 s3, s0;
	s1 =	sshll.u32 s1, $0x11  }
0xc3: {  	s0 =	sor.u32 s1, s0  }
0xc4: {  	s0 =	sadd.s32 $0x8F2B, s0  }
0xc5: {  	[sflag:s0] =	ssyncadd.remote.s32 $0x1  }
0xc6: {  	_ =	sfence.sel $0xFFFF  }
0xc7: {  	[dreg:$0x0] =	wrdreg $0xFFFFFFFF;
	(pc) =	sbr.abs _section_cstart, $3  }
0xc8: {  	[dreg:$0x1] =	wrdreg $0xFFFFFFFF  }
0xc9: {  	_ =	task.clear_ibuf [dreg:s8], $0x2FFFF;
	_ =	strace $0x9FFFFFFF  }
0xca: {  	(tm) =	ssettm $0x7FFFFFFF  }
0xcb: {  	_ =	shalt  }
tec
execute0_lowered:
.L_overlay_start_1:
0x0: {  	(tag) =	ssettag $0x1  }
0x1: {  	s6 =	rddreg [dreg:$0x0]  }
0x2: {  	s1 =	rddreg [dreg:$0x1]  }
0x3: {  	s7 =	rddreg [dreg:$0x2]  }
0x4: {  	s3 =	rddreg [dreg:$0x3]  }
0x5: {  	s0 =	rddreg [dreg:$0x4];
	s4 =	simm.s32 $0x0;
	s5 =	srdreg.scid  }
0x6: {  	s2 =	stileid.u32;
	s13 =	simm.s32 $0x50;
	s14 =	simm.s32 $0x1  }
0x7: {  	s15 =	simm.s32 $0x80;
	s16 =	simm.s32 $0x100;
	s17 =	simm.s32 $0x0  }
0x8: {  	[smem:$0x7FF] =	sst s4;
	s8 =	sand.u32 $0x1, s5;
	s9 =	smul.u32 $0x500, s2  }
0x9: {  	s5 =	sadd.s32 $0x16E00, s7;
	s12 =	smul.u32 $0xA00, s2;
	s30 =	sshll.u32 s2, $0xC  }
0xa: {  	_ =	strace $0x80000047;
	s10 =	sshll.u32 s8, $0x7;
	s28 =	ssub.s32 $0x2, s8  }
0xb: {  	s29 =	sshll.u32 s8, $0xB;
	s9 =	sor.u32 s10, s9;
	s11 =	sshrl.u32 s28, $0x1  }
0xc: {  	s6 =	sadd.s32 s6, s29;
	s31 =	sshrl.u32 s12, $0x2;
	s12 =	simm.s32 $0x4000  }
0xd: {  	s9 =	sshrl.u32 s9, $0x3;
	s10 =	ssub.s32 s28, s11;
	s6 =	sadd.s32 s30, s6  }
0xe: {  	s11 =	simm.s32 $0x4080;
	s9 =	sadd.s32 s9, s7;
	s7 =	sadd.s32 s31, s3  }
0xf: {  	s8 =	sadd.s32 $0x17000, s9;
	s9 =	smax.u32 s10, $0x1;
	s10 =	simm.s32 $0x2  }
.LBB2_1:
0x10: {  	[tilespmem:s4], [sflag:$0x2] =	stream.linear.gather [hbm4b:s6+s4], $0x4000, $0x38;
	[tilespmem:$0x4580] =	vst v63  }
0x11: {  	_ =	swait.ge [sflag:s10], $0x4000  }
0x12: {  	[sflag:s10] =	ssyncset.done $0x0  }
0x13: {  	[sflag:s10] =	ssyncadd.s32 $0xFFFFC000  }
0x14: {  	[tilespmem:s11], [sflag:$0x2] =	stream.linear.gather [hbm4b:s5+s4], $0x280, $0x38;
	[tilespmem:$0x4580] =	vst v63  }
0x15: {  	_ =	swait.ge [sflag:s10], $0x280  }
0x16: {  	[sflag:s10] =	ssyncset.done $0x0  }
0x17: {  	[sflag:s10] =	ssyncadd.s32 $0xFFFFFD80  }
0x18: {  	[tilespmem:s12], [sflag:$0x2] =	stream.linear.gather [hbm4b:s1+s4], $0x80, $0x38;
	[tilespmem:$0x4580] =	vst v63  }
0x19: {  	_ =	swait.ge [sflag:s10], $0x80  }
0x1a: {  	[sflag:s10] =	ssyncset.done $0x0  }
0x1b: {  	[sflag:s10] =	ssyncadd.s32 $0xFFFFFF80  }
0x1c: {  	[spmem:s7] =	stream.linear.scatter [tilespmem:s11], [sflag:$0x2], $0x280, $0x38;
	[tilespmem:$0x4580] =	vst v63  }
0x1d: {  	_ =	swait.ge [sflag:s10], $0x280  }
0x1e: {  	[sflag:s10] =	ssyncset.done $0x0  }
0x1f: {  	[sflag:s10] =	ssyncadd.s32 $0xFFFFFD80  }
0x20: {  	s18 =	simm.s32 $0x0;
	[bflag:$0x0] =	sbarrier.arrive $0xFFFF  }
.LBB2_2:
0x21: {  	p0 =	sne.s32 s18, $0xFE00  }
.Ltmp0:
0x22: {  	_ = 	snop;
	(pc) =	sbr.rel @p0 .LBB2_2-.Ltmp0, $3  }
0x23: {  	_ =	sdelay $0x1  }
0x24: {  	s19 =	sshra.s32 s18, $0x2;
	s18 =	sadd.s32 $0x200, s18  }
0x25: {  	[spmem:s3] =	stream.indirect.scatter.add.f32 [tilespmem:s12], [sflag:$0x1], $0x1, s19, s13, $0xb8;
	[tilespmem:$0x4580] =	vst v63  }
0x26: {  	_ =	swait.ge [sflag:s14], $0x50  }
0x27: {  	s18 =	simm.s32 $0x7F;
	[sflag:s14] =	ssyncset.done $0x0  }
.LBB2_4:
0x28: {  	p0 =	sne.s32 s18, $0x1;
	s18 =	sadd.s32 $0xFFFFFFFF, s18;
	[sflag:s14] =	ssyncadd.s32 $0xFFFFFFB0  }
.Ltmp1:
0x29: {  	(pc) =	sbr.rel @p0 .LBB2_4-.Ltmp1, $3  }
0x2a: {  	_ =	sdelay $0x1  }
0x2b: {  	_ =	swait.ge [sflag:s14], $0x50  }
0x2c: {  	[sflag:s14] =	ssyncset.done $0x0  }
0x2d: {  	[sflag:s14] =	ssyncadd.s32 $0xFFFFFFB0  }
0x2e: {  	[bflag:$0x0] =	sbarrier.arrive $0xFFFF  }
0x2f: {  	[tilespmem:s11], [sflag:$0x2] =	stream.linear.gather [spmem:s7], $0x280, $0x38;
	[tilespmem:$0x4580] =	vst v63  }
0x30: {  	s17 =	sadd.s32 $0x1, s17;
	_ =	swait.ge [sflag:s10], $0x280  }
0x31: {  	p0 =	sne.s32 s17, s9;
	[sflag:s10] =	ssyncset.done $0x0  }
.Ltmp2:
0x32: {  	[sflag:s10] =	ssyncadd.s32 $0xFFFFFD80;
	(pc) =	sbr.rel @p0 .LBB2_1-.Ltmp2, $4  }
0x33: {  	[hbm4b:s8+s15] =	stream.strided.scatter [tilespmem:s11], [sflag:$0x2], $0x280, s16, s15, $0x38;
	[tilespmem:$0x4580] =	vst v63  }
0x34: {  	_ =	swait.ge [sflag:s10], $0x280  }
0x35: {  	[sflag:s10] =	ssyncset.done $0x0  }
0x36: {  	[sflag:s10] =	ssyncadd.s32 $0xFFFFFD80  }
0x37: {  	_ =	sfence.sel $0x180000  }
0x38: {  	[bflag:$0x0] =	sbarrier.arrive $0xFFFF  }
0x39: {  	p0 =	sne.s32 s2, $0x0;
	_ =	strace $0x90000047  }
0x3a: {  	s0 =	sadd.s32 @!p0 $0x100000, s0;
	[bflag:$0x2] =	sbarrier.arrive $0xFFFF  }
0x3b: {  	[sflag:s0] =	ssyncadd.tile.s32 @!p0 $0x1;
	_ =	shalt  }
.Lfunc_end2:
_tile_overlayer_lowered:
.L_overlay_start_2:
0x3c: {  	(tag) =	ssettag $0x2  }
0x3d: {  	s0 =	rddreg [dreg:$0x0];
	s2 =	stileid.u32  }
0x3e: {  	s1 =	rddreg [dreg:$0x1];
	p0 =	sne.s32 s2, $0x0  }
0x3f: {  	s3 =	rddreg [dreg:$0x2];
	[bflag:$0x3] =	sbarrier.arrive $0xFFFF;
	s2 =	simm.s32 @!p0 $0x1C02  }
0x40: {  	[timem:s3], [sflag:s2] =	dma.local @!p0 [hbm:s0], s1  }
0x41: {  	s0 =	simm.s32 @!p0 $0x2  }
0x42: {  	_ =	swait.ge @!p0 [sflag:s0], s1  }
0x43: {  	s1 =	ssub.s32 @!p0 $0x0, s1;
	[sflag:s0] =	ssyncset.done @!p0 $0x0  }
0x44: {  	[sflag:s0] =	ssyncadd.s32 @!p0 s1  }
0x45: {  	[bflag:$0x3] =	sbarrier.arrive $0xFFFF  }
0x46: {  	_ =	shalt  }

</sc_bundles>
